<compile_context>
chip_gen: v7x
topology: tpu7x:2x2x1
jax: 0.10.2.dev20260603
libtpu: 0.0.44.dev20260713+nightly
codegen_flags: <defaults>
</compile_context>

<pallas_src>
import functools

import jax
import jax.numpy as jnp
from jax import lax
from jax.experimental import pallas as pl
from jax.experimental.pallas import tpu as pltpu
from jax.experimental.pallas import tpu_sc as plsc

_MAX_REL = 20
_N = 1024
_D = 64
_V = 2 * _MAX_REL + 1
_LANES = 16

_NC, _NS = 2, 16
_NW = _NC * _NS
_ROWS_PER_W = _N // _NW

_TCOLS = 1280
_BCOLS = 48
_DT = _D // 8
_JT = _N // 128


@functools.partial(
    pl.kernel,
    out_type=jax.ShapeDtypeStruct((_N, _DT, _JT, 8, 128), jnp.float32),
    mesh=plsc.VectorSubcoreMesh(core_axis_name="c", subcore_axis_name="s"),
    scratch_types=[
        pltpu.VMEM((_D, _TCOLS), jnp.float32),
        pltpu.VMEM((_D, _BCOLS), jnp.float32),
        pltpu.VMEM((_JT, 8, 128), jnp.float32),
        pltpu.SemaphoreType.DMA,
    ],
    compiler_params=pltpu.CompilerParams(
        use_tc_tiling_on_sc=False, needs_layout_passes=False
    ),
)
def _rel_pos_sc(bands_hbm, out_hbm, stript, tband, drain8, sem):
    wid = lax.axis_index("s") * _NC + lax.axis_index("c")
    a = lax.rem(wid, 8)
    b = lax.div(wid, 8)
    t_b = 228 + 256 * b + a
    s = lax.rem(a + 4, 8)
    t_w = t_b - s

    pltpu.sync_copy(bands_hbm.at[s], tband)

    iotas = [
        lax.iota(jnp.int32, _LANES) + c * _LANES
        for c in range(_TCOLS // _LANES)
    ]
    thresh = t_b + _MAX_REL

    def _build_row(d, carry):
        dsplat = jnp.full((_LANES,), d, dtype=jnp.int32)
        splat0 = plsc.load_gather(
            tband, [dsplat, jnp.full((_LANES,), s, dtype=jnp.int32)]
        )
        splat40 = plsc.load_gather(
            tband, [dsplat, jnp.full((_LANES,), s + _V - 1, dtype=jnp.int32)]
        )
        for c in range(_TCOLS // _LANES):
            stript[d, pl.ds(c * _LANES, _LANES)] = jnp.where(
                iotas[c] < thresh, splat0, splat40
            )
        for c in range(3):
            stript[d, pl.ds(t_w + c * _LANES, _LANES)] = tband[
                d, pl.ds(c * _LANES, _LANES)
            ]
        return carry

    lax.fori_loop(0, _D, _build_row, 0)

    def _emit_row(m, carry):
        i = a + 256 * b + 8 * m
        t0 = 248 - 8 * m
        for dt in range(_DT):
            for jt in range(_JT):
                pltpu.async_copy(
                    stript.at[pl.ds(dt * 8, 8), pl.ds(t0 + jt * 128, 128)],
                    out_hbm.at[i, dt, jt],
                    sem,
                )
        for _ in range(_DT):
            pltpu.make_async_copy(out_hbm.at[0, 0], drain8, sem).wait()
        return carry

    lax.fori_loop(0, _ROWS_PER_W, _emit_row, 0)


@jax.jit
def _run(table):
    tablet = table.T
    col0 = tablet[:, :1]
    col40 = tablet[:, _V - 1 :]
    bands = jnp.stack(
        [
            jnp.concatenate(
                [
                    jnp.broadcast_to(col0, (_D, sh)),
                    tablet,
                    jnp.broadcast_to(col40, (_D, _BCOLS - _V - sh)),
                ],
                axis=1,
            )
            for sh in range(8)
        ]
    )
    phys = _rel_pos_sc(bands)
    return phys.transpose(0, 2, 4, 1, 3).reshape(_N, _N, _D)


def kernel(seq_len, table):
    del seq_len
    return _run(table)

# --- scband reference (transcript-rebuilt; emitter-appended) ---
"""Pipeline reference for scband-relative-position-encoding-15410342658155 (READ-ONLY COPY).

The authoritative reference and input builder live on the scoring server;
editing this copy changes nothing except your own understanding.
"""

import jax, jax.numpy as jnp
import numpy as np

MAX_REL_POS = 20
SEQ_LEN = 1024

def setup_inputs(seed: int = 0) -> dict:
    key = jax.random.key(seed)
    table = jax.random.normal(key, (2 * MAX_REL_POS + 1, 64), dtype=jnp.float32) * 0.02
    return {"seq_len": 1024, "table": table}

def reference(seq_len, table):
    range_vec = jnp.arange(SEQ_LEN) + (seq_len - SEQ_LEN)
    distance_mat = range_vec[None, :] - range_vec[:, None]
    distance_mat_clipped = jnp.clip(distance_mat, -MAX_REL_POS, MAX_REL_POS)
    final_mat = distance_mat_clipped + MAX_REL_POS
    embeddings = jnp.take(table, final_mat, axis=0)
    return embeddings

if __name__ == "__main__":
    import jax
    _d = setup_inputs()
    print(jax.jit(kernel)(*tuple(_d.values())))

</pallas_src>

<mosaic_0001>
#map = affine_map<(d0, d1) -> (0, 0, 0)>
#map1 = affine_map<(d0, d1) -> (0, 0, 0, 0, 0)>
module attributes {stable_mosaic.version = 14 : i64} {
  func.func @_rel_pos_sc(%arg0: i32, %arg1: i32, %arg2: memref<8x64x48xf32, #tpu.memory_space<hbm>>, %arg3: memref<1024x8x8x8x128xf32, #tpu.memory_space<hbm>>, %arg4: memref<64x1280xf32, #tpu.memory_space<vmem>>, %arg5: memref<64x48xf32, #tpu.memory_space<vmem>>, %arg6: memref<8x8x128xf32, #tpu.memory_space<vmem>>, %arg7: memref<!tpu.dma_semaphore, #tpu.memory_space<semaphore_mem>>) attributes {dimension_semantics = [#tpu.dimension_semantics<core_parallel>, #tpu.dimension_semantics<subcore_parallel>], iteration_bounds = array<i64: 2, 16>, scalar_prefetch = 0 : i64, scratch_operands = 4 : i64, tpu.core_type = #tpu.core_type<sc_vector_subcore>, window_params = [{transform_indices = #map}, {transform_indices = #map1}]} {
    %mul3A = arith.constant 2 : i32
    %mul3A_0 = arith.muli %arg1, %mul3A : i32
    %add3A = arith.addi %mul3A_0, %arg0 : i32
    %rem3A = arith.constant 8 : i32
    %rem3A_1 = arith.remsi %add3A, %rem3A : i32
    %div3A = arith.constant 8 : i32
    %div3A_2 = arith.divsi %add3A, %div3A : i32
    %mul3A_3 = arith.constant 256 : i32
    %mul3A_4 = arith.muli %mul3A_3, %div3A_2 : i32
    %add3A_5 = arith.constant 228 : i32
    %add3A_6 = arith.addi %add3A_5, %mul3A_4 : i32
    %add3A_7 = arith.addi %add3A_6, %rem3A_1 : i32
    %add3A_8 = arith.constant 4 : i32
    %add3A_9 = arith.addi %rem3A_1, %add3A_8 : i32
    %rem3A_10 = arith.constant 8 : i32
    %rem3A_11 = arith.remsi %add3A_9, %rem3A_10 : i32
    %sub3A = arith.subi %add3A_7, %rem3A_11 : i32
    "tpu.region"() ({
      %run_scoped3A = tpu.sem_alloc : memref<!tpu.dma_semaphore, #tpu.memory_space<semaphore_mem>>
      %dma_start3A = arith.constant 0 : i32
      %dma_start3A_344 = arith.constant 0 : i32
      %dma_start3A_345 = tpu.memref_slice %arg2[%rem3A_11, %dma_start3A, %dma_start3A_344] : memref<8x64x48xf32, #tpu.memory_space<hbm>> -> memref<1x64x48xf32, #tpu.memory_space<hbm>>
      %dma_start3A_346 = tpu.memref_squeeze %dma_start3A_345 : memref<1x64x48xf32, #tpu.memory_space<hbm>> -> memref<64x48xf32, #tpu.memory_space<hbm>>
      %dma_start3A_347 = arith.constant 0 : i32
      %dma_start3A_348 = arith.constant 0 : i32
      %dma_start3A_349 = tpu.memref_slice %arg2[%rem3A_11, %dma_start3A_347, %dma_start3A_348] : memref<8x64x48xf32, #tpu.memory_space<hbm>> -> memref<1x64x48xf32, #tpu.memory_space<hbm>>
      %dma_start3A_350 = tpu.memref_squeeze %dma_start3A_349 : memref<1x64x48xf32, #tpu.memory_space<hbm>> -> memref<64x48xf32, #tpu.memory_space<hbm>>
      tpu.enqueue_dma source(%dma_start3A_350 : memref<64x48xf32, #tpu.memory_space<hbm>>) target(%arg5 : memref<64x48xf32, #tpu.memory_space<vmem>>) target_semaphore(%run_scoped3A : memref<!tpu.dma_semaphore, #tpu.memory_space<semaphore_mem>>)
      %dma_wait3A = arith.constant 0 : i32
      %dma_wait3A_351 = arith.constant 0 : i32
      %dma_wait3A_352 = tpu.memref_slice %arg2[%rem3A_11, %dma_wait3A, %dma_wait3A_351] : memref<8x64x48xf32, #tpu.memory_space<hbm>> -> memref<1x64x48xf32, #tpu.memory_space<hbm>>
      %dma_wait3A_353 = tpu.memref_squeeze %dma_wait3A_352 : memref<1x64x48xf32, #tpu.memory_space<hbm>> -> memref<64x48xf32, #tpu.memory_space<hbm>>
      %dma_wait3A_354 = arith.constant 0 : i32
      %dma_wait3A_355 = arith.constant 0 : i32
      %dma_wait3A_356 = tpu.memref_slice %arg2[%rem3A_11, %dma_wait3A_354, %dma_wait3A_355] : memref<8x64x48xf32, #tpu.memory_space<hbm>> -> memref<1x64x48xf32, #tpu.memory_space<hbm>>
      %dma_wait3A_357 = tpu.memref_squeeze %dma_wait3A_356 : memref<1x64x48xf32, #tpu.memory_space<hbm>> -> memref<64x48xf32, #tpu.memory_space<hbm>>
      tpu.wait_dma2 semaphore(%run_scoped3A : memref<!tpu.dma_semaphore, #tpu.memory_space<semaphore_mem>>) src(%dma_wait3A_357 : memref<64x48xf32, #tpu.memory_space<hbm>>) dst(%arg5 : memref<64x48xf32, #tpu.memory_space<vmem>>)
      tpu.yield
    }) : () -> ()
    %iota3A = tpu.iota {dimensions = array<i32: 0>} : vector<16xi32>
    %add3A_12 = arith.constant 0 : i32
    %add3A_13 = vector.broadcast %add3A_12 : i32 to vector<16xi32>
    %add3A_14 = arith.addi %iota3A, %add3A_13 : vector<16xi32>
    %iota3A_15 = tpu.iota {dimensions = array<i32: 0>} : vector<16xi32>
    %add3A_16 = arith.constant 16 : i32
    %add3A_17 = vector.broadcast %add3A_16 : i32 to vector<16xi32>
    %add3A_18 = arith.addi %iota3A_15, %add3A_17 : vector<16xi32>
    %iota3A_19 = tpu.iota {dimensions = array<i32: 0>} : vector<16xi32>
    %add3A_20 = arith.constant 32 : i32
    %add3A_21 = vector.broadcast %add3A_20 : i32 to vector<16xi32>
    %add3A_22 = arith.addi %iota3A_19, %add3A_21 : vector<16xi32>
    %iota3A_23 = tpu.iota {dimensions = array<i32: 0>} : vector<16xi32>
    %add3A_24 = arith.constant 48 : i32
    %add3A_25 = vector.broadcast %add3A_24 : i32 to vector<16xi32>
    %add3A_26 = arith.addi %iota3A_23, %add3A_25 : vector<16xi32>
    %iota3A_27 = tpu.iota {dimensions = array<i32: 0>} : vector<16xi32>
    %add3A_28 = arith.constant 64 : i32
    %add3A_29 = vector.broadcast %add3A_28 : i32 to vector<16xi32>
    %add3A_30 = arith.addi %iota3A_27, %add3A_29 : vector<16xi32>
    %iota3A_31 = tpu.iota {dimensions = array<i32: 0>} : vector<16xi32>
    %add3A_32 = arith.constant 80 : i32
    %add3A_33 = vector.broadcast %add3A_32 : i32 to vector<16xi32>
    %add3A_34 = arith.addi %iota3A_31, %add3A_33 : vector<16xi32>
    %iota3A_35 = tpu.iota {dimensions = array<i32: 0>} : vector<16xi32>
    %add3A_36 = arith.constant 96 : i32
    %add3A_37 = vector.broadcast %add3A_36 : i32 to vector<16xi32>
    %add3A_38 = arith.addi %iota3A_35, %add3A_37 : vector<16xi32>
    %iota3A_39 = tpu.iota {dimensions = array<i32: 0>} : vector<16xi32>
    %add3A_40 = arith.constant 112 : i32
    %add3A_41 = vector.broadcast %add3A_40 : i32 to vector<16xi32>
    %add3A_42 = arith.addi %iota3A_39, %add3A_41 : vector<16xi32>
    %iota3A_43 = tpu.iota {dimensions = array<i32: 0>} : vector<16xi32>
    %add3A_44 = arith.constant 128 : i32
    %add3A_45 = vector.broadcast %add3A_44 : i32 to vector<16xi32>
    %add3A_46 = arith.addi %iota3A_43, %add3A_45 : vector<16xi32>
    %iota3A_47 = tpu.iota {dimensions = array<i32: 0>} : vector<16xi32>
    %add3A_48 = arith.constant 144 : i32
    %add3A_49 = vector.broadcast %add3A_48 : i32 to vector<16xi32>
    %add3A_50 = arith.addi %iota3A_47, %add3A_49 : vector<16xi32>
    %iota3A_51 = tpu.iota {dimensions = array<i32: 0>} : vector<16xi32>
    %add3A_52 = arith.constant 160 : i32
    %add3A_53 = vector.broadcast %add3A_52 : i32 to vector<16xi32>
    %add3A_54 = arith.addi %iota3A_51, %add3A_53 : vector<16xi32>
    %iota3A_55 = tpu.iota {dimensions = array<i32: 0>} : vector<16xi32>
    %add3A_56 = arith.constant 176 : i32
    %add3A_57 = vector.broadcast %add3A_56 : i32 to vector<16xi32>
    %add3A_58 = arith.addi %iota3A_55, %add3A_57 : vector<16xi32>
    %iota3A_59 = tpu.iota {dimensions = array<i32: 0>} : vector<16xi32>
    %add3A_60 = arith.constant 192 : i32
    %add3A_61 = vector.broadcast %add3A_60 : i32 to vector<16xi32>
    %add3A_62 = arith.addi %iota3A_59, %add3A_61 : vector<16xi32>
    %iota3A_63 = tpu.iota {dimensions = array<i32: 0>} : vector<16xi32>
    %add3A_64 = arith.constant 208 : i32
    %add3A_65 = vector.broadcast %add3A_64 : i32 to vector<16xi32>
    %add3A_66 = arith.addi %iota3A_63, %add3A_65 : vector<16xi32>
    %iota3A_67 = tpu.iota {dimensions = array<i32: 0>} : vector<16xi32>
    %add3A_68 = arith.constant 224 : i32
    %add3A_69 = vector.broadcast %add3A_68 : i32 to vector<16xi32>
    %add3A_70 = arith.addi %iota3A_67, %add3A_69 : vector<16xi32>
    %iota3A_71 = tpu.iota {dimensions = array<i32: 0>} : vector<16xi32>
    %add3A_72 = arith.constant 240 : i32
    %add3A_73 = vector.broadcast %add3A_72 : i32 to vector<16xi32>
    %add3A_74 = arith.addi %iota3A_71, %add3A_73 : vector<16xi32>
    %iota3A_75 = tpu.iota {dimensions = array<i32: 0>} : vector<16xi32>
    %add3A_76 = arith.constant 256 : i32
    %add3A_77 = vector.broadcast %add3A_76 : i32 to vector<16xi32>
    %add3A_78 = arith.addi %iota3A_75, %add3A_77 : vector<16xi32>
    %iota3A_79 = tpu.iota {dimensions = array<i32: 0>} : vector<16xi32>
    %add3A_80 = arith.constant 272 : i32
    %add3A_81 = vector.broadcast %add3A_80 : i32 to vector<16xi32>
    %add3A_82 = arith.addi %iota3A_79, %add3A_81 : vector<16xi32>
    %iota3A_83 = tpu.iota {dimensions = array<i32: 0>} : vector<16xi32>
    %add3A_84 = arith.constant 288 : i32
    %add3A_85 = vector.broadcast %add3A_84 : i32 to vector<16xi32>
    %add3A_86 = arith.addi %iota3A_83, %add3A_85 : vector<16xi32>
    %iota3A_87 = tpu.iota {dimensions = array<i32: 0>} : vector<16xi32>
    %add3A_88 = arith.constant 304 : i32
    %add3A_89 = vector.broadcast %add3A_88 : i32 to vector<16xi32>
    %add3A_90 = arith.addi %iota3A_87, %add3A_89 : vector<16xi32>
    %iota3A_91 = tpu.iota {dimensions = array<i32: 0>} : vector<16xi32>
    %add3A_92 = arith.constant 320 : i32
    %add3A_93 = vector.broadcast %add3A_92 : i32 to vector<16xi32>
    %add3A_94 = arith.addi %iota3A_91, %add3A_93 : vector<16xi32>
    %iota3A_95 = tpu.iota {dimensions = array<i32: 0>} : vector<16xi32>
    %add3A_96 = arith.constant 336 : i32
    %add3A_97 = vector.broadcast %add3A_96 : i32 to vector<16xi32>
    %add3A_98 = arith.addi %iota3A_95, %add3A_97 : vector<16xi32>
    %iota3A_99 = tpu.iota {dimensions = array<i32: 0>} : vector<16xi32>
    %add3A_100 = arith.constant 352 : i32
    %add3A_101 = vector.broadcast %add3A_100 : i32 to vector<16xi32>
    %add3A_102 = arith.addi %iota3A_99, %add3A_101 : vector<16xi32>
    %iota3A_103 = tpu.iota {dimensions = array<i32: 0>} : vector<16xi32>
    %add3A_104 = arith.constant 368 : i32
    %add3A_105 = vector.broadcast %add3A_104 : i32 to vector<16xi32>
    %add3A_106 = arith.addi %iota3A_103, %add3A_105 : vector<16xi32>
    %iota3A_107 = tpu.iota {dimensions = array<i32: 0>} : vector<16xi32>
    %add3A_108 = arith.constant 384 : i32
    %add3A_109 = vector.broadcast %add3A_108 : i32 to vector<16xi32>
    %add3A_110 = arith.addi %iota3A_107, %add3A_109 : vector<16xi32>
    %iota3A_111 = tpu.iota {dimensions = array<i32: 0>} : vector<16xi32>
    %add3A_112 = arith.constant 400 : i32
    %add3A_113 = vector.broadcast %add3A_112 : i32 to vector<16xi32>
    %add3A_114 = arith.addi %iota3A_111, %add3A_113 : vector<16xi32>
    %iota3A_115 = tpu.iota {dimensions = array<i32: 0>} : vector<16xi32>
    %add3A_116 = arith.constant 416 : i32
    %add3A_117 = vector.broadcast %add3A_116 : i32 to vector<16xi32>
    %add3A_118 = arith.addi %iota3A_115, %add3A_117 : vector<16xi32>
    %iota3A_119 = tpu.iota {dimensions = array<i32: 0>} : vector<16xi32>
    %add3A_120 = arith.constant 432 : i32
    %add3A_121 = vector.broadcast %add3A_120 : i32 to vector<16xi32>
    %add3A_122 = arith.addi %iota3A_119, %add3A_121 : vector<16xi32>
    %iota3A_123 = tpu.iota {dimensions = array<i32: 0>} : vector<16xi32>
    %add3A_124 = arith.constant 448 : i32
    %add3A_125 = vector.broadcast %add3A_124 : i32 to vector<16xi32>
    %add3A_126 = arith.addi %iota3A_123, %add3A_125 : vector<16xi32>
    %iota3A_127 = tpu.iota {dimensions = array<i32: 0>} : vector<16xi32>
    %add3A_128 = arith.constant 464 : i32
    %add3A_129 = vector.broadcast %add3A_128 : i32 to vector<16xi32>
    %add3A_130 = arith.addi %iota3A_127, %add3A_129 : vector<16xi32>
    %iota3A_131 = tpu.iota {dimensions = array<i32: 0>} : vector<16xi32>
    %add3A_132 = arith.constant 480 : i32
    %add3A_133 = vector.broadcast %add3A_132 : i32 to vector<16xi32>
    %add3A_134 = arith.addi %iota3A_131, %add3A_133 : vector<16xi32>
    %iota3A_135 = tpu.iota {dimensions = array<i32: 0>} : vector<16xi32>
    %add3A_136 = arith.constant 496 : i32
    %add3A_137 = vector.broadcast %add3A_136 : i32 to vector<16xi32>
    %add3A_138 = arith.addi %iota3A_135, %add3A_137 : vector<16xi32>
    %iota3A_139 = tpu.iota {dimensions = array<i32: 0>} : vector<16xi32>
    %add3A_140 = arith.constant 512 : i32
    %add3A_141 = vector.broadcast %add3A_140 : i32 to vector<16xi32>
    %add3A_142 = arith.addi %iota3A_139, %add3A_141 : vector<16xi32>
    %iota3A_143 = tpu.iota {dimensions = array<i32: 0>} : vector<16xi32>
    %add3A_144 = arith.constant 528 : i32
    %add3A_145 = vector.broadcast %add3A_144 : i32 to vector<16xi32>
    %add3A_146 = arith.addi %iota3A_143, %add3A_145 : vector<16xi32>
    %iota3A_147 = tpu.iota {dimensions = array<i32: 0>} : vector<16xi32>
    %add3A_148 = arith.constant 544 : i32
    %add3A_149 = vector.broadcast %add3A_148 : i32 to vector<16xi32>
    %add3A_150 = arith.addi %iota3A_147, %add3A_149 : vector<16xi32>
    %iota3A_151 = tpu.iota {dimensions = array<i32: 0>} : vector<16xi32>
    %add3A_152 = arith.constant 560 : i32
    %add3A_153 = vector.broadcast %add3A_152 : i32 to vector<16xi32>
    %add3A_154 = arith.addi %iota3A_151, %add3A_153 : vector<16xi32>
    %iota3A_155 = tpu.iota {dimensions = array<i32: 0>} : vector<16xi32>
    %add3A_156 = arith.constant 576 : i32
    %add3A_157 = vector.broadcast %add3A_156 : i32 to vector<16xi32>
    %add3A_158 = arith.addi %iota3A_155, %add3A_157 : vector<16xi32>
    %iota3A_159 = tpu.iota {dimensions = array<i32: 0>} : vector<16xi32>
    %add3A_160 = arith.constant 592 : i32
    %add3A_161 = vector.broadcast %add3A_160 : i32 to vector<16xi32>
    %add3A_162 = arith.addi %iota3A_159, %add3A_161 : vector<16xi32>
    %iota3A_163 = tpu.iota {dimensions = array<i32: 0>} : vector<16xi32>
    %add3A_164 = arith.constant 608 : i32
    %add3A_165 = vector.broadcast %add3A_164 : i32 to vector<16xi32>
    %add3A_166 = arith.addi %iota3A_163, %add3A_165 : vector<16xi32>
    %iota3A_167 = tpu.iota {dimensions = array<i32: 0>} : vector<16xi32>
    %add3A_168 = arith.constant 624 : i32
    %add3A_169 = vector.broadcast %add3A_168 : i32 to vector<16xi32>
    %add3A_170 = arith.addi %iota3A_167, %add3A_169 : vector<16xi32>
    %iota3A_171 = tpu.iota {dimensions = array<i32: 0>} : vector<16xi32>
    %add3A_172 = arith.constant 640 : i32
    %add3A_173 = vector.broadcast %add3A_172 : i32 to vector<16xi32>
    %add3A_174 = arith.addi %iota3A_171, %add3A_173 : vector<16xi32>
    %iota3A_175 = tpu.iota {dimensions = array<i32: 0>} : vector<16xi32>
    %add3A_176 = arith.constant 656 : i32
    %add3A_177 = vector.broadcast %add3A_176 : i32 to vector<16xi32>
    %add3A_178 = arith.addi %iota3A_175, %add3A_177 : vector<16xi32>
    %iota3A_179 = tpu.iota {dimensions = array<i32: 0>} : vector<16xi32>
    %add3A_180 = arith.constant 672 : i32
    %add3A_181 = vector.broadcast %add3A_180 : i32 to vector<16xi32>
    %add3A_182 = arith.addi %iota3A_179, %add3A_181 : vector<16xi32>
    %iota3A_183 = tpu.iota {dimensions = array<i32: 0>} : vector<16xi32>
    %add3A_184 = arith.constant 688 : i32
    %add3A_185 = vector.broadcast %add3A_184 : i32 to vector<16xi32>
    %add3A_186 = arith.addi %iota3A_183, %add3A_185 : vector<16xi32>
    %iota3A_187 = tpu.iota {dimensions = array<i32: 0>} : vector<16xi32>
    %add3A_188 = arith.constant 704 : i32
    %add3A_189 = vector.broadcast %add3A_188 : i32 to vector<16xi32>
    %add3A_190 = arith.addi %iota3A_187, %add3A_189 : vector<16xi32>
    %iota3A_191 = tpu.iota {dimensions = array<i32: 0>} : vector<16xi32>
    %add3A_192 = arith.constant 720 : i32
    %add3A_193 = vector.broadcast %add3A_192 : i32 to vector<16xi32>
    %add3A_194 = arith.addi %iota3A_191, %add3A_193 : vector<16xi32>
    %iota3A_195 = tpu.iota {dimensions = array<i32: 0>} : vector<16xi32>
    %add3A_196 = arith.constant 736 : i32
    %add3A_197 = vector.broadcast %add3A_196 : i32 to vector<16xi32>
    %add3A_198 = arith.addi %iota3A_195, %add3A_197 : vector<16xi32>
    %iota3A_199 = tpu.iota {dimensions = array<i32: 0>} : vector<16xi32>
    %add3A_200 = arith.constant 752 : i32
    %add3A_201 = vector.broadcast %add3A_200 : i32 to vector<16xi32>
    %add3A_202 = arith.addi %iota3A_199, %add3A_201 : vector<16xi32>
    %iota3A_203 = tpu.iota {dimensions = array<i32: 0>} : vector<16xi32>
    %add3A_204 = arith.constant 768 : i32
    %add3A_205 = vector.broadcast %add3A_204 : i32 to vector<16xi32>
    %add3A_206 = arith.addi %iota3A_203, %add3A_205 : vector<16xi32>
    %iota3A_207 = tpu.iota {dimensions = array<i32: 0>} : vector<16xi32>
    %add3A_208 = arith.constant 784 : i32
    %add3A_209 = vector.broadcast %add3A_208 : i32 to vector<16xi32>
    %add3A_210 = arith.addi %iota3A_207, %add3A_209 : vector<16xi32>
    %iota3A_211 = tpu.iota {dimensions = array<i32: 0>} : vector<16xi32>
    %add3A_212 = arith.constant 800 : i32
    %add3A_213 = vector.broadcast %add3A_212 : i32 to vector<16xi32>
    %add3A_214 = arith.addi %iota3A_211, %add3A_213 : vector<16xi32>
    %iota3A_215 = tpu.iota {dimensions = array<i32: 0>} : vector<16xi32>
    %add3A_216 = arith.constant 816 : i32
    %add3A_217 = vector.broadcast %add3A_216 : i32 to vector<16xi32>
    %add3A_218 = arith.addi %iota3A_215, %add3A_217 : vector<16xi32>
    %iota3A_219 = tpu.iota {dimensions = array<i32: 0>} : vector<16xi32>
    %add3A_220 = arith.constant 832 : i32
    %add3A_221 = vector.broadcast %add3A_220 : i32 to vector<16xi32>
    %add3A_222 = arith.addi %iota3A_219, %add3A_221 : vector<16xi32>
    %iota3A_223 = tpu.iota {dimensions = array<i32: 0>} : vector<16xi32>
    %add3A_224 = arith.constant 848 : i32
    %add3A_225 = vector.broadcast %add3A_224 : i32 to vector<16xi32>
    %add3A_226 = arith.addi %iota3A_223, %add3A_225 : vector<16xi32>
    %iota3A_227 = tpu.iota {dimensions = array<i32: 0>} : vector<16xi32>
    %add3A_228 = arith.constant 864 : i32
    %add3A_229 = vector.broadcast %add3A_228 : i32 to vector<16xi32>
    %add3A_230 = arith.addi %iota3A_227, %add3A_229 : vector<16xi32>
    %iota3A_231 = tpu.iota {dimensions = array<i32: 0>} : vector<16xi32>
    %add3A_232 = arith.constant 880 : i32
    %add3A_233 = vector.broadcast %add3A_232 : i32 to vector<16xi32>
    %add3A_234 = arith.addi %iota3A_231, %add3A_233 : vector<16xi32>
    %iota3A_235 = tpu.iota {dimensions = array<i32: 0>} : vector<16xi32>
    %add3A_236 = arith.constant 896 : i32
    %add3A_237 = vector.broadcast %add3A_236 : i32 to vector<16xi32>
    %add3A_238 = arith.addi %iota3A_235, %add3A_237 : vector<16xi32>
    %iota3A_239 = tpu.iota {dimensions = array<i32: 0>} : vector<16xi32>
    %add3A_240 = arith.constant 912 : i32
    %add3A_241 = vector.broadcast %add3A_240 : i32 to vector<16xi32>
    %add3A_242 = arith.addi %iota3A_239, %add3A_241 : vector<16xi32>
    %iota3A_243 = tpu.iota {dimensions = array<i32: 0>} : vector<16xi32>
    %add3A_244 = arith.constant 928 : i32
    %add3A_245 = vector.broadcast %add3A_244 : i32 to vector<16xi32>
    %add3A_246 = arith.addi %iota3A_243, %add3A_245 : vector<16xi32>
    %iota3A_247 = tpu.iota {dimensions = array<i32: 0>} : vector<16xi32>
    %add3A_248 = arith.constant 944 : i32
    %add3A_249 = vector.broadcast %add3A_248 : i32 to vector<16xi32>
    %add3A_250 = arith.addi %iota3A_247, %add3A_249 : vector<16xi32>
    %iota3A_251 = tpu.iota {dimensions = array<i32: 0>} : vector<16xi32>
    %add3A_252 = arith.constant 960 : i32
    %add3A_253 = vector.broadcast %add3A_252 : i32 to vector<16xi32>
    %add3A_254 = arith.addi %iota3A_251, %add3A_253 : vector<16xi32>
    %iota3A_255 = tpu.iota {dimensions = array<i32: 0>} : vector<16xi32>
    %add3A_256 = arith.constant 976 : i32
    %add3A_257 = vector.broadcast %add3A_256 : i32 to vector<16xi32>
    %add3A_258 = arith.addi %iota3A_255, %add3A_257 : vector<16xi32>
    %iota3A_259 = tpu.iota {dimensions = array<i32: 0>} : vector<16xi32>
    %add3A_260 = arith.constant 992 : i32
    %add3A_261 = vector.broadcast %add3A_260 : i32 to vector<16xi32>
    %add3A_262 = arith.addi %iota3A_259, %add3A_261 : vector<16xi32>
    %iota3A_263 = tpu.iota {dimensions = array<i32: 0>} : vector<16xi32>
    %add3A_264 = arith.constant 1008 : i32
    %add3A_265 = vector.broadcast %add3A_264 : i32 to vector<16xi32>
    %add3A_266 = arith.addi %iota3A_263, %add3A_265 : vector<16xi32>
    %iota3A_267 = tpu.iota {dimensions = array<i32: 0>} : vector<16xi32>
    %add3A_268 = arith.constant 1024 : i32
    %add3A_269 = vector.broadcast %add3A_268 : i32 to vector<16xi32>
    %add3A_270 = arith.addi %iota3A_267, %add3A_269 : vector<16xi32>
    %iota3A_271 = tpu.iota {dimensions = array<i32: 0>} : vector<16xi32>
    %add3A_272 = arith.constant 1040 : i32
    %add3A_273 = vector.broadcast %add3A_272 : i32 to vector<16xi32>
    %add3A_274 = arith.addi %iota3A_271, %add3A_273 : vector<16xi32>
    %iota3A_275 = tpu.iota {dimensions = array<i32: 0>} : vector<16xi32>
    %add3A_276 = arith.constant 1056 : i32
    %add3A_277 = vector.broadcast %add3A_276 : i32 to vector<16xi32>
    %add3A_278 = arith.addi %iota3A_275, %add3A_277 : vector<16xi32>
    %iota3A_279 = tpu.iota {dimensions = array<i32: 0>} : vector<16xi32>
    %add3A_280 = arith.constant 1072 : i32
    %add3A_281 = vector.broadcast %add3A_280 : i32 to vector<16xi32>
    %add3A_282 = arith.addi %iota3A_279, %add3A_281 : vector<16xi32>
    %iota3A_283 = tpu.iota {dimensions = array<i32: 0>} : vector<16xi32>
    %add3A_284 = arith.constant 1088 : i32
    %add3A_285 = vector.broadcast %add3A_284 : i32 to vector<16xi32>
    %add3A_286 = arith.addi %iota3A_283, %add3A_285 : vector<16xi32>
    %iota3A_287 = tpu.iota {dimensions = array<i32: 0>} : vector<16xi32>
    %add3A_288 = arith.constant 1104 : i32
    %add3A_289 = vector.broadcast %add3A_288 : i32 to vector<16xi32>
    %add3A_290 = arith.addi %iota3A_287, %add3A_289 : vector<16xi32>
    %iota3A_291 = tpu.iota {dimensions = array<i32: 0>} : vector<16xi32>
    %add3A_292 = arith.constant 1120 : i32
    %add3A_293 = vector.broadcast %add3A_292 : i32 to vector<16xi32>
    %add3A_294 = arith.addi %iota3A_291, %add3A_293 : vector<16xi32>
    %iota3A_295 = tpu.iota {dimensions = array<i32: 0>} : vector<16xi32>
    %add3A_296 = arith.constant 1136 : i32
    %add3A_297 = vector.broadcast %add3A_296 : i32 to vector<16xi32>
    %add3A_298 = arith.addi %iota3A_295, %add3A_297 : vector<16xi32>
    %iota3A_299 = tpu.iota {dimensions = array<i32: 0>} : vector<16xi32>
    %add3A_300 = arith.constant 1152 : i32
    %add3A_301 = vector.broadcast %add3A_300 : i32 to vector<16xi32>
    %add3A_302 = arith.addi %iota3A_299, %add3A_301 : vector<16xi32>
    %iota3A_303 = tpu.iota {dimensions = array<i32: 0>} : vector<16xi32>
    %add3A_304 = arith.constant 1168 : i32
    %add3A_305 = vector.broadcast %add3A_304 : i32 to vector<16xi32>
    %add3A_306 = arith.addi %iota3A_303, %add3A_305 : vector<16xi32>
    %iota3A_307 = tpu.iota {dimensions = array<i32: 0>} : vector<16xi32>
    %add3A_308 = arith.constant 1184 : i32
    %add3A_309 = vector.broadcast %add3A_308 : i32 to vector<16xi32>
    %add3A_310 = arith.addi %iota3A_307, %add3A_309 : vector<16xi32>
    %iota3A_311 = tpu.iota {dimensions = array<i32: 0>} : vector<16xi32>
    %add3A_312 = arith.constant 1200 : i32
    %add3A_313 = vector.broadcast %add3A_312 : i32 to vector<16xi32>
    %add3A_314 = arith.addi %iota3A_311, %add3A_313 : vector<16xi32>
    %iota3A_315 = tpu.iota {dimensions = array<i32: 0>} : vector<16xi32>
    %add3A_316 = arith.constant 1216 : i32
    %add3A_317 = vector.broadcast %add3A_316 : i32 to vector<16xi32>
    %add3A_318 = arith.addi %iota3A_315, %add3A_317 : vector<16xi32>
    %iota3A_319 = tpu.iota {dimensions = array<i32: 0>} : vector<16xi32>
    %add3A_320 = arith.constant 1232 : i32
    %add3A_321 = vector.broadcast %add3A_320 : i32 to vector<16xi32>
    %add3A_322 = arith.addi %iota3A_319, %add3A_321 : vector<16xi32>
    %iota3A_323 = tpu.iota {dimensions = array<i32: 0>} : vector<16xi32>
    %add3A_324 = arith.constant 1248 : i32
    %add3A_325 = vector.broadcast %add3A_324 : i32 to vector<16xi32>
    %add3A_326 = arith.addi %iota3A_323, %add3A_325 : vector<16xi32>
    %iota3A_327 = tpu.iota {dimensions = array<i32: 0>} : vector<16xi32>
    %add3A_328 = arith.constant 1264 : i32
    %add3A_329 = vector.broadcast %add3A_328 : i32 to vector<16xi32>
    %add3A_330 = arith.addi %iota3A_327, %add3A_329 : vector<16xi32>
    %add3A_331 = arith.constant 20 : i32
    %add3A_332 = arith.addi %add3A_7, %add3A_331 : i32
    %scan3A = arith.constant 0 : i32
    %scan3A_333 = arith.constant 0 : i32
    %scan3A_334 = arith.constant 64 : i32
    %scan3A_335 = arith.addi %scan3A_333, %scan3A_334 : i32
    %scan3A_336 = arith.constant 1 : i32
    scf.for %scan3A_344 = %scan3A_333 to %scan3A_335 step %scan3A_336  : i32 {
      %broadcast_in_dim3A = vector.broadcast %scan3A_344 : i32 to vector<16xi32>
      %broadcast_in_dim3A_345 = vector.broadcast %rem3A_11 : i32 to vector<16xi32>
      %gather3A = tpu.vector_load_idx %arg5[%broadcast_in_dim3A, %broadcast_in_dim3A_345] : memref<64x48xf32, #tpu.memory_space<vmem>>[vector<16xi32>, vector<16xi32>], vector<16xf32>,
      %add3A_346 = arith.constant 41 : i32
      %add3A_347 = arith.addi %rem3A_11, %add3A_346 : i32
      %sub3A_348 = arith.constant 1 : i32
      %sub3A_349 = arith.subi %add3A_347, %sub3A_348 : i32
      %broadcast_in_dim3A_350 = vector.broadcast %sub3A_349 : i32 to vector<16xi32>
      %gather3A_351 = tpu.vector_load_idx %arg5[%broadcast_in_dim3A, %broadcast_in_dim3A_350] : memref<64x48xf32, #tpu.memory_space<vmem>>[vector<16xi32>, vector<16xi32>], vector<16xf32>,
      %lt3A = vector.broadcast %add3A_332 : i32 to vector<16xi32>
      %lt3A_352 = arith.cmpi slt, %add3A_14, %lt3A : vector<16xi32>
      %select_n3A = arith.select %lt3A_352, %gather3A, %gather3A_351 : vector<16xi1>, vector<16xf32>
      %swap3A = arith.index_cast %scan3A_344 : i32 to index
      %swap3A_353 = arith.constant 0 : index
      %swap3A_354 = tpu.vector_load %arg4[%swap3A, %swap3A_353] {strides = array<i32>} : memref<64x1280xf32, #tpu.memory_space<vmem>>, vector<16xf32>,
      tpu.vector_store %arg4[%swap3A, %swap3A_353], %select_n3A {strides = array<i32>} : memref<64x1280xf32, #tpu.memory_space<vmem>>, vector<16xf32>,
      %lt3A_355 = vector.broadcast %add3A_332 : i32 to vector<16xi32>
      %lt3A_356 = arith.cmpi slt, %add3A_18, %lt3A_355 : vector<16xi32>
      %select_n3A_357 = arith.select %lt3A_356, %gather3A, %gather3A_351 : vector<16xi1>, vector<16xf32>
      %swap3A_358 = arith.index_cast %scan3A_344 : i32 to index
      %swap3A_359 = arith.constant 16 : index
      %swap3A_360 = tpu.vector_load %arg4[%swap3A_358, %swap3A_359] {strides = array<i32>} : memref<64x1280xf32, #tpu.memory_space<vmem>>, vector<16xf32>,
      tpu.vector_store %arg4[%swap3A_358, %swap3A_359], %select_n3A_357 {strides = array<i32>} : memref<64x1280xf32, #tpu.memory_space<vmem>>, vector<16xf32>,
      %lt3A_361 = vector.broadcast %add3A_332 : i32 to vector<16xi32>
      %lt3A_362 = arith.cmpi slt, %add3A_22, %lt3A_361 : vector<16xi32>
      %select_n3A_363 = arith.select %lt3A_362, %gather3A, %gather3A_351 : vector<16xi1>, vector<16xf32>
      %swap3A_364 = arith.index_cast %scan3A_344 : i32 to index
      %swap3A_365 = arith.constant 32 : index
      %swap3A_366 = tpu.vector_load %arg4[%swap3A_364, %swap3A_365] {strides = array<i32>} : memref<64x1280xf32, #tpu.memory_space<vmem>>, vector<16xf32>,
      tpu.vector_store %arg4[%swap3A_364, %swap3A_365], %select_n3A_363 {strides = array<i32>} : memref<64x1280xf32, #tpu.memory_space<vmem>>, vector<16xf32>,
      %lt3A_367 = vector.broadcast %add3A_332 : i32 to vector<16xi32>
      %lt3A_368 = arith.cmpi slt, %add3A_26, %lt3A_367 : vector<16xi32>
      %select_n3A_369 = arith.select %lt3A_368, %gather3A, %gather3A_351 : vector<16xi1>, vector<16xf32>
      %swap3A_370 = arith.index_cast %scan3A_344 : i32 to index
      %swap3A_371 = arith.constant 48 : index
      %swap3A_372 = tpu.vector_load %arg4[%swap3A_370, %swap3A_371] {strides = array<i32>} : memref<64x1280xf32, #tpu.memory_space<vmem>>, vector<16xf32>,
      tpu.vector_store %arg4[%swap3A_370, %swap3A_371], %select_n3A_369 {strides = array<i32>} : memref<64x1280xf32, #tpu.memory_space<vmem>>, vector<16xf32>,
      %lt3A_373 = vector.broadcast %add3A_332 : i32 to vector<16xi32>
      %lt3A_374 = arith.cmpi slt, %add3A_30, %lt3A_373 : vector<16xi32>
      %select_n3A_375 = arith.select %lt3A_374, %gather3A, %gather3A_351 : vector<16xi1>, vector<16xf32>
      %swap3A_376 = arith.index_cast %scan3A_344 : i32 to index
      %swap3A_377 = arith.constant 64 : index
      %swap3A_378 = tpu.vector_load %arg4[%swap3A_376, %swap3A_377] {strides = array<i32>} : memref<64x1280xf32, #tpu.memory_space<vmem>>, vector<16xf32>,
      tpu.vector_store %arg4[%swap3A_376, %swap3A_377], %select_n3A_375 {strides = array<i32>} : memref<64x1280xf32, #tpu.memory_space<vmem>>, vector<16xf32>,
      %lt3A_379 = vector.broadcast %add3A_332 : i32 to vector<16xi32>
      %lt3A_380 = arith.cmpi slt, %add3A_34, %lt3A_379 : vector<16xi32>
      %select_n3A_381 = arith.select %lt3A_380, %gather3A, %gather3A_351 : vector<16xi1>, vector<16xf32>
      %swap3A_382 = arith.index_cast %scan3A_344 : i32 to index
      %swap3A_383 = arith.constant 80 : index
      %swap3A_384 = tpu.vector_load %arg4[%swap3A_382, %swap3A_383] {strides = array<i32>} : memref<64x1280xf32, #tpu.memory_space<vmem>>, vector<16xf32>,
      tpu.vector_store %arg4[%swap3A_382, %swap3A_383], %select_n3A_381 {strides = array<i32>} : memref<64x1280xf32, #tpu.memory_space<vmem>>, vector<16xf32>,
      %lt3A_385 = vector.broadcast %add3A_332 : i32 to vector<16xi32>
      %lt3A_386 = arith.cmpi slt, %add3A_38, %lt3A_385 : vector<16xi32>
      %select_n3A_387 = arith.select %lt3A_386, %gather3A, %gather3A_351 : vector<16xi1>, vector<16xf32>
      %swap3A_388 = arith.index_cast %scan3A_344 : i32 to index
      %swap3A_389 = arith.constant 96 : index
      %swap3A_390 = tpu.vector_load %arg4[%swap3A_388, %swap3A_389] {strides = array<i32>} : memref<64x1280xf32, #tpu.memory_space<vmem>>, vector<16xf32>,
      tpu.vector_store %arg4[%swap3A_388, %swap3A_389], %select_n3A_387 {strides = array<i32>} : memref<64x1280xf32, #tpu.memory_space<vmem>>, vector<16xf32>,
      %lt3A_391 = vector.broadcast %add3A_332 : i32 to vector<16xi32>
      %lt3A_392 = arith.cmpi slt, %add3A_42, %lt3A_391 : vector<16xi32>
      %select_n3A_393 = arith.select %lt3A_392, %gather3A, %gather3A_351 : vector<16xi1>, vector<16xf32>
      %swap3A_394 = arith.index_cast %scan3A_344 : i32 to index
      %swap3A_395 = arith.constant 112 : index
      %swap3A_396 = tpu.vector_load %arg4[%swap3A_394, %swap3A_395] {strides = array<i32>} : memref<64x1280xf32, #tpu.memory_space<vmem>>, vector<16xf32>,
      tpu.vector_store %arg4[%swap3A_394, %swap3A_395], %select_n3A_393 {strides = array<i32>} : memref<64x1280xf32, #tpu.memory_space<vmem>>, vector<16xf32>,
      %lt3A_397 = vector.broadcast %add3A_332 : i32 to vector<16xi32>
      %lt3A_398 = arith.cmpi slt, %add3A_46, %lt3A_397 : vector<16xi32>
      %select_n3A_399 = arith.select %lt3A_398, %gather3A, %gather3A_351 : vector<16xi1>, vector<16xf32>
      %swap3A_400 = arith.index_cast %scan3A_344 : i32 to index
      %swap3A_401 = arith.constant 128 : index
      %swap3A_402 = tpu.vector_load %arg4[%swap3A_400, %swap3A_401] {strides = array<i32>} : memref<64x1280xf32, #tpu.memory_space<vmem>>, vector<16xf32>,
      tpu.vector_store %arg4[%swap3A_400, %swap3A_401], %select_n3A_399 {strides = array<i32>} : memref<64x1280xf32, #tpu.memory_space<vmem>>, vector<16xf32>,
      %lt3A_403 = vector.broadcast %add3A_332 : i32 to vector<16xi32>
      %lt3A_404 = arith.cmpi slt, %add3A_50, %lt3A_403 : vector<16xi32>
      %select_n3A_405 = arith.select %lt3A_404, %gather3A, %gather3A_351 : vector<16xi1>, vector<16xf32>
      %swap3A_406 = arith.index_cast %scan3A_344 : i32 to index
      %swap3A_407 = arith.constant 144 : index
      %swap3A_408 = tpu.vector_load %arg4[%swap3A_406, %swap3A_407] {strides = array<i32>} : memref<64x1280xf32, #tpu.memory_space<vmem>>, vector<16xf32>,
      tpu.vector_store %arg4[%swap3A_406, %swap3A_407], %select_n3A_405 {strides = array<i32>} : memref<64x1280xf32, #tpu.memory_space<vmem>>, vector<16xf32>,
      %lt3A_409 = vector.broadcast %add3A_332 : i32 to vector<16xi32>
      %lt3A_410 = arith.cmpi slt, %add3A_54, %lt3A_409 : vector<16xi32>
      %select_n3A_411 = arith.select %lt3A_410, %gather3A, %gather3A_351 : vector<16xi1>, vector<16xf32>
      %swap3A_412 = arith.index_cast %scan3A_344 : i32 to index
      %swap3A_413 = arith.constant 160 : index
      %swap3A_414 = tpu.vector_load %arg4[%swap3A_412, %swap3A_413] {strides = array<i32>} : memref<64x1280xf32, #tpu.memory_space<vmem>>, vector<16xf32>,
      tpu.vector_store %arg4[%swap3A_412, %swap3A_413], %select_n3A_411 {strides = array<i32>} : memref<64x1280xf32, #tpu.memory_space<vmem>>, vector<16xf32>,
      %lt3A_415 = vector.broadcast %add3A_332 : i32 to vector<16xi32>
      %lt3A_416 = arith.cmpi slt, %add3A_58, %lt3A_415 : vector<16xi32>
      %select_n3A_417 = arith.select %lt3A_416, %gather3A, %gather3A_351 : vector<16xi1>, vector<16xf32>
      %swap3A_418 = arith.index_cast %scan3A_344 : i32 to index
      %swap3A_419 = arith.constant 176 : index
      %swap3A_420 = tpu.vector_load %arg4[%swap3A_418, %swap3A_419] {strides = array<i32>} : memref<64x1280xf32, #tpu.memory_space<vmem>>, vector<16xf32>,
      tpu.vector_store %arg4[%swap3A_418, %swap3A_419], %select_n3A_417 {strides = array<i32>} : memref<64x1280xf32, #tpu.memory_space<vmem>>, vector<16xf32>,
      %lt3A_421 = vector.broadcast %add3A_332 : i32 to vector<16xi32>
      %lt3A_422 = arith.cmpi slt, %add3A_62, %lt3A_421 : vector<16xi32>
      %select_n3A_423 = arith.select %lt3A_422, %gather3A, %gather3A_351 : vector<16xi1>, vector<16xf32>
      %swap3A_424 = arith.index_cast %scan3A_344 : i32 to index
      %swap3A_425 = arith.constant 192 : index
      %swap3A_426 = tpu.vector_load %arg4[%swap3A_424, %swap3A_425] {strides = array<i32>} : memref<64x1280xf32, #tpu.memory_space<vmem>>, vector<16xf32>,
      tpu.vector_store %arg4[%swap3A_424, %swap3A_425], %select_n3A_423 {strides = array<i32>} : memref<64x1280xf32, #tpu.memory_space<vmem>>, vector<16xf32>,
      %lt3A_427 = vector.broadcast %add3A_332 : i32 to vector<16xi32>
      %lt3A_428 = arith.cmpi slt, %add3A_66, %lt3A_427 : vector<16xi32>
      %select_n3A_429 = arith.select %lt3A_428, %gather3A, %gather3A_351 : vector<16xi1>, vector<16xf32>
      %swap3A_430 = arith.index_cast %scan3A_344 : i32 to index
      %swap3A_431 = arith.constant 208 : index
      %swap3A_432 = tpu.vector_load %arg4[%swap3A_430, %swap3A_431] {strides = array<i32>} : memref<64x1280xf32, #tpu.memory_space<vmem>>, vector<16xf32>,
      tpu.vector_store %arg4[%swap3A_430, %swap3A_431], %select_n3A_429 {strides = array<i32>} : memref<64x1280xf32, #tpu.memory_space<vmem>>, vector<16xf32>,
      %lt3A_433 = vector.broadcast %add3A_332 : i32 to vector<16xi32>
      %lt3A_434 = arith.cmpi slt, %add3A_70, %lt3A_433 : vector<16xi32>
      %select_n3A_435 = arith.select %lt3A_434, %gather3A, %gather3A_351 : vector<16xi1>, vector<16xf32>
      %swap3A_436 = arith.index_cast %scan3A_344 : i32 to index
      %swap3A_437 = arith.constant 224 : index
      %swap3A_438 = tpu.vector_load %arg4[%swap3A_436, %swap3A_437] {strides = array<i32>} : memref<64x1280xf32, #tpu.memory_space<vmem>>, vector<16xf32>,
      tpu.vector_store %arg4[%swap3A_436, %swap3A_437], %select_n3A_435 {strides = array<i32>} : memref<64x1280xf32, #tpu.memory_space<vmem>>, vector<16xf32>,
      %lt3A_439 = vector.broadcast %add3A_332 : i32 to vector<16xi32>
      %lt3A_440 = arith.cmpi slt, %add3A_74, %lt3A_439 : vector<16xi32>
      %select_n3A_441 = arith.select %lt3A_440, %gather3A, %gather3A_351 : vector<16xi1>, vector<16xf32>
      %swap3A_442 = arith.index_cast %scan3A_344 : i32 to index
      %swap3A_443 = arith.constant 240 : index
      %swap3A_444 = tpu.vector_load %arg4[%swap3A_442, %swap3A_443] {strides = array<i32>} : memref<64x1280xf32, #tpu.memory_space<vmem>>, vector<16xf32>,
      tpu.vector_store %arg4[%swap3A_442, %swap3A_443], %select_n3A_441 {strides = array<i32>} : memref<64x1280xf32, #tpu.memory_space<vmem>>, vector<16xf32>,
      %lt3A_445 = vector.broadcast %add3A_332 : i32 to vector<16xi32>
      %lt3A_446 = arith.cmpi slt, %add3A_78, %lt3A_445 : vector<16xi32>
      %select_n3A_447 = arith.select %lt3A_446, %gather3A, %gather3A_351 : vector<16xi1>, vector<16xf32>
      %swap3A_448 = arith.index_cast %scan3A_344 : i32 to index
      %swap3A_449 = arith.constant 256 : index
      %swap3A_450 = tpu.vector_load %arg4[%swap3A_448, %swap3A_449] {strides = array<i32>} : memref<64x1280xf32, #tpu.memory_space<vmem>>, vector<16xf32>,
      tpu.vector_store %arg4[%swap3A_448, %swap3A_449], %select_n3A_447 {strides = array<i32>} : memref<64x1280xf32, #tpu.memory_space<vmem>>, vector<16xf32>,
      %lt3A_451 = vector.broadcast %add3A_332 : i32 to vector<16xi32>
      %lt3A_452 = arith.cmpi slt, %add3A_82, %lt3A_451 : vector<16xi32>
      %select_n3A_453 = arith.select %lt3A_452, %gather3A, %gather3A_351 : vector<16xi1>, vector<16xf32>
      %swap3A_454 = arith.index_cast %scan3A_344 : i32 to index
      %swap3A_455 = arith.constant 272 : index
      %swap3A_456 = tpu.vector_load %arg4[%swap3A_454, %swap3A_455] {strides = array<i32>} : memref<64x1280xf32, #tpu.memory_space<vmem>>, vector<16xf32>,
      tpu.vector_store %arg4[%swap3A_454, %swap3A_455], %select_n3A_453 {strides = array<i32>} : memref<64x1280xf32, #tpu.memory_space<vmem>>, vector<16xf32>,
      %lt3A_457 = vector.broadcast %add3A_332 : i32 to vector<16xi32>
      %lt3A_458 = arith.cmpi slt, %add3A_86, %lt3A_457 : vector<16xi32>
      %select_n3A_459 = arith.select %lt3A_458, %gather3A, %gather3A_351 : vector<16xi1>, vector<16xf32>
      %swap3A_460 = arith.index_cast %scan3A_344 : i32 to index
      %swap3A_461 = arith.constant 288 : index
      %swap3A_462 = tpu.vector_load %arg4[%swap3A_460, %swap3A_461] {strides = array<i32>} : memref<64x1280xf32, #tpu.memory_space<vmem>>, vector<16xf32>,
      tpu.vector_store %arg4[%swap3A_460, %swap3A_461], %select_n3A_459 {strides = array<i32>} : memref<64x1280xf32, #tpu.memory_space<vmem>>, vector<16xf32>,
      %lt3A_463 = vector.broadcast %add3A_332 : i32 to vector<16xi32>
      %lt3A_464 = arith.cmpi slt, %add3A_90, %lt3A_463 : vector<16xi32>
      %select_n3A_465 = arith.select %lt3A_464, %gather3A, %gather3A_351 : vector<16xi1>, vector<16xf32>
      %swap3A_466 = arith.index_cast %scan3A_344 : i32 to index
      %swap3A_467 = arith.constant 304 : index
      %swap3A_468 = tpu.vector_load %arg4[%swap3A_466, %swap3A_467] {strides = array<i32>} : memref<64x1280xf32, #tpu.memory_space<vmem>>, vector<16xf32>,
      tpu.vector_store %arg4[%swap3A_466, %swap3A_467], %select_n3A_465 {strides = array<i32>} : memref<64x1280xf32, #tpu.memory_space<vmem>>, vector<16xf32>,
      %lt3A_469 = vector.broadcast %add3A_332 : i32 to vector<16xi32>
      %lt3A_470 = arith.cmpi slt, %add3A_94, %lt3A_469 : vector<16xi32>
      %select_n3A_471 = arith.select %lt3A_470, %gather3A, %gather3A_351 : vector<16xi1>, vector<16xf32>
      %swap3A_472 = arith.index_cast %scan3A_344 : i32 to index
      %swap3A_473 = arith.constant 320 : index
      %swap3A_474 = tpu.vector_load %arg4[%swap3A_472, %swap3A_473] {strides = array<i32>} : memref<64x1280xf32, #tpu.memory_space<vmem>>, vector<16xf32>,
      tpu.vector_store %arg4[%swap3A_472, %swap3A_473], %select_n3A_471 {strides = array<i32>} : memref<64x1280xf32, #tpu.memory_space<vmem>>, vector<16xf32>,
      %lt3A_475 = vector.broadcast %add3A_332 : i32 to vector<16xi32>
      %lt3A_476 = arith.cmpi slt, %add3A_98, %lt3A_475 : vector<16xi32>
      %select_n3A_477 = arith.select %lt3A_476, %gather3A, %gather3A_351 : vector<16xi1>, vector<16xf32>
      %swap3A_478 = arith.index_cast %scan3A_344 : i32 to index
      %swap3A_479 = arith.constant 336 : index
      %swap3A_480 = tpu.vector_load %arg4[%swap3A_478, %swap3A_479] {strides = array<i32>} : memref<64x1280xf32, #tpu.memory_space<vmem>>, vector<16xf32>,
      tpu.vector_store %arg4[%swap3A_478, %swap3A_479], %select_n3A_477 {strides = array<i32>} : memref<64x1280xf32, #tpu.memory_space<vmem>>, vector<16xf32>,
      %lt3A_481 = vector.broadcast %add3A_332 : i32 to vector<16xi32>
      %lt3A_482 = arith.cmpi slt, %add3A_102, %lt3A_481 : vector<16xi32>
      %select_n3A_483 = arith.select %lt3A_482, %gather3A, %gather3A_351 : vector<16xi1>, vector<16xf32>
      %swap3A_484 = arith.index_cast %scan3A_344 : i32 to index
      %swap3A_485 = arith.constant 352 : index
      %swap3A_486 = tpu.vector_load %arg4[%swap3A_484, %swap3A_485] {strides = array<i32>} : memref<64x1280xf32, #tpu.memory_space<vmem>>, vector<16xf32>,
      tpu.vector_store %arg4[%swap3A_484, %swap3A_485], %select_n3A_483 {strides = array<i32>} : memref<64x1280xf32, #tpu.memory_space<vmem>>, vector<16xf32>,
      %lt3A_487 = vector.broadcast %add3A_332 : i32 to vector<16xi32>
      %lt3A_488 = arith.cmpi slt, %add3A_106, %lt3A_487 : vector<16xi32>
      %select_n3A_489 = arith.select %lt3A_488, %gather3A, %gather3A_351 : vector<16xi1>, vector<16xf32>
      %swap3A_490 = arith.index_cast %scan3A_344 : i32 to index
      %swap3A_491 = arith.constant 368 : index
      %swap3A_492 = tpu.vector_load %arg4[%swap3A_490, %swap3A_491] {strides = array<i32>} : memref<64x1280xf32, #tpu.memory_space<vmem>>, vector<16xf32>,
      tpu.vector_store %arg4[%swap3A_490, %swap3A_491], %select_n3A_489 {strides = array<i32>} : memref<64x1280xf32, #tpu.memory_space<vmem>>, vector<16xf32>,
      %lt3A_493 = vector.broadcast %add3A_332 : i32 to vector<16xi32>
      %lt3A_494 = arith.cmpi slt, %add3A_110, %lt3A_493 : vector<16xi32>
      %select_n3A_495 = arith.select %lt3A_494, %gather3A, %gather3A_351 : vector<16xi1>, vector<16xf32>
      %swap3A_496 = arith.index_cast %scan3A_344 : i32 to index
      %swap3A_497 = arith.constant 384 : index
      %swap3A_498 = tpu.vector_load %arg4[%swap3A_496, %swap3A_497] {strides = array<i32>} : memref<64x1280xf32, #tpu.memory_space<vmem>>, vector<16xf32>,
      tpu.vector_store %arg4[%swap3A_496, %swap3A_497], %select_n3A_495 {strides = array<i32>} : memref<64x1280xf32, #tpu.memory_space<vmem>>, vector<16xf32>,
      %lt3A_499 = vector.broadcast %add3A_332 : i32 to vector<16xi32>
      %lt3A_500 = arith.cmpi slt, %add3A_114, %lt3A_499 : vector<16xi32>
      %select_n3A_501 = arith.select %lt3A_500, %gather3A, %gather3A_351 : vector<16xi1>, vector<16xf32>
      %swap3A_502 = arith.index_cast %scan3A_344 : i32 to index
      %swap3A_503 = arith.constant 400 : index
      %swap3A_504 = tpu.vector_load %arg4[%swap3A_502, %swap3A_503] {strides = array<i32>} : memref<64x1280xf32, #tpu.memory_space<vmem>>, vector<16xf32>,
      tpu.vector_store %arg4[%swap3A_502, %swap3A_503], %select_n3A_501 {strides = array<i32>} : memref<64x1280xf32, #tpu.memory_space<vmem>>, vector<16xf32>,
      %lt3A_505 = vector.broadcast %add3A_332 : i32 to vector<16xi32>
      %lt3A_506 = arith.cmpi slt, %add3A_118, %lt3A_505 : vector<16xi32>
      %select_n3A_507 = arith.select %lt3A_506, %gather3A, %gather3A_351 : vector<16xi1>, vector<16xf32>
      %swap3A_508 = arith.index_cast %scan3A_344 : i32 to index
      %swap3A_509 = arith.constant 416 : index
      %swap3A_510 = tpu.vector_load %arg4[%swap3A_508, %swap3A_509] {strides = array<i32>} : memref<64x1280xf32, #tpu.memory_space<vmem>>, vector<16xf32>,
      tpu.vector_store %arg4[%swap3A_508, %swap3A_509], %select_n3A_507 {strides = array<i32>} : memref<64x1280xf32, #tpu.memory_space<vmem>>, vector<16xf32>,
      %lt3A_511 = vector.broadcast %add3A_332 : i32 to vector<16xi32>
      %lt3A_512 = arith.cmpi slt, %add3A_122, %lt3A_511 : vector<16xi32>
      %select_n3A_513 = arith.select %lt3A_512, %gather3A, %gather3A_351 : vector<16xi1>, vector<16xf32>
      %swap3A_514 = arith.index_cast %scan3A_344 : i32 to index
      %swap3A_515 = arith.constant 432 : index
      %swap3A_516 = tpu.vector_load %arg4[%swap3A_514, %swap3A_515] {strides = array<i32>} : memref<64x1280xf32, #tpu.memory_space<vmem>>, vector<16xf32>,
      tpu.vector_store %arg4[%swap3A_514, %swap3A_515], %select_n3A_513 {strides = array<i32>} : memref<64x1280xf32, #tpu.memory_space<vmem>>, vector<16xf32>,
      %lt3A_517 = vector.broadcast %add3A_332 : i32 to vector<16xi32>
      %lt3A_518 = arith.cmpi slt, %add3A_126, %lt3A_517 : vector<16xi32>
      %select_n3A_519 = arith.select %lt3A_518, %gather3A, %gather3A_351 : vector<16xi1>, vector<16xf32>
      %swap3A_520 = arith.index_cast %scan3A_344 : i32 to index
      %swap3A_521 = arith.constant 448 : index
      %swap3A_522 = tpu.vector_load %arg4[%swap3A_520, %swap3A_521] {strides = array<i32>} : memref<64x1280xf32, #tpu.memory_space<vmem>>, vector<16xf32>,
      tpu.vector_store %arg4[%swap3A_520, %swap3A_521], %select_n3A_519 {strides = array<i32>} : memref<64x1280xf32, #tpu.memory_space<vmem>>, vector<16xf32>,
      %lt3A_523 = vector.broadcast %add3A_332 : i32 to vector<16xi32>
      %lt3A_524 = arith.cmpi slt, %add3A_130, %lt3A_523 : vector<16xi32>
      %select_n3A_525 = arith.select %lt3A_524, %gather3A, %gather3A_351 : vector<16xi1>, vector<16xf32>
      %swap3A_526 = arith.index_cast %scan3A_344 : i32 to index
      %swap3A_527 = arith.constant 464 : index
      %swap3A_528 = tpu.vector_load %arg4[%swap3A_526, %swap3A_527] {strides = array<i32>} : memref<64x1280xf32, #tpu.memory_space<vmem>>, vector<16xf32>,
      tpu.vector_store %arg4[%swap3A_526, %swap3A_527], %select_n3A_525 {strides = array<i32>} : memref<64x1280xf32, #tpu.memory_space<vmem>>, vector<16xf32>,
      %lt3A_529 = vector.broadcast %add3A_332 : i32 to vector<16xi32>
      %lt3A_530 = arith.cmpi slt, %add3A_134, %lt3A_529 : vector<16xi32>
      %select_n3A_531 = arith.select %lt3A_530, %gather3A, %gather3A_351 : vector<16xi1>, vector<16xf32>
      %swap3A_532 = arith.index_cast %scan3A_344 : i32 to index
      %swap3A_533 = arith.constant 480 : index
      %swap3A_534 = tpu.vector_load %arg4[%swap3A_532, %swap3A_533] {strides = array<i32>} : memref<64x1280xf32, #tpu.memory_space<vmem>>, vector<16xf32>,
      tpu.vector_store %arg4[%swap3A_532, %swap3A_533], %select_n3A_531 {strides = array<i32>} : memref<64x1280xf32, #tpu.memory_space<vmem>>, vector<16xf32>,
      %lt3A_535 = vector.broadcast %add3A_332 : i32 to vector<16xi32>
      %lt3A_536 = arith.cmpi slt, %add3A_138, %lt3A_535 : vector<16xi32>
      %select_n3A_537 = arith.select %lt3A_536, %gather3A, %gather3A_351 : vector<16xi1>, vector<16xf32>
      %swap3A_538 = arith.index_cast %scan3A_344 : i32 to index
      %swap3A_539 = arith.constant 496 : index
      %swap3A_540 = tpu.vector_load %arg4[%swap3A_538, %swap3A_539] {strides = array<i32>} : memref<64x1280xf32, #tpu.memory_space<vmem>>, vector<16xf32>,
      tpu.vector_store %arg4[%swap3A_538, %swap3A_539], %select_n3A_537 {strides = array<i32>} : memref<64x1280xf32, #tpu.memory_space<vmem>>, vector<16xf32>,
      %lt3A_541 = vector.broadcast %add3A_332 : i32 to vector<16xi32>
      %lt3A_542 = arith.cmpi slt, %add3A_142, %lt3A_541 : vector<16xi32>
      %select_n3A_543 = arith.select %lt3A_542, %gather3A, %gather3A_351 : vector<16xi1>, vector<16xf32>
      %swap3A_544 = arith.index_cast %scan3A_344 : i32 to index
      %swap3A_545 = arith.constant 512 : index
      %swap3A_546 = tpu.vector_load %arg4[%swap3A_544, %swap3A_545] {strides = array<i32>} : memref<64x1280xf32, #tpu.memory_space<vmem>>, vector<16xf32>,
      tpu.vector_store %arg4[%swap3A_544, %swap3A_545], %select_n3A_543 {strides = array<i32>} : memref<64x1280xf32, #tpu.memory_space<vmem>>, vector<16xf32>,
      %lt3A_547 = vector.broadcast %add3A_332 : i32 to vector<16xi32>
      %lt3A_548 = arith.cmpi slt, %add3A_146, %lt3A_547 : vector<16xi32>
      %select_n3A_549 = arith.select %lt3A_548, %gather3A, %gather3A_351 : vector<16xi1>, vector<16xf32>
      %swap3A_550 = arith.index_cast %scan3A_344 : i32 to index
      %swap3A_551 = arith.constant 528 : index
      %swap3A_552 = tpu.vector_load %arg4[%swap3A_550, %swap3A_551] {strides = array<i32>} : memref<64x1280xf32, #tpu.memory_space<vmem>>, vector<16xf32>,
      tpu.vector_store %arg4[%swap3A_550, %swap3A_551], %select_n3A_549 {strides = array<i32>} : memref<64x1280xf32, #tpu.memory_space<vmem>>, vector<16xf32>,
      %lt3A_553 = vector.broadcast %add3A_332 : i32 to vector<16xi32>
      %lt3A_554 = arith.cmpi slt, %add3A_150, %lt3A_553 : vector<16xi32>
      %select_n3A_555 = arith.select %lt3A_554, %gather3A, %gather3A_351 : vector<16xi1>, vector<16xf32>
      %swap3A_556 = arith.index_cast %scan3A_344 : i32 to index
      %swap3A_557 = arith.constant 544 : index
      %swap3A_558 = tpu.vector_load %arg4[%swap3A_556, %swap3A_557] {strides = array<i32>} : memref<64x1280xf32, #tpu.memory_space<vmem>>, vector<16xf32>,
      tpu.vector_store %arg4[%swap3A_556, %swap3A_557], %select_n3A_555 {strides = array<i32>} : memref<64x1280xf32, #tpu.memory_space<vmem>>, vector<16xf32>,
      %lt3A_559 = vector.broadcast %add3A_332 : i32 to vector<16xi32>
      %lt3A_560 = arith.cmpi slt, %add3A_154, %lt3A_559 : vector<16xi32>
      %select_n3A_561 = arith.select %lt3A_560, %gather3A, %gather3A_351 : vector<16xi1>, vector<16xf32>
      %swap3A_562 = arith.index_cast %scan3A_344 : i32 to index
      %swap3A_563 = arith.constant 560 : index
      %swap3A_564 = tpu.vector_load %arg4[%swap3A_562, %swap3A_563] {strides = array<i32>} : memref<64x1280xf32, #tpu.memory_space<vmem>>, vector<16xf32>,
      tpu.vector_store %arg4[%swap3A_562, %swap3A_563], %select_n3A_561 {strides = array<i32>} : memref<64x1280xf32, #tpu.memory_space<vmem>>, vector<16xf32>,
      %lt3A_565 = vector.broadcast %add3A_332 : i32 to vector<16xi32>
      %lt3A_566 = arith.cmpi slt, %add3A_158, %lt3A_565 : vector<16xi32>
      %select_n3A_567 = arith.select %lt3A_566, %gather3A, %gather3A_351 : vector<16xi1>, vector<16xf32>
      %swap3A_568 = arith.index_cast %scan3A_344 : i32 to index
      %swap3A_569 = arith.constant 576 : index
      %swap3A_570 = tpu.vector_load %arg4[%swap3A_568, %swap3A_569] {strides = array<i32>} : memref<64x1280xf32, #tpu.memory_space<vmem>>, vector<16xf32>,
      tpu.vector_store %arg4[%swap3A_568, %swap3A_569], %select_n3A_567 {strides = array<i32>} : memref<64x1280xf32, #tpu.memory_space<vmem>>, vector<16xf32>,
      %lt3A_571 = vector.broadcast %add3A_332 : i32 to vector<16xi32>
      %lt3A_572 = arith.cmpi slt, %add3A_162, %lt3A_571 : vector<16xi32>
      %select_n3A_573 = arith.select %lt3A_572, %gather3A, %gather3A_351 : vector<16xi1>, vector<16xf32>
      %swap3A_574 = arith.index_cast %scan3A_344 : i32 to index
      %swap3A_575 = arith.constant 592 : index
      %swap3A_576 = tpu.vector_load %arg4[%swap3A_574, %swap3A_575] {strides = array<i32>} : memref<64x1280xf32, #tpu.memory_space<vmem>>, vector<16xf32>,
      tpu.vector_store %arg4[%swap3A_574, %swap3A_575], %select_n3A_573 {strides = array<i32>} : memref<64x1280xf32, #tpu.memory_space<vmem>>, vector<16xf32>,
      %lt3A_577 = vector.broadcast %add3A_332 : i32 to vector<16xi32>
      %lt3A_578 = arith.cmpi slt, %add3A_166, %lt3A_577 : vector<16xi32>
      %select_n3A_579 = arith.select %lt3A_578, %gather3A, %gather3A_351 : vector<16xi1>, vector<16xf32>
      %swap3A_580 = arith.index_cast %scan3A_344 : i32 to index
      %swap3A_581 = arith.constant 608 : index
      %swap3A_582 = tpu.vector_load %arg4[%swap3A_580, %swap3A_581] {strides = array<i32>} : memref<64x1280xf32, #tpu.memory_space<vmem>>, vector<16xf32>,
      tpu.vector_store %arg4[%swap3A_580, %swap3A_581], %select_n3A_579 {strides = array<i32>} : memref<64x1280xf32, #tpu.memory_space<vmem>>, vector<16xf32>,
      %lt3A_583 = vector.broadcast %add3A_332 : i32 to vector<16xi32>
      %lt3A_584 = arith.cmpi slt, %add3A_170, %lt3A_583 : vector<16xi32>
      %select_n3A_585 = arith.select %lt3A_584, %gather3A, %gather3A_351 : vector<16xi1>, vector<16xf32>
      %swap3A_586 = arith.index_cast %scan3A_344 : i32 to index
      %swap3A_587 = arith.constant 624 : index
      %swap3A_588 = tpu.vector_load %arg4[%swap3A_586, %swap3A_587] {strides = array<i32>} : memref<64x1280xf32, #tpu.memory_space<vmem>>, vector<16xf32>,
      tpu.vector_store %arg4[%swap3A_586, %swap3A_587], %select_n3A_585 {strides = array<i32>} : memref<64x1280xf32, #tpu.memory_space<vmem>>, vector<16xf32>,
      %lt3A_589 = vector.broadcast %add3A_332 : i32 to vector<16xi32>
      %lt3A_590 = arith.cmpi slt, %add3A_174, %lt3A_589 : vector<16xi32>
      %select_n3A_591 = arith.select %lt3A_590, %gather3A, %gather3A_351 : vector<16xi1>, vector<16xf32>
      %swap3A_592 = arith.index_cast %scan3A_344 : i32 to index
      %swap3A_593 = arith.constant 640 : index
      %swap3A_594 = tpu.vector_load %arg4[%swap3A_592, %swap3A_593] {strides = array<i32>} : memref<64x1280xf32, #tpu.memory_space<vmem>>, vector<16xf32>,
      tpu.vector_store %arg4[%swap3A_592, %swap3A_593], %select_n3A_591 {strides = array<i32>} : memref<64x1280xf32, #tpu.memory_space<vmem>>, vector<16xf32>,
      %lt3A_595 = vector.broadcast %add3A_332 : i32 to vector<16xi32>
      %lt3A_596 = arith.cmpi slt, %add3A_178, %lt3A_595 : vector<16xi32>
      %select_n3A_597 = arith.select %lt3A_596, %gather3A, %gather3A_351 : vector<16xi1>, vector<16xf32>
      %swap3A_598 = arith.index_cast %scan3A_344 : i32 to index
      %swap3A_599 = arith.constant 656 : index
      %swap3A_600 = tpu.vector_load %arg4[%swap3A_598, %swap3A_599] {strides = array<i32>} : memref<64x1280xf32, #tpu.memory_space<vmem>>, vector<16xf32>,
      tpu.vector_store %arg4[%swap3A_598, %swap3A_599], %select_n3A_597 {strides = array<i32>} : memref<64x1280xf32, #tpu.memory_space<vmem>>, vector<16xf32>,
      %lt3A_601 = vector.broadcast %add3A_332 : i32 to vector<16xi32>
      %lt3A_602 = arith.cmpi slt, %add3A_182, %lt3A_601 : vector<16xi32>
      %select_n3A_603 = arith.select %lt3A_602, %gather3A, %gather3A_351 : vector<16xi1>, vector<16xf32>
      %swap3A_604 = arith.index_cast %scan3A_344 : i32 to index
      %swap3A_605 = arith.constant 672 : index
      %swap3A_606 = tpu.vector_load %arg4[%swap3A_604, %swap3A_605] {strides = array<i32>} : memref<64x1280xf32, #tpu.memory_space<vmem>>, vector<16xf32>,
      tpu.vector_store %arg4[%swap3A_604, %swap3A_605], %select_n3A_603 {strides = array<i32>} : memref<64x1280xf32, #tpu.memory_space<vmem>>, vector<16xf32>,
      %lt3A_607 = vector.broadcast %add3A_332 : i32 to vector<16xi32>
      %lt3A_608 = arith.cmpi slt, %add3A_186, %lt3A_607 : vector<16xi32>
      %select_n3A_609 = arith.select %lt3A_608, %gather3A, %gather3A_351 : vector<16xi1>, vector<16xf32>
      %swap3A_610 = arith.index_cast %scan3A_344 : i32 to index
      %swap3A_611 = arith.constant 688 : index
      %swap3A_612 = tpu.vector_load %arg4[%swap3A_610, %swap3A_611] {strides = array<i32>} : memref<64x1280xf32, #tpu.memory_space<vmem>>, vector<16xf32>,
      tpu.vector_store %arg4[%swap3A_610, %swap3A_611], %select_n3A_609 {strides = array<i32>} : memref<64x1280xf32, #tpu.memory_space<vmem>>, vector<16xf32>,
      %lt3A_613 = vector.broadcast %add3A_332 : i32 to vector<16xi32>
      %lt3A_614 = arith.cmpi slt, %add3A_190, %lt3A_613 : vector<16xi32>
      %select_n3A_615 = arith.select %lt3A_614, %gather3A, %gather3A_351 : vector<16xi1>, vector<16xf32>
      %swap3A_616 = arith.index_cast %scan3A_344 : i32 to index
      %swap3A_617 = arith.constant 704 : index
      %swap3A_618 = tpu.vector_load %arg4[%swap3A_616, %swap3A_617] {strides = array<i32>} : memref<64x1280xf32, #tpu.memory_space<vmem>>, vector<16xf32>,
      tpu.vector_store %arg4[%swap3A_616, %swap3A_617], %select_n3A_615 {strides = array<i32>} : memref<64x1280xf32, #tpu.memory_space<vmem>>, vector<16xf32>,
      %lt3A_619 = vector.broadcast %add3A_332 : i32 to vector<16xi32>
      %lt3A_620 = arith.cmpi slt, %add3A_194, %lt3A_619 : vector<16xi32>
      %select_n3A_621 = arith.select %lt3A_620, %gather3A, %gather3A_351 : vector<16xi1>, vector<16xf32>
      %swap3A_622 = arith.index_cast %scan3A_344 : i32 to index
      %swap3A_623 = arith.constant 720 : index
      %swap3A_624 = tpu.vector_load %arg4[%swap3A_622, %swap3A_623] {strides = array<i32>} : memref<64x1280xf32, #tpu.memory_space<vmem>>, vector<16xf32>,
      tpu.vector_store %arg4[%swap3A_622, %swap3A_623], %select_n3A_621 {strides = array<i32>} : memref<64x1280xf32, #tpu.memory_space<vmem>>, vector<16xf32>,
      %lt3A_625 = vector.broadcast %add3A_332 : i32 to vector<16xi32>
      %lt3A_626 = arith.cmpi slt, %add3A_198, %lt3A_625 : vector<16xi32>
      %select_n3A_627 = arith.select %lt3A_626, %gather3A, %gather3A_351 : vector<16xi1>, vector<16xf32>
      %swap3A_628 = arith.index_cast %scan3A_344 : i32 to index
      %swap3A_629 = arith.constant 736 : index
      %swap3A_630 = tpu.vector_load %arg4[%swap3A_628, %swap3A_629] {strides = array<i32>} : memref<64x1280xf32, #tpu.memory_space<vmem>>, vector<16xf32>,
      tpu.vector_store %arg4[%swap3A_628, %swap3A_629], %select_n3A_627 {strides = array<i32>} : memref<64x1280xf32, #tpu.memory_space<vmem>>, vector<16xf32>,
      %lt3A_631 = vector.broadcast %add3A_332 : i32 to vector<16xi32>
      %lt3A_632 = arith.cmpi slt, %add3A_202, %lt3A_631 : vector<16xi32>
      %select_n3A_633 = arith.select %lt3A_632, %gather3A, %gather3A_351 : vector<16xi1>, vector<16xf32>
      %swap3A_634 = arith.index_cast %scan3A_344 : i32 to index
      %swap3A_635 = arith.constant 752 : index
      %swap3A_636 = tpu.vector_load %arg4[%swap3A_634, %swap3A_635] {strides = array<i32>} : memref<64x1280xf32, #tpu.memory_space<vmem>>, vector<16xf32>,
      tpu.vector_store %arg4[%swap3A_634, %swap3A_635], %select_n3A_633 {strides = array<i32>} : memref<64x1280xf32, #tpu.memory_space<vmem>>, vector<16xf32>,
      %lt3A_637 = vector.broadcast %add3A_332 : i32 to vector<16xi32>
      %lt3A_638 = arith.cmpi slt, %add3A_206, %lt3A_637 : vector<16xi32>
      %select_n3A_639 = arith.select %lt3A_638, %gather3A, %gather3A_351 : vector<16xi1>, vector<16xf32>
      %swap3A_640 = arith.index_cast %scan3A_344 : i32 to index
      %swap3A_641 = arith.constant 768 : index
      %swap3A_642 = tpu.vector_load %arg4[%swap3A_640, %swap3A_641] {strides = array<i32>} : memref<64x1280xf32, #tpu.memory_space<vmem>>, vector<16xf32>,
      tpu.vector_store %arg4[%swap3A_640, %swap3A_641], %select_n3A_639 {strides = array<i32>} : memref<64x1280xf32, #tpu.memory_space<vmem>>, vector<16xf32>,
      %lt3A_643 = vector.broadcast %add3A_332 : i32 to vector<16xi32>
      %lt3A_644 = arith.cmpi slt, %add3A_210, %lt3A_643 : vector<16xi32>
      %select_n3A_645 = arith.select %lt3A_644, %gather3A, %gather3A_351 : vector<16xi1>, vector<16xf32>
      %swap3A_646 = arith.index_cast %scan3A_344 : i32 to index
      %swap3A_647 = arith.constant 784 : index
      %swap3A_648 = tpu.vector_load %arg4[%swap3A_646, %swap3A_647] {strides = array<i32>} : memref<64x1280xf32, #tpu.memory_space<vmem>>, vector<16xf32>,
      tpu.vector_store %arg4[%swap3A_646, %swap3A_647], %select_n3A_645 {strides = array<i32>} : memref<64x1280xf32, #tpu.memory_space<vmem>>, vector<16xf32>,
      %lt3A_649 = vector.broadcast %add3A_332 : i32 to vector<16xi32>
      %lt3A_650 = arith.cmpi slt, %add3A_214, %lt3A_649 : vector<16xi32>
      %select_n3A_651 = arith.select %lt3A_650, %gather3A, %gather3A_351 : vector<16xi1>, vector<16xf32>
      %swap3A_652 = arith.index_cast %scan3A_344 : i32 to index
      %swap3A_653 = arith.constant 800 : index
      %swap3A_654 = tpu.vector_load %arg4[%swap3A_652, %swap3A_653] {strides = array<i32>} : memref<64x1280xf32, #tpu.memory_space<vmem>>, vector<16xf32>,
      tpu.vector_store %arg4[%swap3A_652, %swap3A_653], %select_n3A_651 {strides = array<i32>} : memref<64x1280xf32, #tpu.memory_space<vmem>>, vector<16xf32>,
      %lt3A_655 = vector.broadcast %add3A_332 : i32 to vector<16xi32>
      %lt3A_656 = arith.cmpi slt, %add3A_218, %lt3A_655 : vector<16xi32>
      %select_n3A_657 = arith.select %lt3A_656, %gather3A, %gather3A_351 : vector<16xi1>, vector<16xf32>
      %swap3A_658 = arith.index_cast %scan3A_344 : i32 to index
      %swap3A_659 = arith.constant 816 : index
      %swap3A_660 = tpu.vector_load %arg4[%swap3A_658, %swap3A_659] {strides = array<i32>} : memref<64x1280xf32, #tpu.memory_space<vmem>>, vector<16xf32>,
      tpu.vector_store %arg4[%swap3A_658, %swap3A_659], %select_n3A_657 {strides = array<i32>} : memref<64x1280xf32, #tpu.memory_space<vmem>>, vector<16xf32>,
      %lt3A_661 = vector.broadcast %add3A_332 : i32 to vector<16xi32>
      %lt3A_662 = arith.cmpi slt, %add3A_222, %lt3A_661 : vector<16xi32>
      %select_n3A_663 = arith.select %lt3A_662, %gather3A, %gather3A_351 : vector<16xi1>, vector<16xf32>
      %swap3A_664 = arith.index_cast %scan3A_344 : i32 to index
      %swap3A_665 = arith.constant 832 : index
      %swap3A_666 = tpu.vector_load %arg4[%swap3A_664, %swap3A_665] {strides = array<i32>} : memref<64x1280xf32, #tpu.memory_space<vmem>>, vector<16xf32>,
      tpu.vector_store %arg4[%swap3A_664, %swap3A_665], %select_n3A_663 {strides = array<i32>} : memref<64x1280xf32, #tpu.memory_space<vmem>>, vector<16xf32>,
      %lt3A_667 = vector.broadcast %add3A_332 : i32 to vector<16xi32>
      %lt3A_668 = arith.cmpi slt, %add3A_226, %lt3A_667 : vector<16xi32>
      %select_n3A_669 = arith.select %lt3A_668, %gather3A, %gather3A_351 : vector<16xi1>, vector<16xf32>
      %swap3A_670 = arith.index_cast %scan3A_344 : i32 to index
      %swap3A_671 = arith.constant 848 : index
      %swap3A_672 = tpu.vector_load %arg4[%swap3A_670, %swap3A_671] {strides = array<i32>} : memref<64x1280xf32, #tpu.memory_space<vmem>>, vector<16xf32>,
      tpu.vector_store %arg4[%swap3A_670, %swap3A_671], %select_n3A_669 {strides = array<i32>} : memref<64x1280xf32, #tpu.memory_space<vmem>>, vector<16xf32>,
      %lt3A_673 = vector.broadcast %add3A_332 : i32 to vector<16xi32>
      %lt3A_674 = arith.cmpi slt, %add3A_230, %lt3A_673 : vector<16xi32>
      %select_n3A_675 = arith.select %lt3A_674, %gather3A, %gather3A_351 : vector<16xi1>, vector<16xf32>
      %swap3A_676 = arith.index_cast %scan3A_344 : i32 to index
      %swap3A_677 = arith.constant 864 : index
      %swap3A_678 = tpu.vector_load %arg4[%swap3A_676, %swap3A_677] {strides = array<i32>} : memref<64x1280xf32, #tpu.memory_space<vmem>>, vector<16xf32>,
      tpu.vector_store %arg4[%swap3A_676, %swap3A_677], %select_n3A_675 {strides = array<i32>} : memref<64x1280xf32, #tpu.memory_space<vmem>>, vector<16xf32>,
      %lt3A_679 = vector.broadcast %add3A_332 : i32 to vector<16xi32>
      %lt3A_680 = arith.cmpi slt, %add3A_234, %lt3A_679 : vector<16xi32>
      %select_n3A_681 = arith.select %lt3A_680, %gather3A, %gather3A_351 : vector<16xi1>, vector<16xf32>
      %swap3A_682 = arith.index_cast %scan3A_344 : i32 to index
      %swap3A_683 = arith.constant 880 : index
      %swap3A_684 = tpu.vector_load %arg4[%swap3A_682, %swap3A_683] {strides = array<i32>} : memref<64x1280xf32, #tpu.memory_space<vmem>>, vector<16xf32>,
      tpu.vector_store %arg4[%swap3A_682, %swap3A_683], %select_n3A_681 {strides = array<i32>} : memref<64x1280xf32, #tpu.memory_space<vmem>>, vector<16xf32>,
      %lt3A_685 = vector.broadcast %add3A_332 : i32 to vector<16xi32>
      %lt3A_686 = arith.cmpi slt, %add3A_238, %lt3A_685 : vector<16xi32>
      %select_n3A_687 = arith.select %lt3A_686, %gather3A, %gather3A_351 : vector<16xi1>, vector<16xf32>
      %swap3A_688 = arith.index_cast %scan3A_344 : i32 to index
      %swap3A_689 = arith.constant 896 : index
      %swap3A_690 = tpu.vector_load %arg4[%swap3A_688, %swap3A_689] {strides = array<i32>} : memref<64x1280xf32, #tpu.memory_space<vmem>>, vector<16xf32>,
      tpu.vector_store %arg4[%swap3A_688, %swap3A_689], %select_n3A_687 {strides = array<i32>} : memref<64x1280xf32, #tpu.memory_space<vmem>>, vector<16xf32>,
      %lt3A_691 = vector.broadcast %add3A_332 : i32 to vector<16xi32>
      %lt3A_692 = arith.cmpi slt, %add3A_242, %lt3A_691 : vector<16xi32>
      %select_n3A_693 = arith.select %lt3A_692, %gather3A, %gather3A_351 : vector<16xi1>, vector<16xf32>
      %swap3A_694 = arith.index_cast %scan3A_344 : i32 to index
      %swap3A_695 = arith.constant 912 : index
      %swap3A_696 = tpu.vector_load %arg4[%swap3A_694, %swap3A_695] {strides = array<i32>} : memref<64x1280xf32, #tpu.memory_space<vmem>>, vector<16xf32>,
      tpu.vector_store %arg4[%swap3A_694, %swap3A_695], %select_n3A_693 {strides = array<i32>} : memref<64x1280xf32, #tpu.memory_space<vmem>>, vector<16xf32>,
      %lt3A_697 = vector.broadcast %add3A_332 : i32 to vector<16xi32>
      %lt3A_698 = arith.cmpi slt, %add3A_246, %lt3A_697 : vector<16xi32>
      %select_n3A_699 = arith.select %lt3A_698, %gather3A, %gather3A_351 : vector<16xi1>, vector<16xf32>
      %swap3A_700 = arith.index_cast %scan3A_344 : i32 to index
      %swap3A_701 = arith.constant 928 : index
      %swap3A_702 = tpu.vector_load %arg4[%swap3A_700, %swap3A_701] {strides = array<i32>} : memref<64x1280xf32, #tpu.memory_space<vmem>>, vector<16xf32>,
      tpu.vector_store %arg4[%swap3A_700, %swap3A_701], %select_n3A_699 {strides = array<i32>} : memref<64x1280xf32, #tpu.memory_space<vmem>>, vector<16xf32>,
      %lt3A_703 = vector.broadcast %add3A_332 : i32 to vector<16xi32>
      %lt3A_704 = arith.cmpi slt, %add3A_250, %lt3A_703 : vector<16xi32>
      %select_n3A_705 = arith.select %lt3A_704, %gather3A, %gather3A_351 : vector<16xi1>, vector<16xf32>
      %swap3A_706 = arith.index_cast %scan3A_344 : i32 to index
      %swap3A_707 = arith.constant 944 : index
      %swap3A_708 = tpu.vector_load %arg4[%swap3A_706, %swap3A_707] {strides = array<i32>} : memref<64x1280xf32, #tpu.memory_space<vmem>>, vector<16xf32>,
      tpu.vector_store %arg4[%swap3A_706, %swap3A_707], %select_n3A_705 {strides = array<i32>} : memref<64x1280xf32, #tpu.memory_space<vmem>>, vector<16xf32>,
      %lt3A_709 = vector.broadcast %add3A_332 : i32 to vector<16xi32>
      %lt3A_710 = arith.cmpi slt, %add3A_254, %lt3A_709 : vector<16xi32>
      %select_n3A_711 = arith.select %lt3A_710, %gather3A, %gather3A_351 : vector<16xi1>, vector<16xf32>
      %swap3A_712 = arith.index_cast %scan3A_344 : i32 to index
      %swap3A_713 = arith.constant 960 : index
      %swap3A_714 = tpu.vector_load %arg4[%swap3A_712, %swap3A_713] {strides = array<i32>} : memref<64x1280xf32, #tpu.memory_space<vmem>>, vector<16xf32>,
      tpu.vector_store %arg4[%swap3A_712, %swap3A_713], %select_n3A_711 {strides = array<i32>} : memref<64x1280xf32, #tpu.memory_space<vmem>>, vector<16xf32>,
      %lt3A_715 = vector.broadcast %add3A_332 : i32 to vector<16xi32>
      %lt3A_716 = arith.cmpi slt, %add3A_258, %lt3A_715 : vector<16xi32>
      %select_n3A_717 = arith.select %lt3A_716, %gather3A, %gather3A_351 : vector<16xi1>, vector<16xf32>
      %swap3A_718 = arith.index_cast %scan3A_344 : i32 to index
      %swap3A_719 = arith.constant 976 : index
      %swap3A_720 = tpu.vector_load %arg4[%swap3A_718, %swap3A_719] {strides = array<i32>} : memref<64x1280xf32, #tpu.memory_space<vmem>>, vector<16xf32>,
      tpu.vector_store %arg4[%swap3A_718, %swap3A_719], %select_n3A_717 {strides = array<i32>} : memref<64x1280xf32, #tpu.memory_space<vmem>>, vector<16xf32>,
      %lt3A_721 = vector.broadcast %add3A_332 : i32 to vector<16xi32>
      %lt3A_722 = arith.cmpi slt, %add3A_262, %lt3A_721 : vector<16xi32>
      %select_n3A_723 = arith.select %lt3A_722, %gather3A, %gather3A_351 : vector<16xi1>, vector<16xf32>
      %swap3A_724 = arith.index_cast %scan3A_344 : i32 to index
      %swap3A_725 = arith.constant 992 : index
      %swap3A_726 = tpu.vector_load %arg4[%swap3A_724, %swap3A_725] {strides = array<i32>} : memref<64x1280xf32, #tpu.memory_space<vmem>>, vector<16xf32>,
      tpu.vector_store %arg4[%swap3A_724, %swap3A_725], %select_n3A_723 {strides = array<i32>} : memref<64x1280xf32, #tpu.memory_space<vmem>>, vector<16xf32>,
      %lt3A_727 = vector.broadcast %add3A_332 : i32 to vector<16xi32>
      %lt3A_728 = arith.cmpi slt, %add3A_266, %lt3A_727 : vector<16xi32>
      %select_n3A_729 = arith.select %lt3A_728, %gather3A, %gather3A_351 : vector<16xi1>, vector<16xf32>
      %swap3A_730 = arith.index_cast %scan3A_344 : i32 to index
      %swap3A_731 = arith.constant 1008 : index
      %swap3A_732 = tpu.vector_load %arg4[%swap3A_730, %swap3A_731] {strides = array<i32>} : memref<64x1280xf32, #tpu.memory_space<vmem>>, vector<16xf32>,
      tpu.vector_store %arg4[%swap3A_730, %swap3A_731], %select_n3A_729 {strides = array<i32>} : memref<64x1280xf32, #tpu.memory_space<vmem>>, vector<16xf32>,
      %lt3A_733 = vector.broadcast %add3A_332 : i32 to vector<16xi32>
      %lt3A_734 = arith.cmpi slt, %add3A_270, %lt3A_733 : vector<16xi32>
      %select_n3A_735 = arith.select %lt3A_734, %gather3A, %gather3A_351 : vector<16xi1>, vector<16xf32>
      %swap3A_736 = arith.index_cast %scan3A_344 : i32 to index
      %swap3A_737 = arith.constant 1024 : index
      %swap3A_738 = tpu.vector_load %arg4[%swap3A_736, %swap3A_737] {strides = array<i32>} : memref<64x1280xf32, #tpu.memory_space<vmem>>, vector<16xf32>,
      tpu.vector_store %arg4[%swap3A_736, %swap3A_737], %select_n3A_735 {strides = array<i32>} : memref<64x1280xf32, #tpu.memory_space<vmem>>, vector<16xf32>,
      %lt3A_739 = vector.broadcast %add3A_332 : i32 to vector<16xi32>
      %lt3A_740 = arith.cmpi slt, %add3A_274, %lt3A_739 : vector<16xi32>
      %select_n3A_741 = arith.select %lt3A_740, %gather3A, %gather3A_351 : vector<16xi1>, vector<16xf32>
      %swap3A_742 = arith.index_cast %scan3A_344 : i32 to index
      %swap3A_743 = arith.constant 1040 : index
      %swap3A_744 = tpu.vector_load %arg4[%swap3A_742, %swap3A_743] {strides = array<i32>} : memref<64x1280xf32, #tpu.memory_space<vmem>>, vector<16xf32>,
      tpu.vector_store %arg4[%swap3A_742, %swap3A_743], %select_n3A_741 {strides = array<i32>} : memref<64x1280xf32, #tpu.memory_space<vmem>>, vector<16xf32>,
      %lt3A_745 = vector.broadcast %add3A_332 : i32 to vector<16xi32>
      %lt3A_746 = arith.cmpi slt, %add3A_278, %lt3A_745 : vector<16xi32>
      %select_n3A_747 = arith.select %lt3A_746, %gather3A, %gather3A_351 : vector<16xi1>, vector<16xf32>
      %swap3A_748 = arith.index_cast %scan3A_344 : i32 to index
      %swap3A_749 = arith.constant 1056 : index
      %swap3A_750 = tpu.vector_load %arg4[%swap3A_748, %swap3A_749] {strides = array<i32>} : memref<64x1280xf32, #tpu.memory_space<vmem>>, vector<16xf32>,
      tpu.vector_store %arg4[%swap3A_748, %swap3A_749], %select_n3A_747 {strides = array<i32>} : memref<64x1280xf32, #tpu.memory_space<vmem>>, vector<16xf32>,
      %lt3A_751 = vector.broadcast %add3A_332 : i32 to vector<16xi32>
      %lt3A_752 = arith.cmpi slt, %add3A_282, %lt3A_751 : vector<16xi32>
      %select_n3A_753 = arith.select %lt3A_752, %gather3A, %gather3A_351 : vector<16xi1>, vector<16xf32>
      %swap3A_754 = arith.index_cast %scan3A_344 : i32 to index
      %swap3A_755 = arith.constant 1072 : index
      %swap3A_756 = tpu.vector_load %arg4[%swap3A_754, %swap3A_755] {strides = array<i32>} : memref<64x1280xf32, #tpu.memory_space<vmem>>, vector<16xf32>,
      tpu.vector_store %arg4[%swap3A_754, %swap3A_755], %select_n3A_753 {strides = array<i32>} : memref<64x1280xf32, #tpu.memory_space<vmem>>, vector<16xf32>,
      %lt3A_757 = vector.broadcast %add3A_332 : i32 to vector<16xi32>
      %lt3A_758 = arith.cmpi slt, %add3A_286, %lt3A_757 : vector<16xi32>
      %select_n3A_759 = arith.select %lt3A_758, %gather3A, %gather3A_351 : vector<16xi1>, vector<16xf32>
      %swap3A_760 = arith.index_cast %scan3A_344 : i32 to index
      %swap3A_761 = arith.constant 1088 : index
      %swap3A_762 = tpu.vector_load %arg4[%swap3A_760, %swap3A_761] {strides = array<i32>} : memref<64x1280xf32, #tpu.memory_space<vmem>>, vector<16xf32>,
      tpu.vector_store %arg4[%swap3A_760, %swap3A_761], %select_n3A_759 {strides = array<i32>} : memref<64x1280xf32, #tpu.memory_space<vmem>>, vector<16xf32>,
      %lt3A_763 = vector.broadcast %add3A_332 : i32 to vector<16xi32>
      %lt3A_764 = arith.cmpi slt, %add3A_290, %lt3A_763 : vector<16xi32>
      %select_n3A_765 = arith.select %lt3A_764, %gather3A, %gather3A_351 : vector<16xi1>, vector<16xf32>
      %swap3A_766 = arith.index_cast %scan3A_344 : i32 to index
      %swap3A_767 = arith.constant 1104 : index
      %swap3A_768 = tpu.vector_load %arg4[%swap3A_766, %swap3A_767] {strides = array<i32>} : memref<64x1280xf32, #tpu.memory_space<vmem>>, vector<16xf32>,
      tpu.vector_store %arg4[%swap3A_766, %swap3A_767], %select_n3A_765 {strides = array<i32>} : memref<64x1280xf32, #tpu.memory_space<vmem>>, vector<16xf32>,
      %lt3A_769 = vector.broadcast %add3A_332 : i32 to vector<16xi32>
      %lt3A_770 = arith.cmpi slt, %add3A_294, %lt3A_769 : vector<16xi32>
      %select_n3A_771 = arith.select %lt3A_770, %gather3A, %gather3A_351 : vector<16xi1>, vector<16xf32>
      %swap3A_772 = arith.index_cast %scan3A_344 : i32 to index
      %swap3A_773 = arith.constant 1120 : index
      %swap3A_774 = tpu.vector_load %arg4[%swap3A_772, %swap3A_773] {strides = array<i32>} : memref<64x1280xf32, #tpu.memory_space<vmem>>, vector<16xf32>,
      tpu.vector_store %arg4[%swap3A_772, %swap3A_773], %select_n3A_771 {strides = array<i32>} : memref<64x1280xf32, #tpu.memory_space<vmem>>, vector<16xf32>,
      %lt3A_775 = vector.broadcast %add3A_332 : i32 to vector<16xi32>
      %lt3A_776 = arith.cmpi slt, %add3A_298, %lt3A_775 : vector<16xi32>
      %select_n3A_777 = arith.select %lt3A_776, %gather3A, %gather3A_351 : vector<16xi1>, vector<16xf32>
      %swap3A_778 = arith.index_cast %scan3A_344 : i32 to index
      %swap3A_779 = arith.constant 1136 : index
      %swap3A_780 = tpu.vector_load %arg4[%swap3A_778, %swap3A_779] {strides = array<i32>} : memref<64x1280xf32, #tpu.memory_space<vmem>>, vector<16xf32>,
      tpu.vector_store %arg4[%swap3A_778, %swap3A_779], %select_n3A_777 {strides = array<i32>} : memref<64x1280xf32, #tpu.memory_space<vmem>>, vector<16xf32>,
      %lt3A_781 = vector.broadcast %add3A_332 : i32 to vector<16xi32>
      %lt3A_782 = arith.cmpi slt, %add3A_302, %lt3A_781 : vector<16xi32>
      %select_n3A_783 = arith.select %lt3A_782, %gather3A, %gather3A_351 : vector<16xi1>, vector<16xf32>
      %swap3A_784 = arith.index_cast %scan3A_344 : i32 to index
      %swap3A_785 = arith.constant 1152 : index
      %swap3A_786 = tpu.vector_load %arg4[%swap3A_784, %swap3A_785] {strides = array<i32>} : memref<64x1280xf32, #tpu.memory_space<vmem>>, vector<16xf32>,
      tpu.vector_store %arg4[%swap3A_784, %swap3A_785], %select_n3A_783 {strides = array<i32>} : memref<64x1280xf32, #tpu.memory_space<vmem>>, vector<16xf32>,
      %lt3A_787 = vector.broadcast %add3A_332 : i32 to vector<16xi32>
      %lt3A_788 = arith.cmpi slt, %add3A_306, %lt3A_787 : vector<16xi32>
      %select_n3A_789 = arith.select %lt3A_788, %gather3A, %gather3A_351 : vector<16xi1>, vector<16xf32>
      %swap3A_790 = arith.index_cast %scan3A_344 : i32 to index
      %swap3A_791 = arith.constant 1168 : index
      %swap3A_792 = tpu.vector_load %arg4[%swap3A_790, %swap3A_791] {strides = array<i32>} : memref<64x1280xf32, #tpu.memory_space<vmem>>, vector<16xf32>,
      tpu.vector_store %arg4[%swap3A_790, %swap3A_791], %select_n3A_789 {strides = array<i32>} : memref<64x1280xf32, #tpu.memory_space<vmem>>, vector<16xf32>,
      %lt3A_793 = vector.broadcast %add3A_332 : i32 to vector<16xi32>
      %lt3A_794 = arith.cmpi slt, %add3A_310, %lt3A_793 : vector<16xi32>
      %select_n3A_795 = arith.select %lt3A_794, %gather3A, %gather3A_351 : vector<16xi1>, vector<16xf32>
      %swap3A_796 = arith.index_cast %scan3A_344 : i32 to index
      %swap3A_797 = arith.constant 1184 : index
      %swap3A_798 = tpu.vector_load %arg4[%swap3A_796, %swap3A_797] {strides = array<i32>} : memref<64x1280xf32, #tpu.memory_space<vmem>>, vector<16xf32>,
      tpu.vector_store %arg4[%swap3A_796, %swap3A_797], %select_n3A_795 {strides = array<i32>} : memref<64x1280xf32, #tpu.memory_space<vmem>>, vector<16xf32>,
      %lt3A_799 = vector.broadcast %add3A_332 : i32 to vector<16xi32>
      %lt3A_800 = arith.cmpi slt, %add3A_314, %lt3A_799 : vector<16xi32>
      %select_n3A_801 = arith.select %lt3A_800, %gather3A, %gather3A_351 : vector<16xi1>, vector<16xf32>
      %swap3A_802 = arith.index_cast %scan3A_344 : i32 to index
      %swap3A_803 = arith.constant 1200 : index
      %swap3A_804 = tpu.vector_load %arg4[%swap3A_802, %swap3A_803] {strides = array<i32>} : memref<64x1280xf32, #tpu.memory_space<vmem>>, vector<16xf32>,
      tpu.vector_store %arg4[%swap3A_802, %swap3A_803], %select_n3A_801 {strides = array<i32>} : memref<64x1280xf32, #tpu.memory_space<vmem>>, vector<16xf32>,
      %lt3A_805 = vector.broadcast %add3A_332 : i32 to vector<16xi32>
      %lt3A_806 = arith.cmpi slt, %add3A_318, %lt3A_805 : vector<16xi32>
      %select_n3A_807 = arith.select %lt3A_806, %gather3A, %gather3A_351 : vector<16xi1>, vector<16xf32>
      %swap3A_808 = arith.index_cast %scan3A_344 : i32 to index
      %swap3A_809 = arith.constant 1216 : index
      %swap3A_810 = tpu.vector_load %arg4[%swap3A_808, %swap3A_809] {strides = array<i32>} : memref<64x1280xf32, #tpu.memory_space<vmem>>, vector<16xf32>,
      tpu.vector_store %arg4[%swap3A_808, %swap3A_809], %select_n3A_807 {strides = array<i32>} : memref<64x1280xf32, #tpu.memory_space<vmem>>, vector<16xf32>,
      %lt3A_811 = vector.broadcast %add3A_332 : i32 to vector<16xi32>
      %lt3A_812 = arith.cmpi slt, %add3A_322, %lt3A_811 : vector<16xi32>
      %select_n3A_813 = arith.select %lt3A_812, %gather3A, %gather3A_351 : vector<16xi1>, vector<16xf32>
      %swap3A_814 = arith.index_cast %scan3A_344 : i32 to index
      %swap3A_815 = arith.constant 1232 : index
      %swap3A_816 = tpu.vector_load %arg4[%swap3A_814, %swap3A_815] {strides = array<i32>} : memref<64x1280xf32, #tpu.memory_space<vmem>>, vector<16xf32>,
      tpu.vector_store %arg4[%swap3A_814, %swap3A_815], %select_n3A_813 {strides = array<i32>} : memref<64x1280xf32, #tpu.memory_space<vmem>>, vector<16xf32>,
      %lt3A_817 = vector.broadcast %add3A_332 : i32 to vector<16xi32>
      %lt3A_818 = arith.cmpi slt, %add3A_326, %lt3A_817 : vector<16xi32>
      %select_n3A_819 = arith.select %lt3A_818, %gather3A, %gather3A_351 : vector<16xi1>, vector<16xf32>
      %swap3A_820 = arith.index_cast %scan3A_344 : i32 to index
      %swap3A_821 = arith.constant 1248 : index
      %swap3A_822 = tpu.vector_load %arg4[%swap3A_820, %swap3A_821] {strides = array<i32>} : memref<64x1280xf32, #tpu.memory_space<vmem>>, vector<16xf32>,
      tpu.vector_store %arg4[%swap3A_820, %swap3A_821], %select_n3A_819 {strides = array<i32>} : memref<64x1280xf32, #tpu.memory_space<vmem>>, vector<16xf32>,
      %lt3A_823 = vector.broadcast %add3A_332 : i32 to vector<16xi32>
      %lt3A_824 = arith.cmpi slt, %add3A_330, %lt3A_823 : vector<16xi32>
      %select_n3A_825 = arith.select %lt3A_824, %gather3A, %gather3A_351 : vector<16xi1>, vector<16xf32>
      %swap3A_826 = arith.index_cast %scan3A_344 : i32 to index
      %swap3A_827 = arith.constant 1264 : index
      %swap3A_828 = tpu.vector_load %arg4[%swap3A_826, %swap3A_827] {strides = array<i32>} : memref<64x1280xf32, #tpu.memory_space<vmem>>, vector<16xf32>,
      tpu.vector_store %arg4[%swap3A_826, %swap3A_827], %select_n3A_825 {strides = array<i32>} : memref<64x1280xf32, #tpu.memory_space<vmem>>, vector<16xf32>,
      %get3A = arith.index_cast %scan3A_344 : i32 to index
      %get3A_829 = arith.constant 0 : index
      %get3A_830 = tpu.vector_load %arg5[%get3A, %get3A_829] {strides = array<i32>} : memref<64x48xf32, #tpu.memory_space<vmem>>, vector<16xf32>,
      %add3A_831 = arith.constant 0 : i32
      %add3A_832 = arith.addi %sub3A, %add3A_831 : i32
      %swap3A_833 = arith.index_cast %scan3A_344 : i32 to index
      %swap3A_834 = arith.index_cast %add3A_832 : i32 to index
      %swap3A_835 = tpu.vector_load %arg4[%swap3A_833, %swap3A_834] {strides = array<i32>} : memref<64x1280xf32, #tpu.memory_space<vmem>>, vector<16xf32>,
      tpu.vector_store %arg4[%swap3A_833, %swap3A_834], %get3A_830 {strides = array<i32>} : memref<64x1280xf32, #tpu.memory_space<vmem>>, vector<16xf32>,
      %get3A_836 = arith.index_cast %scan3A_344 : i32 to index
      %get3A_837 = arith.constant 16 : index
      %get3A_838 = tpu.vector_load %arg5[%get3A_836, %get3A_837] {strides = array<i32>} : memref<64x48xf32, #tpu.memory_space<vmem>>, vector<16xf32>,
      %add3A_839 = arith.constant 16 : i32
      %add3A_840 = arith.addi %sub3A, %add3A_839 : i32
      %swap3A_841 = arith.index_cast %scan3A_344 : i32 to index
      %swap3A_842 = arith.index_cast %add3A_840 : i32 to index
      %swap3A_843 = tpu.vector_load %arg4[%swap3A_841, %swap3A_842] {strides = array<i32>} : memref<64x1280xf32, #tpu.memory_space<vmem>>, vector<16xf32>,
      tpu.vector_store %arg4[%swap3A_841, %swap3A_842], %get3A_838 {strides = array<i32>} : memref<64x1280xf32, #tpu.memory_space<vmem>>, vector<16xf32>,
      %get3A_844 = arith.index_cast %scan3A_344 : i32 to index
      %get3A_845 = arith.constant 32 : index
      %get3A_846 = tpu.vector_load %arg5[%get3A_844, %get3A_845] {strides = array<i32>} : memref<64x48xf32, #tpu.memory_space<vmem>>, vector<16xf32>,
      %add3A_847 = arith.constant 32 : i32
      %add3A_848 = arith.addi %sub3A, %add3A_847 : i32
      %swap3A_849 = arith.index_cast %scan3A_344 : i32 to index
      %swap3A_850 = arith.index_cast %add3A_848 : i32 to index
      %swap3A_851 = tpu.vector_load %arg4[%swap3A_849, %swap3A_850] {strides = array<i32>} : memref<64x1280xf32, #tpu.memory_space<vmem>>, vector<16xf32>,
      tpu.vector_store %arg4[%swap3A_849, %swap3A_850], %get3A_846 {strides = array<i32>} : memref<64x1280xf32, #tpu.memory_space<vmem>>, vector<16xf32>,
    }
    %scan3A_337 = arith.constant 64 : i32
    %scan3A_338 = arith.constant 0 : i32
    %scan3A_339 = arith.constant 0 : i32
    %scan3A_340 = arith.constant 32 : i32
    %scan3A_341 = arith.addi %scan3A_339, %scan3A_340 : i32
    %scan3A_342 = arith.constant 1 : i32
    scf.for %scan3A_344 = %scan3A_339 to %scan3A_341 step %scan3A_342  : i32 {
      %mul3A_345 = arith.constant 256 : i32
      %mul3A_346 = arith.muli %mul3A_345, %div3A_2 : i32
      %add3A_347 = arith.addi %rem3A_1, %mul3A_346 : i32
      %mul3A_348 = arith.constant 8 : i32
      %mul3A_349 = arith.muli %mul3A_348, %scan3A_344 : i32
      %add3A_350 = arith.addi %add3A_347, %mul3A_349 : i32
      %mul3A_351 = arith.constant 8 : i32
      %mul3A_352 = arith.muli %mul3A_351, %scan3A_344 : i32
      %sub3A_353 = arith.constant 248 : i32
      %sub3A_354 = arith.subi %sub3A_353, %mul3A_352 : i32
      %add3A_355 = arith.constant 0 : i32
      %add3A_356 = arith.addi %sub3A_354, %add3A_355 : i32
      %dma_start3A = arith.constant 0 : i32
      %dma_start3A_357 = arith.constant 0 : i32
      %dma_start3A_358 = arith.constant 0 : i32
      %dma_start3A_359 = tpu.memref_slice %arg4[%dma_start3A_358, %add3A_356] : memref<64x1280xf32, #tpu.memory_space<vmem>> -> memref<8x128xf32, #tpu.memory_space<vmem>>
      %dma_start3A_360 = arith.constant 0 : i32
      %dma_start3A_361 = arith.constant 0 : i32
      %dma_start3A_362 = tpu.memref_slice %arg3[%add3A_350, %dma_start3A, %dma_start3A_357, %dma_start3A_360, %dma_start3A_361] : memref<1024x8x8x8x128xf32, #tpu.memory_space<hbm>> -> memref<1x1x1x8x128xf32, #tpu.memory_space<hbm>>
      %dma_start3A_363 = tpu.memref_squeeze %dma_start3A_362 : memref<1x1x1x8x128xf32, #tpu.memory_space<hbm>> -> memref<8x128xf32, #tpu.memory_space<hbm>>
      %dma_start3A_364 = arith.constant 0 : i32
      %dma_start3A_365 = arith.constant 0 : i32
      %dma_start3A_366 = tpu.memref_slice %arg3[%add3A_350, %dma_start3A, %dma_start3A_357, %dma_start3A_364, %dma_start3A_365] : memref<1024x8x8x8x128xf32, #tpu.memory_space<hbm>> -> memref<1x1x1x8x128xf32, #tpu.memory_space<hbm>>
      %dma_start3A_367 = tpu.memref_squeeze %dma_start3A_366 : memref<1x1x1x8x128xf32, #tpu.memory_space<hbm>> -> memref<8x128xf32, #tpu.memory_space<hbm>>
      %dma_start3A_368 = arith.constant 0 : i32
      %dma_start3A_369 = tpu.memref_slice %arg4[%dma_start3A_368, %add3A_356] : memref<64x1280xf32, #tpu.memory_space<vmem>> -> memref<8x128xf32, #tpu.memory_space<vmem>>
      tpu.enqueue_dma source(%dma_start3A_369 : memref<8x128xf32, #tpu.memory_space<vmem>>) target(%dma_start3A_367 : memref<8x128xf32, #tpu.memory_space<hbm>>) target_semaphore(%arg7 : memref<!tpu.dma_semaphore, #tpu.memory_space<semaphore_mem>>)
      %add3A_370 = arith.constant 128 : i32
      %add3A_371 = arith.addi %sub3A_354, %add3A_370 : i32
      %dma_start3A_372 = arith.constant 0 : i32
      %dma_start3A_373 = arith.constant 1 : i32
      %dma_start3A_374 = arith.constant 0 : i32
      %dma_start3A_375 = tpu.memref_slice %arg4[%dma_start3A_374, %add3A_371] : memref<64x1280xf32, #tpu.memory_space<vmem>> -> memref<8x128xf32, #tpu.memory_space<vmem>>
      %dma_start3A_376 = arith.constant 0 : i32
      %dma_start3A_377 = arith.constant 0 : i32
      %dma_start3A_378 = tpu.memref_slice %arg3[%add3A_350, %dma_start3A_372, %dma_start3A_373, %dma_start3A_376, %dma_start3A_377] : memref<1024x8x8x8x128xf32, #tpu.memory_space<hbm>> -> memref<1x1x1x8x128xf32, #tpu.memory_space<hbm>>
      %dma_start3A_379 = tpu.memref_squeeze %dma_start3A_378 : memref<1x1x1x8x128xf32, #tpu.memory_space<hbm>> -> memref<8x128xf32, #tpu.memory_space<hbm>>
      %dma_start3A_380 = arith.constant 0 : i32
      %dma_start3A_381 = arith.constant 0 : i32
      %dma_start3A_382 = tpu.memref_slice %arg3[%add3A_350, %dma_start3A_372, %dma_start3A_373, %dma_start3A_380, %dma_start3A_381] : memref<1024x8x8x8x128xf32, #tpu.memory_space<hbm>> -> memref<1x1x1x8x128xf32, #tpu.memory_space<hbm>>
      %dma_start3A_383 = tpu.memref_squeeze %dma_start3A_382 : memref<1x1x1x8x128xf32, #tpu.memory_space<hbm>> -> memref<8x128xf32, #tpu.memory_space<hbm>>
      %dma_start3A_384 = arith.constant 0 : i32
      %dma_start3A_385 = tpu.memref_slice %arg4[%dma_start3A_384, %add3A_371] : memref<64x1280xf32, #tpu.memory_space<vmem>> -> memref<8x128xf32, #tpu.memory_space<vmem>>
      tpu.enqueue_dma source(%dma_start3A_385 : memref<8x128xf32, #tpu.memory_space<vmem>>) target(%dma_start3A_383 : memref<8x128xf32, #tpu.memory_space<hbm>>) target_semaphore(%arg7 : memref<!tpu.dma_semaphore, #tpu.memory_space<semaphore_mem>>)
      %add3A_386 = arith.constant 256 : i32
      %add3A_387 = arith.addi %sub3A_354, %add3A_386 : i32
      %dma_start3A_388 = arith.constant 0 : i32
      %dma_start3A_389 = arith.constant 2 : i32
      %dma_start3A_390 = arith.constant 0 : i32
      %dma_start3A_391 = tpu.memref_slice %arg4[%dma_start3A_390, %add3A_387] : memref<64x1280xf32, #tpu.memory_space<vmem>> -> memref<8x128xf32, #tpu.memory_space<vmem>>
      %dma_start3A_392 = arith.constant 0 : i32
      %dma_start3A_393 = arith.constant 0 : i32
      %dma_start3A_394 = tpu.memref_slice %arg3[%add3A_350, %dma_start3A_388, %dma_start3A_389, %dma_start3A_392, %dma_start3A_393] : memref<1024x8x8x8x128xf32, #tpu.memory_space<hbm>> -> memref<1x1x1x8x128xf32, #tpu.memory_space<hbm>>
      %dma_start3A_395 = tpu.memref_squeeze %dma_start3A_394 : memref<1x1x1x8x128xf32, #tpu.memory_space<hbm>> -> memref<8x128xf32, #tpu.memory_space<hbm>>
      %dma_start3A_396 = arith.constant 0 : i32
      %dma_start3A_397 = arith.constant 0 : i32
      %dma_start3A_398 = tpu.memref_slice %arg3[%add3A_350, %dma_start3A_388, %dma_start3A_389, %dma_start3A_396, %dma_start3A_397] : memref<1024x8x8x8x128xf32, #tpu.memory_space<hbm>> -> memref<1x1x1x8x128xf32, #tpu.memory_space<hbm>>
      %dma_start3A_399 = tpu.memref_squeeze %dma_start3A_398 : memref<1x1x1x8x128xf32, #tpu.memory_space<hbm>> -> memref<8x128xf32, #tpu.memory_space<hbm>>
      %dma_start3A_400 = arith.constant 0 : i32
      %dma_start3A_401 = tpu.memref_slice %arg4[%dma_start3A_400, %add3A_387] : memref<64x1280xf32, #tpu.memory_space<vmem>> -> memref<8x128xf32, #tpu.memory_space<vmem>>
      tpu.enqueue_dma source(%dma_start3A_401 : memref<8x128xf32, #tpu.memory_space<vmem>>) target(%dma_start3A_399 : memref<8x128xf32, #tpu.memory_space<hbm>>) target_semaphore(%arg7 : memref<!tpu.dma_semaphore, #tpu.memory_space<semaphore_mem>>)
      %add3A_402 = arith.constant 384 : i32
      %add3A_403 = arith.addi %sub3A_354, %add3A_402 : i32
      %dma_start3A_404 = arith.constant 0 : i32
      %dma_start3A_405 = arith.constant 3 : i32
      %dma_start3A_406 = arith.constant 0 : i32
      %dma_start3A_407 = tpu.memref_slice %arg4[%dma_start3A_406, %add3A_403] : memref<64x1280xf32, #tpu.memory_space<vmem>> -> memref<8x128xf32, #tpu.memory_space<vmem>>
      %dma_start3A_408 = arith.constant 0 : i32
      %dma_start3A_409 = arith.constant 0 : i32
      %dma_start3A_410 = tpu.memref_slice %arg3[%add3A_350, %dma_start3A_404, %dma_start3A_405, %dma_start3A_408, %dma_start3A_409] : memref<1024x8x8x8x128xf32, #tpu.memory_space<hbm>> -> memref<1x1x1x8x128xf32, #tpu.memory_space<hbm>>
      %dma_start3A_411 = tpu.memref_squeeze %dma_start3A_410 : memref<1x1x1x8x128xf32, #tpu.memory_space<hbm>> -> memref<8x128xf32, #tpu.memory_space<hbm>>
      %dma_start3A_412 = arith.constant 0 : i32
      %dma_start3A_413 = arith.constant 0 : i32
      %dma_start3A_414 = tpu.memref_slice %arg3[%add3A_350, %dma_start3A_404, %dma_start3A_405, %dma_start3A_412, %dma_start3A_413] : memref<1024x8x8x8x128xf32, #tpu.memory_space<hbm>> -> memref<1x1x1x8x128xf32, #tpu.memory_space<hbm>>
      %dma_start3A_415 = tpu.memref_squeeze %dma_start3A_414 : memref<1x1x1x8x128xf32, #tpu.memory_space<hbm>> -> memref<8x128xf32, #tpu.memory_space<hbm>>
      %dma_start3A_416 = arith.constant 0 : i32
      %dma_start3A_417 = tpu.memref_slice %arg4[%dma_start3A_416, %add3A_403] : memref<64x1280xf32, #tpu.memory_space<vmem>> -> memref<8x128xf32, #tpu.memory_space<vmem>>
      tpu.enqueue_dma source(%dma_start3A_417 : memref<8x128xf32, #tpu.memory_space<vmem>>) target(%dma_start3A_415 : memref<8x128xf32, #tpu.memory_space<hbm>>) target_semaphore(%arg7 : memref<!tpu.dma_semaphore, #tpu.memory_space<semaphore_mem>>)
      %add3A_418 = arith.constant 512 : i32
      %add3A_419 = arith.addi %sub3A_354, %add3A_418 : i32
      %dma_start3A_420 = arith.constant 0 : i32
      %dma_start3A_421 = arith.constant 4 : i32
      %dma_start3A_422 = arith.constant 0 : i32
      %dma_start3A_423 = tpu.memref_slice %arg4[%dma_start3A_422, %add3A_419] : memref<64x1280xf32, #tpu.memory_space<vmem>> -> memref<8x128xf32, #tpu.memory_space<vmem>>
      %dma_start3A_424 = arith.constant 0 : i32
      %dma_start3A_425 = arith.constant 0 : i32
      %dma_start3A_426 = tpu.memref_slice %arg3[%add3A_350, %dma_start3A_420, %dma_start3A_421, %dma_start3A_424, %dma_start3A_425] : memref<1024x8x8x8x128xf32, #tpu.memory_space<hbm>> -> memref<1x1x1x8x128xf32, #tpu.memory_space<hbm>>
      %dma_start3A_427 = tpu.memref_squeeze %dma_start3A_426 : memref<1x1x1x8x128xf32, #tpu.memory_space<hbm>> -> memref<8x128xf32, #tpu.memory_space<hbm>>
      %dma_start3A_428 = arith.constant 0 : i32
      %dma_start3A_429 = arith.constant 0 : i32
      %dma_start3A_430 = tpu.memref_slice %arg3[%add3A_350, %dma_start3A_420, %dma_start3A_421, %dma_start3A_428, %dma_start3A_429] : memref<1024x8x8x8x128xf32, #tpu.memory_space<hbm>> -> memref<1x1x1x8x128xf32, #tpu.memory_space<hbm>>
      %dma_start3A_431 = tpu.memref_squeeze %dma_start3A_430 : memref<1x1x1x8x128xf32, #tpu.memory_space<hbm>> -> memref<8x128xf32, #tpu.memory_space<hbm>>
      %dma_start3A_432 = arith.constant 0 : i32
      %dma_start3A_433 = tpu.memref_slice %arg4[%dma_start3A_432, %add3A_419] : memref<64x1280xf32, #tpu.memory_space<vmem>> -> memref<8x128xf32, #tpu.memory_space<vmem>>
      tpu.enqueue_dma source(%dma_start3A_433 : memref<8x128xf32, #tpu.memory_space<vmem>>) target(%dma_start3A_431 : memref<8x128xf32, #tpu.memory_space<hbm>>) target_semaphore(%arg7 : memref<!tpu.dma_semaphore, #tpu.memory_space<semaphore_mem>>)
      %add3A_434 = arith.constant 640 : i32
      %add3A_435 = arith.addi %sub3A_354, %add3A_434 : i32
      %dma_start3A_436 = arith.constant 0 : i32
      %dma_start3A_437 = arith.constant 5 : i32
      %dma_start3A_438 = arith.constant 0 : i32
      %dma_start3A_439 = tpu.memref_slice %arg4[%dma_start3A_438, %add3A_435] : memref<64x1280xf32, #tpu.memory_space<vmem>> -> memref<8x128xf32, #tpu.memory_space<vmem>>
      %dma_start3A_440 = arith.constant 0 : i32
      %dma_start3A_441 = arith.constant 0 : i32
      %dma_start3A_442 = tpu.memref_slice %arg3[%add3A_350, %dma_start3A_436, %dma_start3A_437, %dma_start3A_440, %dma_start3A_441] : memref<1024x8x8x8x128xf32, #tpu.memory_space<hbm>> -> memref<1x1x1x8x128xf32, #tpu.memory_space<hbm>>
      %dma_start3A_443 = tpu.memref_squeeze %dma_start3A_442 : memref<1x1x1x8x128xf32, #tpu.memory_space<hbm>> -> memref<8x128xf32, #tpu.memory_space<hbm>>
      %dma_start3A_444 = arith.constant 0 : i32
      %dma_start3A_445 = arith.constant 0 : i32
      %dma_start3A_446 = tpu.memref_slice %arg3[%add3A_350, %dma_start3A_436, %dma_start3A_437, %dma_start3A_444, %dma_start3A_445] : memref<1024x8x8x8x128xf32, #tpu.memory_space<hbm>> -> memref<1x1x1x8x128xf32, #tpu.memory_space<hbm>>
      %dma_start3A_447 = tpu.memref_squeeze %dma_start3A_446 : memref<1x1x1x8x128xf32, #tpu.memory_space<hbm>> -> memref<8x128xf32, #tpu.memory_space<hbm>>
      %dma_start3A_448 = arith.constant 0 : i32
      %dma_start3A_449 = tpu.memref_slice %arg4[%dma_start3A_448, %add3A_435] : memref<64x1280xf32, #tpu.memory_space<vmem>> -> memref<8x128xf32, #tpu.memory_space<vmem>>
      tpu.enqueue_dma source(%dma_start3A_449 : memref<8x128xf32, #tpu.memory_space<vmem>>) target(%dma_start3A_447 : memref<8x128xf32, #tpu.memory_space<hbm>>) target_semaphore(%arg7 : memref<!tpu.dma_semaphore, #tpu.memory_space<semaphore_mem>>)
      %add3A_450 = arith.constant 768 : i32
      %add3A_451 = arith.addi %sub3A_354, %add3A_450 : i32
      %dma_start3A_452 = arith.constant 0 : i32
      %dma_start3A_453 = arith.constant 6 : i32
      %dma_start3A_454 = arith.constant 0 : i32
      %dma_start3A_455 = tpu.memref_slice %arg4[%dma_start3A_454, %add3A_451] : memref<64x1280xf32, #tpu.memory_space<vmem>> -> memref<8x128xf32, #tpu.memory_space<vmem>>
      %dma_start3A_456 = arith.constant 0 : i32
      %dma_start3A_457 = arith.constant 0 : i32
      %dma_start3A_458 = tpu.memref_slice %arg3[%add3A_350, %dma_start3A_452, %dma_start3A_453, %dma_start3A_456, %dma_start3A_457] : memref<1024x8x8x8x128xf32, #tpu.memory_space<hbm>> -> memref<1x1x1x8x128xf32, #tpu.memory_space<hbm>>
      %dma_start3A_459 = tpu.memref_squeeze %dma_start3A_458 : memref<1x1x1x8x128xf32, #tpu.memory_space<hbm>> -> memref<8x128xf32, #tpu.memory_space<hbm>>
      %dma_start3A_460 = arith.constant 0 : i32
      %dma_start3A_461 = arith.constant 0 : i32
      %dma_start3A_462 = tpu.memref_slice %arg3[%add3A_350, %dma_start3A_452, %dma_start3A_453, %dma_start3A_460, %dma_start3A_461] : memref<1024x8x8x8x128xf32, #tpu.memory_space<hbm>> -> memref<1x1x1x8x128xf32, #tpu.memory_space<hbm>>
      %dma_start3A_463 = tpu.memref_squeeze %dma_start3A_462 : memref<1x1x1x8x128xf32, #tpu.memory_space<hbm>> -> memref<8x128xf32, #tpu.memory_space<hbm>>
      %dma_start3A_464 = arith.constant 0 : i32
      %dma_start3A_465 = tpu.memref_slice %arg4[%dma_start3A_464, %add3A_451] : memref<64x1280xf32, #tpu.memory_space<vmem>> -> memref<8x128xf32, #tpu.memory_space<vmem>>
      tpu.enqueue_dma source(%dma_start3A_465 : memref<8x128xf32, #tpu.memory_space<vmem>>) target(%dma_start3A_463 : memref<8x128xf32, #tpu.memory_space<hbm>>) target_semaphore(%arg7 : memref<!tpu.dma_semaphore, #tpu.memory_space<semaphore_mem>>)
      %add3A_466 = arith.constant 896 : i32
      %add3A_467 = arith.addi %sub3A_354, %add3A_466 : i32
      %dma_start3A_468 = arith.constant 0 : i32
      %dma_start3A_469 = arith.constant 7 : i32
      %dma_start3A_470 = arith.constant 0 : i32
      %dma_start3A_471 = tpu.memref_slice %arg4[%dma_start3A_470, %add3A_467] : memref<64x1280xf32, #tpu.memory_space<vmem>> -> memref<8x128xf32, #tpu.memory_space<vmem>>
      %dma_start3A_472 = arith.constant 0 : i32
      %dma_start3A_473 = arith.constant 0 : i32
      %dma_start3A_474 = tpu.memref_slice %arg3[%add3A_350, %dma_start3A_468, %dma_start3A_469, %dma_start3A_472, %dma_start3A_473] : memref<1024x8x8x8x128xf32, #tpu.memory_space<hbm>> -> memref<1x1x1x8x128xf32, #tpu.memory_space<hbm>>
      %dma_start3A_475 = tpu.memref_squeeze %dma_start3A_474 : memref<1x1x1x8x128xf32, #tpu.memory_space<hbm>> -> memref<8x128xf32, #tpu.memory_space<hbm>>
      %dma_start3A_476 = arith.constant 0 : i32
      %dma_start3A_477 = arith.constant 0 : i32
      %dma_start3A_478 = tpu.memref_slice %arg3[%add3A_350, %dma_start3A_468, %dma_start3A_469, %dma_start3A_476, %dma_start3A_477] : memref<1024x8x8x8x128xf32, #tpu.memory_space<hbm>> -> memref<1x1x1x8x128xf32, #tpu.memory_space<hbm>>
      %dma_start3A_479 = tpu.memref_squeeze %dma_start3A_478 : memref<1x1x1x8x128xf32, #tpu.memory_space<hbm>> -> memref<8x128xf32, #tpu.memory_space<hbm>>
      %dma_start3A_480 = arith.constant 0 : i32
      %dma_start3A_481 = tpu.memref_slice %arg4[%dma_start3A_480, %add3A_467] : memref<64x1280xf32, #tpu.memory_space<vmem>> -> memref<8x128xf32, #tpu.memory_space<vmem>>
      tpu.enqueue_dma source(%dma_start3A_481 : memref<8x128xf32, #tpu.memory_space<vmem>>) target(%dma_start3A_479 : memref<8x128xf32, #tpu.memory_space<hbm>>) target_semaphore(%arg7 : memref<!tpu.dma_semaphore, #tpu.memory_space<semaphore_mem>>)
      %add3A_482 = arith.constant 0 : i32
      %add3A_483 = arith.addi %sub3A_354, %add3A_482 : i32
      %dma_start3A_484 = arith.constant 1 : i32
      %dma_start3A_485 = arith.constant 0 : i32
      %dma_start3A_486 = arith.constant 8 : i32
      %dma_start3A_487 = tpu.memref_slice %arg4[%dma_start3A_486, %add3A_483] : memref<64x1280xf32, #tpu.memory_space<vmem>> -> memref<8x128xf32, #tpu.memory_space<vmem>>
      %dma_start3A_488 = arith.constant 0 : i32
      %dma_start3A_489 = arith.constant 0 : i32
      %dma_start3A_490 = tpu.memref_slice %arg3[%add3A_350, %dma_start3A_484, %dma_start3A_485, %dma_start3A_488, %dma_start3A_489] : memref<1024x8x8x8x128xf32, #tpu.memory_space<hbm>> -> memref<1x1x1x8x128xf32, #tpu.memory_space<hbm>>
      %dma_start3A_491 = tpu.memref_squeeze %dma_start3A_490 : memref<1x1x1x8x128xf32, #tpu.memory_space<hbm>> -> memref<8x128xf32, #tpu.memory_space<hbm>>
      %dma_start3A_492 = arith.constant 0 : i32
      %dma_start3A_493 = arith.constant 0 : i32
      %dma_start3A_494 = tpu.memref_slice %arg3[%add3A_350, %dma_start3A_484, %dma_start3A_485, %dma_start3A_492, %dma_start3A_493] : memref<1024x8x8x8x128xf32, #tpu.memory_space<hbm>> -> memref<1x1x1x8x128xf32, #tpu.memory_space<hbm>>
      %dma_start3A_495 = tpu.memref_squeeze %dma_start3A_494 : memref<1x1x1x8x128xf32, #tpu.memory_space<hbm>> -> memref<8x128xf32, #tpu.memory_space<hbm>>
      %dma_start3A_496 = arith.constant 8 : i32
      %dma_start3A_497 = tpu.memref_slice %arg4[%dma_start3A_496, %add3A_483] : memref<64x1280xf32, #tpu.memory_space<vmem>> -> memref<8x128xf32, #tpu.memory_space<vmem>>
      tpu.enqueue_dma source(%dma_start3A_497 : memref<8x128xf32, #tpu.memory_space<vmem>>) target(%dma_start3A_495 : memref<8x128xf32, #tpu.memory_space<hbm>>) target_semaphore(%arg7 : memref<!tpu.dma_semaphore, #tpu.memory_space<semaphore_mem>>)
      %add3A_498 = arith.constant 128 : i32
      %add3A_499 = arith.addi %sub3A_354, %add3A_498 : i32
      %dma_start3A_500 = arith.constant 1 : i32
      %dma_start3A_501 = arith.constant 1 : i32
      %dma_start3A_502 = arith.constant 8 : i32
      %dma_start3A_503 = tpu.memref_slice %arg4[%dma_start3A_502, %add3A_499] : memref<64x1280xf32, #tpu.memory_space<vmem>> -> memref<8x128xf32, #tpu.memory_space<vmem>>
      %dma_start3A_504 = arith.constant 0 : i32
      %dma_start3A_505 = arith.constant 0 : i32
      %dma_start3A_506 = tpu.memref_slice %arg3[%add3A_350, %dma_start3A_500, %dma_start3A_501, %dma_start3A_504, %dma_start3A_505] : memref<1024x8x8x8x128xf32, #tpu.memory_space<hbm>> -> memref<1x1x1x8x128xf32, #tpu.memory_space<hbm>>
      %dma_start3A_507 = tpu.memref_squeeze %dma_start3A_506 : memref<1x1x1x8x128xf32, #tpu.memory_space<hbm>> -> memref<8x128xf32, #tpu.memory_space<hbm>>
      %dma_start3A_508 = arith.constant 0 : i32
      %dma_start3A_509 = arith.constant 0 : i32
      %dma_start3A_510 = tpu.memref_slice %arg3[%add3A_350, %dma_start3A_500, %dma_start3A_501, %dma_start3A_508, %dma_start3A_509] : memref<1024x8x8x8x128xf32, #tpu.memory_space<hbm>> -> memref<1x1x1x8x128xf32, #tpu.memory_space<hbm>>
      %dma_start3A_511 = tpu.memref_squeeze %dma_start3A_510 : memref<1x1x1x8x128xf32, #tpu.memory_space<hbm>> -> memref<8x128xf32, #tpu.memory_space<hbm>>
      %dma_start3A_512 = arith.constant 8 : i32
      %dma_start3A_513 = tpu.memref_slice %arg4[%dma_start3A_512, %add3A_499] : memref<64x1280xf32, #tpu.memory_space<vmem>> -> memref<8x128xf32, #tpu.memory_space<vmem>>
      tpu.enqueue_dma source(%dma_start3A_513 : memref<8x128xf32, #tpu.memory_space<vmem>>) target(%dma_start3A_511 : memref<8x128xf32, #tpu.memory_space<hbm>>) target_semaphore(%arg7 : memref<!tpu.dma_semaphore, #tpu.memory_space<semaphore_mem>>)
      %add3A_514 = arith.constant 256 : i32
      %add3A_515 = arith.addi %sub3A_354, %add3A_514 : i32
      %dma_start3A_516 = arith.constant 1 : i32
      %dma_start3A_517 = arith.constant 2 : i32
      %dma_start3A_518 = arith.constant 8 : i32
      %dma_start3A_519 = tpu.memref_slice %arg4[%dma_start3A_518, %add3A_515] : memref<64x1280xf32, #tpu.memory_space<vmem>> -> memref<8x128xf32, #tpu.memory_space<vmem>>
      %dma_start3A_520 = arith.constant 0 : i32
      %dma_start3A_521 = arith.constant 0 : i32
      %dma_start3A_522 = tpu.memref_slice %arg3[%add3A_350, %dma_start3A_516, %dma_start3A_517, %dma_start3A_520, %dma_start3A_521] : memref<1024x8x8x8x128xf32, #tpu.memory_space<hbm>> -> memref<1x1x1x8x128xf32, #tpu.memory_space<hbm>>
      %dma_start3A_523 = tpu.memref_squeeze %dma_start3A_522 : memref<1x1x1x8x128xf32, #tpu.memory_space<hbm>> -> memref<8x128xf32, #tpu.memory_space<hbm>>
      %dma_start3A_524 = arith.constant 0 : i32
      %dma_start3A_525 = arith.constant 0 : i32
      %dma_start3A_526 = tpu.memref_slice %arg3[%add3A_350, %dma_start3A_516, %dma_start3A_517, %dma_start3A_524, %dma_start3A_525] : memref<1024x8x8x8x128xf32, #tpu.memory_space<hbm>> -> memref<1x1x1x8x128xf32, #tpu.memory_space<hbm>>
      %dma_start3A_527 = tpu.memref_squeeze %dma_start3A_526 : memref<1x1x1x8x128xf32, #tpu.memory_space<hbm>> -> memref<8x128xf32, #tpu.memory_space<hbm>>
      %dma_start3A_528 = arith.constant 8 : i32
      %dma_start3A_529 = tpu.memref_slice %arg4[%dma_start3A_528, %add3A_515] : memref<64x1280xf32, #tpu.memory_space<vmem>> -> memref<8x128xf32, #tpu.memory_space<vmem>>
      tpu.enqueue_dma source(%dma_start3A_529 : memref<8x128xf32, #tpu.memory_space<vmem>>) target(%dma_start3A_527 : memref<8x128xf32, #tpu.memory_space<hbm>>) target_semaphore(%arg7 : memref<!tpu.dma_semaphore, #tpu.memory_space<semaphore_mem>>)
      %add3A_530 = arith.constant 384 : i32
      %add3A_531 = arith.addi %sub3A_354, %add3A_530 : i32
      %dma_start3A_532 = arith.constant 1 : i32
      %dma_start3A_533 = arith.constant 3 : i32
      %dma_start3A_534 = arith.constant 8 : i32
      %dma_start3A_535 = tpu.memref_slice %arg4[%dma_start3A_534, %add3A_531] : memref<64x1280xf32, #tpu.memory_space<vmem>> -> memref<8x128xf32, #tpu.memory_space<vmem>>
      %dma_start3A_536 = arith.constant 0 : i32
      %dma_start3A_537 = arith.constant 0 : i32
      %dma_start3A_538 = tpu.memref_slice %arg3[%add3A_350, %dma_start3A_532, %dma_start3A_533, %dma_start3A_536, %dma_start3A_537] : memref<1024x8x8x8x128xf32, #tpu.memory_space<hbm>> -> memref<1x1x1x8x128xf32, #tpu.memory_space<hbm>>
      %dma_start3A_539 = tpu.memref_squeeze %dma_start3A_538 : memref<1x1x1x8x128xf32, #tpu.memory_space<hbm>> -> memref<8x128xf32, #tpu.memory_space<hbm>>
      %dma_start3A_540 = arith.constant 0 : i32
      %dma_start3A_541 = arith.constant 0 : i32
      %dma_start3A_542 = tpu.memref_slice %arg3[%add3A_350, %dma_start3A_532, %dma_start3A_533, %dma_start3A_540, %dma_start3A_541] : memref<1024x8x8x8x128xf32, #tpu.memory_space<hbm>> -> memref<1x1x1x8x128xf32, #tpu.memory_space<hbm>>
      %dma_start3A_543 = tpu.memref_squeeze %dma_start3A_542 : memref<1x1x1x8x128xf32, #tpu.memory_space<hbm>> -> memref<8x128xf32, #tpu.memory_space<hbm>>
      %dma_start3A_544 = arith.constant 8 : i32
      %dma_start3A_545 = tpu.memref_slice %arg4[%dma_start3A_544, %add3A_531] : memref<64x1280xf32, #tpu.memory_space<vmem>> -> memref<8x128xf32, #tpu.memory_space<vmem>>
      tpu.enqueue_dma source(%dma_start3A_545 : memref<8x128xf32, #tpu.memory_space<vmem>>) target(%dma_start3A_543 : memref<8x128xf32, #tpu.memory_space<hbm>>) target_semaphore(%arg7 : memref<!tpu.dma_semaphore, #tpu.memory_space<semaphore_mem>>)
      %add3A_546 = arith.constant 512 : i32
      %add3A_547 = arith.addi %sub3A_354, %add3A_546 : i32
      %dma_start3A_548 = arith.constant 1 : i32
      %dma_start3A_549 = arith.constant 4 : i32
      %dma_start3A_550 = arith.constant 8 : i32
      %dma_start3A_551 = tpu.memref_slice %arg4[%dma_start3A_550, %add3A_547] : memref<64x1280xf32, #tpu.memory_space<vmem>> -> memref<8x128xf32, #tpu.memory_space<vmem>>
      %dma_start3A_552 = arith.constant 0 : i32
      %dma_start3A_553 = arith.constant 0 : i32
      %dma_start3A_554 = tpu.memref_slice %arg3[%add3A_350, %dma_start3A_548, %dma_start3A_549, %dma_start3A_552, %dma_start3A_553] : memref<1024x8x8x8x128xf32, #tpu.memory_space<hbm>> -> memref<1x1x1x8x128xf32, #tpu.memory_space<hbm>>
      %dma_start3A_555 = tpu.memref_squeeze %dma_start3A_554 : memref<1x1x1x8x128xf32, #tpu.memory_space<hbm>> -> memref<8x128xf32, #tpu.memory_space<hbm>>
      %dma_start3A_556 = arith.constant 0 : i32
      %dma_start3A_557 = arith.constant 0 : i32
      %dma_start3A_558 = tpu.memref_slice %arg3[%add3A_350, %dma_start3A_548, %dma_start3A_549, %dma_start3A_556, %dma_start3A_557] : memref<1024x8x8x8x128xf32, #tpu.memory_space<hbm>> -> memref<1x1x1x8x128xf32, #tpu.memory_space<hbm>>
      %dma_start3A_559 = tpu.memref_squeeze %dma_start3A_558 : memref<1x1x1x8x128xf32, #tpu.memory_space<hbm>> -> memref<8x128xf32, #tpu.memory_space<hbm>>
      %dma_start3A_560 = arith.constant 8 : i32
      %dma_start3A_561 = tpu.memref_slice %arg4[%dma_start3A_560, %add3A_547] : memref<64x1280xf32, #tpu.memory_space<vmem>> -> memref<8x128xf32, #tpu.memory_space<vmem>>
      tpu.enqueue_dma source(%dma_start3A_561 : memref<8x128xf32, #tpu.memory_space<vmem>>) target(%dma_start3A_559 : memref<8x128xf32, #tpu.memory_space<hbm>>) target_semaphore(%arg7 : memref<!tpu.dma_semaphore, #tpu.memory_space<semaphore_mem>>)
      %add3A_562 = arith.constant 640 : i32
      %add3A_563 = arith.addi %sub3A_354, %add3A_562 : i32
      %dma_start3A_564 = arith.constant 1 : i32
      %dma_start3A_565 = arith.constant 5 : i32
      %dma_start3A_566 = arith.constant 8 : i32
      %dma_start3A_567 = tpu.memref_slice %arg4[%dma_start3A_566, %add3A_563] : memref<64x1280xf32, #tpu.memory_space<vmem>> -> memref<8x128xf32, #tpu.memory_space<vmem>>
      %dma_start3A_568 = arith.constant 0 : i32
      %dma_start3A_569 = arith.constant 0 : i32
      %dma_start3A_570 = tpu.memref_slice %arg3[%add3A_350, %dma_start3A_564, %dma_start3A_565, %dma_start3A_568, %dma_start3A_569] : memref<1024x8x8x8x128xf32, #tpu.memory_space<hbm>> -> memref<1x1x1x8x128xf32, #tpu.memory_space<hbm>>
      %dma_start3A_571 = tpu.memref_squeeze %dma_start3A_570 : memref<1x1x1x8x128xf32, #tpu.memory_space<hbm>> -> memref<8x128xf32, #tpu.memory_space<hbm>>
      %dma_start3A_572 = arith.constant 0 : i32
      %dma_start3A_573 = arith.constant 0 : i32
      %dma_start3A_574 = tpu.memref_slice %arg3[%add3A_350, %dma_start3A_564, %dma_start3A_565, %dma_start3A_572, %dma_start3A_573] : memref<1024x8x8x8x128xf32, #tpu.memory_space<hbm>> -> memref<1x1x1x8x128xf32, #tpu.memory_space<hbm>>
      %dma_start3A_575 = tpu.memref_squeeze %dma_start3A_574 : memref<1x1x1x8x128xf32, #tpu.memory_space<hbm>> -> memref<8x128xf32, #tpu.memory_space<hbm>>
      %dma_start3A_576 = arith.constant 8 : i32
      %dma_start3A_577 = tpu.memref_slice %arg4[%dma_start3A_576, %add3A_563] : memref<64x1280xf32, #tpu.memory_space<vmem>> -> memref<8x128xf32, #tpu.memory_space<vmem>>
      tpu.enqueue_dma source(%dma_start3A_577 : memref<8x128xf32, #tpu.memory_space<vmem>>) target(%dma_start3A_575 : memref<8x128xf32, #tpu.memory_space<hbm>>) target_semaphore(%arg7 : memref<!tpu.dma_semaphore, #tpu.memory_space<semaphore_mem>>)
      %add3A_578 = arith.constant 768 : i32
      %add3A_579 = arith.addi %sub3A_354, %add3A_578 : i32
      %dma_start3A_580 = arith.constant 1 : i32
      %dma_start3A_581 = arith.constant 6 : i32
      %dma_start3A_582 = arith.constant 8 : i32
      %dma_start3A_583 = tpu.memref_slice %arg4[%dma_start3A_582, %add3A_579] : memref<64x1280xf32, #tpu.memory_space<vmem>> -> memref<8x128xf32, #tpu.memory_space<vmem>>
      %dma_start3A_584 = arith.constant 0 : i32
      %dma_start3A_585 = arith.constant 0 : i32
      %dma_start3A_586 = tpu.memref_slice %arg3[%add3A_350, %dma_start3A_580, %dma_start3A_581, %dma_start3A_584, %dma_start3A_585] : memref<1024x8x8x8x128xf32, #tpu.memory_space<hbm>> -> memref<1x1x1x8x128xf32, #tpu.memory_space<hbm>>
      %dma_start3A_587 = tpu.memref_squeeze %dma_start3A_586 : memref<1x1x1x8x128xf32, #tpu.memory_space<hbm>> -> memref<8x128xf32, #tpu.memory_space<hbm>>
      %dma_start3A_588 = arith.constant 0 : i32
      %dma_start3A_589 = arith.constant 0 : i32
      %dma_start3A_590 = tpu.memref_slice %arg3[%add3A_350, %dma_start3A_580, %dma_start3A_581, %dma_start3A_588, %dma_start3A_589] : memref<1024x8x8x8x128xf32, #tpu.memory_space<hbm>> -> memref<1x1x1x8x128xf32, #tpu.memory_space<hbm>>
      %dma_start3A_591 = tpu.memref_squeeze %dma_start3A_590 : memref<1x1x1x8x128xf32, #tpu.memory_space<hbm>> -> memref<8x128xf32, #tpu.memory_space<hbm>>
      %dma_start3A_592 = arith.constant 8 : i32
      %dma_start3A_593 = tpu.memref_slice %arg4[%dma_start3A_592, %add3A_579] : memref<64x1280xf32, #tpu.memory_space<vmem>> -> memref<8x128xf32, #tpu.memory_space<vmem>>
      tpu.enqueue_dma source(%dma_start3A_593 : memref<8x128xf32, #tpu.memory_space<vmem>>) target(%dma_start3A_591 : memref<8x128xf32, #tpu.memory_space<hbm>>) target_semaphore(%arg7 : memref<!tpu.dma_semaphore, #tpu.memory_space<semaphore_mem>>)
      %add3A_594 = arith.constant 896 : i32
      %add3A_595 = arith.addi %sub3A_354, %add3A_594 : i32
      %dma_start3A_596 = arith.constant 1 : i32
      %dma_start3A_597 = arith.constant 7 : i32
      %dma_start3A_598 = arith.constant 8 : i32
      %dma_start3A_599 = tpu.memref_slice %arg4[%dma_start3A_598, %add3A_595] : memref<64x1280xf32, #tpu.memory_space<vmem>> -> memref<8x128xf32, #tpu.memory_space<vmem>>
      %dma_start3A_600 = arith.constant 0 : i32
      %dma_start3A_601 = arith.constant 0 : i32
      %dma_start3A_602 = tpu.memref_slice %arg3[%add3A_350, %dma_start3A_596, %dma_start3A_597, %dma_start3A_600, %dma_start3A_601] : memref<1024x8x8x8x128xf32, #tpu.memory_space<hbm>> -> memref<1x1x1x8x128xf32, #tpu.memory_space<hbm>>
      %dma_start3A_603 = tpu.memref_squeeze %dma_start3A_602 : memref<1x1x1x8x128xf32, #tpu.memory_space<hbm>> -> memref<8x128xf32, #tpu.memory_space<hbm>>
      %dma_start3A_604 = arith.constant 0 : i32
      %dma_start3A_605 = arith.constant 0 : i32
      %dma_start3A_606 = tpu.memref_slice %arg3[%add3A_350, %dma_start3A_596, %dma_start3A_597, %dma_start3A_604, %dma_start3A_605] : memref<1024x8x8x8x128xf32, #tpu.memory_space<hbm>> -> memref<1x1x1x8x128xf32, #tpu.memory_space<hbm>>
      %dma_start3A_607 = tpu.memref_squeeze %dma_start3A_606 : memref<1x1x1x8x128xf32, #tpu.memory_space<hbm>> -> memref<8x128xf32, #tpu.memory_space<hbm>>
      %dma_start3A_608 = arith.constant 8 : i32
      %dma_start3A_609 = tpu.memref_slice %arg4[%dma_start3A_608, %add3A_595] : memref<64x1280xf32, #tpu.memory_space<vmem>> -> memref<8x128xf32, #tpu.memory_space<vmem>>
      tpu.enqueue_dma source(%dma_start3A_609 : memref<8x128xf32, #tpu.memory_space<vmem>>) target(%dma_start3A_607 : memref<8x128xf32, #tpu.memory_space<hbm>>) target_semaphore(%arg7 : memref<!tpu.dma_semaphore, #tpu.memory_space<semaphore_mem>>)
      %add3A_610 = arith.constant 0 : i32
      %add3A_611 = arith.addi %sub3A_354, %add3A_610 : i32
      %dma_start3A_612 = arith.constant 2 : i32
      %dma_start3A_613 = arith.constant 0 : i32
      %dma_start3A_614 = arith.constant 16 : i32
      %dma_start3A_615 = tpu.memref_slice %arg4[%dma_start3A_614, %add3A_611] : memref<64x1280xf32, #tpu.memory_space<vmem>> -> memref<8x128xf32, #tpu.memory_space<vmem>>
      %dma_start3A_616 = arith.constant 0 : i32
      %dma_start3A_617 = arith.constant 0 : i32
      %dma_start3A_618 = tpu.memref_slice %arg3[%add3A_350, %dma_start3A_612, %dma_start3A_613, %dma_start3A_616, %dma_start3A_617] : memref<1024x8x8x8x128xf32, #tpu.memory_space<hbm>> -> memref<1x1x1x8x128xf32, #tpu.memory_space<hbm>>
      %dma_start3A_619 = tpu.memref_squeeze %dma_start3A_618 : memref<1x1x1x8x128xf32, #tpu.memory_space<hbm>> -> memref<8x128xf32, #tpu.memory_space<hbm>>
      %dma_start3A_620 = arith.constant 0 : i32
      %dma_start3A_621 = arith.constant 0 : i32
      %dma_start3A_622 = tpu.memref_slice %arg3[%add3A_350, %dma_start3A_612, %dma_start3A_613, %dma_start3A_620, %dma_start3A_621] : memref<1024x8x8x8x128xf32, #tpu.memory_space<hbm>> -> memref<1x1x1x8x128xf32, #tpu.memory_space<hbm>>
      %dma_start3A_623 = tpu.memref_squeeze %dma_start3A_622 : memref<1x1x1x8x128xf32, #tpu.memory_space<hbm>> -> memref<8x128xf32, #tpu.memory_space<hbm>>
      %dma_start3A_624 = arith.constant 16 : i32
      %dma_start3A_625 = tpu.memref_slice %arg4[%dma_start3A_624, %add3A_611] : memref<64x1280xf32, #tpu.memory_space<vmem>> -> memref<8x128xf32, #tpu.memory_space<vmem>>
      tpu.enqueue_dma source(%dma_start3A_625 : memref<8x128xf32, #tpu.memory_space<vmem>>) target(%dma_start3A_623 : memref<8x128xf32, #tpu.memory_space<hbm>>) target_semaphore(%arg7 : memref<!tpu.dma_semaphore, #tpu.memory_space<semaphore_mem>>)
      %add3A_626 = arith.constant 128 : i32
      %add3A_627 = arith.addi %sub3A_354, %add3A_626 : i32
      %dma_start3A_628 = arith.constant 2 : i32
      %dma_start3A_629 = arith.constant 1 : i32
      %dma_start3A_630 = arith.constant 16 : i32
      %dma_start3A_631 = tpu.memref_slice %arg4[%dma_start3A_630, %add3A_627] : memref<64x1280xf32, #tpu.memory_space<vmem>> -> memref<8x128xf32, #tpu.memory_space<vmem>>
      %dma_start3A_632 = arith.constant 0 : i32
      %dma_start3A_633 = arith.constant 0 : i32
      %dma_start3A_634 = tpu.memref_slice %arg3[%add3A_350, %dma_start3A_628, %dma_start3A_629, %dma_start3A_632, %dma_start3A_633] : memref<1024x8x8x8x128xf32, #tpu.memory_space<hbm>> -> memref<1x1x1x8x128xf32, #tpu.memory_space<hbm>>
      %dma_start3A_635 = tpu.memref_squeeze %dma_start3A_634 : memref<1x1x1x8x128xf32, #tpu.memory_space<hbm>> -> memref<8x128xf32, #tpu.memory_space<hbm>>
      %dma_start3A_636 = arith.constant 0 : i32
      %dma_start3A_637 = arith.constant 0 : i32
      %dma_start3A_638 = tpu.memref_slice %arg3[%add3A_350, %dma_start3A_628, %dma_start3A_629, %dma_start3A_636, %dma_start3A_637] : memref<1024x8x8x8x128xf32, #tpu.memory_space<hbm>> -> memref<1x1x1x8x128xf32, #tpu.memory_space<hbm>>
      %dma_start3A_639 = tpu.memref_squeeze %dma_start3A_638 : memref<1x1x1x8x128xf32, #tpu.memory_space<hbm>> -> memref<8x128xf32, #tpu.memory_space<hbm>>
      %dma_start3A_640 = arith.constant 16 : i32
      %dma_start3A_641 = tpu.memref_slice %arg4[%dma_start3A_640, %add3A_627] : memref<64x1280xf32, #tpu.memory_space<vmem>> -> memref<8x128xf32, #tpu.memory_space<vmem>>
      tpu.enqueue_dma source(%dma_start3A_641 : memref<8x128xf32, #tpu.memory_space<vmem>>) target(%dma_start3A_639 : memref<8x128xf32, #tpu.memory_space<hbm>>) target_semaphore(%arg7 : memref<!tpu.dma_semaphore, #tpu.memory_space<semaphore_mem>>)
      %add3A_642 = arith.constant 256 : i32
      %add3A_643 = arith.addi %sub3A_354, %add3A_642 : i32
      %dma_start3A_644 = arith.constant 2 : i32
      %dma_start3A_645 = arith.constant 2 : i32
      %dma_start3A_646 = arith.constant 16 : i32
      %dma_start3A_647 = tpu.memref_slice %arg4[%dma_start3A_646, %add3A_643] : memref<64x1280xf32, #tpu.memory_space<vmem>> -> memref<8x128xf32, #tpu.memory_space<vmem>>
      %dma_start3A_648 = arith.constant 0 : i32
      %dma_start3A_649 = arith.constant 0 : i32
      %dma_start3A_650 = tpu.memref_slice %arg3[%add3A_350, %dma_start3A_644, %dma_start3A_645, %dma_start3A_648, %dma_start3A_649] : memref<1024x8x8x8x128xf32, #tpu.memory_space<hbm>> -> memref<1x1x1x8x128xf32, #tpu.memory_space<hbm>>
      %dma_start3A_651 = tpu.memref_squeeze %dma_start3A_650 : memref<1x1x1x8x128xf32, #tpu.memory_space<hbm>> -> memref<8x128xf32, #tpu.memory_space<hbm>>
      %dma_start3A_652 = arith.constant 0 : i32
      %dma_start3A_653 = arith.constant 0 : i32
      %dma_start3A_654 = tpu.memref_slice %arg3[%add3A_350, %dma_start3A_644, %dma_start3A_645, %dma_start3A_652, %dma_start3A_653] : memref<1024x8x8x8x128xf32, #tpu.memory_space<hbm>> -> memref<1x1x1x8x128xf32, #tpu.memory_space<hbm>>
      %dma_start3A_655 = tpu.memref_squeeze %dma_start3A_654 : memref<1x1x1x8x128xf32, #tpu.memory_space<hbm>> -> memref<8x128xf32, #tpu.memory_space<hbm>>
      %dma_start3A_656 = arith.constant 16 : i32
      %dma_start3A_657 = tpu.memref_slice %arg4[%dma_start3A_656, %add3A_643] : memref<64x1280xf32, #tpu.memory_space<vmem>> -> memref<8x128xf32, #tpu.memory_space<vmem>>
      tpu.enqueue_dma source(%dma_start3A_657 : memref<8x128xf32, #tpu.memory_space<vmem>>) target(%dma_start3A_655 : memref<8x128xf32, #tpu.memory_space<hbm>>) target_semaphore(%arg7 : memref<!tpu.dma_semaphore, #tpu.memory_space<semaphore_mem>>)
      %add3A_658 = arith.constant 384 : i32
      %add3A_659 = arith.addi %sub3A_354, %add3A_658 : i32
      %dma_start3A_660 = arith.constant 2 : i32
      %dma_start3A_661 = arith.constant 3 : i32
      %dma_start3A_662 = arith.constant 16 : i32
      %dma_start3A_663 = tpu.memref_slice %arg4[%dma_start3A_662, %add3A_659] : memref<64x1280xf32, #tpu.memory_space<vmem>> -> memref<8x128xf32, #tpu.memory_space<vmem>>
      %dma_start3A_664 = arith.constant 0 : i32
      %dma_start3A_665 = arith.constant 0 : i32
      %dma_start3A_666 = tpu.memref_slice %arg3[%add3A_350, %dma_start3A_660, %dma_start3A_661, %dma_start3A_664, %dma_start3A_665] : memref<1024x8x8x8x128xf32, #tpu.memory_space<hbm>> -> memref<1x1x1x8x128xf32, #tpu.memory_space<hbm>>
      %dma_start3A_667 = tpu.memref_squeeze %dma_start3A_666 : memref<1x1x1x8x128xf32, #tpu.memory_space<hbm>> -> memref<8x128xf32, #tpu.memory_space<hbm>>
      %dma_start3A_668 = arith.constant 0 : i32
      %dma_start3A_669 = arith.constant 0 : i32
      %dma_start3A_670 = tpu.memref_slice %arg3[%add3A_350, %dma_start3A_660, %dma_start3A_661, %dma_start3A_668, %dma_start3A_669] : memref<1024x8x8x8x128xf32, #tpu.memory_space<hbm>> -> memref<1x1x1x8x128xf32, #tpu.memory_space<hbm>>
      %dma_start3A_671 = tpu.memref_squeeze %dma_start3A_670 : memref<1x1x1x8x128xf32, #tpu.memory_space<hbm>> -> memref<8x128xf32, #tpu.memory_space<hbm>>
      %dma_start3A_672 = arith.constant 16 : i32
      %dma_start3A_673 = tpu.memref_slice %arg4[%dma_start3A_672, %add3A_659] : memref<64x1280xf32, #tpu.memory_space<vmem>> -> memref<8x128xf32, #tpu.memory_space<vmem>>
      tpu.enqueue_dma source(%dma_start3A_673 : memref<8x128xf32, #tpu.memory_space<vmem>>) target(%dma_start3A_671 : memref<8x128xf32, #tpu.memory_space<hbm>>) target_semaphore(%arg7 : memref<!tpu.dma_semaphore, #tpu.memory_space<semaphore_mem>>)
      %add3A_674 = arith.constant 512 : i32
      %add3A_675 = arith.addi %sub3A_354, %add3A_674 : i32
      %dma_start3A_676 = arith.constant 2 : i32
      %dma_start3A_677 = arith.constant 4 : i32
      %dma_start3A_678 = arith.constant 16 : i32
      %dma_start3A_679 = tpu.memref_slice %arg4[%dma_start3A_678, %add3A_675] : memref<64x1280xf32, #tpu.memory_space<vmem>> -> memref<8x128xf32, #tpu.memory_space<vmem>>
      %dma_start3A_680 = arith.constant 0 : i32
      %dma_start3A_681 = arith.constant 0 : i32
      %dma_start3A_682 = tpu.memref_slice %arg3[%add3A_350, %dma_start3A_676, %dma_start3A_677, %dma_start3A_680, %dma_start3A_681] : memref<1024x8x8x8x128xf32, #tpu.memory_space<hbm>> -> memref<1x1x1x8x128xf32, #tpu.memory_space<hbm>>
      %dma_start3A_683 = tpu.memref_squeeze %dma_start3A_682 : memref<1x1x1x8x128xf32, #tpu.memory_space<hbm>> -> memref<8x128xf32, #tpu.memory_space<hbm>>
      %dma_start3A_684 = arith.constant 0 : i32
      %dma_start3A_685 = arith.constant 0 : i32
      %dma_start3A_686 = tpu.memref_slice %arg3[%add3A_350, %dma_start3A_676, %dma_start3A_677, %dma_start3A_684, %dma_start3A_685] : memref<1024x8x8x8x128xf32, #tpu.memory_space<hbm>> -> memref<1x1x1x8x128xf32, #tpu.memory_space<hbm>>
      %dma_start3A_687 = tpu.memref_squeeze %dma_start3A_686 : memref<1x1x1x8x128xf32, #tpu.memory_space<hbm>> -> memref<8x128xf32, #tpu.memory_space<hbm>>
      %dma_start3A_688 = arith.constant 16 : i32
      %dma_start3A_689 = tpu.memref_slice %arg4[%dma_start3A_688, %add3A_675] : memref<64x1280xf32, #tpu.memory_space<vmem>> -> memref<8x128xf32, #tpu.memory_space<vmem>>
      tpu.enqueue_dma source(%dma_start3A_689 : memref<8x128xf32, #tpu.memory_space<vmem>>) target(%dma_start3A_687 : memref<8x128xf32, #tpu.memory_space<hbm>>) target_semaphore(%arg7 : memref<!tpu.dma_semaphore, #tpu.memory_space<semaphore_mem>>)
      %add3A_690 = arith.constant 640 : i32
      %add3A_691 = arith.addi %sub3A_354, %add3A_690 : i32
      %dma_start3A_692 = arith.constant 2 : i32
      %dma_start3A_693 = arith.constant 5 : i32
      %dma_start3A_694 = arith.constant 16 : i32
      %dma_start3A_695 = tpu.memref_slice %arg4[%dma_start3A_694, %add3A_691] : memref<64x1280xf32, #tpu.memory_space<vmem>> -> memref<8x128xf32, #tpu.memory_space<vmem>>
      %dma_start3A_696 = arith.constant 0 : i32
      %dma_start3A_697 = arith.constant 0 : i32
      %dma_start3A_698 = tpu.memref_slice %arg3[%add3A_350, %dma_start3A_692, %dma_start3A_693, %dma_start3A_696, %dma_start3A_697] : memref<1024x8x8x8x128xf32, #tpu.memory_space<hbm>> -> memref<1x1x1x8x128xf32, #tpu.memory_space<hbm>>
      %dma_start3A_699 = tpu.memref_squeeze %dma_start3A_698 : memref<1x1x1x8x128xf32, #tpu.memory_space<hbm>> -> memref<8x128xf32, #tpu.memory_space<hbm>>
      %dma_start3A_700 = arith.constant 0 : i32
      %dma_start3A_701 = arith.constant 0 : i32
      %dma_start3A_702 = tpu.memref_slice %arg3[%add3A_350, %dma_start3A_692, %dma_start3A_693, %dma_start3A_700, %dma_start3A_701] : memref<1024x8x8x8x128xf32, #tpu.memory_space<hbm>> -> memref<1x1x1x8x128xf32, #tpu.memory_space<hbm>>
      %dma_start3A_703 = tpu.memref_squeeze %dma_start3A_702 : memref<1x1x1x8x128xf32, #tpu.memory_space<hbm>> -> memref<8x128xf32, #tpu.memory_space<hbm>>
      %dma_start3A_704 = arith.constant 16 : i32
      %dma_start3A_705 = tpu.memref_slice %arg4[%dma_start3A_704, %add3A_691] : memref<64x1280xf32, #tpu.memory_space<vmem>> -> memref<8x128xf32, #tpu.memory_space<vmem>>
      tpu.enqueue_dma source(%dma_start3A_705 : memref<8x128xf32, #tpu.memory_space<vmem>>) target(%dma_start3A_703 : memref<8x128xf32, #tpu.memory_space<hbm>>) target_semaphore(%arg7 : memref<!tpu.dma_semaphore, #tpu.memory_space<semaphore_mem>>)
      %add3A_706 = arith.constant 768 : i32
      %add3A_707 = arith.addi %sub3A_354, %add3A_706 : i32
      %dma_start3A_708 = arith.constant 2 : i32
      %dma_start3A_709 = arith.constant 6 : i32
      %dma_start3A_710 = arith.constant 16 : i32
      %dma_start3A_711 = tpu.memref_slice %arg4[%dma_start3A_710, %add3A_707] : memref<64x1280xf32, #tpu.memory_space<vmem>> -> memref<8x128xf32, #tpu.memory_space<vmem>>
      %dma_start3A_712 = arith.constant 0 : i32
      %dma_start3A_713 = arith.constant 0 : i32
      %dma_start3A_714 = tpu.memref_slice %arg3[%add3A_350, %dma_start3A_708, %dma_start3A_709, %dma_start3A_712, %dma_start3A_713] : memref<1024x8x8x8x128xf32, #tpu.memory_space<hbm>> -> memref<1x1x1x8x128xf32, #tpu.memory_space<hbm>>
      %dma_start3A_715 = tpu.memref_squeeze %dma_start3A_714 : memref<1x1x1x8x128xf32, #tpu.memory_space<hbm>> -> memref<8x128xf32, #tpu.memory_space<hbm>>
      %dma_start3A_716 = arith.constant 0 : i32
      %dma_start3A_717 = arith.constant 0 : i32
      %dma_start3A_718 = tpu.memref_slice %arg3[%add3A_350, %dma_start3A_708, %dma_start3A_709, %dma_start3A_716, %dma_start3A_717] : memref<1024x8x8x8x128xf32, #tpu.memory_space<hbm>> -> memref<1x1x1x8x128xf32, #tpu.memory_space<hbm>>
      %dma_start3A_719 = tpu.memref_squeeze %dma_start3A_718 : memref<1x1x1x8x128xf32, #tpu.memory_space<hbm>> -> memref<8x128xf32, #tpu.memory_space<hbm>>
      %dma_start3A_720 = arith.constant 16 : i32
      %dma_start3A_721 = tpu.memref_slice %arg4[%dma_start3A_720, %add3A_707] : memref<64x1280xf32, #tpu.memory_space<vmem>> -> memref<8x128xf32, #tpu.memory_space<vmem>>
      tpu.enqueue_dma source(%dma_start3A_721 : memref<8x128xf32, #tpu.memory_space<vmem>>) target(%dma_start3A_719 : memref<8x128xf32, #tpu.memory_space<hbm>>) target_semaphore(%arg7 : memref<!tpu.dma_semaphore, #tpu.memory_space<semaphore_mem>>)
      %add3A_722 = arith.constant 896 : i32
      %add3A_723 = arith.addi %sub3A_354, %add3A_722 : i32
      %dma_start3A_724 = arith.constant 2 : i32
      %dma_start3A_725 = arith.constant 7 : i32
      %dma_start3A_726 = arith.constant 16 : i32
      %dma_start3A_727 = tpu.memref_slice %arg4[%dma_start3A_726, %add3A_723] : memref<64x1280xf32, #tpu.memory_space<vmem>> -> memref<8x128xf32, #tpu.memory_space<vmem>>
      %dma_start3A_728 = arith.constant 0 : i32
      %dma_start3A_729 = arith.constant 0 : i32
      %dma_start3A_730 = tpu.memref_slice %arg3[%add3A_350, %dma_start3A_724, %dma_start3A_725, %dma_start3A_728, %dma_start3A_729] : memref<1024x8x8x8x128xf32, #tpu.memory_space<hbm>> -> memref<1x1x1x8x128xf32, #tpu.memory_space<hbm>>
      %dma_start3A_731 = tpu.memref_squeeze %dma_start3A_730 : memref<1x1x1x8x128xf32, #tpu.memory_space<hbm>> -> memref<8x128xf32, #tpu.memory_space<hbm>>
      %dma_start3A_732 = arith.constant 0 : i32
      %dma_start3A_733 = arith.constant 0 : i32
      %dma_start3A_734 = tpu.memref_slice %arg3[%add3A_350, %dma_start3A_724, %dma_start3A_725, %dma_start3A_732, %dma_start3A_733] : memref<1024x8x8x8x128xf32, #tpu.memory_space<hbm>> -> memref<1x1x1x8x128xf32, #tpu.memory_space<hbm>>
      %dma_start3A_735 = tpu.memref_squeeze %dma_start3A_734 : memref<1x1x1x8x128xf32, #tpu.memory_space<hbm>> -> memref<8x128xf32, #tpu.memory_space<hbm>>
      %dma_start3A_736 = arith.constant 16 : i32
      %dma_start3A_737 = tpu.memref_slice %arg4[%dma_start3A_736, %add3A_723] : memref<64x1280xf32, #tpu.memory_space<vmem>> -> memref<8x128xf32, #tpu.memory_space<vmem>>
      tpu.enqueue_dma source(%dma_start3A_737 : memref<8x128xf32, #tpu.memory_space<vmem>>) target(%dma_start3A_735 : memref<8x128xf32, #tpu.memory_space<hbm>>) target_semaphore(%arg7 : memref<!tpu.dma_semaphore, #tpu.memory_space<semaphore_mem>>)
      %add3A_738 = arith.constant 0 : i32
      %add3A_739 = arith.addi %sub3A_354, %add3A_738 : i32
      %dma_start3A_740 = arith.constant 3 : i32
      %dma_start3A_741 = arith.constant 0 : i32
      %dma_start3A_742 = arith.constant 24 : i32
      %dma_start3A_743 = tpu.memref_slice %arg4[%dma_start3A_742, %add3A_739] : memref<64x1280xf32, #tpu.memory_space<vmem>> -> memref<8x128xf32, #tpu.memory_space<vmem>>
      %dma_start3A_744 = arith.constant 0 : i32
      %dma_start3A_745 = arith.constant 0 : i32
      %dma_start3A_746 = tpu.memref_slice %arg3[%add3A_350, %dma_start3A_740, %dma_start3A_741, %dma_start3A_744, %dma_start3A_745] : memref<1024x8x8x8x128xf32, #tpu.memory_space<hbm>> -> memref<1x1x1x8x128xf32, #tpu.memory_space<hbm>>
      %dma_start3A_747 = tpu.memref_squeeze %dma_start3A_746 : memref<1x1x1x8x128xf32, #tpu.memory_space<hbm>> -> memref<8x128xf32, #tpu.memory_space<hbm>>
      %dma_start3A_748 = arith.constant 0 : i32
      %dma_start3A_749 = arith.constant 0 : i32
      %dma_start3A_750 = tpu.memref_slice %arg3[%add3A_350, %dma_start3A_740, %dma_start3A_741, %dma_start3A_748, %dma_start3A_749] : memref<1024x8x8x8x128xf32, #tpu.memory_space<hbm>> -> memref<1x1x1x8x128xf32, #tpu.memory_space<hbm>>
      %dma_start3A_751 = tpu.memref_squeeze %dma_start3A_750 : memref<1x1x1x8x128xf32, #tpu.memory_space<hbm>> -> memref<8x128xf32, #tpu.memory_space<hbm>>
      %dma_start3A_752 = arith.constant 24 : i32
      %dma_start3A_753 = tpu.memref_slice %arg4[%dma_start3A_752, %add3A_739] : memref<64x1280xf32, #tpu.memory_space<vmem>> -> memref<8x128xf32, #tpu.memory_space<vmem>>
      tpu.enqueue_dma source(%dma_start3A_753 : memref<8x128xf32, #tpu.memory_space<vmem>>) target(%dma_start3A_751 : memref<8x128xf32, #tpu.memory_space<hbm>>) target_semaphore(%arg7 : memref<!tpu.dma_semaphore, #tpu.memory_space<semaphore_mem>>)
      %add3A_754 = arith.constant 128 : i32
      %add3A_755 = arith.addi %sub3A_354, %add3A_754 : i32
      %dma_start3A_756 = arith.constant 3 : i32
      %dma_start3A_757 = arith.constant 1 : i32
      %dma_start3A_758 = arith.constant 24 : i32
      %dma_start3A_759 = tpu.memref_slice %arg4[%dma_start3A_758, %add3A_755] : memref<64x1280xf32, #tpu.memory_space<vmem>> -> memref<8x128xf32, #tpu.memory_space<vmem>>
      %dma_start3A_760 = arith.constant 0 : i32
      %dma_start3A_761 = arith.constant 0 : i32
      %dma_start3A_762 = tpu.memref_slice %arg3[%add3A_350, %dma_start3A_756, %dma_start3A_757, %dma_start3A_760, %dma_start3A_761] : memref<1024x8x8x8x128xf32, #tpu.memory_space<hbm>> -> memref<1x1x1x8x128xf32, #tpu.memory_space<hbm>>
      %dma_start3A_763 = tpu.memref_squeeze %dma_start3A_762 : memref<1x1x1x8x128xf32, #tpu.memory_space<hbm>> -> memref<8x128xf32, #tpu.memory_space<hbm>>
      %dma_start3A_764 = arith.constant 0 : i32
      %dma_start3A_765 = arith.constant 0 : i32
      %dma_start3A_766 = tpu.memref_slice %arg3[%add3A_350, %dma_start3A_756, %dma_start3A_757, %dma_start3A_764, %dma_start3A_765] : memref<1024x8x8x8x128xf32, #tpu.memory_space<hbm>> -> memref<1x1x1x8x128xf32, #tpu.memory_space<hbm>>
      %dma_start3A_767 = tpu.memref_squeeze %dma_start3A_766 : memref<1x1x1x8x128xf32, #tpu.memory_space<hbm>> -> memref<8x128xf32, #tpu.memory_space<hbm>>
      %dma_start3A_768 = arith.constant 24 : i32
      %dma_start3A_769 = tpu.memref_slice %arg4[%dma_start3A_768, %add3A_755] : memref<64x1280xf32, #tpu.memory_space<vmem>> -> memref<8x128xf32, #tpu.memory_space<vmem>>
      tpu.enqueue_dma source(%dma_start3A_769 : memref<8x128xf32, #tpu.memory_space<vmem>>) target(%dma_start3A_767 : memref<8x128xf32, #tpu.memory_space<hbm>>) target_semaphore(%arg7 : memref<!tpu.dma_semaphore, #tpu.memory_space<semaphore_mem>>)
      %add3A_770 = arith.constant 256 : i32
      %add3A_771 = arith.addi %sub3A_354, %add3A_770 : i32
      %dma_start3A_772 = arith.constant 3 : i32
      %dma_start3A_773 = arith.constant 2 : i32
      %dma_start3A_774 = arith.constant 24 : i32
      %dma_start3A_775 = tpu.memref_slice %arg4[%dma_start3A_774, %add3A_771] : memref<64x1280xf32, #tpu.memory_space<vmem>> -> memref<8x128xf32, #tpu.memory_space<vmem>>
      %dma_start3A_776 = arith.constant 0 : i32
      %dma_start3A_777 = arith.constant 0 : i32
      %dma_start3A_778 = tpu.memref_slice %arg3[%add3A_350, %dma_start3A_772, %dma_start3A_773, %dma_start3A_776, %dma_start3A_777] : memref<1024x8x8x8x128xf32, #tpu.memory_space<hbm>> -> memref<1x1x1x8x128xf32, #tpu.memory_space<hbm>>
      %dma_start3A_779 = tpu.memref_squeeze %dma_start3A_778 : memref<1x1x1x8x128xf32, #tpu.memory_space<hbm>> -> memref<8x128xf32, #tpu.memory_space<hbm>>
      %dma_start3A_780 = arith.constant 0 : i32
      %dma_start3A_781 = arith.constant 0 : i32
      %dma_start3A_782 = tpu.memref_slice %arg3[%add3A_350, %dma_start3A_772, %dma_start3A_773, %dma_start3A_780, %dma_start3A_781] : memref<1024x8x8x8x128xf32, #tpu.memory_space<hbm>> -> memref<1x1x1x8x128xf32, #tpu.memory_space<hbm>>
      %dma_start3A_783 = tpu.memref_squeeze %dma_start3A_782 : memref<1x1x1x8x128xf32, #tpu.memory_space<hbm>> -> memref<8x128xf32, #tpu.memory_space<hbm>>
      %dma_start3A_784 = arith.constant 24 : i32
      %dma_start3A_785 = tpu.memref_slice %arg4[%dma_start3A_784, %add3A_771] : memref<64x1280xf32, #tpu.memory_space<vmem>> -> memref<8x128xf32, #tpu.memory_space<vmem>>
      tpu.enqueue_dma source(%dma_start3A_785 : memref<8x128xf32, #tpu.memory_space<vmem>>) target(%dma_start3A_783 : memref<8x128xf32, #tpu.memory_space<hbm>>) target_semaphore(%arg7 : memref<!tpu.dma_semaphore, #tpu.memory_space<semaphore_mem>>)
      %add3A_786 = arith.constant 384 : i32
      %add3A_787 = arith.addi %sub3A_354, %add3A_786 : i32
      %dma_start3A_788 = arith.constant 3 : i32
      %dma_start3A_789 = arith.constant 3 : i32
      %dma_start3A_790 = arith.constant 24 : i32
      %dma_start3A_791 = tpu.memref_slice %arg4[%dma_start3A_790, %add3A_787] : memref<64x1280xf32, #tpu.memory_space<vmem>> -> memref<8x128xf32, #tpu.memory_space<vmem>>
      %dma_start3A_792 = arith.constant 0 : i32
      %dma_start3A_793 = arith.constant 0 : i32
      %dma_start3A_794 = tpu.memref_slice %arg3[%add3A_350, %dma_start3A_788, %dma_start3A_789, %dma_start3A_792, %dma_start3A_793] : memref<1024x8x8x8x128xf32, #tpu.memory_space<hbm>> -> memref<1x1x1x8x128xf32, #tpu.memory_space<hbm>>
      %dma_start3A_795 = tpu.memref_squeeze %dma_start3A_794 : memref<1x1x1x8x128xf32, #tpu.memory_space<hbm>> -> memref<8x128xf32, #tpu.memory_space<hbm>>
      %dma_start3A_796 = arith.constant 0 : i32
      %dma_start3A_797 = arith.constant 0 : i32
      %dma_start3A_798 = tpu.memref_slice %arg3[%add3A_350, %dma_start3A_788, %dma_start3A_789, %dma_start3A_796, %dma_start3A_797] : memref<1024x8x8x8x128xf32, #tpu.memory_space<hbm>> -> memref<1x1x1x8x128xf32, #tpu.memory_space<hbm>>
      %dma_start3A_799 = tpu.memref_squeeze %dma_start3A_798 : memref<1x1x1x8x128xf32, #tpu.memory_space<hbm>> -> memref<8x128xf32, #tpu.memory_space<hbm>>
      %dma_start3A_800 = arith.constant 24 : i32
      %dma_start3A_801 = tpu.memref_slice %arg4[%dma_start3A_800, %add3A_787] : memref<64x1280xf32, #tpu.memory_space<vmem>> -> memref<8x128xf32, #tpu.memory_space<vmem>>
      tpu.enqueue_dma source(%dma_start3A_801 : memref<8x128xf32, #tpu.memory_space<vmem>>) target(%dma_start3A_799 : memref<8x128xf32, #tpu.memory_space<hbm>>) target_semaphore(%arg7 : memref<!tpu.dma_semaphore, #tpu.memory_space<semaphore_mem>>)
      %add3A_802 = arith.constant 512 : i32
      %add3A_803 = arith.addi %sub3A_354, %add3A_802 : i32
      %dma_start3A_804 = arith.constant 3 : i32
      %dma_start3A_805 = arith.constant 4 : i32
      %dma_start3A_806 = arith.constant 24 : i32
      %dma_start3A_807 = tpu.memref_slice %arg4[%dma_start3A_806, %add3A_803] : memref<64x1280xf32, #tpu.memory_space<vmem>> -> memref<8x128xf32, #tpu.memory_space<vmem>>
      %dma_start3A_808 = arith.constant 0 : i32
      %dma_start3A_809 = arith.constant 0 : i32
      %dma_start3A_810 = tpu.memref_slice %arg3[%add3A_350, %dma_start3A_804, %dma_start3A_805, %dma_start3A_808, %dma_start3A_809] : memref<1024x8x8x8x128xf32, #tpu.memory_space<hbm>> -> memref<1x1x1x8x128xf32, #tpu.memory_space<hbm>>
      %dma_start3A_811 = tpu.memref_squeeze %dma_start3A_810 : memref<1x1x1x8x128xf32, #tpu.memory_space<hbm>> -> memref<8x128xf32, #tpu.memory_space<hbm>>
      %dma_start3A_812 = arith.constant 0 : i32
      %dma_start3A_813 = arith.constant 0 : i32
      %dma_start3A_814 = tpu.memref_slice %arg3[%add3A_350, %dma_start3A_804, %dma_start3A_805, %dma_start3A_812, %dma_start3A_813] : memref<1024x8x8x8x128xf32, #tpu.memory_space<hbm>> -> memref<1x1x1x8x128xf32, #tpu.memory_space<hbm>>
      %dma_start3A_815 = tpu.memref_squeeze %dma_start3A_814 : memref<1x1x1x8x128xf32, #tpu.memory_space<hbm>> -> memref<8x128xf32, #tpu.memory_space<hbm>>
      %dma_start3A_816 = arith.constant 24 : i32
      %dma_start3A_817 = tpu.memref_slice %arg4[%dma_start3A_816, %add3A_803] : memref<64x1280xf32, #tpu.memory_space<vmem>> -> memref<8x128xf32, #tpu.memory_space<vmem>>
      tpu.enqueue_dma source(%dma_start3A_817 : memref<8x128xf32, #tpu.memory_space<vmem>>) target(%dma_start3A_815 : memref<8x128xf32, #tpu.memory_space<hbm>>) target_semaphore(%arg7 : memref<!tpu.dma_semaphore, #tpu.memory_space<semaphore_mem>>)
      %add3A_818 = arith.constant 640 : i32
      %add3A_819 = arith.addi %sub3A_354, %add3A_818 : i32
      %dma_start3A_820 = arith.constant 3 : i32
      %dma_start3A_821 = arith.constant 5 : i32
      %dma_start3A_822 = arith.constant 24 : i32
      %dma_start3A_823 = tpu.memref_slice %arg4[%dma_start3A_822, %add3A_819] : memref<64x1280xf32, #tpu.memory_space<vmem>> -> memref<8x128xf32, #tpu.memory_space<vmem>>
      %dma_start3A_824 = arith.constant 0 : i32
      %dma_start3A_825 = arith.constant 0 : i32
      %dma_start3A_826 = tpu.memref_slice %arg3[%add3A_350, %dma_start3A_820, %dma_start3A_821, %dma_start3A_824, %dma_start3A_825] : memref<1024x8x8x8x128xf32, #tpu.memory_space<hbm>> -> memref<1x1x1x8x128xf32, #tpu.memory_space<hbm>>
      %dma_start3A_827 = tpu.memref_squeeze %dma_start3A_826 : memref<1x1x1x8x128xf32, #tpu.memory_space<hbm>> -> memref<8x128xf32, #tpu.memory_space<hbm>>
      %dma_start3A_828 = arith.constant 0 : i32
      %dma_start3A_829 = arith.constant 0 : i32
      %dma_start3A_830 = tpu.memref_slice %arg3[%add3A_350, %dma_start3A_820, %dma_start3A_821, %dma_start3A_828, %dma_start3A_829] : memref<1024x8x8x8x128xf32, #tpu.memory_space<hbm>> -> memref<1x1x1x8x128xf32, #tpu.memory_space<hbm>>
      %dma_start3A_831 = tpu.memref_squeeze %dma_start3A_830 : memref<1x1x1x8x128xf32, #tpu.memory_space<hbm>> -> memref<8x128xf32, #tpu.memory_space<hbm>>
      %dma_start3A_832 = arith.constant 24 : i32
      %dma_start3A_833 = tpu.memref_slice %arg4[%dma_start3A_832, %add3A_819] : memref<64x1280xf32, #tpu.memory_space<vmem>> -> memref<8x128xf32, #tpu.memory_space<vmem>>
      tpu.enqueue_dma source(%dma_start3A_833 : memref<8x128xf32, #tpu.memory_space<vmem>>) target(%dma_start3A_831 : memref<8x128xf32, #tpu.memory_space<hbm>>) target_semaphore(%arg7 : memref<!tpu.dma_semaphore, #tpu.memory_space<semaphore_mem>>)
      %add3A_834 = arith.constant 768 : i32
      %add3A_835 = arith.addi %sub3A_354, %add3A_834 : i32
      %dma_start3A_836 = arith.constant 3 : i32
      %dma_start3A_837 = arith.constant 6 : i32
      %dma_start3A_838 = arith.constant 24 : i32
      %dma_start3A_839 = tpu.memref_slice %arg4[%dma_start3A_838, %add3A_835] : memref<64x1280xf32, #tpu.memory_space<vmem>> -> memref<8x128xf32, #tpu.memory_space<vmem>>
      %dma_start3A_840 = arith.constant 0 : i32
      %dma_start3A_841 = arith.constant 0 : i32
      %dma_start3A_842 = tpu.memref_slice %arg3[%add3A_350, %dma_start3A_836, %dma_start3A_837, %dma_start3A_840, %dma_start3A_841] : memref<1024x8x8x8x128xf32, #tpu.memory_space<hbm>> -> memref<1x1x1x8x128xf32, #tpu.memory_space<hbm>>
      %dma_start3A_843 = tpu.memref_squeeze %dma_start3A_842 : memref<1x1x1x8x128xf32, #tpu.memory_space<hbm>> -> memref<8x128xf32, #tpu.memory_space<hbm>>
      %dma_start3A_844 = arith.constant 0 : i32
      %dma_start3A_845 = arith.constant 0 : i32
      %dma_start3A_846 = tpu.memref_slice %arg3[%add3A_350, %dma_start3A_836, %dma_start3A_837, %dma_start3A_844, %dma_start3A_845] : memref<1024x8x8x8x128xf32, #tpu.memory_space<hbm>> -> memref<1x1x1x8x128xf32, #tpu.memory_space<hbm>>
      %dma_start3A_847 = tpu.memref_squeeze %dma_start3A_846 : memref<1x1x1x8x128xf32, #tpu.memory_space<hbm>> -> memref<8x128xf32, #tpu.memory_space<hbm>>
      %dma_start3A_848 = arith.constant 24 : i32
      %dma_start3A_849 = tpu.memref_slice %arg4[%dma_start3A_848, %add3A_835] : memref<64x1280xf32, #tpu.memory_space<vmem>> -> memref<8x128xf32, #tpu.memory_space<vmem>>
      tpu.enqueue_dma source(%dma_start3A_849 : memref<8x128xf32, #tpu.memory_space<vmem>>) target(%dma_start3A_847 : memref<8x128xf32, #tpu.memory_space<hbm>>) target_semaphore(%arg7 : memref<!tpu.dma_semaphore, #tpu.memory_space<semaphore_mem>>)
      %add3A_850 = arith.constant 896 : i32
      %add3A_851 = arith.addi %sub3A_354, %add3A_850 : i32
      %dma_start3A_852 = arith.constant 3 : i32
      %dma_start3A_853 = arith.constant 7 : i32
      %dma_start3A_854 = arith.constant 24 : i32
      %dma_start3A_855 = tpu.memref_slice %arg4[%dma_start3A_854, %add3A_851] : memref<64x1280xf32, #tpu.memory_space<vmem>> -> memref<8x128xf32, #tpu.memory_space<vmem>>
      %dma_start3A_856 = arith.constant 0 : i32
      %dma_start3A_857 = arith.constant 0 : i32
      %dma_start3A_858 = tpu.memref_slice %arg3[%add3A_350, %dma_start3A_852, %dma_start3A_853, %dma_start3A_856, %dma_start3A_857] : memref<1024x8x8x8x128xf32, #tpu.memory_space<hbm>> -> memref<1x1x1x8x128xf32, #tpu.memory_space<hbm>>
      %dma_start3A_859 = tpu.memref_squeeze %dma_start3A_858 : memref<1x1x1x8x128xf32, #tpu.memory_space<hbm>> -> memref<8x128xf32, #tpu.memory_space<hbm>>
      %dma_start3A_860 = arith.constant 0 : i32
      %dma_start3A_861 = arith.constant 0 : i32
      %dma_start3A_862 = tpu.memref_slice %arg3[%add3A_350, %dma_start3A_852, %dma_start3A_853, %dma_start3A_860, %dma_start3A_861] : memref<1024x8x8x8x128xf32, #tpu.memory_space<hbm>> -> memref<1x1x1x8x128xf32, #tpu.memory_space<hbm>>
      %dma_start3A_863 = tpu.memref_squeeze %dma_start3A_862 : memref<1x1x1x8x128xf32, #tpu.memory_space<hbm>> -> memref<8x128xf32, #tpu.memory_space<hbm>>
      %dma_start3A_864 = arith.constant 24 : i32
      %dma_start3A_865 = tpu.memref_slice %arg4[%dma_start3A_864, %add3A_851] : memref<64x1280xf32, #tpu.memory_space<vmem>> -> memref<8x128xf32, #tpu.memory_space<vmem>>
      tpu.enqueue_dma source(%dma_start3A_865 : memref<8x128xf32, #tpu.memory_space<vmem>>) target(%dma_start3A_863 : memref<8x128xf32, #tpu.memory_space<hbm>>) target_semaphore(%arg7 : memref<!tpu.dma_semaphore, #tpu.memory_space<semaphore_mem>>)
      %add3A_866 = arith.constant 0 : i32
      %add3A_867 = arith.addi %sub3A_354, %add3A_866 : i32
      %dma_start3A_868 = arith.constant 4 : i32
      %dma_start3A_869 = arith.constant 0 : i32
      %dma_start3A_870 = arith.constant 32 : i32
      %dma_start3A_871 = tpu.memref_slice %arg4[%dma_start3A_870, %add3A_867] : memref<64x1280xf32, #tpu.memory_space<vmem>> -> memref<8x128xf32, #tpu.memory_space<vmem>>
      %dma_start3A_872 = arith.constant 0 : i32
      %dma_start3A_873 = arith.constant 0 : i32
      %dma_start3A_874 = tpu.memref_slice %arg3[%add3A_350, %dma_start3A_868, %dma_start3A_869, %dma_start3A_872, %dma_start3A_873] : memref<1024x8x8x8x128xf32, #tpu.memory_space<hbm>> -> memref<1x1x1x8x128xf32, #tpu.memory_space<hbm>>
      %dma_start3A_875 = tpu.memref_squeeze %dma_start3A_874 : memref<1x1x1x8x128xf32, #tpu.memory_space<hbm>> -> memref<8x128xf32, #tpu.memory_space<hbm>>
      %dma_start3A_876 = arith.constant 0 : i32
      %dma_start3A_877 = arith.constant 0 : i32
      %dma_start3A_878 = tpu.memref_slice %arg3[%add3A_350, %dma_start3A_868, %dma_start3A_869, %dma_start3A_876, %dma_start3A_877] : memref<1024x8x8x8x128xf32, #tpu.memory_space<hbm>> -> memref<1x1x1x8x128xf32, #tpu.memory_space<hbm>>
      %dma_start3A_879 = tpu.memref_squeeze %dma_start3A_878 : memref<1x1x1x8x128xf32, #tpu.memory_space<hbm>> -> memref<8x128xf32, #tpu.memory_space<hbm>>
      %dma_start3A_880 = arith.constant 32 : i32
      %dma_start3A_881 = tpu.memref_slice %arg4[%dma_start3A_880, %add3A_867] : memref<64x1280xf32, #tpu.memory_space<vmem>> -> memref<8x128xf32, #tpu.memory_space<vmem>>
      tpu.enqueue_dma source(%dma_start3A_881 : memref<8x128xf32, #tpu.memory_space<vmem>>) target(%dma_start3A_879 : memref<8x128xf32, #tpu.memory_space<hbm>>) target_semaphore(%arg7 : memref<!tpu.dma_semaphore, #tpu.memory_space<semaphore_mem>>)
      %add3A_882 = arith.constant 128 : i32
      %add3A_883 = arith.addi %sub3A_354, %add3A_882 : i32
      %dma_start3A_884 = arith.constant 4 : i32
      %dma_start3A_885 = arith.constant 1 : i32
      %dma_start3A_886 = arith.constant 32 : i32
      %dma_start3A_887 = tpu.memref_slice %arg4[%dma_start3A_886, %add3A_883] : memref<64x1280xf32, #tpu.memory_space<vmem>> -> memref<8x128xf32, #tpu.memory_space<vmem>>
      %dma_start3A_888 = arith.constant 0 : i32
      %dma_start3A_889 = arith.constant 0 : i32
      %dma_start3A_890 = tpu.memref_slice %arg3[%add3A_350, %dma_start3A_884, %dma_start3A_885, %dma_start3A_888, %dma_start3A_889] : memref<1024x8x8x8x128xf32, #tpu.memory_space<hbm>> -> memref<1x1x1x8x128xf32, #tpu.memory_space<hbm>>
      %dma_start3A_891 = tpu.memref_squeeze %dma_start3A_890 : memref<1x1x1x8x128xf32, #tpu.memory_space<hbm>> -> memref<8x128xf32, #tpu.memory_space<hbm>>
      %dma_start3A_892 = arith.constant 0 : i32
      %dma_start3A_893 = arith.constant 0 : i32
      %dma_start3A_894 = tpu.memref_slice %arg3[%add3A_350, %dma_start3A_884, %dma_start3A_885, %dma_start3A_892, %dma_start3A_893] : memref<1024x8x8x8x128xf32, #tpu.memory_space<hbm>> -> memref<1x1x1x8x128xf32, #tpu.memory_space<hbm>>
      %dma_start3A_895 = tpu.memref_squeeze %dma_start3A_894 : memref<1x1x1x8x128xf32, #tpu.memory_space<hbm>> -> memref<8x128xf32, #tpu.memory_space<hbm>>
      %dma_start3A_896 = arith.constant 32 : i32
      %dma_start3A_897 = tpu.memref_slice %arg4[%dma_start3A_896, %add3A_883] : memref<64x1280xf32, #tpu.memory_space<vmem>> -> memref<8x128xf32, #tpu.memory_space<vmem>>
      tpu.enqueue_dma source(%dma_start3A_897 : memref<8x128xf32, #tpu.memory_space<vmem>>) target(%dma_start3A_895 : memref<8x128xf32, #tpu.memory_space<hbm>>) target_semaphore(%arg7 : memref<!tpu.dma_semaphore, #tpu.memory_space<semaphore_mem>>)
      %add3A_898 = arith.constant 256 : i32
      %add3A_899 = arith.addi %sub3A_354, %add3A_898 : i32
      %dma_start3A_900 = arith.constant 4 : i32
      %dma_start3A_901 = arith.constant 2 : i32
      %dma_start3A_902 = arith.constant 32 : i32
      %dma_start3A_903 = tpu.memref_slice %arg4[%dma_start3A_902, %add3A_899] : memref<64x1280xf32, #tpu.memory_space<vmem>> -> memref<8x128xf32, #tpu.memory_space<vmem>>
      %dma_start3A_904 = arith.constant 0 : i32
      %dma_start3A_905 = arith.constant 0 : i32
      %dma_start3A_906 = tpu.memref_slice %arg3[%add3A_350, %dma_start3A_900, %dma_start3A_901, %dma_start3A_904, %dma_start3A_905] : memref<1024x8x8x8x128xf32, #tpu.memory_space<hbm>> -> memref<1x1x1x8x128xf32, #tpu.memory_space<hbm>>
      %dma_start3A_907 = tpu.memref_squeeze %dma_start3A_906 : memref<1x1x1x8x128xf32, #tpu.memory_space<hbm>> -> memref<8x128xf32, #tpu.memory_space<hbm>>
      %dma_start3A_908 = arith.constant 0 : i32
      %dma_start3A_909 = arith.constant 0 : i32
      %dma_start3A_910 = tpu.memref_slice %arg3[%add3A_350, %dma_start3A_900, %dma_start3A_901, %dma_start3A_908, %dma_start3A_909] : memref<1024x8x8x8x128xf32, #tpu.memory_space<hbm>> -> memref<1x1x1x8x128xf32, #tpu.memory_space<hbm>>
      %dma_start3A_911 = tpu.memref_squeeze %dma_start3A_910 : memref<1x1x1x8x128xf32, #tpu.memory_space<hbm>> -> memref<8x128xf32, #tpu.memory_space<hbm>>
      %dma_start3A_912 = arith.constant 32 : i32
      %dma_start3A_913 = tpu.memref_slice %arg4[%dma_start3A_912, %add3A_899] : memref<64x1280xf32, #tpu.memory_space<vmem>> -> memref<8x128xf32, #tpu.memory_space<vmem>>
      tpu.enqueue_dma source(%dma_start3A_913 : memref<8x128xf32, #tpu.memory_space<vmem>>) target(%dma_start3A_911 : memref<8x128xf32, #tpu.memory_space<hbm>>) target_semaphore(%arg7 : memref<!tpu.dma_semaphore, #tpu.memory_space<semaphore_mem>>)
      %add3A_914 = arith.constant 384 : i32
      %add3A_915 = arith.addi %sub3A_354, %add3A_914 : i32
      %dma_start3A_916 = arith.constant 4 : i32
      %dma_start3A_917 = arith.constant 3 : i32
      %dma_start3A_918 = arith.constant 32 : i32
      %dma_start3A_919 = tpu.memref_slice %arg4[%dma_start3A_918, %add3A_915] : memref<64x1280xf32, #tpu.memory_space<vmem>> -> memref<8x128xf32, #tpu.memory_space<vmem>>
      %dma_start3A_920 = arith.constant 0 : i32
      %dma_start3A_921 = arith.constant 0 : i32
      %dma_start3A_922 = tpu.memref_slice %arg3[%add3A_350, %dma_start3A_916, %dma_start3A_917, %dma_start3A_920, %dma_start3A_921] : memref<1024x8x8x8x128xf32, #tpu.memory_space<hbm>> -> memref<1x1x1x8x128xf32, #tpu.memory_space<hbm>>
      %dma_start3A_923 = tpu.memref_squeeze %dma_start3A_922 : memref<1x1x1x8x128xf32, #tpu.memory_space<hbm>> -> memref<8x128xf32, #tpu.memory_space<hbm>>
      %dma_start3A_924 = arith.constant 0 : i32
      %dma_start3A_925 = arith.constant 0 : i32
      %dma_start3A_926 = tpu.memref_slice %arg3[%add3A_350, %dma_start3A_916, %dma_start3A_917, %dma_start3A_924, %dma_start3A_925] : memref<1024x8x8x8x128xf32, #tpu.memory_space<hbm>> -> memref<1x1x1x8x128xf32, #tpu.memory_space<hbm>>
      %dma_start3A_927 = tpu.memref_squeeze %dma_start3A_926 : memref<1x1x1x8x128xf32, #tpu.memory_space<hbm>> -> memref<8x128xf32, #tpu.memory_space<hbm>>
      %dma_start3A_928 = arith.constant 32 : i32
      %dma_start3A_929 = tpu.memref_slice %arg4[%dma_start3A_928, %add3A_915] : memref<64x1280xf32, #tpu.memory_space<vmem>> -> memref<8x128xf32, #tpu.memory_space<vmem>>
      tpu.enqueue_dma source(%dma_start3A_929 : memref<8x128xf32, #tpu.memory_space<vmem>>) target(%dma_start3A_927 : memref<8x128xf32, #tpu.memory_space<hbm>>) target_semaphore(%arg7 : memref<!tpu.dma_semaphore, #tpu.memory_space<semaphore_mem>>)
      %add3A_930 = arith.constant 512 : i32
      %add3A_931 = arith.addi %sub3A_354, %add3A_930 : i32
      %dma_start3A_932 = arith.constant 4 : i32
      %dma_start3A_933 = arith.constant 4 : i32
      %dma_start3A_934 = arith.constant 32 : i32
      %dma_start3A_935 = tpu.memref_slice %arg4[%dma_start3A_934, %add3A_931] : memref<64x1280xf32, #tpu.memory_space<vmem>> -> memref<8x128xf32, #tpu.memory_space<vmem>>
      %dma_start3A_936 = arith.constant 0 : i32
      %dma_start3A_937 = arith.constant 0 : i32
      %dma_start3A_938 = tpu.memref_slice %arg3[%add3A_350, %dma_start3A_932, %dma_start3A_933, %dma_start3A_936, %dma_start3A_937] : memref<1024x8x8x8x128xf32, #tpu.memory_space<hbm>> -> memref<1x1x1x8x128xf32, #tpu.memory_space<hbm>>
      %dma_start3A_939 = tpu.memref_squeeze %dma_start3A_938 : memref<1x1x1x8x128xf32, #tpu.memory_space<hbm>> -> memref<8x128xf32, #tpu.memory_space<hbm>>
      %dma_start3A_940 = arith.constant 0 : i32
      %dma_start3A_941 = arith.constant 0 : i32
      %dma_start3A_942 = tpu.memref_slice %arg3[%add3A_350, %dma_start3A_932, %dma_start3A_933, %dma_start3A_940, %dma_start3A_941] : memref<1024x8x8x8x128xf32, #tpu.memory_space<hbm>> -> memref<1x1x1x8x128xf32, #tpu.memory_space<hbm>>
      %dma_start3A_943 = tpu.memref_squeeze %dma_start3A_942 : memref<1x1x1x8x128xf32, #tpu.memory_space<hbm>> -> memref<8x128xf32, #tpu.memory_space<hbm>>
      %dma_start3A_944 = arith.constant 32 : i32
      %dma_start3A_945 = tpu.memref_slice %arg4[%dma_start3A_944, %add3A_931] : memref<64x1280xf32, #tpu.memory_space<vmem>> -> memref<8x128xf32, #tpu.memory_space<vmem>>
      tpu.enqueue_dma source(%dma_start3A_945 : memref<8x128xf32, #tpu.memory_space<vmem>>) target(%dma_start3A_943 : memref<8x128xf32, #tpu.memory_space<hbm>>) target_semaphore(%arg7 : memref<!tpu.dma_semaphore, #tpu.memory_space<semaphore_mem>>)
      %add3A_946 = arith.constant 640 : i32
      %add3A_947 = arith.addi %sub3A_354, %add3A_946 : i32
      %dma_start3A_948 = arith.constant 4 : i32
      %dma_start3A_949 = arith.constant 5 : i32
      %dma_start3A_950 = arith.constant 32 : i32
      %dma_start3A_951 = tpu.memref_slice %arg4[%dma_start3A_950, %add3A_947] : memref<64x1280xf32, #tpu.memory_space<vmem>> -> memref<8x128xf32, #tpu.memory_space<vmem>>
      %dma_start3A_952 = arith.constant 0 : i32
      %dma_start3A_953 = arith.constant 0 : i32
      %dma_start3A_954 = tpu.memref_slice %arg3[%add3A_350, %dma_start3A_948, %dma_start3A_949, %dma_start3A_952, %dma_start3A_953] : memref<1024x8x8x8x128xf32, #tpu.memory_space<hbm>> -> memref<1x1x1x8x128xf32, #tpu.memory_space<hbm>>
      %dma_start3A_955 = tpu.memref_squeeze %dma_start3A_954 : memref<1x1x1x8x128xf32, #tpu.memory_space<hbm>> -> memref<8x128xf32, #tpu.memory_space<hbm>>
      %dma_start3A_956 = arith.constant 0 : i32
      %dma_start3A_957 = arith.constant 0 : i32
      %dma_start3A_958 = tpu.memref_slice %arg3[%add3A_350, %dma_start3A_948, %dma_start3A_949, %dma_start3A_956, %dma_start3A_957] : memref<1024x8x8x8x128xf32, #tpu.memory_space<hbm>> -> memref<1x1x1x8x128xf32, #tpu.memory_space<hbm>>
      %dma_start3A_959 = tpu.memref_squeeze %dma_start3A_958 : memref<1x1x1x8x128xf32, #tpu.memory_space<hbm>> -> memref<8x128xf32, #tpu.memory_space<hbm>>
      %dma_start3A_960 = arith.constant 32 : i32
      %dma_start3A_961 = tpu.memref_slice %arg4[%dma_start3A_960, %add3A_947] : memref<64x1280xf32, #tpu.memory_space<vmem>> -> memref<8x128xf32, #tpu.memory_space<vmem>>
      tpu.enqueue_dma source(%dma_start3A_961 : memref<8x128xf32, #tpu.memory_space<vmem>>) target(%dma_start3A_959 : memref<8x128xf32, #tpu.memory_space<hbm>>) target_semaphore(%arg7 : memref<!tpu.dma_semaphore, #tpu.memory_space<semaphore_mem>>)
      %add3A_962 = arith.constant 768 : i32
      %add3A_963 = arith.addi %sub3A_354, %add3A_962 : i32
      %dma_start3A_964 = arith.constant 4 : i32
      %dma_start3A_965 = arith.constant 6 : i32
      %dma_start3A_966 = arith.constant 32 : i32
      %dma_start3A_967 = tpu.memref_slice %arg4[%dma_start3A_966, %add3A_963] : memref<64x1280xf32, #tpu.memory_space<vmem>> -> memref<8x128xf32, #tpu.memory_space<vmem>>
      %dma_start3A_968 = arith.constant 0 : i32
      %dma_start3A_969 = arith.constant 0 : i32
      %dma_start3A_970 = tpu.memref_slice %arg3[%add3A_350, %dma_start3A_964, %dma_start3A_965, %dma_start3A_968, %dma_start3A_969] : memref<1024x8x8x8x128xf32, #tpu.memory_space<hbm>> -> memref<1x1x1x8x128xf32, #tpu.memory_space<hbm>>
      %dma_start3A_971 = tpu.memref_squeeze %dma_start3A_970 : memref<1x1x1x8x128xf32, #tpu.memory_space<hbm>> -> memref<8x128xf32, #tpu.memory_space<hbm>>
      %dma_start3A_972 = arith.constant 0 : i32
      %dma_start3A_973 = arith.constant 0 : i32
      %dma_start3A_974 = tpu.memref_slice %arg3[%add3A_350, %dma_start3A_964, %dma_start3A_965, %dma_start3A_972, %dma_start3A_973] : memref<1024x8x8x8x128xf32, #tpu.memory_space<hbm>> -> memref<1x1x1x8x128xf32, #tpu.memory_space<hbm>>
      %dma_start3A_975 = tpu.memref_squeeze %dma_start3A_974 : memref<1x1x1x8x128xf32, #tpu.memory_space<hbm>> -> memref<8x128xf32, #tpu.memory_space<hbm>>
      %dma_start3A_976 = arith.constant 32 : i32
      %dma_start3A_977 = tpu.memref_slice %arg4[%dma_start3A_976, %add3A_963] : memref<64x1280xf32, #tpu.memory_space<vmem>> -> memref<8x128xf32, #tpu.memory_space<vmem>>
      tpu.enqueue_dma source(%dma_start3A_977 : memref<8x128xf32, #tpu.memory_space<vmem>>) target(%dma_start3A_975 : memref<8x128xf32, #tpu.memory_space<hbm>>) target_semaphore(%arg7 : memref<!tpu.dma_semaphore, #tpu.memory_space<semaphore_mem>>)
      %add3A_978 = arith.constant 896 : i32
      %add3A_979 = arith.addi %sub3A_354, %add3A_978 : i32
      %dma_start3A_980 = arith.constant 4 : i32
      %dma_start3A_981 = arith.constant 7 : i32
      %dma_start3A_982 = arith.constant 32 : i32
      %dma_start3A_983 = tpu.memref_slice %arg4[%dma_start3A_982, %add3A_979] : memref<64x1280xf32, #tpu.memory_space<vmem>> -> memref<8x128xf32, #tpu.memory_space<vmem>>
      %dma_start3A_984 = arith.constant 0 : i32
      %dma_start3A_985 = arith.constant 0 : i32
      %dma_start3A_986 = tpu.memref_slice %arg3[%add3A_350, %dma_start3A_980, %dma_start3A_981, %dma_start3A_984, %dma_start3A_985] : memref<1024x8x8x8x128xf32, #tpu.memory_space<hbm>> -> memref<1x1x1x8x128xf32, #tpu.memory_space<hbm>>
      %dma_start3A_987 = tpu.memref_squeeze %dma_start3A_986 : memref<1x1x1x8x128xf32, #tpu.memory_space<hbm>> -> memref<8x128xf32, #tpu.memory_space<hbm>>
      %dma_start3A_988 = arith.constant 0 : i32
      %dma_start3A_989 = arith.constant 0 : i32
      %dma_start3A_990 = tpu.memref_slice %arg3[%add3A_350, %dma_start3A_980, %dma_start3A_981, %dma_start3A_988, %dma_start3A_989] : memref<1024x8x8x8x128xf32, #tpu.memory_space<hbm>> -> memref<1x1x1x8x128xf32, #tpu.memory_space<hbm>>
      %dma_start3A_991 = tpu.memref_squeeze %dma_start3A_990 : memref<1x1x1x8x128xf32, #tpu.memory_space<hbm>> -> memref<8x128xf32, #tpu.memory_space<hbm>>
      %dma_start3A_992 = arith.constant 32 : i32
      %dma_start3A_993 = tpu.memref_slice %arg4[%dma_start3A_992, %add3A_979] : memref<64x1280xf32, #tpu.memory_space<vmem>> -> memref<8x128xf32, #tpu.memory_space<vmem>>
      tpu.enqueue_dma source(%dma_start3A_993 : memref<8x128xf32, #tpu.memory_space<vmem>>) target(%dma_start3A_991 : memref<8x128xf32, #tpu.memory_space<hbm>>) target_semaphore(%arg7 : memref<!tpu.dma_semaphore, #tpu.memory_space<semaphore_mem>>)
      %add3A_994 = arith.constant 0 : i32
      %add3A_995 = arith.addi %sub3A_354, %add3A_994 : i32
      %dma_start3A_996 = arith.constant 5 : i32
      %dma_start3A_997 = arith.constant 0 : i32
      %dma_start3A_998 = arith.constant 40 : i32
      %dma_start3A_999 = tpu.memref_slice %arg4[%dma_start3A_998, %add3A_995] : memref<64x1280xf32, #tpu.memory_space<vmem>> -> memref<8x128xf32, #tpu.memory_space<vmem>>
      %dma_start3A_1000 = arith.constant 0 : i32
      %dma_start3A_1001 = arith.constant 0 : i32
      %dma_start3A_1002 = tpu.memref_slice %arg3[%add3A_350, %dma_start3A_996, %dma_start3A_997, %dma_start3A_1000, %dma_start3A_1001] : memref<1024x8x8x8x128xf32, #tpu.memory_space<hbm>> -> memref<1x1x1x8x128xf32, #tpu.memory_space<hbm>>
      %dma_start3A_1003 = tpu.memref_squeeze %dma_start3A_1002 : memref<1x1x1x8x128xf32, #tpu.memory_space<hbm>> -> memref<8x128xf32, #tpu.memory_space<hbm>>
      %dma_start3A_1004 = arith.constant 0 : i32
      %dma_start3A_1005 = arith.constant 0 : i32
      %dma_start3A_1006 = tpu.memref_slice %arg3[%add3A_350, %dma_start3A_996, %dma_start3A_997, %dma_start3A_1004, %dma_start3A_1005] : memref<1024x8x8x8x128xf32, #tpu.memory_space<hbm>> -> memref<1x1x1x8x128xf32, #tpu.memory_space<hbm>>
      %dma_start3A_1007 = tpu.memref_squeeze %dma_start3A_1006 : memref<1x1x1x8x128xf32, #tpu.memory_space<hbm>> -> memref<8x128xf32, #tpu.memory_space<hbm>>
      %dma_start3A_1008 = arith.constant 40 : i32
      %dma_start3A_1009 = tpu.memref_slice %arg4[%dma_start3A_1008, %add3A_995] : memref<64x1280xf32, #tpu.memory_space<vmem>> -> memref<8x128xf32, #tpu.memory_space<vmem>>
      tpu.enqueue_dma source(%dma_start3A_1009 : memref<8x128xf32, #tpu.memory_space<vmem>>) target(%dma_start3A_1007 : memref<8x128xf32, #tpu.memory_space<hbm>>) target_semaphore(%arg7 : memref<!tpu.dma_semaphore, #tpu.memory_space<semaphore_mem>>)
      %add3A_1010 = arith.constant 128 : i32
      %add3A_1011 = arith.addi %sub3A_354, %add3A_1010 : i32
      %dma_start3A_1012 = arith.constant 5 : i32
      %dma_start3A_1013 = arith.constant 1 : i32
      %dma_start3A_1014 = arith.constant 40 : i32
      %dma_start3A_1015 = tpu.memref_slice %arg4[%dma_start3A_1014, %add3A_1011] : memref<64x1280xf32, #tpu.memory_space<vmem>> -> memref<8x128xf32, #tpu.memory_space<vmem>>
      %dma_start3A_1016 = arith.constant 0 : i32
      %dma_start3A_1017 = arith.constant 0 : i32
      %dma_start3A_1018 = tpu.memref_slice %arg3[%add3A_350, %dma_start3A_1012, %dma_start3A_1013, %dma_start3A_1016, %dma_start3A_1017] : memref<1024x8x8x8x128xf32, #tpu.memory_space<hbm>> -> memref<1x1x1x8x128xf32, #tpu.memory_space<hbm>>
      %dma_start3A_1019 = tpu.memref_squeeze %dma_start3A_1018 : memref<1x1x1x8x128xf32, #tpu.memory_space<hbm>> -> memref<8x128xf32, #tpu.memory_space<hbm>>
      %dma_start3A_1020 = arith.constant 0 : i32
      %dma_start3A_1021 = arith.constant 0 : i32
      %dma_start3A_1022 = tpu.memref_slice %arg3[%add3A_350, %dma_start3A_1012, %dma_start3A_1013, %dma_start3A_1020, %dma_start3A_1021] : memref<1024x8x8x8x128xf32, #tpu.memory_space<hbm>> -> memref<1x1x1x8x128xf32, #tpu.memory_space<hbm>>
      %dma_start3A_1023 = tpu.memref_squeeze %dma_start3A_1022 : memref<1x1x1x8x128xf32, #tpu.memory_space<hbm>> -> memref<8x128xf32, #tpu.memory_space<hbm>>
      %dma_start3A_1024 = arith.constant 40 : i32
      %dma_start3A_1025 = tpu.memref_slice %arg4[%dma_start3A_1024, %add3A_1011] : memref<64x1280xf32, #tpu.memory_space<vmem>> -> memref<8x128xf32, #tpu.memory_space<vmem>>
      tpu.enqueue_dma source(%dma_start3A_1025 : memref<8x128xf32, #tpu.memory_space<vmem>>) target(%dma_start3A_1023 : memref<8x128xf32, #tpu.memory_space<hbm>>) target_semaphore(%arg7 : memref<!tpu.dma_semaphore, #tpu.memory_space<semaphore_mem>>)
      %add3A_1026 = arith.constant 256 : i32
      %add3A_1027 = arith.addi %sub3A_354, %add3A_1026 : i32
      %dma_start3A_1028 = arith.constant 5 : i32
      %dma_start3A_1029 = arith.constant 2 : i32
      %dma_start3A_1030 = arith.constant 40 : i32
      %dma_start3A_1031 = tpu.memref_slice %arg4[%dma_start3A_1030, %add3A_1027] : memref<64x1280xf32, #tpu.memory_space<vmem>> -> memref<8x128xf32, #tpu.memory_space<vmem>>
      %dma_start3A_1032 = arith.constant 0 : i32
      %dma_start3A_1033 = arith.constant 0 : i32
      %dma_start3A_1034 = tpu.memref_slice %arg3[%add3A_350, %dma_start3A_1028, %dma_start3A_1029, %dma_start3A_1032, %dma_start3A_1033] : memref<1024x8x8x8x128xf32, #tpu.memory_space<hbm>> -> memref<1x1x1x8x128xf32, #tpu.memory_space<hbm>>
      %dma_start3A_1035 = tpu.memref_squeeze %dma_start3A_1034 : memref<1x1x1x8x128xf32, #tpu.memory_space<hbm>> -> memref<8x128xf32, #tpu.memory_space<hbm>>
      %dma_start3A_1036 = arith.constant 0 : i32
      %dma_start3A_1037 = arith.constant 0 : i32
      %dma_start3A_1038 = tpu.memref_slice %arg3[%add3A_350, %dma_start3A_1028, %dma_start3A_1029, %dma_start3A_1036, %dma_start3A_1037] : memref<1024x8x8x8x128xf32, #tpu.memory_space<hbm>> -> memref<1x1x1x8x128xf32, #tpu.memory_space<hbm>>
      %dma_start3A_1039 = tpu.memref_squeeze %dma_start3A_1038 : memref<1x1x1x8x128xf32, #tpu.memory_space<hbm>> -> memref<8x128xf32, #tpu.memory_space<hbm>>
      %dma_start3A_1040 = arith.constant 40 : i32
      %dma_start3A_1041 = tpu.memref_slice %arg4[%dma_start3A_1040, %add3A_1027] : memref<64x1280xf32, #tpu.memory_space<vmem>> -> memref<8x128xf32, #tpu.memory_space<vmem>>
      tpu.enqueue_dma source(%dma_start3A_1041 : memref<8x128xf32, #tpu.memory_space<vmem>>) target(%dma_start3A_1039 : memref<8x128xf32, #tpu.memory_space<hbm>>) target_semaphore(%arg7 : memref<!tpu.dma_semaphore, #tpu.memory_space<semaphore_mem>>)
      %add3A_1042 = arith.constant 384 : i32
      %add3A_1043 = arith.addi %sub3A_354, %add3A_1042 : i32
      %dma_start3A_1044 = arith.constant 5 : i32
      %dma_start3A_1045 = arith.constant 3 : i32
      %dma_start3A_1046 = arith.constant 40 : i32
      %dma_start3A_1047 = tpu.memref_slice %arg4[%dma_start3A_1046, %add3A_1043] : memref<64x1280xf32, #tpu.memory_space<vmem>> -> memref<8x128xf32, #tpu.memory_space<vmem>>
      %dma_start3A_1048 = arith.constant 0 : i32
      %dma_start3A_1049 = arith.constant 0 : i32
      %dma_start3A_1050 = tpu.memref_slice %arg3[%add3A_350, %dma_start3A_1044, %dma_start3A_1045, %dma_start3A_1048, %dma_start3A_1049] : memref<1024x8x8x8x128xf32, #tpu.memory_space<hbm>> -> memref<1x1x1x8x128xf32, #tpu.memory_space<hbm>>
      %dma_start3A_1051 = tpu.memref_squeeze %dma_start3A_1050 : memref<1x1x1x8x128xf32, #tpu.memory_space<hbm>> -> memref<8x128xf32, #tpu.memory_space<hbm>>
      %dma_start3A_1052 = arith.constant 0 : i32
      %dma_start3A_1053 = arith.constant 0 : i32
      %dma_start3A_1054 = tpu.memref_slice %arg3[%add3A_350, %dma_start3A_1044, %dma_start3A_1045, %dma_start3A_1052, %dma_start3A_1053] : memref<1024x8x8x8x128xf32, #tpu.memory_space<hbm>> -> memref<1x1x1x8x128xf32, #tpu.memory_space<hbm>>
      %dma_start3A_1055 = tpu.memref_squeeze %dma_start3A_1054 : memref<1x1x1x8x128xf32, #tpu.memory_space<hbm>> -> memref<8x128xf32, #tpu.memory_space<hbm>>
      %dma_start3A_1056 = arith.constant 40 : i32
      %dma_start3A_1057 = tpu.memref_slice %arg4[%dma_start3A_1056, %add3A_1043] : memref<64x1280xf32, #tpu.memory_space<vmem>> -> memref<8x128xf32, #tpu.memory_space<vmem>>
      tpu.enqueue_dma source(%dma_start3A_1057 : memref<8x128xf32, #tpu.memory_space<vmem>>) target(%dma_start3A_1055 : memref<8x128xf32, #tpu.memory_space<hbm>>) target_semaphore(%arg7 : memref<!tpu.dma_semaphore, #tpu.memory_space<semaphore_mem>>)
      %add3A_1058 = arith.constant 512 : i32
      %add3A_1059 = arith.addi %sub3A_354, %add3A_1058 : i32
      %dma_start3A_1060 = arith.constant 5 : i32
      %dma_start3A_1061 = arith.constant 4 : i32
      %dma_start3A_1062 = arith.constant 40 : i32
      %dma_start3A_1063 = tpu.memref_slice %arg4[%dma_start3A_1062, %add3A_1059] : memref<64x1280xf32, #tpu.memory_space<vmem>> -> memref<8x128xf32, #tpu.memory_space<vmem>>
      %dma_start3A_1064 = arith.constant 0 : i32
      %dma_start3A_1065 = arith.constant 0 : i32
      %dma_start3A_1066 = tpu.memref_slice %arg3[%add3A_350, %dma_start3A_1060, %dma_start3A_1061, %dma_start3A_1064, %dma_start3A_1065] : memref<1024x8x8x8x128xf32, #tpu.memory_space<hbm>> -> memref<1x1x1x8x128xf32, #tpu.memory_space<hbm>>
      %dma_start3A_1067 = tpu.memref_squeeze %dma_start3A_1066 : memref<1x1x1x8x128xf32, #tpu.memory_space<hbm>> -> memref<8x128xf32, #tpu.memory_space<hbm>>
      %dma_start3A_1068 = arith.constant 0 : i32
      %dma_start3A_1069 = arith.constant 0 : i32
      %dma_start3A_1070 = tpu.memref_slice %arg3[%add3A_350, %dma_start3A_1060, %dma_start3A_1061, %dma_start3A_1068, %dma_start3A_1069] : memref<1024x8x8x8x128xf32, #tpu.memory_space<hbm>> -> memref<1x1x1x8x128xf32, #tpu.memory_space<hbm>>
      %dma_start3A_1071 = tpu.memref_squeeze %dma_start3A_1070 : memref<1x1x1x8x128xf32, #tpu.memory_space<hbm>> -> memref<8x128xf32, #tpu.memory_space<hbm>>
      %dma_start3A_1072 = arith.constant 40 : i32
      %dma_start3A_1073 = tpu.memref_slice %arg4[%dma_start3A_1072, %add3A_1059] : memref<64x1280xf32, #tpu.memory_space<vmem>> -> memref<8x128xf32, #tpu.memory_space<vmem>>
      tpu.enqueue_dma source(%dma_start3A_1073 : memref<8x128xf32, #tpu.memory_space<vmem>>) target(%dma_start3A_1071 : memref<8x128xf32, #tpu.memory_space<hbm>>) target_semaphore(%arg7 : memref<!tpu.dma_semaphore, #tpu.memory_space<semaphore_mem>>)
      %add3A_1074 = arith.constant 640 : i32
      %add3A_1075 = arith.addi %sub3A_354, %add3A_1074 : i32
      %dma_start3A_1076 = arith.constant 5 : i32
      %dma_start3A_1077 = arith.constant 5 : i32
      %dma_start3A_1078 = arith.constant 40 : i32
      %dma_start3A_1079 = tpu.memref_slice %arg4[%dma_start3A_1078, %add3A_1075] : memref<64x1280xf32, #tpu.memory_space<vmem>> -> memref<8x128xf32, #tpu.memory_space<vmem>>
      %dma_start3A_1080 = arith.constant 0 : i32
      %dma_start3A_1081 = arith.constant 0 : i32
      %dma_start3A_1082 = tpu.memref_slice %arg3[%add3A_350, %dma_start3A_1076, %dma_start3A_1077, %dma_start3A_1080, %dma_start3A_1081] : memref<1024x8x8x8x128xf32, #tpu.memory_space<hbm>> -> memref<1x1x1x8x128xf32, #tpu.memory_space<hbm>>
      %dma_start3A_1083 = tpu.memref_squeeze %dma_start3A_1082 : memref<1x1x1x8x128xf32, #tpu.memory_space<hbm>> -> memref<8x128xf32, #tpu.memory_space<hbm>>
      %dma_start3A_1084 = arith.constant 0 : i32
      %dma_start3A_1085 = arith.constant 0 : i32
      %dma_start3A_1086 = tpu.memref_slice %arg3[%add3A_350, %dma_start3A_1076, %dma_start3A_1077, %dma_start3A_1084, %dma_start3A_1085] : memref<1024x8x8x8x128xf32, #tpu.memory_space<hbm>> -> memref<1x1x1x8x128xf32, #tpu.memory_space<hbm>>
      %dma_start3A_1087 = tpu.memref_squeeze %dma_start3A_1086 : memref<1x1x1x8x128xf32, #tpu.memory_space<hbm>> -> memref<8x128xf32, #tpu.memory_space<hbm>>
      %dma_start3A_1088 = arith.constant 40 : i32
      %dma_start3A_1089 = tpu.memref_slice %arg4[%dma_start3A_1088, %add3A_1075] : memref<64x1280xf32, #tpu.memory_space<vmem>> -> memref<8x128xf32, #tpu.memory_space<vmem>>
      tpu.enqueue_dma source(%dma_start3A_1089 : memref<8x128xf32, #tpu.memory_space<vmem>>) target(%dma_start3A_1087 : memref<8x128xf32, #tpu.memory_space<hbm>>) target_semaphore(%arg7 : memref<!tpu.dma_semaphore, #tpu.memory_space<semaphore_mem>>)
      %add3A_1090 = arith.constant 768 : i32
      %add3A_1091 = arith.addi %sub3A_354, %add3A_1090 : i32
      %dma_start3A_1092 = arith.constant 5 : i32
      %dma_start3A_1093 = arith.constant 6 : i32
      %dma_start3A_1094 = arith.constant 40 : i32
      %dma_start3A_1095 = tpu.memref_slice %arg4[%dma_start3A_1094, %add3A_1091] : memref<64x1280xf32, #tpu.memory_space<vmem>> -> memref<8x128xf32, #tpu.memory_space<vmem>>
      %dma_start3A_1096 = arith.constant 0 : i32
      %dma_start3A_1097 = arith.constant 0 : i32
      %dma_start3A_1098 = tpu.memref_slice %arg3[%add3A_350, %dma_start3A_1092, %dma_start3A_1093, %dma_start3A_1096, %dma_start3A_1097] : memref<1024x8x8x8x128xf32, #tpu.memory_space<hbm>> -> memref<1x1x1x8x128xf32, #tpu.memory_space<hbm>>
      %dma_start3A_1099 = tpu.memref_squeeze %dma_start3A_1098 : memref<1x1x1x8x128xf32, #tpu.memory_space<hbm>> -> memref<8x128xf32, #tpu.memory_space<hbm>>
      %dma_start3A_1100 = arith.constant 0 : i32
      %dma_start3A_1101 = arith.constant 0 : i32
      %dma_start3A_1102 = tpu.memref_slice %arg3[%add3A_350, %dma_start3A_1092, %dma_start3A_1093, %dma_start3A_1100, %dma_start3A_1101] : memref<1024x8x8x8x128xf32, #tpu.memory_space<hbm>> -> memref<1x1x1x8x128xf32, #tpu.memory_space<hbm>>
      %dma_start3A_1103 = tpu.memref_squeeze %dma_start3A_1102 : memref<1x1x1x8x128xf32, #tpu.memory_space<hbm>> -> memref<8x128xf32, #tpu.memory_space<hbm>>
      %dma_start3A_1104 = arith.constant 40 : i32
      %dma_start3A_1105 = tpu.memref_slice %arg4[%dma_start3A_1104, %add3A_1091] : memref<64x1280xf32, #tpu.memory_space<vmem>> -> memref<8x128xf32, #tpu.memory_space<vmem>>
      tpu.enqueue_dma source(%dma_start3A_1105 : memref<8x128xf32, #tpu.memory_space<vmem>>) target(%dma_start3A_1103 : memref<8x128xf32, #tpu.memory_space<hbm>>) target_semaphore(%arg7 : memref<!tpu.dma_semaphore, #tpu.memory_space<semaphore_mem>>)
      %add3A_1106 = arith.constant 896 : i32
      %add3A_1107 = arith.addi %sub3A_354, %add3A_1106 : i32
      %dma_start3A_1108 = arith.constant 5 : i32
      %dma_start3A_1109 = arith.constant 7 : i32
      %dma_start3A_1110 = arith.constant 40 : i32
      %dma_start3A_1111 = tpu.memref_slice %arg4[%dma_start3A_1110, %add3A_1107] : memref<64x1280xf32, #tpu.memory_space<vmem>> -> memref<8x128xf32, #tpu.memory_space<vmem>>
      %dma_start3A_1112 = arith.constant 0 : i32
      %dma_start3A_1113 = arith.constant 0 : i32
      %dma_start3A_1114 = tpu.memref_slice %arg3[%add3A_350, %dma_start3A_1108, %dma_start3A_1109, %dma_start3A_1112, %dma_start3A_1113] : memref<1024x8x8x8x128xf32, #tpu.memory_space<hbm>> -> memref<1x1x1x8x128xf32, #tpu.memory_space<hbm>>
      %dma_start3A_1115 = tpu.memref_squeeze %dma_start3A_1114 : memref<1x1x1x8x128xf32, #tpu.memory_space<hbm>> -> memref<8x128xf32, #tpu.memory_space<hbm>>
      %dma_start3A_1116 = arith.constant 0 : i32
      %dma_start3A_1117 = arith.constant 0 : i32
      %dma_start3A_1118 = tpu.memref_slice %arg3[%add3A_350, %dma_start3A_1108, %dma_start3A_1109, %dma_start3A_1116, %dma_start3A_1117] : memref<1024x8x8x8x128xf32, #tpu.memory_space<hbm>> -> memref<1x1x1x8x128xf32, #tpu.memory_space<hbm>>
      %dma_start3A_1119 = tpu.memref_squeeze %dma_start3A_1118 : memref<1x1x1x8x128xf32, #tpu.memory_space<hbm>> -> memref<8x128xf32, #tpu.memory_space<hbm>>
      %dma_start3A_1120 = arith.constant 40 : i32
      %dma_start3A_1121 = tpu.memref_slice %arg4[%dma_start3A_1120, %add3A_1107] : memref<64x1280xf32, #tpu.memory_space<vmem>> -> memref<8x128xf32, #tpu.memory_space<vmem>>
      tpu.enqueue_dma source(%dma_start3A_1121 : memref<8x128xf32, #tpu.memory_space<vmem>>) target(%dma_start3A_1119 : memref<8x128xf32, #tpu.memory_space<hbm>>) target_semaphore(%arg7 : memref<!tpu.dma_semaphore, #tpu.memory_space<semaphore_mem>>)
      %add3A_1122 = arith.constant 0 : i32
      %add3A_1123 = arith.addi %sub3A_354, %add3A_1122 : i32
      %dma_start3A_1124 = arith.constant 6 : i32
      %dma_start3A_1125 = arith.constant 0 : i32
      %dma_start3A_1126 = arith.constant 48 : i32
      %dma_start3A_1127 = tpu.memref_slice %arg4[%dma_start3A_1126, %add3A_1123] : memref<64x1280xf32, #tpu.memory_space<vmem>> -> memref<8x128xf32, #tpu.memory_space<vmem>>
      %dma_start3A_1128 = arith.constant 0 : i32
      %dma_start3A_1129 = arith.constant 0 : i32
      %dma_start3A_1130 = tpu.memref_slice %arg3[%add3A_350, %dma_start3A_1124, %dma_start3A_1125, %dma_start3A_1128, %dma_start3A_1129] : memref<1024x8x8x8x128xf32, #tpu.memory_space<hbm>> -> memref<1x1x1x8x128xf32, #tpu.memory_space<hbm>>
      %dma_start3A_1131 = tpu.memref_squeeze %dma_start3A_1130 : memref<1x1x1x8x128xf32, #tpu.memory_space<hbm>> -> memref<8x128xf32, #tpu.memory_space<hbm>>
      %dma_start3A_1132 = arith.constant 0 : i32
      %dma_start3A_1133 = arith.constant 0 : i32
      %dma_start3A_1134 = tpu.memref_slice %arg3[%add3A_350, %dma_start3A_1124, %dma_start3A_1125, %dma_start3A_1132, %dma_start3A_1133] : memref<1024x8x8x8x128xf32, #tpu.memory_space<hbm>> -> memref<1x1x1x8x128xf32, #tpu.memory_space<hbm>>
      %dma_start3A_1135 = tpu.memref_squeeze %dma_start3A_1134 : memref<1x1x1x8x128xf32, #tpu.memory_space<hbm>> -> memref<8x128xf32, #tpu.memory_space<hbm>>
      %dma_start3A_1136 = arith.constant 48 : i32
      %dma_start3A_1137 = tpu.memref_slice %arg4[%dma_start3A_1136, %add3A_1123] : memref<64x1280xf32, #tpu.memory_space<vmem>> -> memref<8x128xf32, #tpu.memory_space<vmem>>
      tpu.enqueue_dma source(%dma_start3A_1137 : memref<8x128xf32, #tpu.memory_space<vmem>>) target(%dma_start3A_1135 : memref<8x128xf32, #tpu.memory_space<hbm>>) target_semaphore(%arg7 : memref<!tpu.dma_semaphore, #tpu.memory_space<semaphore_mem>>)
      %add3A_1138 = arith.constant 128 : i32
      %add3A_1139 = arith.addi %sub3A_354, %add3A_1138 : i32
      %dma_start3A_1140 = arith.constant 6 : i32
      %dma_start3A_1141 = arith.constant 1 : i32
      %dma_start3A_1142 = arith.constant 48 : i32
      %dma_start3A_1143 = tpu.memref_slice %arg4[%dma_start3A_1142, %add3A_1139] : memref<64x1280xf32, #tpu.memory_space<vmem>> -> memref<8x128xf32, #tpu.memory_space<vmem>>
      %dma_start3A_1144 = arith.constant 0 : i32
      %dma_start3A_1145 = arith.constant 0 : i32
      %dma_start3A_1146 = tpu.memref_slice %arg3[%add3A_350, %dma_start3A_1140, %dma_start3A_1141, %dma_start3A_1144, %dma_start3A_1145] : memref<1024x8x8x8x128xf32, #tpu.memory_space<hbm>> -> memref<1x1x1x8x128xf32, #tpu.memory_space<hbm>>
      %dma_start3A_1147 = tpu.memref_squeeze %dma_start3A_1146 : memref<1x1x1x8x128xf32, #tpu.memory_space<hbm>> -> memref<8x128xf32, #tpu.memory_space<hbm>>
      %dma_start3A_1148 = arith.constant 0 : i32
      %dma_start3A_1149 = arith.constant 0 : i32
      %dma_start3A_1150 = tpu.memref_slice %arg3[%add3A_350, %dma_start3A_1140, %dma_start3A_1141, %dma_start3A_1148, %dma_start3A_1149] : memref<1024x8x8x8x128xf32, #tpu.memory_space<hbm>> -> memref<1x1x1x8x128xf32, #tpu.memory_space<hbm>>
      %dma_start3A_1151 = tpu.memref_squeeze %dma_start3A_1150 : memref<1x1x1x8x128xf32, #tpu.memory_space<hbm>> -> memref<8x128xf32, #tpu.memory_space<hbm>>
      %dma_start3A_1152 = arith.constant 48 : i32
      %dma_start3A_1153 = tpu.memref_slice %arg4[%dma_start3A_1152, %add3A_1139] : memref<64x1280xf32, #tpu.memory_space<vmem>> -> memref<8x128xf32, #tpu.memory_space<vmem>>
      tpu.enqueue_dma source(%dma_start3A_1153 : memref<8x128xf32, #tpu.memory_space<vmem>>) target(%dma_start3A_1151 : memref<8x128xf32, #tpu.memory_space<hbm>>) target_semaphore(%arg7 : memref<!tpu.dma_semaphore, #tpu.memory_space<semaphore_mem>>)
      %add3A_1154 = arith.constant 256 : i32
      %add3A_1155 = arith.addi %sub3A_354, %add3A_1154 : i32
      %dma_start3A_1156 = arith.constant 6 : i32
      %dma_start3A_1157 = arith.constant 2 : i32
      %dma_start3A_1158 = arith.constant 48 : i32
      %dma_start3A_1159 = tpu.memref_slice %arg4[%dma_start3A_1158, %add3A_1155] : memref<64x1280xf32, #tpu.memory_space<vmem>> -> memref<8x128xf32, #tpu.memory_space<vmem>>
      %dma_start3A_1160 = arith.constant 0 : i32
      %dma_start3A_1161 = arith.constant 0 : i32
      %dma_start3A_1162 = tpu.memref_slice %arg3[%add3A_350, %dma_start3A_1156, %dma_start3A_1157, %dma_start3A_1160, %dma_start3A_1161] : memref<1024x8x8x8x128xf32, #tpu.memory_space<hbm>> -> memref<1x1x1x8x128xf32, #tpu.memory_space<hbm>>
      %dma_start3A_1163 = tpu.memref_squeeze %dma_start3A_1162 : memref<1x1x1x8x128xf32, #tpu.memory_space<hbm>> -> memref<8x128xf32, #tpu.memory_space<hbm>>
      %dma_start3A_1164 = arith.constant 0 : i32
      %dma_start3A_1165 = arith.constant 0 : i32
      %dma_start3A_1166 = tpu.memref_slice %arg3[%add3A_350, %dma_start3A_1156, %dma_start3A_1157, %dma_start3A_1164, %dma_start3A_1165] : memref<1024x8x8x8x128xf32, #tpu.memory_space<hbm>> -> memref<1x1x1x8x128xf32, #tpu.memory_space<hbm>>
      %dma_start3A_1167 = tpu.memref_squeeze %dma_start3A_1166 : memref<1x1x1x8x128xf32, #tpu.memory_space<hbm>> -> memref<8x128xf32, #tpu.memory_space<hbm>>
      %dma_start3A_1168 = arith.constant 48 : i32
      %dma_start3A_1169 = tpu.memref_slice %arg4[%dma_start3A_1168, %add3A_1155] : memref<64x1280xf32, #tpu.memory_space<vmem>> -> memref<8x128xf32, #tpu.memory_space<vmem>>
      tpu.enqueue_dma source(%dma_start3A_1169 : memref<8x128xf32, #tpu.memory_space<vmem>>) target(%dma_start3A_1167 : memref<8x128xf32, #tpu.memory_space<hbm>>) target_semaphore(%arg7 : memref<!tpu.dma_semaphore, #tpu.memory_space<semaphore_mem>>)
      %add3A_1170 = arith.constant 384 : i32
      %add3A_1171 = arith.addi %sub3A_354, %add3A_1170 : i32
      %dma_start3A_1172 = arith.constant 6 : i32
      %dma_start3A_1173 = arith.constant 3 : i32
      %dma_start3A_1174 = arith.constant 48 : i32
      %dma_start3A_1175 = tpu.memref_slice %arg4[%dma_start3A_1174, %add3A_1171] : memref<64x1280xf32, #tpu.memory_space<vmem>> -> memref<8x128xf32, #tpu.memory_space<vmem>>
      %dma_start3A_1176 = arith.constant 0 : i32
      %dma_start3A_1177 = arith.constant 0 : i32
      %dma_start3A_1178 = tpu.memref_slice %arg3[%add3A_350, %dma_start3A_1172, %dma_start3A_1173, %dma_start3A_1176, %dma_start3A_1177] : memref<1024x8x8x8x128xf32, #tpu.memory_space<hbm>> -> memref<1x1x1x8x128xf32, #tpu.memory_space<hbm>>
      %dma_start3A_1179 = tpu.memref_squeeze %dma_start3A_1178 : memref<1x1x1x8x128xf32, #tpu.memory_space<hbm>> -> memref<8x128xf32, #tpu.memory_space<hbm>>
      %dma_start3A_1180 = arith.constant 0 : i32
      %dma_start3A_1181 = arith.constant 0 : i32
      %dma_start3A_1182 = tpu.memref_slice %arg3[%add3A_350, %dma_start3A_1172, %dma_start3A_1173, %dma_start3A_1180, %dma_start3A_1181] : memref<1024x8x8x8x128xf32, #tpu.memory_space<hbm>> -> memref<1x1x1x8x128xf32, #tpu.memory_space<hbm>>
      %dma_start3A_1183 = tpu.memref_squeeze %dma_start3A_1182 : memref<1x1x1x8x128xf32, #tpu.memory_space<hbm>> -> memref<8x128xf32, #tpu.memory_space<hbm>>
      %dma_start3A_1184 = arith.constant 48 : i32
      %dma_start3A_1185 = tpu.memref_slice %arg4[%dma_start3A_1184, %add3A_1171] : memref<64x1280xf32, #tpu.memory_space<vmem>> -> memref<8x128xf32, #tpu.memory_space<vmem>>
      tpu.enqueue_dma source(%dma_start3A_1185 : memref<8x128xf32, #tpu.memory_space<vmem>>) target(%dma_start3A_1183 : memref<8x128xf32, #tpu.memory_space<hbm>>) target_semaphore(%arg7 : memref<!tpu.dma_semaphore, #tpu.memory_space<semaphore_mem>>)
      %add3A_1186 = arith.constant 512 : i32
      %add3A_1187 = arith.addi %sub3A_354, %add3A_1186 : i32
      %dma_start3A_1188 = arith.constant 6 : i32
      %dma_start3A_1189 = arith.constant 4 : i32
      %dma_start3A_1190 = arith.constant 48 : i32
      %dma_start3A_1191 = tpu.memref_slice %arg4[%dma_start3A_1190, %add3A_1187] : memref<64x1280xf32, #tpu.memory_space<vmem>> -> memref<8x128xf32, #tpu.memory_space<vmem>>
      %dma_start3A_1192 = arith.constant 0 : i32
      %dma_start3A_1193 = arith.constant 0 : i32
      %dma_start3A_1194 = tpu.memref_slice %arg3[%add3A_350, %dma_start3A_1188, %dma_start3A_1189, %dma_start3A_1192, %dma_start3A_1193] : memref<1024x8x8x8x128xf32, #tpu.memory_space<hbm>> -> memref<1x1x1x8x128xf32, #tpu.memory_space<hbm>>
      %dma_start3A_1195 = tpu.memref_squeeze %dma_start3A_1194 : memref<1x1x1x8x128xf32, #tpu.memory_space<hbm>> -> memref<8x128xf32, #tpu.memory_space<hbm>>
      %dma_start3A_1196 = arith.constant 0 : i32
      %dma_start3A_1197 = arith.constant 0 : i32
      %dma_start3A_1198 = tpu.memref_slice %arg3[%add3A_350, %dma_start3A_1188, %dma_start3A_1189, %dma_start3A_1196, %dma_start3A_1197] : memref<1024x8x8x8x128xf32, #tpu.memory_space<hbm>> -> memref<1x1x1x8x128xf32, #tpu.memory_space<hbm>>
      %dma_start3A_1199 = tpu.memref_squeeze %dma_start3A_1198 : memref<1x1x1x8x128xf32, #tpu.memory_space<hbm>> -> memref<8x128xf32, #tpu.memory_space<hbm>>
      %dma_start3A_1200 = arith.constant 48 : i32
      %dma_start3A_1201 = tpu.memref_slice %arg4[%dma_start3A_1200, %add3A_1187] : memref<64x1280xf32, #tpu.memory_space<vmem>> -> memref<8x128xf32, #tpu.memory_space<vmem>>
      tpu.enqueue_dma source(%dma_start3A_1201 : memref<8x128xf32, #tpu.memory_space<vmem>>) target(%dma_start3A_1199 : memref<8x128xf32, #tpu.memory_space<hbm>>) target_semaphore(%arg7 : memref<!tpu.dma_semaphore, #tpu.memory_space<semaphore_mem>>)
      %add3A_1202 = arith.constant 640 : i32
      %add3A_1203 = arith.addi %sub3A_354, %add3A_1202 : i32
      %dma_start3A_1204 = arith.constant 6 : i32
      %dma_start3A_1205 = arith.constant 5 : i32
      %dma_start3A_1206 = arith.constant 48 : i32
      %dma_start3A_1207 = tpu.memref_slice %arg4[%dma_start3A_1206, %add3A_1203] : memref<64x1280xf32, #tpu.memory_space<vmem>> -> memref<8x128xf32, #tpu.memory_space<vmem>>
      %dma_start3A_1208 = arith.constant 0 : i32
      %dma_start3A_1209 = arith.constant 0 : i32
      %dma_start3A_1210 = tpu.memref_slice %arg3[%add3A_350, %dma_start3A_1204, %dma_start3A_1205, %dma_start3A_1208, %dma_start3A_1209] : memref<1024x8x8x8x128xf32, #tpu.memory_space<hbm>> -> memref<1x1x1x8x128xf32, #tpu.memory_space<hbm>>
      %dma_start3A_1211 = tpu.memref_squeeze %dma_start3A_1210 : memref<1x1x1x8x128xf32, #tpu.memory_space<hbm>> -> memref<8x128xf32, #tpu.memory_space<hbm>>
      %dma_start3A_1212 = arith.constant 0 : i32
      %dma_start3A_1213 = arith.constant 0 : i32
      %dma_start3A_1214 = tpu.memref_slice %arg3[%add3A_350, %dma_start3A_1204, %dma_start3A_1205, %dma_start3A_1212, %dma_start3A_1213] : memref<1024x8x8x8x128xf32, #tpu.memory_space<hbm>> -> memref<1x1x1x8x128xf32, #tpu.memory_space<hbm>>
      %dma_start3A_1215 = tpu.memref_squeeze %dma_start3A_1214 : memref<1x1x1x8x128xf32, #tpu.memory_space<hbm>> -> memref<8x128xf32, #tpu.memory_space<hbm>>
      %dma_start3A_1216 = arith.constant 48 : i32
      %dma_start3A_1217 = tpu.memref_slice %arg4[%dma_start3A_1216, %add3A_1203] : memref<64x1280xf32, #tpu.memory_space<vmem>> -> memref<8x128xf32, #tpu.memory_space<vmem>>
      tpu.enqueue_dma source(%dma_start3A_1217 : memref<8x128xf32, #tpu.memory_space<vmem>>) target(%dma_start3A_1215 : memref<8x128xf32, #tpu.memory_space<hbm>>) target_semaphore(%arg7 : memref<!tpu.dma_semaphore, #tpu.memory_space<semaphore_mem>>)
      %add3A_1218 = arith.constant 768 : i32
      %add3A_1219 = arith.addi %sub3A_354, %add3A_1218 : i32
      %dma_start3A_1220 = arith.constant 6 : i32
      %dma_start3A_1221 = arith.constant 6 : i32
      %dma_start3A_1222 = arith.constant 48 : i32
      %dma_start3A_1223 = tpu.memref_slice %arg4[%dma_start3A_1222, %add3A_1219] : memref<64x1280xf32, #tpu.memory_space<vmem>> -> memref<8x128xf32, #tpu.memory_space<vmem>>
      %dma_start3A_1224 = arith.constant 0 : i32
      %dma_start3A_1225 = arith.constant 0 : i32
      %dma_start3A_1226 = tpu.memref_slice %arg3[%add3A_350, %dma_start3A_1220, %dma_start3A_1221, %dma_start3A_1224, %dma_start3A_1225] : memref<1024x8x8x8x128xf32, #tpu.memory_space<hbm>> -> memref<1x1x1x8x128xf32, #tpu.memory_space<hbm>>
      %dma_start3A_1227 = tpu.memref_squeeze %dma_start3A_1226 : memref<1x1x1x8x128xf32, #tpu.memory_space<hbm>> -> memref<8x128xf32, #tpu.memory_space<hbm>>
      %dma_start3A_1228 = arith.constant 0 : i32
      %dma_start3A_1229 = arith.constant 0 : i32
      %dma_start3A_1230 = tpu.memref_slice %arg3[%add3A_350, %dma_start3A_1220, %dma_start3A_1221, %dma_start3A_1228, %dma_start3A_1229] : memref<1024x8x8x8x128xf32, #tpu.memory_space<hbm>> -> memref<1x1x1x8x128xf32, #tpu.memory_space<hbm>>
      %dma_start3A_1231 = tpu.memref_squeeze %dma_start3A_1230 : memref<1x1x1x8x128xf32, #tpu.memory_space<hbm>> -> memref<8x128xf32, #tpu.memory_space<hbm>>
      %dma_start3A_1232 = arith.constant 48 : i32
      %dma_start3A_1233 = tpu.memref_slice %arg4[%dma_start3A_1232, %add3A_1219] : memref<64x1280xf32, #tpu.memory_space<vmem>> -> memref<8x128xf32, #tpu.memory_space<vmem>>
      tpu.enqueue_dma source(%dma_start3A_1233 : memref<8x128xf32, #tpu.memory_space<vmem>>) target(%dma_start3A_1231 : memref<8x128xf32, #tpu.memory_space<hbm>>) target_semaphore(%arg7 : memref<!tpu.dma_semaphore, #tpu.memory_space<semaphore_mem>>)
      %add3A_1234 = arith.constant 896 : i32
      %add3A_1235 = arith.addi %sub3A_354, %add3A_1234 : i32
      %dma_start3A_1236 = arith.constant 6 : i32
      %dma_start3A_1237 = arith.constant 7 : i32
      %dma_start3A_1238 = arith.constant 48 : i32
      %dma_start3A_1239 = tpu.memref_slice %arg4[%dma_start3A_1238, %add3A_1235] : memref<64x1280xf32, #tpu.memory_space<vmem>> -> memref<8x128xf32, #tpu.memory_space<vmem>>
      %dma_start3A_1240 = arith.constant 0 : i32
      %dma_start3A_1241 = arith.constant 0 : i32
      %dma_start3A_1242 = tpu.memref_slice %arg3[%add3A_350, %dma_start3A_1236, %dma_start3A_1237, %dma_start3A_1240, %dma_start3A_1241] : memref<1024x8x8x8x128xf32, #tpu.memory_space<hbm>> -> memref<1x1x1x8x128xf32, #tpu.memory_space<hbm>>
      %dma_start3A_1243 = tpu.memref_squeeze %dma_start3A_1242 : memref<1x1x1x8x128xf32, #tpu.memory_space<hbm>> -> memref<8x128xf32, #tpu.memory_space<hbm>>
      %dma_start3A_1244 = arith.constant 0 : i32
      %dma_start3A_1245 = arith.constant 0 : i32
      %dma_start3A_1246 = tpu.memref_slice %arg3[%add3A_350, %dma_start3A_1236, %dma_start3A_1237, %dma_start3A_1244, %dma_start3A_1245] : memref<1024x8x8x8x128xf32, #tpu.memory_space<hbm>> -> memref<1x1x1x8x128xf32, #tpu.memory_space<hbm>>
      %dma_start3A_1247 = tpu.memref_squeeze %dma_start3A_1246 : memref<1x1x1x8x128xf32, #tpu.memory_space<hbm>> -> memref<8x128xf32, #tpu.memory_space<hbm>>
      %dma_start3A_1248 = arith.constant 48 : i32
      %dma_start3A_1249 = tpu.memref_slice %arg4[%dma_start3A_1248, %add3A_1235] : memref<64x1280xf32, #tpu.memory_space<vmem>> -> memref<8x128xf32, #tpu.memory_space<vmem>>
      tpu.enqueue_dma source(%dma_start3A_1249 : memref<8x128xf32, #tpu.memory_space<vmem>>) target(%dma_start3A_1247 : memref<8x128xf32, #tpu.memory_space<hbm>>) target_semaphore(%arg7 : memref<!tpu.dma_semaphore, #tpu.memory_space<semaphore_mem>>)
      %add3A_1250 = arith.constant 0 : i32
      %add3A_1251 = arith.addi %sub3A_354, %add3A_1250 : i32
      %dma_start3A_1252 = arith.constant 7 : i32
      %dma_start3A_1253 = arith.constant 0 : i32
      %dma_start3A_1254 = arith.constant 56 : i32
      %dma_start3A_1255 = tpu.memref_slice %arg4[%dma_start3A_1254, %add3A_1251] : memref<64x1280xf32, #tpu.memory_space<vmem>> -> memref<8x128xf32, #tpu.memory_space<vmem>>
      %dma_start3A_1256 = arith.constant 0 : i32
      %dma_start3A_1257 = arith.constant 0 : i32
      %dma_start3A_1258 = tpu.memref_slice %arg3[%add3A_350, %dma_start3A_1252, %dma_start3A_1253, %dma_start3A_1256, %dma_start3A_1257] : memref<1024x8x8x8x128xf32, #tpu.memory_space<hbm>> -> memref<1x1x1x8x128xf32, #tpu.memory_space<hbm>>
      %dma_start3A_1259 = tpu.memref_squeeze %dma_start3A_1258 : memref<1x1x1x8x128xf32, #tpu.memory_space<hbm>> -> memref<8x128xf32, #tpu.memory_space<hbm>>
      %dma_start3A_1260 = arith.constant 0 : i32
      %dma_start3A_1261 = arith.constant 0 : i32
      %dma_start3A_1262 = tpu.memref_slice %arg3[%add3A_350, %dma_start3A_1252, %dma_start3A_1253, %dma_start3A_1260, %dma_start3A_1261] : memref<1024x8x8x8x128xf32, #tpu.memory_space<hbm>> -> memref<1x1x1x8x128xf32, #tpu.memory_space<hbm>>
      %dma_start3A_1263 = tpu.memref_squeeze %dma_start3A_1262 : memref<1x1x1x8x128xf32, #tpu.memory_space<hbm>> -> memref<8x128xf32, #tpu.memory_space<hbm>>
      %dma_start3A_1264 = arith.constant 56 : i32
      %dma_start3A_1265 = tpu.memref_slice %arg4[%dma_start3A_1264, %add3A_1251] : memref<64x1280xf32, #tpu.memory_space<vmem>> -> memref<8x128xf32, #tpu.memory_space<vmem>>
      tpu.enqueue_dma source(%dma_start3A_1265 : memref<8x128xf32, #tpu.memory_space<vmem>>) target(%dma_start3A_1263 : memref<8x128xf32, #tpu.memory_space<hbm>>) target_semaphore(%arg7 : memref<!tpu.dma_semaphore, #tpu.memory_space<semaphore_mem>>)
      %add3A_1266 = arith.constant 128 : i32
      %add3A_1267 = arith.addi %sub3A_354, %add3A_1266 : i32
      %dma_start3A_1268 = arith.constant 7 : i32
      %dma_start3A_1269 = arith.constant 1 : i32
      %dma_start3A_1270 = arith.constant 56 : i32
      %dma_start3A_1271 = tpu.memref_slice %arg4[%dma_start3A_1270, %add3A_1267] : memref<64x1280xf32, #tpu.memory_space<vmem>> -> memref<8x128xf32, #tpu.memory_space<vmem>>
      %dma_start3A_1272 = arith.constant 0 : i32
      %dma_start3A_1273 = arith.constant 0 : i32
      %dma_start3A_1274 = tpu.memref_slice %arg3[%add3A_350, %dma_start3A_1268, %dma_start3A_1269, %dma_start3A_1272, %dma_start3A_1273] : memref<1024x8x8x8x128xf32, #tpu.memory_space<hbm>> -> memref<1x1x1x8x128xf32, #tpu.memory_space<hbm>>
      %dma_start3A_1275 = tpu.memref_squeeze %dma_start3A_1274 : memref<1x1x1x8x128xf32, #tpu.memory_space<hbm>> -> memref<8x128xf32, #tpu.memory_space<hbm>>
      %dma_start3A_1276 = arith.constant 0 : i32
      %dma_start3A_1277 = arith.constant 0 : i32
      %dma_start3A_1278 = tpu.memref_slice %arg3[%add3A_350, %dma_start3A_1268, %dma_start3A_1269, %dma_start3A_1276, %dma_start3A_1277] : memref<1024x8x8x8x128xf32, #tpu.memory_space<hbm>> -> memref<1x1x1x8x128xf32, #tpu.memory_space<hbm>>
      %dma_start3A_1279 = tpu.memref_squeeze %dma_start3A_1278 : memref<1x1x1x8x128xf32, #tpu.memory_space<hbm>> -> memref<8x128xf32, #tpu.memory_space<hbm>>
      %dma_start3A_1280 = arith.constant 56 : i32
      %dma_start3A_1281 = tpu.memref_slice %arg4[%dma_start3A_1280, %add3A_1267] : memref<64x1280xf32, #tpu.memory_space<vmem>> -> memref<8x128xf32, #tpu.memory_space<vmem>>
      tpu.enqueue_dma source(%dma_start3A_1281 : memref<8x128xf32, #tpu.memory_space<vmem>>) target(%dma_start3A_1279 : memref<8x128xf32, #tpu.memory_space<hbm>>) target_semaphore(%arg7 : memref<!tpu.dma_semaphore, #tpu.memory_space<semaphore_mem>>)
      %add3A_1282 = arith.constant 256 : i32
      %add3A_1283 = arith.addi %sub3A_354, %add3A_1282 : i32
      %dma_start3A_1284 = arith.constant 7 : i32
      %dma_start3A_1285 = arith.constant 2 : i32
      %dma_start3A_1286 = arith.constant 56 : i32
      %dma_start3A_1287 = tpu.memref_slice %arg4[%dma_start3A_1286, %add3A_1283] : memref<64x1280xf32, #tpu.memory_space<vmem>> -> memref<8x128xf32, #tpu.memory_space<vmem>>
      %dma_start3A_1288 = arith.constant 0 : i32
      %dma_start3A_1289 = arith.constant 0 : i32
      %dma_start3A_1290 = tpu.memref_slice %arg3[%add3A_350, %dma_start3A_1284, %dma_start3A_1285, %dma_start3A_1288, %dma_start3A_1289] : memref<1024x8x8x8x128xf32, #tpu.memory_space<hbm>> -> memref<1x1x1x8x128xf32, #tpu.memory_space<hbm>>
      %dma_start3A_1291 = tpu.memref_squeeze %dma_start3A_1290 : memref<1x1x1x8x128xf32, #tpu.memory_space<hbm>> -> memref<8x128xf32, #tpu.memory_space<hbm>>
      %dma_start3A_1292 = arith.constant 0 : i32
      %dma_start3A_1293 = arith.constant 0 : i32
      %dma_start3A_1294 = tpu.memref_slice %arg3[%add3A_350, %dma_start3A_1284, %dma_start3A_1285, %dma_start3A_1292, %dma_start3A_1293] : memref<1024x8x8x8x128xf32, #tpu.memory_space<hbm>> -> memref<1x1x1x8x128xf32, #tpu.memory_space<hbm>>
      %dma_start3A_1295 = tpu.memref_squeeze %dma_start3A_1294 : memref<1x1x1x8x128xf32, #tpu.memory_space<hbm>> -> memref<8x128xf32, #tpu.memory_space<hbm>>
      %dma_start3A_1296 = arith.constant 56 : i32
      %dma_start3A_1297 = tpu.memref_slice %arg4[%dma_start3A_1296, %add3A_1283] : memref<64x1280xf32, #tpu.memory_space<vmem>> -> memref<8x128xf32, #tpu.memory_space<vmem>>
      tpu.enqueue_dma source(%dma_start3A_1297 : memref<8x128xf32, #tpu.memory_space<vmem>>) target(%dma_start3A_1295 : memref<8x128xf32, #tpu.memory_space<hbm>>) target_semaphore(%arg7 : memref<!tpu.dma_semaphore, #tpu.memory_space<semaphore_mem>>)
      %add3A_1298 = arith.constant 384 : i32
      %add3A_1299 = arith.addi %sub3A_354, %add3A_1298 : i32
      %dma_start3A_1300 = arith.constant 7 : i32
      %dma_start3A_1301 = arith.constant 3 : i32
      %dma_start3A_1302 = arith.constant 56 : i32
      %dma_start3A_1303 = tpu.memref_slice %arg4[%dma_start3A_1302, %add3A_1299] : memref<64x1280xf32, #tpu.memory_space<vmem>> -> memref<8x128xf32, #tpu.memory_space<vmem>>
      %dma_start3A_1304 = arith.constant 0 : i32
      %dma_start3A_1305 = arith.constant 0 : i32
      %dma_start3A_1306 = tpu.memref_slice %arg3[%add3A_350, %dma_start3A_1300, %dma_start3A_1301, %dma_start3A_1304, %dma_start3A_1305] : memref<1024x8x8x8x128xf32, #tpu.memory_space<hbm>> -> memref<1x1x1x8x128xf32, #tpu.memory_space<hbm>>
      %dma_start3A_1307 = tpu.memref_squeeze %dma_start3A_1306 : memref<1x1x1x8x128xf32, #tpu.memory_space<hbm>> -> memref<8x128xf32, #tpu.memory_space<hbm>>
      %dma_start3A_1308 = arith.constant 0 : i32
      %dma_start3A_1309 = arith.constant 0 : i32
      %dma_start3A_1310 = tpu.memref_slice %arg3[%add3A_350, %dma_start3A_1300, %dma_start3A_1301, %dma_start3A_1308, %dma_start3A_1309] : memref<1024x8x8x8x128xf32, #tpu.memory_space<hbm>> -> memref<1x1x1x8x128xf32, #tpu.memory_space<hbm>>
      %dma_start3A_1311 = tpu.memref_squeeze %dma_start3A_1310 : memref<1x1x1x8x128xf32, #tpu.memory_space<hbm>> -> memref<8x128xf32, #tpu.memory_space<hbm>>
      %dma_start3A_1312 = arith.constant 56 : i32
      %dma_start3A_1313 = tpu.memref_slice %arg4[%dma_start3A_1312, %add3A_1299] : memref<64x1280xf32, #tpu.memory_space<vmem>> -> memref<8x128xf32, #tpu.memory_space<vmem>>
      tpu.enqueue_dma source(%dma_start3A_1313 : memref<8x128xf32, #tpu.memory_space<vmem>>) target(%dma_start3A_1311 : memref<8x128xf32, #tpu.memory_space<hbm>>) target_semaphore(%arg7 : memref<!tpu.dma_semaphore, #tpu.memory_space<semaphore_mem>>)
      %add3A_1314 = arith.constant 512 : i32
      %add3A_1315 = arith.addi %sub3A_354, %add3A_1314 : i32
      %dma_start3A_1316 = arith.constant 7 : i32
      %dma_start3A_1317 = arith.constant 4 : i32
      %dma_start3A_1318 = arith.constant 56 : i32
      %dma_start3A_1319 = tpu.memref_slice %arg4[%dma_start3A_1318, %add3A_1315] : memref<64x1280xf32, #tpu.memory_space<vmem>> -> memref<8x128xf32, #tpu.memory_space<vmem>>
      %dma_start3A_1320 = arith.constant 0 : i32
      %dma_start3A_1321 = arith.constant 0 : i32
      %dma_start3A_1322 = tpu.memref_slice %arg3[%add3A_350, %dma_start3A_1316, %dma_start3A_1317, %dma_start3A_1320, %dma_start3A_1321] : memref<1024x8x8x8x128xf32, #tpu.memory_space<hbm>> -> memref<1x1x1x8x128xf32, #tpu.memory_space<hbm>>
      %dma_start3A_1323 = tpu.memref_squeeze %dma_start3A_1322 : memref<1x1x1x8x128xf32, #tpu.memory_space<hbm>> -> memref<8x128xf32, #tpu.memory_space<hbm>>
      %dma_start3A_1324 = arith.constant 0 : i32
      %dma_start3A_1325 = arith.constant 0 : i32
      %dma_start3A_1326 = tpu.memref_slice %arg3[%add3A_350, %dma_start3A_1316, %dma_start3A_1317, %dma_start3A_1324, %dma_start3A_1325] : memref<1024x8x8x8x128xf32, #tpu.memory_space<hbm>> -> memref<1x1x1x8x128xf32, #tpu.memory_space<hbm>>
      %dma_start3A_1327 = tpu.memref_squeeze %dma_start3A_1326 : memref<1x1x1x8x128xf32, #tpu.memory_space<hbm>> -> memref<8x128xf32, #tpu.memory_space<hbm>>
      %dma_start3A_1328 = arith.constant 56 : i32
      %dma_start3A_1329 = tpu.memref_slice %arg4[%dma_start3A_1328, %add3A_1315] : memref<64x1280xf32, #tpu.memory_space<vmem>> -> memref<8x128xf32, #tpu.memory_space<vmem>>
      tpu.enqueue_dma source(%dma_start3A_1329 : memref<8x128xf32, #tpu.memory_space<vmem>>) target(%dma_start3A_1327 : memref<8x128xf32, #tpu.memory_space<hbm>>) target_semaphore(%arg7 : memref<!tpu.dma_semaphore, #tpu.memory_space<semaphore_mem>>)
      %add3A_1330 = arith.constant 640 : i32
      %add3A_1331 = arith.addi %sub3A_354, %add3A_1330 : i32
      %dma_start3A_1332 = arith.constant 7 : i32
      %dma_start3A_1333 = arith.constant 5 : i32
      %dma_start3A_1334 = arith.constant 56 : i32
      %dma_start3A_1335 = tpu.memref_slice %arg4[%dma_start3A_1334, %add3A_1331] : memref<64x1280xf32, #tpu.memory_space<vmem>> -> memref<8x128xf32, #tpu.memory_space<vmem>>
      %dma_start3A_1336 = arith.constant 0 : i32
      %dma_start3A_1337 = arith.constant 0 : i32
      %dma_start3A_1338 = tpu.memref_slice %arg3[%add3A_350, %dma_start3A_1332, %dma_start3A_1333, %dma_start3A_1336, %dma_start3A_1337] : memref<1024x8x8x8x128xf32, #tpu.memory_space<hbm>> -> memref<1x1x1x8x128xf32, #tpu.memory_space<hbm>>
      %dma_start3A_1339 = tpu.memref_squeeze %dma_start3A_1338 : memref<1x1x1x8x128xf32, #tpu.memory_space<hbm>> -> memref<8x128xf32, #tpu.memory_space<hbm>>
      %dma_start3A_1340 = arith.constant 0 : i32
      %dma_start3A_1341 = arith.constant 0 : i32
      %dma_start3A_1342 = tpu.memref_slice %arg3[%add3A_350, %dma_start3A_1332, %dma_start3A_1333, %dma_start3A_1340, %dma_start3A_1341] : memref<1024x8x8x8x128xf32, #tpu.memory_space<hbm>> -> memref<1x1x1x8x128xf32, #tpu.memory_space<hbm>>
      %dma_start3A_1343 = tpu.memref_squeeze %dma_start3A_1342 : memref<1x1x1x8x128xf32, #tpu.memory_space<hbm>> -> memref<8x128xf32, #tpu.memory_space<hbm>>
      %dma_start3A_1344 = arith.constant 56 : i32
      %dma_start3A_1345 = tpu.memref_slice %arg4[%dma_start3A_1344, %add3A_1331] : memref<64x1280xf32, #tpu.memory_space<vmem>> -> memref<8x128xf32, #tpu.memory_space<vmem>>
      tpu.enqueue_dma source(%dma_start3A_1345 : memref<8x128xf32, #tpu.memory_space<vmem>>) target(%dma_start3A_1343 : memref<8x128xf32, #tpu.memory_space<hbm>>) target_semaphore(%arg7 : memref<!tpu.dma_semaphore, #tpu.memory_space<semaphore_mem>>)
      %add3A_1346 = arith.constant 768 : i32
      %add3A_1347 = arith.addi %sub3A_354, %add3A_1346 : i32
      %dma_start3A_1348 = arith.constant 7 : i32
      %dma_start3A_1349 = arith.constant 6 : i32
      %dma_start3A_1350 = arith.constant 56 : i32
      %dma_start3A_1351 = tpu.memref_slice %arg4[%dma_start3A_1350, %add3A_1347] : memref<64x1280xf32, #tpu.memory_space<vmem>> -> memref<8x128xf32, #tpu.memory_space<vmem>>
      %dma_start3A_1352 = arith.constant 0 : i32
      %dma_start3A_1353 = arith.constant 0 : i32
      %dma_start3A_1354 = tpu.memref_slice %arg3[%add3A_350, %dma_start3A_1348, %dma_start3A_1349, %dma_start3A_1352, %dma_start3A_1353] : memref<1024x8x8x8x128xf32, #tpu.memory_space<hbm>> -> memref<1x1x1x8x128xf32, #tpu.memory_space<hbm>>
      %dma_start3A_1355 = tpu.memref_squeeze %dma_start3A_1354 : memref<1x1x1x8x128xf32, #tpu.memory_space<hbm>> -> memref<8x128xf32, #tpu.memory_space<hbm>>
      %dma_start3A_1356 = arith.constant 0 : i32
      %dma_start3A_1357 = arith.constant 0 : i32
      %dma_start3A_1358 = tpu.memref_slice %arg3[%add3A_350, %dma_start3A_1348, %dma_start3A_1349, %dma_start3A_1356, %dma_start3A_1357] : memref<1024x8x8x8x128xf32, #tpu.memory_space<hbm>> -> memref<1x1x1x8x128xf32, #tpu.memory_space<hbm>>
      %dma_start3A_1359 = tpu.memref_squeeze %dma_start3A_1358 : memref<1x1x1x8x128xf32, #tpu.memory_space<hbm>> -> memref<8x128xf32, #tpu.memory_space<hbm>>
      %dma_start3A_1360 = arith.constant 56 : i32
      %dma_start3A_1361 = tpu.memref_slice %arg4[%dma_start3A_1360, %add3A_1347] : memref<64x1280xf32, #tpu.memory_space<vmem>> -> memref<8x128xf32, #tpu.memory_space<vmem>>
      tpu.enqueue_dma source(%dma_start3A_1361 : memref<8x128xf32, #tpu.memory_space<vmem>>) target(%dma_start3A_1359 : memref<8x128xf32, #tpu.memory_space<hbm>>) target_semaphore(%arg7 : memref<!tpu.dma_semaphore, #tpu.memory_space<semaphore_mem>>)
      %add3A_1362 = arith.constant 896 : i32
      %add3A_1363 = arith.addi %sub3A_354, %add3A_1362 : i32
      %dma_start3A_1364 = arith.constant 7 : i32
      %dma_start3A_1365 = arith.constant 7 : i32
      %dma_start3A_1366 = arith.constant 56 : i32
      %dma_start3A_1367 = tpu.memref_slice %arg4[%dma_start3A_1366, %add3A_1363] : memref<64x1280xf32, #tpu.memory_space<vmem>> -> memref<8x128xf32, #tpu.memory_space<vmem>>
      %dma_start3A_1368 = arith.constant 0 : i32
      %dma_start3A_1369 = arith.constant 0 : i32
      %dma_start3A_1370 = tpu.memref_slice %arg3[%add3A_350, %dma_start3A_1364, %dma_start3A_1365, %dma_start3A_1368, %dma_start3A_1369] : memref<1024x8x8x8x128xf32, #tpu.memory_space<hbm>> -> memref<1x1x1x8x128xf32, #tpu.memory_space<hbm>>
      %dma_start3A_1371 = tpu.memref_squeeze %dma_start3A_1370 : memref<1x1x1x8x128xf32, #tpu.memory_space<hbm>> -> memref<8x128xf32, #tpu.memory_space<hbm>>
      %dma_start3A_1372 = arith.constant 0 : i32
      %dma_start3A_1373 = arith.constant 0 : i32
      %dma_start3A_1374 = tpu.memref_slice %arg3[%add3A_350, %dma_start3A_1364, %dma_start3A_1365, %dma_start3A_1372, %dma_start3A_1373] : memref<1024x8x8x8x128xf32, #tpu.memory_space<hbm>> -> memref<1x1x1x8x128xf32, #tpu.memory_space<hbm>>
      %dma_start3A_1375 = tpu.memref_squeeze %dma_start3A_1374 : memref<1x1x1x8x128xf32, #tpu.memory_space<hbm>> -> memref<8x128xf32, #tpu.memory_space<hbm>>
      %dma_start3A_1376 = arith.constant 56 : i32
      %dma_start3A_1377 = tpu.memref_slice %arg4[%dma_start3A_1376, %add3A_1363] : memref<64x1280xf32, #tpu.memory_space<vmem>> -> memref<8x128xf32, #tpu.memory_space<vmem>>
      tpu.enqueue_dma source(%dma_start3A_1377 : memref<8x128xf32, #tpu.memory_space<vmem>>) target(%dma_start3A_1375 : memref<8x128xf32, #tpu.memory_space<hbm>>) target_semaphore(%arg7 : memref<!tpu.dma_semaphore, #tpu.memory_space<semaphore_mem>>)
      %dma_wait3A = arith.constant 0 : i32
      %dma_wait3A_1378 = arith.constant 0 : i32
      %dma_wait3A_1379 = arith.constant 0 : i32
      %dma_wait3A_1380 = arith.constant 0 : i32
      %dma_wait3A_1381 = arith.constant 0 : i32
      %dma_wait3A_1382 = tpu.memref_slice %arg3[%dma_wait3A, %dma_wait3A_1378, %dma_wait3A_1379, %dma_wait3A_1380, %dma_wait3A_1381] : memref<1024x8x8x8x128xf32, #tpu.memory_space<hbm>> -> memref<1x1x8x8x128xf32, #tpu.memory_space<hbm>>
      %dma_wait3A_1383 = tpu.memref_squeeze %dma_wait3A_1382 : memref<1x1x8x8x128xf32, #tpu.memory_space<hbm>> -> memref<8x8x128xf32, #tpu.memory_space<hbm>>
      %dma_wait3A_1384 = arith.constant 0 : i32
      %dma_wait3A_1385 = arith.constant 0 : i32
      %dma_wait3A_1386 = arith.constant 0 : i32
      %dma_wait3A_1387 = tpu.memref_slice %arg3[%dma_wait3A, %dma_wait3A_1378, %dma_wait3A_1384, %dma_wait3A_1385, %dma_wait3A_1386] : memref<1024x8x8x8x128xf32, #tpu.memory_space<hbm>> -> memref<1x1x8x8x128xf32, #tpu.memory_space<hbm>>
      %dma_wait3A_1388 = tpu.memref_squeeze %dma_wait3A_1387 : memref<1x1x8x8x128xf32, #tpu.memory_space<hbm>> -> memref<8x8x128xf32, #tpu.memory_space<hbm>>
      tpu.wait_dma2 semaphore(%arg7 : memref<!tpu.dma_semaphore, #tpu.memory_space<semaphore_mem>>) src(%dma_wait3A_1388 : memref<8x8x128xf32, #tpu.memory_space<hbm>>) dst(%arg6 : memref<8x8x128xf32, #tpu.memory_space<vmem>>)
      %dma_wait3A_1389 = arith.constant 0 : i32
      %dma_wait3A_1390 = arith.constant 0 : i32
      %dma_wait3A_1391 = arith.constant 0 : i32
      %dma_wait3A_1392 = arith.constant 0 : i32
      %dma_wait3A_1393 = arith.constant 0 : i32
      %dma_wait3A_1394 = tpu.memref_slice %arg3[%dma_wait3A_1389, %dma_wait3A_1390, %dma_wait3A_1391, %dma_wait3A_1392, %dma_wait3A_1393] : memref<1024x8x8x8x128xf32, #tpu.memory_space<hbm>> -> memref<1x1x8x8x128xf32, #tpu.memory_space<hbm>>
      %dma_wait3A_1395 = tpu.memref_squeeze %dma_wait3A_1394 : memref<1x1x8x8x128xf32, #tpu.memory_space<hbm>> -> memref<8x8x128xf32, #tpu.memory_space<hbm>>
      %dma_wait3A_1396 = arith.constant 0 : i32
      %dma_wait3A_1397 = arith.constant 0 : i32
      %dma_wait3A_1398 = arith.constant 0 : i32
      %dma_wait3A_1399 = tpu.memref_slice %arg3[%dma_wait3A_1389, %dma_wait3A_1390, %dma_wait3A_1396, %dma_wait3A_1397, %dma_wait3A_1398] : memref<1024x8x8x8x128xf32, #tpu.memory_space<hbm>> -> memref<1x1x8x8x128xf32, #tpu.memory_space<hbm>>
      %dma_wait3A_1400 = tpu.memref_squeeze %dma_wait3A_1399 : memref<1x1x8x8x128xf32, #tpu.memory_space<hbm>> -> memref<8x8x128xf32, #tpu.memory_space<hbm>>
      tpu.wait_dma2 semaphore(%arg7 : memref<!tpu.dma_semaphore, #tpu.memory_space<semaphore_mem>>) src(%dma_wait3A_1400 : memref<8x8x128xf32, #tpu.memory_space<hbm>>) dst(%arg6 : memref<8x8x128xf32, #tpu.memory_space<vmem>>)
      %dma_wait3A_1401 = arith.constant 0 : i32
      %dma_wait3A_1402 = arith.constant 0 : i32
      %dma_wait3A_1403 = arith.constant 0 : i32
      %dma_wait3A_1404 = arith.constant 0 : i32
      %dma_wait3A_1405 = arith.constant 0 : i32
      %dma_wait3A_1406 = tpu.memref_slice %arg3[%dma_wait3A_1401, %dma_wait3A_1402, %dma_wait3A_1403, %dma_wait3A_1404, %dma_wait3A_1405] : memref<1024x8x8x8x128xf32, #tpu.memory_space<hbm>> -> memref<1x1x8x8x128xf32, #tpu.memory_space<hbm>>
      %dma_wait3A_1407 = tpu.memref_squeeze %dma_wait3A_1406 : memref<1x1x8x8x128xf32, #tpu.memory_space<hbm>> -> memref<8x8x128xf32, #tpu.memory_space<hbm>>
      %dma_wait3A_1408 = arith.constant 0 : i32
      %dma_wait3A_1409 = arith.constant 0 : i32
      %dma_wait3A_1410 = arith.constant 0 : i32
      %dma_wait3A_1411 = tpu.memref_slice %arg3[%dma_wait3A_1401, %dma_wait3A_1402, %dma_wait3A_1408, %dma_wait3A_1409, %dma_wait3A_1410] : memref<1024x8x8x8x128xf32, #tpu.memory_space<hbm>> -> memref<1x1x8x8x128xf32, #tpu.memory_space<hbm>>
      %dma_wait3A_1412 = tpu.memref_squeeze %dma_wait3A_1411 : memref<1x1x8x8x128xf32, #tpu.memory_space<hbm>> -> memref<8x8x128xf32, #tpu.memory_space<hbm>>
      tpu.wait_dma2 semaphore(%arg7 : memref<!tpu.dma_semaphore, #tpu.memory_space<semaphore_mem>>) src(%dma_wait3A_1412 : memref<8x8x128xf32, #tpu.memory_space<hbm>>) dst(%arg6 : memref<8x8x128xf32, #tpu.memory_space<vmem>>)
      %dma_wait3A_1413 = arith.constant 0 : i32
      %dma_wait3A_1414 = arith.constant 0 : i32
      %dma_wait3A_1415 = arith.constant 0 : i32
      %dma_wait3A_1416 = arith.constant 0 : i32
      %dma_wait3A_1417 = arith.constant 0 : i32
      %dma_wait3A_1418 = tpu.memref_slice %arg3[%dma_wait3A_1413, %dma_wait3A_1414, %dma_wait3A_1415, %dma_wait3A_1416, %dma_wait3A_1417] : memref<1024x8x8x8x128xf32, #tpu.memory_space<hbm>> -> memref<1x1x8x8x128xf32, #tpu.memory_space<hbm>>
      %dma_wait3A_1419 = tpu.memref_squeeze %dma_wait3A_1418 : memref<1x1x8x8x128xf32, #tpu.memory_space<hbm>> -> memref<8x8x128xf32, #tpu.memory_space<hbm>>
      %dma_wait3A_1420 = arith.constant 0 : i32
      %dma_wait3A_1421 = arith.constant 0 : i32
      %dma_wait3A_1422 = arith.constant 0 : i32
      %dma_wait3A_1423 = tpu.memref_slice %arg3[%dma_wait3A_1413, %dma_wait3A_1414, %dma_wait3A_1420, %dma_wait3A_1421, %dma_wait3A_1422] : memref<1024x8x8x8x128xf32, #tpu.memory_space<hbm>> -> memref<1x1x8x8x128xf32, #tpu.memory_space<hbm>>
      %dma_wait3A_1424 = tpu.memref_squeeze %dma_wait3A_1423 : memref<1x1x8x8x128xf32, #tpu.memory_space<hbm>> -> memref<8x8x128xf32, #tpu.memory_space<hbm>>
      tpu.wait_dma2 semaphore(%arg7 : memref<!tpu.dma_semaphore, #tpu.memory_space<semaphore_mem>>) src(%dma_wait3A_1424 : memref<8x8x128xf32, #tpu.memory_space<hbm>>) dst(%arg6 : memref<8x8x128xf32, #tpu.memory_space<vmem>>)
      %dma_wait3A_1425 = arith.constant 0 : i32
      %dma_wait3A_1426 = arith.constant 0 : i32
      %dma_wait3A_1427 = arith.constant 0 : i32
      %dma_wait3A_1428 = arith.constant 0 : i32
      %dma_wait3A_1429 = arith.constant 0 : i32
      %dma_wait3A_1430 = tpu.memref_slice %arg3[%dma_wait3A_1425, %dma_wait3A_1426, %dma_wait3A_1427, %dma_wait3A_1428, %dma_wait3A_1429] : memref<1024x8x8x8x128xf32, #tpu.memory_space<hbm>> -> memref<1x1x8x8x128xf32, #tpu.memory_space<hbm>>
      %dma_wait3A_1431 = tpu.memref_squeeze %dma_wait3A_1430 : memref<1x1x8x8x128xf32, #tpu.memory_space<hbm>> -> memref<8x8x128xf32, #tpu.memory_space<hbm>>
      %dma_wait3A_1432 = arith.constant 0 : i32
      %dma_wait3A_1433 = arith.constant 0 : i32
      %dma_wait3A_1434 = arith.constant 0 : i32
      %dma_wait3A_1435 = tpu.memref_slice %arg3[%dma_wait3A_1425, %dma_wait3A_1426, %dma_wait3A_1432, %dma_wait3A_1433, %dma_wait3A_1434] : memref<1024x8x8x8x128xf32, #tpu.memory_space<hbm>> -> memref<1x1x8x8x128xf32, #tpu.memory_space<hbm>>
      %dma_wait3A_1436 = tpu.memref_squeeze %dma_wait3A_1435 : memref<1x1x8x8x128xf32, #tpu.memory_space<hbm>> -> memref<8x8x128xf32, #tpu.memory_space<hbm>>
      tpu.wait_dma2 semaphore(%arg7 : memref<!tpu.dma_semaphore, #tpu.memory_space<semaphore_mem>>) src(%dma_wait3A_1436 : memref<8x8x128xf32, #tpu.memory_space<hbm>>) dst(%arg6 : memref<8x8x128xf32, #tpu.memory_space<vmem>>)
      %dma_wait3A_1437 = arith.constant 0 : i32
      %dma_wait3A_1438 = arith.constant 0 : i32
      %dma_wait3A_1439 = arith.constant 0 : i32
      %dma_wait3A_1440 = arith.constant 0 : i32
      %dma_wait3A_1441 = arith.constant 0 : i32
      %dma_wait3A_1442 = tpu.memref_slice %arg3[%dma_wait3A_1437, %dma_wait3A_1438, %dma_wait3A_1439, %dma_wait3A_1440, %dma_wait3A_1441] : memref<1024x8x8x8x128xf32, #tpu.memory_space<hbm>> -> memref<1x1x8x8x128xf32, #tpu.memory_space<hbm>>
      %dma_wait3A_1443 = tpu.memref_squeeze %dma_wait3A_1442 : memref<1x1x8x8x128xf32, #tpu.memory_space<hbm>> -> memref<8x8x128xf32, #tpu.memory_space<hbm>>
      %dma_wait3A_1444 = arith.constant 0 : i32
      %dma_wait3A_1445 = arith.constant 0 : i32
      %dma_wait3A_1446 = arith.constant 0 : i32
      %dma_wait3A_1447 = tpu.memref_slice %arg3[%dma_wait3A_1437, %dma_wait3A_1438, %dma_wait3A_1444, %dma_wait3A_1445, %dma_wait3A_1446] : memref<1024x8x8x8x128xf32, #tpu.memory_space<hbm>> -> memref<1x1x8x8x128xf32, #tpu.memory_space<hbm>>
      %dma_wait3A_1448 = tpu.memref_squeeze %dma_wait3A_1447 : memref<1x1x8x8x128xf32, #tpu.memory_space<hbm>> -> memref<8x8x128xf32, #tpu.memory_space<hbm>>
      tpu.wait_dma2 semaphore(%arg7 : memref<!tpu.dma_semaphore, #tpu.memory_space<semaphore_mem>>) src(%dma_wait3A_1448 : memref<8x8x128xf32, #tpu.memory_space<hbm>>) dst(%arg6 : memref<8x8x128xf32, #tpu.memory_space<vmem>>)
      %dma_wait3A_1449 = arith.constant 0 : i32
      %dma_wait3A_1450 = arith.constant 0 : i32
      %dma_wait3A_1451 = arith.constant 0 : i32
      %dma_wait3A_1452 = arith.constant 0 : i32
      %dma_wait3A_1453 = arith.constant 0 : i32
      %dma_wait3A_1454 = tpu.memref_slice %arg3[%dma_wait3A_1449, %dma_wait3A_1450, %dma_wait3A_1451, %dma_wait3A_1452, %dma_wait3A_1453] : memref<1024x8x8x8x128xf32, #tpu.memory_space<hbm>> -> memref<1x1x8x8x128xf32, #tpu.memory_space<hbm>>
      %dma_wait3A_1455 = tpu.memref_squeeze %dma_wait3A_1454 : memref<1x1x8x8x128xf32, #tpu.memory_space<hbm>> -> memref<8x8x128xf32, #tpu.memory_space<hbm>>
      %dma_wait3A_1456 = arith.constant 0 : i32
      %dma_wait3A_1457 = arith.constant 0 : i32
      %dma_wait3A_1458 = arith.constant 0 : i32
      %dma_wait3A_1459 = tpu.memref_slice %arg3[%dma_wait3A_1449, %dma_wait3A_1450, %dma_wait3A_1456, %dma_wait3A_1457, %dma_wait3A_1458] : memref<1024x8x8x8x128xf32, #tpu.memory_space<hbm>> -> memref<1x1x8x8x128xf32, #tpu.memory_space<hbm>>
      %dma_wait3A_1460 = tpu.memref_squeeze %dma_wait3A_1459 : memref<1x1x8x8x128xf32, #tpu.memory_space<hbm>> -> memref<8x8x128xf32, #tpu.memory_space<hbm>>
      tpu.wait_dma2 semaphore(%arg7 : memref<!tpu.dma_semaphore, #tpu.memory_space<semaphore_mem>>) src(%dma_wait3A_1460 : memref<8x8x128xf32, #tpu.memory_space<hbm>>) dst(%arg6 : memref<8x8x128xf32, #tpu.memory_space<vmem>>)
      %dma_wait3A_1461 = arith.constant 0 : i32
      %dma_wait3A_1462 = arith.constant 0 : i32
      %dma_wait3A_1463 = arith.constant 0 : i32
      %dma_wait3A_1464 = arith.constant 0 : i32
      %dma_wait3A_1465 = arith.constant 0 : i32
      %dma_wait3A_1466 = tpu.memref_slice %arg3[%dma_wait3A_1461, %dma_wait3A_1462, %dma_wait3A_1463, %dma_wait3A_1464, %dma_wait3A_1465] : memref<1024x8x8x8x128xf32, #tpu.memory_space<hbm>> -> memref<1x1x8x8x128xf32, #tpu.memory_space<hbm>>
      %dma_wait3A_1467 = tpu.memref_squeeze %dma_wait3A_1466 : memref<1x1x8x8x128xf32, #tpu.memory_space<hbm>> -> memref<8x8x128xf32, #tpu.memory_space<hbm>>
      %dma_wait3A_1468 = arith.constant 0 : i32
      %dma_wait3A_1469 = arith.constant 0 : i32
      %dma_wait3A_1470 = arith.constant 0 : i32
      %dma_wait3A_1471 = tpu.memref_slice %arg3[%dma_wait3A_1461, %dma_wait3A_1462, %dma_wait3A_1468, %dma_wait3A_1469, %dma_wait3A_1470] : memref<1024x8x8x8x128xf32, #tpu.memory_space<hbm>> -> memref<1x1x8x8x128xf32, #tpu.memory_space<hbm>>
      %dma_wait3A_1472 = tpu.memref_squeeze %dma_wait3A_1471 : memref<1x1x8x8x128xf32, #tpu.memory_space<hbm>> -> memref<8x8x128xf32, #tpu.memory_space<hbm>>
      tpu.wait_dma2 semaphore(%arg7 : memref<!tpu.dma_semaphore, #tpu.memory_space<semaphore_mem>>) src(%dma_wait3A_1472 : memref<8x8x128xf32, #tpu.memory_space<hbm>>) dst(%arg6 : memref<8x8x128xf32, #tpu.memory_space<vmem>>)
    }
    %scan3A_343 = arith.constant 32 : i32
    return
  }
}

</mosaic_0001>

<sc_bundles>
// kernel: _run.3.cloned.1.call-start
scs
__scs_entry_jumppad:
0x0: {  	(pc) =	sbr.rel $0x88, $3  }
0x1: {  	(tag) =	ssettag $0x0;
	lr =	simm.s32 $0x1  }
0x2: {  	[smem:$0x3FA0] =	sst lr;
	_ =	strace $0xD0000000  }
0x3: {  	_ = 	snop  }
0x4: {  	_ = 	snop  }
0x5: {  	_ = 	snop  }
0x6: {  	_ = 	snop  }
0x7: {  	_ = 	snop  }
__scs_overlays_trampoline_lowered:
0x8: {  	[smem:$0x3FAF] =	sst s0  }
0x9: {  	[smem:$0x3FB0] =	sst s1  }
0xa: {  	[smem:$0x3FB1] =	sst s2  }
0xb: {  	[smem:$0x3FB2] =	sst s3  }
0xc: {  	[smem:$0x3FB3] =	sst s4  }
0xd: {  	[smem:$0x3FB4] =	sst s5  }
0xe: {  	[smem:$0x3FB5] =	sst s6  }
0xf: {  	[smem:$0x3FB6] =	sst s7  }
0x10: {  	[smem:$0x3FB7] =	sst s8  }
0x11: {  	[smem:$0x3FB8] =	sst s9;
	s0 =	simm.s32 @!p0 $0x0  }
0x12: {  	s1 =	sld [smem:$0x3F9E];
	s0 =	simm.s32 @p0 $0x1  }
0x13: {  	[smem:$0x3FB9] =	sst s0;
	s0 =	simm.s32 @!p1 $0x0  }
0x14: {  	s2 =	sld [smem:$0x3F9D];
	s0 =	simm.s32 @p1 $0x1  }
0x15: {  	[smem:$0x3FBA] =	sst s0;
	s0 =	simm.s32 @!p2 $0x0  }
0x16: {  	s3 =	sld [smem:$0x3FDB];
	s0 =	simm.s32 @p2 $0x1  }
0x17: {  	s4 =	simm.s32 $0x1BF5;
	[smem:$0x3FBC] =	sst s0  }
0x18: {  	s0 =	sld [smem:$0x3F9F];
	_ =	swait.ge [sflag:s4], $0x0  }
0x19: {  	s7 =	sld [smem:$0x3FA0]  }
0x1a: {  	s8 =	sadd.s32 $0xFFFFE003, lr  }
0x1b: {  	s9 =	sadd.s32 $0xFFFFFEF7, lr;
	s5 =	simm.s32 $0xFFFFFFFF;
	p2 =	slt.u32 s8, $0xFFFFF086  }
0x1c: {  	p1 =	slt.u32 s9, $0xF7A;
	s5 =	simm.s32 @!p2 $0x0  }
0x1d: {  	s5 =	simm.s32 @p1 $0x1;
	p0 =	seq.s32 s7, s2  }
0x1e: {  	s7 =	smul.u32 @!p0 $0xF7A, s2;
	p2 =	seq.s32 @!p0 s5, $0x0  }
0x1f: {  	s9 =	smul.u32 $0xF7A, s1;
	s8 =	simm.s32 @!p0 $0x1BF5;
	p2 =	por !p2, p0  }
0x20: {  	[sflag:s8] =	ssyncset.s32 @!p0 $0xFFFFF086;
	s6 =	sadd.s32 @!p0 s3, s7;
	s7 =	simm.s32 @!p0 $0x108  }
0x21: {  	s3 =	sadd.s32 s3, s9;
	s6 =	sadd.s32 @!p0 $0x88, s6;
	s7 =	simm.s32 @p2 $0x1082  }
0x22: {  	[simem:s7], [sflag:s8] =	dma.local @!p0 [hbm:s6], $0xF7A  }
0x23: {  	s9 =	sor.u32 $0xD0000000, s2;
	s6 =	simm.s32 $0x108;
	_ =	swait.ge @!p0 [sflag:s8], $0x0  }
0x24: {  	s3 =	sadd.s32 $0x88, s3;
	s6 =	simm.s32 @!p1 $0x1082;
	[sflag:s4] =	ssyncset.s32 $0xFFFFF086  }
0x25: {  	[simem:s6], [sflag:s4] =	dma.local [hbm:s3], $0xF7A  }
0x26: {  	[smem:$0x3FA0] =	sst s1;
	(tag) =	ssettag s2;
	_ =	strace s9  }
0x27: {  	s1 =	sld [smem:$0x3FB0]  }
0x28: {  	s2 =	sld [smem:$0x3FB1]  }
0x29: {  	s4 =	sld [smem:$0x3FB3]  }
0x2a: {  	p0 =	seq.s32 s5, $0x0;
	s5 =	sld [smem:$0x3FB4]  }
0x2b: {  	s6 =	sld [smem:$0x3FB5]  }
0x2c: {  	s7 =	sld [smem:$0x3FB6]  }
0x2d: {  	s3 =	simm.s32 $0x108;
	s8 =	sld [smem:$0x3FB7]  }
0x2e: {  	s3 =	simm.s32 @!p0 $0x1082;
	s9 =	sld [smem:$0x3FB8]  }
0x2f: {  	lr =	sadd.s32 s0, s3;
	s0 =	sld [smem:$0x3FAF]  }
0x30: {  	s3 =	sld [smem:$0x3FB2]  }
0x31: {  	[smem:$0x3FBB] =	sst s10  }
0x32: {  	s10 =	sld [smem:$0x3FB9];
	_ =	sdelay $0x3  }
0x33: {  	p0 =	seq.s32 s10, $0x1;
	s10 =	sld [smem:$0x3FBB];
	_ =	sdelay $0x3  }
0x34: {  	[smem:$0x3FBB] =	sst s10  }
0x35: {  	s10 =	sld [smem:$0x3FBA];
	_ =	sdelay $0x3  }
0x36: {  	p1 =	seq.s32 s10, $0x1;
	s10 =	sld [smem:$0x3FBB];
	_ =	sdelay $0x3  }
0x37: {  	[smem:$0x3FBB] =	sst s10  }
0x38: {  	s10 =	sld [smem:$0x3FBC]  }
0x39: {  	_ = 	snop;
	(pc) =	sbr.ind lr, $3  }
0x3a: {  	_ = 	snop  }
0x3b: {  	_ = 	snop  }
0x3c: {  	p2 =	seq.s32 s10, $0x1;
	s10 =	sld [smem:$0x3FBB]  }
0x3d: {  	_ =	shalt  }
0x3e: {  	_ =	shalt  }
0x3f: {  	_ =	shalt  }
0x40: {  	_ =	shalt  }
0x41: {  	_ =	shalt  }
0x42: {  	_ =	shalt  }
0x43: {  	_ =	shalt  }
0x44: {  	_ =	shalt  }
0x45: {  	_ =	shalt  }
0x46: {  	_ =	shalt  }
0x47: {  	_ =	shalt  }
0x48: {  	_ =	shalt  }
0x49: {  	_ =	shalt  }
0x4a: {  	_ =	shalt  }
0x4b: {  	_ =	shalt  }
0x4c: {  	_ =	shalt  }
0x4d: {  	_ =	shalt  }
0x4e: {  	_ =	shalt  }
0x4f: {  	_ =	shalt  }
0x50: {  	_ =	shalt  }
0x51: {  	_ =	shalt  }
0x52: {  	_ =	shalt  }
0x53: {  	_ =	shalt  }
0x54: {  	_ =	shalt  }
0x55: {  	_ =	shalt  }
0x56: {  	_ =	shalt  }
0x57: {  	_ =	shalt  }
0x58: {  	_ =	shalt  }
0x59: {  	_ =	shalt  }
0x5a: {  	_ =	shalt  }
0x5b: {  	_ =	shalt  }
0x5c: {  	_ =	shalt  }
0x5d: {  	_ =	shalt  }
0x5e: {  	_ =	shalt  }
0x5f: {  	_ =	shalt  }
0x60: {  	_ =	shalt  }
0x61: {  	_ =	shalt  }
0x62: {  	_ =	shalt  }
0x63: {  	_ =	shalt  }
0x64: {  	_ =	shalt  }
0x65: {  	_ =	shalt  }
0x66: {  	_ =	shalt  }
0x67: {  	_ =	shalt  }
0x68: {  	_ =	shalt  }
0x69: {  	_ =	shalt  }
0x6a: {  	_ =	shalt  }
0x6b: {  	_ =	shalt  }
0x6c: {  	_ =	shalt  }
0x6d: {  	_ =	shalt  }
0x6e: {  	_ =	shalt  }
0x6f: {  	_ =	shalt  }
0x70: {  	_ =	shalt  }
0x71: {  	_ =	shalt  }
0x72: {  	_ =	shalt  }
0x73: {  	_ =	shalt  }
0x74: {  	_ =	shalt  }
0x75: {  	_ =	shalt  }
0x76: {  	_ =	shalt  }
0x77: {  	_ =	shalt  }
0x78: {  	_ =	shalt  }
0x79: {  	_ =	shalt  }
0x7a: {  	_ =	shalt  }
0x7b: {  	_ =	shalt  }
0x7c: {  	_ =	shalt  }
0x7d: {  	_ =	shalt  }
0x7e: {  	_ =	shalt  }
0x7f: {  	_ =	shalt  }
0x80: {  	_ =	shalt  }
0x81: {  	_ =	shalt  }
0x82: {  	_ =	shalt  }
0x83: {  	_ =	shalt  }
0x84: {  	_ =	shalt  }
0x85: {  	_ =	shalt  }
0x86: {  	_ =	shalt  }
0x87: {  	_ =	shalt  }
.Lfunc_end0:
.L_simem_size_0:
called_computation_lowered:
.L_overlay_start_0:
0x88: {  	s2 =	sld [smem:$0x3FD9]  }
0x89: {  	s3 =	sld [smem:$0x3FFE];
	_ =	sdelay $0x1  }
0x8a: {  	s1 =	srdreg.scid  }
0x8b: {  	s0 =	sand.u32 $0x1, s1  }
0x8c: {  	s17 =	sshll.u32 s0, $0xA;
	s2 =	sadd.s32 s3, s2  }
0x8d: {  	s2 =	sadd.s32 s2, s17  }
0x8e: {  	[smem:$0x3FC7] =	sst s2  }
0x8f: {  	_ = 	snop  }
0x90: {  	s2 =	sld [smem:$0x3FD0];
	(tm) =	ssettm $0x1  }
0x91: {  	s18 =	sld [smem:$0x3FFB];
	_ =	sdelay $0x3  }
0x92: {  	_ =	strace s18  }
0x93: {  	s3 =	sld [smem:$0x3FFC];
	_ =	sdelay $0x3  }
0x94: {  	_ =	strace s3  }
0x95: {  	s3 =	sld [smem:$0x3FFD];
	_ =	sdelay $0x3  }
0x96: {  	_ =	strace s3  }
0x97: {  	_ =	strace $0x8FFFFFFF  }
0x98: {  	s19 =	sld [smem:$0x3FDB];
	_ =	sdelay $0x1  }
0x99: {  	s4 =	simm.s32 $_scs_section_size  }
0x9a: {  	s5 =	simm.s32 $_size__tile_overlayer_lowered;
	s6 =	simm.s32 $_tile_overlayer_lowered  }
0x9b: {  	s22 =	simm.s32 $0x1BFF;
	s21 =	sshll.u32 s6, $0x1;
	s3 =	sadd.s32 s4, s19  }
0x9c: {  	s7 =	simm.s32 $0x0;
	s20 =	sshll.u32 s5, $0x1;
	s5 =	sadd.s32 s21, s3  }
0x9d: {  	[timem:s7], [sflag:s22] =	dma.local [hbm:s5], s20  }
0x9e: {  	_ =	swait.ge [sflag:s22], s20  }
0x9f: {  	s4 =	ssub.s32 $0x0, s20;
	[sflag:s22] =	ssyncset.done $0x0  }
0xa0: {  	[sflag:s22] =	ssyncadd.s32 s4;
	_ =	sdelay $0x1  }
0xa1: {  	s23 =	simm.s32 $0x1B8B  }
0xa2: {  	_ =	swait.ge [sflag:s23], $0x1  }
0xa3: {  	[sflag:s23] =	ssyncset.done $0x0  }
0xa4: {  	s25 =	simm.s32 $0x1B8E;
	s24 =	sld [smem:$0x3FFE];
	[sflag:s23] =	ssyncadd.s32 $0xFFFFFFFF  }
0xa5: {  	s26 =	simm.s32 $execute0_lowered;
	[smem:$0x3FD2] =	sst s25  }
0xa6: {  	s5 =	sshll.u32 s26, $0x1;
	_ =	strace $0x80000046;
	[dreg:$0x1] =	wrdreg $0xFFFFFFFF  }
0xa7: {  	s28 =	simm.s32 $_size_execute0_lowered;
	s3 =	sadd.s32 s3, s5;
	[dreg:$0x0] =	wrdreg $0x0  }
0xa8: {  	s5 =	sshll.u32 s28, $0x1;
	[dreg:$0x2] =	wrdreg s3  }
0xa9: {  	[dreg:$0x3] =	wrdreg s5  }
0xaa: {  	[dreg:$0x4] =	wrdreg $0xC0  }
0xab: {  	_ =	task [dreg:s7], $0x5FFFF  }
0xac: {  	[dreg:$0x1] =	wrdreg $0xFFFFFFFF  }
0xad: {  	[dreg:$0x0] =	wrdreg $0x60  }
0xae: {  	[dreg:$0x2] =	wrdreg s24  }
0xaf: {  	[dreg:$0x3] =	wrdreg s2  }
0xb0: {  	[dreg:$0x4] =	wrdreg $0x9  }
0xb1: {  	_ =	task.clear_ibuf [dreg:s7], $0x5FFFF;
	_ =	strace $0x90000046  }
0xb2: {  	s29 =	simm.s32 $0x9;
	_ =	strace $0x80000048  }
0xb3: {  	_ =	swait.ge [sflag:s29], $0x1  }
0xb4: {  	[sflag:s29] =	ssyncadd.s32 $0xFFFFFFFF  }
0xb5: {  	_ =	strace $0x90000048  }
0xb6: {  	_ =	sfence  }
0xb7: {  	s30 =	sld [smem:$0x0];
	_ =	sdelay $0x2  }
0xb8: {  	s31 =	sshll.u32 s1, $0xD;
	s1 =	sshrl.u32 s1, $0x2  }
0xb9: {  	s3 =	sand.u32 $0x4000, s31;
	s1 =	sadd.s32 s1, s30  }
0xba: {  	s0 =	sor.u32 s3, s0;
	s1 =	sshll.u32 s1, $0x11  }
0xbb: {  	s0 =	sor.u32 s1, s0  }
0xbc: {  	s0 =	sadd.s32 $0x8F2B, s0  }
0xbd: {  	[sflag:s0] =	ssyncadd.remote.s32 $0x1  }
0xbe: {  	_ =	sfence.sel $0xFFFF  }
0xbf: {  	[dreg:$0x0] =	wrdreg $0xFFFFFFFF;
	(pc) =	sbr.abs _section_cstart, $3  }
0xc0: {  	[dreg:$0x1] =	wrdreg $0xFFFFFFFF  }
0xc1: {  	_ =	task.clear_ibuf [dreg:s7], $0x2FFFF;
	_ =	strace $0x9FFFFFFF  }
0xc2: {  	(tm) =	ssettm $0x7FFFFFFF  }
0xc3: {  	_ =	shalt  }
tec
execute0_lowered:
.L_overlay_start_1:
0x0: {  	(tag) =	ssettag $0x1  }
0x1: {  	s4 =	rddreg [dreg:$0x0]  }
0x2: {  	s1 =	srdreg.scid;
	s2 =	rddreg [dreg:$0x1]  }
0x3: {  	s3 =	simm.s32 $0x0;
	s5 =	sand.u32 $0x1, s1;
	s1 =	rddreg [dreg:$0x2]  }
0x4: {  	[smem:$0x7FF] =	sst s3;
	s9 =	sadd.s32 $0x80, s2  }
0x5: {  	s10 =	sadd.s32 $0x100, s2;
	_ =	strace $0x80000047;
	[dreg:$0x4] =	wrdreg s9  }
0x6: {  	s11 =	sadd.s32 $0x180, s2;
	[dreg:$0x5] =	wrdreg s10  }
0x7: {  	s0 =	stileid.u32;
	s12 =	sadd.s32 $0x200, s2;
	[dreg:$0x6] =	wrdreg s11  }
0x8: {  	s8 =	sshll.u32 s0, $0x1;
	s13 =	sadd.s32 $0x280, s2;
	[dreg:$0x7] =	wrdreg s12  }
0x9: {  	s14 =	sadd.s32 $0x300, s2;
	s6 =	sor.u32 s5, s8;
	[dreg:$0x8] =	wrdreg s13  }
0xa: {  	[dreg:$0x9] =	wrdreg s14;
	s9 =	sadd.s32 $0xB80, s2;
	s7 =	sshll.u32 s6, $0x5  }
0xb: {  	[dreg:$0x1a] =	wrdreg s9;
	s8 =	sor.u32 s6, s7  }
0xc: {  	s9 =	sand.u32 $0x7, s6;
	s7 =	sor.u32 $0xE4, s7;
	s8 =	sand.u32 $0x307, s8  }
0xd: {  	s15 =	sadd.s32 $0x380, s2;
	[dreg:$0x3] =	wrdreg s8;
	s8 =	sadd.s32 s9, s7  }
0xe: {  	v1 =	vlaneseq.u32;
	s16 =	sadd.s32 $0x400, s2;
	[dreg:$0xa] =	wrdreg s15;
	s14 =	sadd.s32 $0x14, s8  }
0xf: {  	s17 =	sadd.s32 $0x480, s2;
	v4 =	vor.u32 $0x4F0, v1;
	[dreg:$0xb] =	wrdreg s16;
	v3 =	vmov s14  }
0x10: {  	s18 =	sadd.s32 $0x500, s2;
	[dreg:$0xc] =	wrdreg s17;
	vm0 =	vgt.u32 v3, v4;
	v4 =	vimm.s32 $0x0  }
0x11: {  	s19 =	sadd.s32 $0x580, s2;
	v5 =	vor.u32 $0x4D0, v1;
	[dreg:$0xd] =	wrdreg s18;
	v4 =	vsel vm0, $0xFFFFFFFF, v4  }
0x12: {  	s20 =	sadd.s32 $0x600, s2;
	v52 =	vor.u32 $0x3F0, v1;
	v53 =	vor.u32 $0x3E0, v1;
	[dreg:$0xe] =	wrdreg s19;
	[tilespmem:$0x1FE10] =	vst v4;
	v4 =	vor.u32 $0x4E0, v1  }
0x13: {  	s21 =	sadd.s32 $0x680, s2;
	[dreg:$0xf] =	wrdreg s20;
	vm0 =	vgt.u32 v3, v5;
	vm3 =	vgt.u32 v3, v4;
	v4 =	vimm.s32 $0x0  }
0x14: {  	s22 =	sadd.s32 $0x700, s2;
	v54 =	vor.u32 $0x3D0, v1;
	v55 =	vor.u32 $0x3C0, v1;
	[dreg:$0x10] =	wrdreg s21;
	v4 =	vsel vm0, $0xFFFFFFFF, v4  }
0x15: {  	s23 =	sadd.s32 $0x780, s2;
	v56 =	vor.u32 $0x3B0, v1;
	v57 =	vor.u32 $0x3A0, v1;
	[dreg:$0x11] =	wrdreg s22;
	[tilespmem:$0x1FE20] =	vst v4;
	v4 =	vor.u32 $0x4C0, v1  }
0x16: {  	s24 =	sadd.s32 $0x800, s2;
	v58 =	vor.u32 $0x390, v1;
	[dreg:$0x12] =	wrdreg s23;
	vm0 =	vgt.u32 v3, v4;
	v4 =	vimm.s32 $0x0  }
0x17: {  	s25 =	sadd.s32 $0x880, s2;
	v62 =	vor.u32 $0x380, v1;
	v60 =	vor.u32 $0x370, v1;
	[dreg:$0x13] =	wrdreg s24;
	v4 =	vsel vm0, $0xFFFFFFFF, v4  }
0x18: {  	s26 =	sadd.s32 $0x900, s2;
	v61 =	vor.u32 $0x360, v1;
	[dreg:$0x14] =	wrdreg s25;
	v5 =	vor.u32 $0x4A0, v1;
	[tilespmem:$0x1FE30] =	vst v4;
	v4 =	vor.u32 $0x4B0, v1  }
0x19: {  	s28 =	sadd.s32 $0x980, s2;
	[dreg:$0x15] =	wrdreg s26;
	vm0 =	vgt.u32 v3, v5;
	vm6 =	vgt.u32 v3, v4;
	v4 =	vimm.s32 $0x0  }
0x1a: {  	s29 =	sadd.s32 $0xA00, s2;
	v63 =	vor.u32 $0x340, v1;
	v59 =	vor.u32 $0x330, v1;
	[dreg:$0x16] =	wrdreg s28;
	v4 =	vsel vm0, $0xFFFFFFFF, v4  }
0x1b: {  	s30 =	sadd.s32 $0xA80, s2;
	v6 =	vor.u32 $0x2D0, v1;
	v7 =	vor.u32 $0x2C0, v1;
	[dreg:$0x17] =	wrdreg s29;
	[tilespmem:$0x1FE40] =	vst v4;
	v4 =	vor.u32 $0x490, v1  }
0x1c: {  	s31 =	sadd.s32 $0xB00, s2;
	v8 =	vor.u32 $0x2B0, v1;
	[dreg:$0x18] =	wrdreg s30;
	vm0 =	vgt.u32 v3, v4;
	v4 =	vimm.s32 $0x0  }
0x1d: {  	v9 =	vor.u32 $0x2A0, v1;
	v10 =	vor.u32 $0x290, v1;
	[dreg:$0x19] =	wrdreg s31;
	s10 =	sadd.s32 $0xC00, s2;
	v4 =	vsel vm0, $0xFFFFFFFF, v4  }
0x1e: {  	v11 =	vor.u32 $0x280, v1;
	s11 =	sadd.s32 $0xC80, s2;
	[dreg:$0x1b] =	wrdreg s10;
	v5 =	vor.u32 $0x470, v1;
	[tilespmem:$0x1FE50] =	vst v4;
	v4 =	vor.u32 $0x480, v1  }
0x1f: {  	s12 =	sadd.s32 $0xD80, s2;
	[dreg:$0x1c] =	wrdreg s11;
	vm0 =	vgt.u32 v3, v5;
	vm9 =	vgt.u32 v3, v4;
	v4 =	vimm.s32 $0x0  }
0x20: {  	v12 =	vor.u32 $0x270, v1;
	v13 =	vor.u32 $0x260, v1;
	s13 =	sadd.s32 $0xE00, s2;
	[dreg:$0x1e] =	wrdreg s12;
	v4 =	vsel vm0, $0xFFFFFFFF, v4  }
0x21: {  	v14 =	vor.u32 $0x250, v1;
	v15 =	vor.u32 $0x240, v1;
	s15 =	sadd.s32 $0xE80, s2;
	[dreg:$0x1f] =	wrdreg s13;
	[tilespmem:$0x1FE60] =	vst v4;
	v4 =	vor.u32 $0x460, v1  }
0x22: {  	v16 =	vor.u32 $0x230, v1;
	s16 =	sadd.s32 $0xF00, s2;
	[smem:$0x7DB] =	sst s15;
	vm0 =	vgt.u32 v3, v4;
	v4 =	vimm.s32 $0x0  }
0x23: {  	v17 =	vor.u32 $0x220, v1;
	v18 =	vor.u32 $0x210, v1;
	s17 =	sadd.s32 $0xF80, s2;
	[smem:$0x7DC] =	sst s16;
	v4 =	vsel vm0, $0xFFFFFFFF, v4  }
0x24: {  	v19 =	vor.u32 $0x200, v1;
	s18 =	sadd.s32 $0x1000, s2;
	[smem:$0x7DD] =	sst s17;
	v5 =	vor.u32 $0x440, v1;
	[tilespmem:$0x1FE70] =	vst v4;
	v4 =	vor.u32 $0x450, v1  }
0x25: {  	s19 =	sadd.s32 $0x1080, s2;
	[smem:$0x7DE] =	sst s18;
	vm0 =	vgt.u32 v3, v5;
	vm12 =	vgt.u32 v3, v4;
	v4 =	vimm.s32 $0x0  }
0x26: {  	v20 =	vor.u32 $0x1F0, v1;
	v21 =	vor.u32 $0x1E0, v1;
	s20 =	sadd.s32 $0x1100, s2;
	[smem:$0x7DF] =	sst s19;
	v4 =	vsel vm0, $0xFFFFFFFF, v4  }
0x27: {  	v22 =	vor.u32 $0x1D0, v1;
	v23 =	vor.u32 $0x1C0, v1;
	s21 =	sadd.s32 $0x1180, s2;
	[smem:$0x7E0] =	sst s20;
	[tilespmem:$0x1FE80] =	vst v4;
	v4 =	vor.u32 $0x430, v1  }
0x28: {  	v24 =	vor.u32 $0x1B0, v1;
	s22 =	sadd.s32 $0x1200, s2;
	[smem:$0x7E1] =	sst s21;
	vm0 =	vgt.u32 v3, v4;
	v4 =	vimm.s32 $0x0  }
0x29: {  	v25 =	vor.u32 $0x1A0, v1;
	v26 =	vor.u32 $0x190, v1;
	s23 =	sadd.s32 $0x1280, s2;
	[smem:$0x7E2] =	sst s22;
	v4 =	vsel vm0, $0xFFFFFFFF, v4  }
0x2a: {  	v27 =	vor.u32 $0x180, v1;
	s24 =	sadd.s32 $0x1300, s2;
	[smem:$0x7E3] =	sst s23;
	v5 =	vor.u32 $0x410, v1;
	[tilespmem:$0x1FE90] =	vst v4;
	v4 =	vor.u32 $0x420, v1  }
0x2b: {  	s25 =	sadd.s32 $0x1380, s2;
	[smem:$0x7E4] =	sst s24;
	vm0 =	vgt.u32 v3, v5;
	vm15 =	vgt.u32 v3, v4;
	v4 =	vimm.s32 $0x0  }
0x2c: {  	v28 =	vor.u32 $0x170, v1;
	v29 =	vor.u32 $0x160, v1;
	s26 =	sadd.s32 $0x1400, s2;
	[smem:$0x7E5] =	sst s25;
	v4 =	vsel vm0, $0xFFFFFFFF, v4  }
0x2d: {  	v30 =	vor.u32 $0x150, v1;
	v31 =	vor.u32 $0x140, v1;
	s28 =	sadd.s32 $0x1480, s2;
	[smem:$0x7E6] =	sst s26;
	[tilespmem:$0x1FEA0] =	vst v4;
	v4 =	vor.u32 $0x400, v1  }
0x2e: {  	v32 =	vor.u32 $0x130, v1;
	s29 =	sadd.s32 $0x1500, s2;
	[smem:$0x7E7] =	sst s28;
	vm0 =	vgt.u32 v3, v4;
	v4 =	vimm.s32 $0x0  }
0x2f: {  	s30 =	sadd.s32 $0x1580, s2;
	[smem:$0x7E8] =	sst s29;
	v4 =	vsel vm0, $0xFFFFFFFF, v4;
	vm0 =	vgt.u32 v3, v52;
	v52 =	vimm.s32 $0x0  }
0x30: {  	v33 =	vor.u32 $0x120, v1;
	v34 =	vor.u32 $0x110, v1;
	s31 =	sadd.s32 $0x1600, s2;
	[smem:$0x7E9] =	sst s30;
	v52 =	vsel vm0, $0xFFFFFFFF, v52  }
0x31: {  	v35 =	vor.u32 $0x100, v1;
	s10 =	sadd.s32 $0xD00, s2;
	[smem:$0x7EA] =	sst s31;
	vm0 =	vgt.u32 v3, v53;
	[tilespmem:$0x1FEC0] =	vst v52;
	v52 =	vimm.s32 $0x0  }
0x32: {  	v36 =	vor.u32 $0xF0, v1;
	v37 =	vor.u32 $0xE0, v1;
	s11 =	sadd.s32 $0x1700, s2;
	[dreg:$0x1d] =	wrdreg s10;
	v52 =	vsel vm0, $0xFFFFFFFF, v52  }
0x33: {  	v38 =	vor.u32 $0xD0, v1;
	s12 =	sadd.s32 $0x1780, s2;
	[smem:$0x7EC] =	sst s11;
	vm0 =	vgt.u32 v3, v54;
	[tilespmem:$0x1FED0] =	vst v52;
	v52 =	vimm.s32 $0x0  }
0x34: {  	v39 =	vor.u32 $0xC0, v1;
	v40 =	vor.u32 $0xB0, v1;
	s13 =	sadd.s32 $0x1800, s2;
	[smem:$0x7ED] =	sst s12;
	[tilespmem:$0x1FEB0] =	vst v4;
	v52 =	vsel vm0, $0xFFFFFFFF, v52  }
0x35: {  	s15 =	sadd.s32 $0x1900, s2;
	[smem:$0x7EE] =	sst s13;
	v4 =	vor.u32 $0x350, v1;
	vm0 =	vgt.u32 v3, v55;
	[tilespmem:$0x1FEE0] =	vst v52;
	v52 =	vimm.s32 $0x0  }
0x36: {  	s16 =	sadd.s32 $0x1980, s2;
	[smem:$0x7F0] =	sst s15;
	[tilespmem:$0x1FF60] =	vst v4;
	v52 =	vsel vm0, $0xFFFFFFFF, v52;
	vm0 =	vgt.u32 v3, v56;
	v56 =	vimm.s32 $0x0  }
0x37: {  	s17 =	sadd.s32 $0x1A00, s2;
	[smem:$0x7F1] =	sst s16;
	[tilespmem:$0x1FEF0] =	vst v52;
	v52 =	vsel vm0, $0xFFFFFFFF, v56;
	vm0 =	vgt.u32 v3, v57;
	v57 =	vimm.s32 $0x0  }
0x38: {  	s18 =	sadd.s32 $0x1A80, s2;
	[smem:$0x7F2] =	sst s17;
	v56 =	vimm.s32 $0x0;
	[tilespmem:$0x1FF00] =	vst v52;
	v52 =	vsel vm0, $0xFFFFFFFF, v57;
	vm0 =	vgt.u32 v3, v58  }
0x39: {  	s19 =	sadd.s32 $0x1B00, s2;
	[smem:$0x7F3] =	sst s18;
	v57 =	vimm.s32 $0x0;
	[tilespmem:$0x1FF10] =	vst v52;
	v52 =	vsel vm0, $0xFFFFFFFF, v56;
	vm0 =	vgt.u32 v3, v62  }
0x3a: {  	s20 =	sadd.s32 $0x1B80, s2;
	[smem:$0x7F4] =	sst s19;
	v58 =	vimm.s32 $0x0;
	[tilespmem:$0x1FF20] =	vst v52;
	v52 =	vsel vm0, $0xFFFFFFFF, v57;
	vm0 =	vgt.u32 v3, v60  }
0x3b: {  	v41 =	vor.u32 $0xA0, v1;
	s5 =	ssub.s32 $0x2, s5;
	s21 =	sadd.s32 $0x1C00, s2;
	[smem:$0x7F5] =	sst s20;
	[tilespmem:$0x1FF30] =	vst v52;
	v52 =	vsel vm0, $0xFFFFFFFF, v58;
	vm0 =	vgt.u32 v3, v61;
	v61 =	vld [tilespmem:$0x1FF60]  }
0x3c: {  	v42 =	vor.u32 $0x90, v1;
	v43 =	vor.u32 $0x80, v1;
	s22 =	sadd.s32 $0x1C80, s2;
	s23 =	sadd.s32 $0x1D00, s2;
	[smem:$0x7F6] =	sst s21;
	v4 =	vor.u32 $0x320, v1  }
0x3d: {  	v44 =	vor.u32 $0x70, v1;
	v45 =	vor.u32 $0x60, v1;
	s24 =	sadd.s32 $0x1D80, s2;
	s25 =	sshrl.u32 s5, $0x1;
	[smem:$0x7F7] =	sst s22;
	[tilespmem:$0x1FFA0] =	vst v4;
	v4 =	vor.u32 $0x310, v1  }
0x3e: {  	v46 =	vor.u32 $0x50, v1;
	s26 =	sadd.s32 $0x1E00, s2;
	s29 =	sadd.s32 $0x1E80, s2;
	[smem:$0x7F8] =	sst s23;
	[tilespmem:$0x1FFC0] =	vst v4;
	v4 =	vor.u32 $0x300, v1  }
0x3f: {  	v47 =	vor.u32 $0x40, v1;
	s30 =	sadd.s32 $0x1F00, s2;
	s31 =	sadd.s32 $0x1F80, s2;
	[smem:$0x7F9] =	sst s24;
	[tilespmem:$0x1FFE0] =	vst v4;
	v60 =	vimm.s32 $0x0;
	v58 =	vld [tilespmem:$0x1FFA0]  }
0x40: {  	s10 =	sadd.s32 $0x1680, s2;
	[smem:$0x7FA] =	sst s26;
	s7 =	sxor.u32 $0x4, s9;
	v62 =	vimm.s32 $0x0;
	[tilespmem:$0x1FF40] =	vst v52;
	v52 =	vsel vm0, $0xFFFFFFFF, v60;
	v60 =	vld [tilespmem:$0x1FFC0];
	vm0 =	vgt.u32 v3, v61  }
0x41: {  	v48 =	vor.u32 $0x30, v1;
	v49 =	vor.u32 $0x20, v1;
	s5 =	ssub.s32 s5, s25;
	[smem:$0x7FB] =	sst s29;
	s6 =	ssub.s32 s6, s7;
	[tilespmem:$0x1FF50] =	vst v52;
	v52 =	vsel vm0, $0xFFFFFFFF, v62;
	v62 =	vld [tilespmem:$0x1FFE0]  }
0x42: {  	[smem:$0x7FC] =	sst s30;
	v0 =	vmov s7;
	s8 =	ssub.s32 s8, s7;
	s6 =	sadd.s32 $0x4, s6;
	v56 =	vimm.s32 $0x0;
	vm0 =	vgt.u32 v3, v63  }
0x43: {  	[smem:$0x7FD] =	sst s31;
	s8 =	sshll.u32 s8, $0x2;
	s6 =	sand.u32 $0x7, s6;
	v57 =	vimm.s32 $0x0;
	[tilespmem:$0x1FF70] =	vst v52;
	v52 =	vsel vm0, $0xFFFFFFFF, v56;
	vm0 =	vgt.u32 v3, v59  }
0x44: {  	[smem:$0x7EB] =	sst s10;
	s8 =	sand.u32 $0xFFFFFFE0, s8;
	s6 =	sshll.u32 s6, $0x2;
	v59 =	vimm.s32 $0x0;
	[tilespmem:$0x1FF80] =	vst v52;
	v52 =	vsel vm0, $0xFFFFFFFF, v57;
	vm0 =	vgt.u32 v3, v58  }
0x45: {  	s5 =	smax.u32 s5, $0x1;
	s9 =	simm.s32 $0x0;
	s6 =	sor.u32 s6, s8;
	v61 =	vimm.s32 $0x0;
	[tilespmem:$0x1FF90] =	vst v52;
	v52 =	vsel vm0, $0xFFFFFFFF, v59;
	vm0 =	vgt.u32 v3, v60  }
0x46: {  	s28 =	smul.u32 $0x180, s7;
	s14 =	sadd.s32 $0x1880, s2;
	s6 =	sadd.s32 $0x80, s6;
	v63 =	vimm.s32 $0x0;
	[tilespmem:$0x1FFB0] =	vst v52;
	v52 =	vsel vm0, $0xFFFFFFFF, v61;
	vm0 =	vgt.u32 v3, v62  }
0x47: {  	v50 =	vor.u32 $0x10, v1;
	s7 =	simm.s32 $0x2;
	v2 =	vor.u32 $0x28, v0;
	[smem:$0x7EF] =	sst s14;
	s6 =	sshra.s32 s6, $0x2;
	[tilespmem:$0x1FFD0] =	vst v52;
	v52 =	vsel vm0, $0xFFFFFFFF, v63  }
0x48: {  	s4 =	sadd.s32 s4, s28;
	s8 =	simm.s32 $0x1;
	v51 =	vmov s6;
	s6 =	simm.s32 $0x14000;
	v5 =	vor.u32 $0x2E0, v1;
	v4 =	vor.u32 $0x2F0, v1;
	[tilespmem:$0x1FFF0] =	vst v52  }
.LBB2_1:
0x49: {  	[tilespmem:s6], [sflag:$0x2] =	stream.linear.gather [hbm4b:s4+s3], $0xC00, $0x38;
	[tilespmem:$0x14C00] =	vst v63  }
0x4a: {  	_ =	swait.ge [sflag:s7], $0xC00  }
0x4b: {  	s10 =	simm.s32 $0x14020;
	[sflag:s7] =	ssyncset.done $0x0  }
0x4c: {  	s11 =	simm.s32 $0x0;
	s12 =	simm.s32 $0x0;
	[sflag:s7] =	ssyncadd.s32 $0xFFFFF400  }
.LBB2_2:
0x4d: {  	v52 =	vmov s12  }
0x4e: {  	v52 =	vmul.u32 $0x30, v52;
	_ =	sdelay $0x1  }
0x4f: {  	v53 =	vor.u32 v0, v52  }
0x50: {  	v52 =	vadd.s32 v2, v52;
	v53 =	vbroadcast v53, $0x0  }
0x51: {  	v54 =	vbroadcast v52, $0x0;
	_ =	sdelay $0x4  }
0x52: {  	v52 =	vld.idx.msk [tilespmem:v53+s6+$0x0], $0xffff  }
0x53: {  	v53 =	vld.idx.msk [tilespmem:v54+s6+$0x0], $0xffff;
	_ =	sdelay $0x3  }
0x54: {  	vm0 =	vgt.u32 v3, v1  }
0x55: {  	v54 =	vsel vm0, v52, v53;
	vm0 =	vgt.u32 v3, v50  }
0x56: {  	v60 =	vsel vm0, v52, v53;
	vm0 =	vgt.u32 v3, v49  }
0x57: {  	v61 =	vsel vm0, v52, v53;
	vm0 =	vgt.u32 v3, v48  }
0x58: {  	v62 =	vsel vm0, v52, v53;
	vm0 =	vgt.u32 v3, v47  }
0x59: {  	v63 =	vsel vm0, v52, v53;
	vm0 =	vgt.u32 v3, v46  }
0x5a: {  	[tilespmem:s11+$0x10] =	vst v60;
	v57 =	vsel vm0, v52, v53;
	vm0 =	vgt.u32 v3, v45  }
0x5b: {  	[tilespmem:s11+$0x20] =	vst v61;
	v58 =	vsel vm0, v52, v53;
	vm0 =	vgt.u32 v3, v44  }
0x5c: {  	[tilespmem:s11+$0x30] =	vst v62;
	v59 =	vsel vm0, v52, v53;
	vm0 =	vgt.u32 v3, v43  }
0x5d: {  	[tilespmem:s11+$0x40] =	vst v63;
	v60 =	vsel vm0, v52, v53;
	vm0 =	vgt.u32 v3, v42  }
0x5e: {  	[tilespmem:s11+$0x50] =	vst v57;
	v61 =	vsel vm0, v52, v53;
	vm0 =	vgt.u32 v3, v41  }
0x5f: {  	[tilespmem:s11+$0x60] =	vst v58;
	v62 =	vsel vm0, v52, v53;
	vm0 =	vgt.u32 v3, v40  }
0x60: {  	[tilespmem:s11+$0x70] =	vst v59;
	v63 =	vsel vm0, v52, v53;
	vm0 =	vgt.u32 v3, v39  }
0x61: {  	[tilespmem:s11+$0x80] =	vst v60;
	v57 =	vsel vm0, v52, v53;
	vm0 =	vgt.u32 v3, v38  }
0x62: {  	[tilespmem:s11+$0x90] =	vst v61;
	v58 =	vsel vm0, v52, v53;
	vm0 =	vgt.u32 v3, v37  }
0x63: {  	[tilespmem:s11+$0xA0] =	vst v62;
	v59 =	vsel vm0, v52, v53;
	vm0 =	vgt.u32 v3, v36  }
0x64: {  	[tilespmem:s11+$0xB0] =	vst v63;
	v60 =	vsel vm0, v52, v53;
	vm0 =	vgt.u32 v3, v35  }
0x65: {  	[tilespmem:s11+$0xC0] =	vst v57;
	v61 =	vsel vm0, v52, v53;
	vm0 =	vgt.u32 v3, v34  }
0x66: {  	[tilespmem:s11+$0xD0] =	vst v58;
	v62 =	vsel vm0, v52, v53;
	vm0 =	vgt.u32 v3, v33  }
0x67: {  	[tilespmem:s11+$0xE0] =	vst v59;
	v63 =	vsel vm0, v52, v53;
	vm0 =	vgt.u32 v3, v32  }
0x68: {  	[tilespmem:s11+$0xF0] =	vst v60;
	v57 =	vsel vm0, v52, v53;
	vm0 =	vgt.u32 v3, v31  }
0x69: {  	[tilespmem:s11+$0x100] =	vst v61;
	v58 =	vsel vm0, v52, v53;
	vm0 =	vgt.u32 v3, v30  }
0x6a: {  	[tilespmem:s11+$0x110] =	vst v62;
	v59 =	vsel vm0, v52, v53;
	vm0 =	vgt.u32 v3, v29  }
0x6b: {  	[tilespmem:s11+$0x120] =	vst v63;
	v60 =	vsel vm0, v52, v53;
	vm0 =	vgt.u32 v3, v28  }
0x6c: {  	[tilespmem:s11+$0x130] =	vst v57;
	v61 =	vsel vm0, v52, v53;
	vm0 =	vgt.u32 v3, v27  }
0x6d: {  	[tilespmem:s11+$0x140] =	vst v58;
	v62 =	vsel vm0, v52, v53;
	vm0 =	vgt.u32 v3, v26  }
0x6e: {  	[tilespmem:s11+$0x150] =	vst v59;
	v63 =	vsel vm0, v52, v53;
	vm0 =	vgt.u32 v3, v25  }
0x6f: {  	[tilespmem:s11+$0x160] =	vst v60;
	v57 =	vsel vm0, v52, v53;
	vm0 =	vgt.u32 v3, v24  }
0x70: {  	[tilespmem:s11+$0x170] =	vst v61;
	v58 =	vsel vm0, v52, v53;
	vm0 =	vgt.u32 v3, v23  }
0x71: {  	[tilespmem:s11+$0x180] =	vst v62;
	v59 =	vsel vm0, v52, v53;
	vm0 =	vgt.u32 v3, v22  }
0x72: {  	[tilespmem:s11+$0x190] =	vst v63;
	v60 =	vsel vm0, v52, v53;
	vm0 =	vgt.u32 v3, v21  }
0x73: {  	[tilespmem:s11+$0x1A0] =	vst v57;
	v61 =	vsel vm0, v52, v53;
	vm0 =	vgt.u32 v3, v20  }
0x74: {  	[tilespmem:s11+$0x1B0] =	vst v58;
	v62 =	vsel vm0, v52, v53;
	vm0 =	vgt.u32 v3, v19  }
0x75: {  	[tilespmem:s11+$0x1C0] =	vst v59;
	v63 =	vsel vm0, v52, v53;
	vm0 =	vgt.u32 v3, v18  }
0x76: {  	[tilespmem:s11+$0x1D0] =	vst v60;
	v57 =	vsel vm0, v52, v53;
	vm0 =	vgt.u32 v3, v17  }
0x77: {  	[tilespmem:s11+$0x1E0] =	vst v61;
	v58 =	vsel vm0, v52, v53;
	vm0 =	vgt.u32 v3, v16  }
0x78: {  	[tilespmem:s11+$0x1F0] =	vst v62;
	v59 =	vsel vm0, v52, v53;
	vm0 =	vgt.u32 v3, v15  }
0x79: {  	[tilespmem:s11+$0x200] =	vst v63;
	v60 =	vsel vm0, v52, v53;
	vm0 =	vgt.u32 v3, v14  }
0x7a: {  	[tilespmem:s11+$0x210] =	vst v57;
	v61 =	vsel vm0, v52, v53;
	vm0 =	vgt.u32 v3, v13  }
0x7b: {  	[tilespmem:s11+$0x220] =	vst v58;
	v62 =	vsel vm0, v52, v53;
	vm0 =	vgt.u32 v3, v12  }
0x7c: {  	[tilespmem:s11+$0x230] =	vst v59;
	v63 =	vsel vm0, v52, v53;
	vm0 =	vgt.u32 v3, v11  }
0x7d: {  	[tilespmem:s11+$0x240] =	vst v60;
	v57 =	vsel vm0, v52, v53;
	vm0 =	vgt.u32 v3, v10  }
0x7e: {  	[tilespmem:s11+$0x250] =	vst v61;
	v58 =	vsel vm0, v52, v53;
	vm0 =	vgt.u32 v3, v9  }
0x7f: {  	[tilespmem:s11+$0x270] =	vst v63;
	v63 =	vld [tilespmem:$0x1FE30];
	v59 =	vsel vm0, v52, v53;
	vm0 =	vgt.u32 v3, v8  }
0x80: {  	[tilespmem:s11+$0x260] =	vst v62;
	v60 =	vsel vm0, v52, v53;
	vm0 =	vgt.u32 v3, v7  }
0x81: {  	[tilespmem:s11+$0x2B0] =	vst v60;
	v61 =	vsel vm0, v52, v53;
	vm0 =	vgt.u32 v3, v6;
	v60 =	vld [tilespmem:$0x1FE40]  }
0x82: {  	[tilespmem:s11+$0x2C0] =	vst v61;
	v62 =	vsel vm0, v52, v53;
	v61 =	vld [tilespmem:$0x1FE50]  }
0x83: {  	[tilespmem:s11+$0x2D0] =	vst v62;
	v62 =	vld [tilespmem:$0x1FE60]  }
0x84: {  	vm4 =	vnez.u8 v63;
	v63 =	vld [tilespmem:$0x1FE70];
	_ =	sdelay $0x1  }
0x85: {  	vm5 =	vmmov vm6;
	vm6 =	vnez.u8 v60;
	v60 =	vld [tilespmem:$0x1FE80]  }
0x86: {  	vm7 =	vnez.u8 v61;
	v61 =	vld [tilespmem:$0x1FE90]  }
0x87: {  	vm8 =	vmmov vm9;
	vm9 =	vnez.u8 v62;
	v62 =	vld [tilespmem:$0x1FEA0]  }
0x88: {  	vm10 =	vnez.u8 v63;
	v63 =	vld [tilespmem:$0x1FEB0];
	_ =	sdelay $0x1  }
0x89: {  	vm11 =	vmmov vm12;
	vm12 =	vnez.u8 v60;
	v60 =	vld [tilespmem:$0x1FFF0]  }
0x8a: {  	[tilespmem:s11+$0x0] =	vst v54;
	vm13 =	vnez.u8 v61;
	v61 =	vld [tilespmem:$0x1FFD0]  }
0x8b: {  	vm14 =	vmmov vm15;
	[tilespmem:s11+$0x280] =	vst v57;
	vm15 =	vnez.u8 v62;
	v62 =	vld [tilespmem:$0x1FFB0]  }
0x8c: {  	[tilespmem:s11+$0x290] =	vst v58;
	vm0 =	vgt.u32 v3, v5;
	vm1 =	vnez.u8 v63;
	v63 =	vld [tilespmem:$0x1FF90]  }
0x8d: {  	v57 =	vld [tilespmem:$0x1FF80];
	[tilespmem:s11+$0x2A0] =	vst v59;
	v54 =	vsel vm0, v52, v53;
	vm0 =	vgt.u32 v3, v4  }
0x8e: {  	v58 =	vld [tilespmem:$0x1FF70];
	v55 =	vsel vm0, v52, v53;
	[tilespmem:s11+$0x2E0] =	vst v54;
	vm0 =	vnez.u8 v60  }
0x8f: {  	v59 =	vld [tilespmem:$0x1FF50];
	[tilespmem:s11+$0x2F0] =	vst v55;
	v54 =	vsel vm0, v52, v53;
	vm0 =	vnez.u8 v61  }
0x90: {  	v60 =	vld [tilespmem:$0x1FF40];
	[tilespmem:s11+$0x300] =	vst v54;
	v54 =	vsel vm0, v52, v53;
	vm0 =	vnez.u8 v62  }
0x91: {  	v61 =	vld [tilespmem:$0x1FF30];
	[tilespmem:s11+$0x310] =	vst v54;
	v54 =	vsel vm0, v52, v53;
	vm0 =	vnez.u8 v63  }
0x92: {  	[tilespmem:s11+$0x320] =	vst v54;
	v54 =	vsel vm0, v52, v53;
	vm0 =	vnez.u8 v57  }
0x93: {  	v62 =	vld [tilespmem:$0x1FF20];
	[tilespmem:s11+$0x330] =	vst v54;
	v54 =	vsel vm0, v52, v53;
	vm0 =	vnez.u8 v58  }
0x94: {  	[tilespmem:s11+$0x340] =	vst v54;
	v54 =	vsel vm0, v52, v53;
	vm0 =	vnez.u8 v59  }
0x95: {  	v63 =	vld [tilespmem:$0x1FF10];
	[tilespmem:s11+$0x350] =	vst v54;
	v54 =	vsel vm0, v52, v53;
	vm0 =	vnez.u8 v60  }
0x96: {  	[tilespmem:s11+$0x360] =	vst v54;
	v54 =	vsel vm0, v52, v53;
	vm0 =	vnez.u8 v61  }
0x97: {  	[tilespmem:s11+$0x370] =	vst v54;
	v54 =	vsel vm0, v52, v53  }
0x98: {  	v57 =	vld [tilespmem:$0x1FF00];
	vm0 =	vnez.u8 v62;
	v62 =	vsel vm1, v52, v53;
	[tilespmem:s11+$0x380] =	vst v54  }
0x99: {  	v54 =	vsel vm0, v52, v53;
	[tilespmem:s11+$0x400] =	vst v62  }
0x9a: {  	vm0 =	vnez.u8 v63;
	v63 =	vsel vm15, v52, v53;
	[tilespmem:s11+$0x390] =	vst v54  }
0x9b: {  	v62 =	vsel vm9, v52, v53;
	[tilespmem:s11+$0x410] =	vst v63  }
0x9c: {  	v58 =	vld [tilespmem:$0x1FEF0];
	v54 =	vsel vm0, v52, v53;
	[tilespmem:s11+$0x470] =	vst v62  }
0x9d: {  	vm0 =	vnez.u8 v57;
	v57 =	vsel vm14, v52, v53;
	[tilespmem:s11+$0x3A0] =	vst v54  }
0x9e: {  	vm2 =	vmmov vm3;
	v63 =	vsel vm8, v52, v53;
	[tilespmem:s11+$0x420] =	vst v57  }
0x9f: {  	v59 =	vld [tilespmem:$0x1FEE0];
	v62 =	vsel vm2, v52, v53;
	[tilespmem:s11+$0x480] =	vst v63  }
0xa0: {  	v54 =	vsel vm0, v52, v53;
	[tilespmem:s11+$0x4E0] =	vst v62  }
0xa1: {  	vm0 =	vnez.u8 v58;
	v58 =	vsel vm13, v52, v53;
	[tilespmem:s11+$0x3B0] =	vst v54  }
0xa2: {  	v60 =	vld [tilespmem:$0x1FED0];
	v57 =	vsel vm7, v52, v53;
	[tilespmem:s11+$0x430] =	vst v58  }
0xa3: {  	v54 =	vsel vm0, v52, v53;
	[tilespmem:s11+$0x490] =	vst v57  }
0xa4: {  	vm0 =	vnez.u8 v59;
	v59 =	vsel vm12, v52, v53;
	[tilespmem:s11+$0x3C0] =	vst v54  }
0xa5: {  	v61 =	vld [tilespmem:$0x1FEC0];
	v58 =	vsel vm6, v52, v53;
	[tilespmem:s11+$0x440] =	vst v59  }
0xa6: {  	v54 =	vsel vm0, v52, v53;
	[tilespmem:s11+$0x4A0] =	vst v58  }
0xa7: {  	v56 =	vld [tilespmem:$0x1FE20];
	vm0 =	vnez.u8 v60;
	v60 =	vsel vm11, v52, v53;
	[tilespmem:s11+$0x3D0] =	vst v54  }
0xa8: {  	v63 =	vld [tilespmem:$0x1FE10];
	v59 =	vsel vm5, v52, v53;
	[tilespmem:s11+$0x450] =	vst v60  }
0xa9: {  	v54 =	vsel vm0, v52, v53;
	[tilespmem:s11+$0x4B0] =	vst v59  }
0xaa: {  	vm0 =	vnez.u8 v61;
	v61 =	vsel vm10, v52, v53;
	[tilespmem:s11+$0x3E0] =	vst v54  }
0xab: {  	v60 =	vsel vm4, v52, v53;
	[tilespmem:s11+$0x460] =	vst v61  }
0xac: {  	vm3 =	vnez.u8 v56;
	v54 =	vsel vm0, v52, v53;
	[tilespmem:s11+$0x4C0] =	vst v60  }
0xad: {  	v61 =	vsel vm3, v52, v53;
	[tilespmem:s11+$0x3F0] =	vst v54;
	vm0 =	vnez.u8 v63  }
0xae: {  	[tilespmem:s11+$0x4D0] =	vst v61;
	v52 =	vsel vm0, v52, v53  }
0xaf: {  	[tilespmem:s11+$0x4F0] =	vst v52  }
0xb0: {  	v52 =	vld [tilespmem:s10+$0xFFFFFFE0];
	_ =	sdelay $0x4  }
0xb1: {  	[tilespmem:v51+s11+$0xFFFFFFE0 ss:$0x1] =	vst.idx.msk $0xffff, v52  }
0xb2: {  	v52 =	vld [tilespmem:s10+$0xFFFFFFF0];
	_ =	sdelay $0x4  }
0xb3: {  	[tilespmem:v51+s11+$0xFFFFFFF0 ss:$0x1] =	vst.idx.msk $0xffff, v52  }
0xb4: {  	p0 =	sne.s32 s12, $0x3F;
	v52 =	vld [tilespmem:s10+$0x0]  }
.Ltmp0:
0xb5: {  	_ = 	snop;
	(pc) =	sbr.rel @p0 .LBB2_2-.Ltmp0, $3  }
0xb6: {  	_ =	sdelay $0x1  }
0xb7: {  	vm15 =	vmmov vm14;
	vm9 =	vmmov vm8  }
0xb8: {  	s12 =	sadd.s32 $0x1, s12;
	vm12 =	vmmov vm11;
	vm6 =	vmmov vm5;
	vm3 =	vmmov vm2;
	s10 =	sadd.s32 $0x30, s10;
	[tilespmem:v51+s11+$0x0 ss:$0x1] =	vst.idx.msk $0xffff, v52;
	s11 =	sadd.s32 $0x500, s11  }
0xb9: {  	s10 =	simm.s32 $0x0  }
.LBB2_4:
0xba: {  	s12 =	rddreg [dreg:$0x3];
	s11 =	sshll.u32 s10, $0x3  }
0xbb: {  	s12 =	sor.u32 s11, s12  }
0xbc: {  	s12 =	sshll.u32 s12, $0xD  }
0xbd: {  	s13 =	ssub.s32 $0xF8, s11;
	s14 =	sadd.s32 s2, s12  }
0xbe: {  	[hbm4b:s14+s3] =	stream.linear.scatter [tilespmem:s13], [sflag:$0x1], $0x80, $0x38;
	[tilespmem:$0x14C00] =	vst v63  }
0xbf: {  	s22 =	ssub.s32 $0x5F8, s11;
	s15 =	sadd.s32 $0x10, s14  }
0xc0: {  	[hbm4b:s15+s3] =	stream.linear.scatter [tilespmem:s22], [sflag:$0x1], $0x80, $0x38;
	[tilespmem:$0x14C00] =	vst v63  }
0xc1: {  	s23 =	ssub.s32 $0xAF8, s11;
	s24 =	sadd.s32 $0x20, s14  }
0xc2: {  	[hbm4b:s24+s3] =	stream.linear.scatter [tilespmem:s23], [sflag:$0x1], $0x80, $0x38;
	[tilespmem:$0x14C00] =	vst v63  }
0xc3: {  	s25 =	ssub.s32 $0xFF8, s11;
	s26 =	sadd.s32 $0x30, s14  }
0xc4: {  	[hbm4b:s26+s3] =	stream.linear.scatter [tilespmem:s25], [sflag:$0x1], $0x80, $0x38;
	[tilespmem:$0x14C00] =	vst v63  }
0xc5: {  	s28 =	ssub.s32 $0x14F8, s11;
	s29 =	sadd.s32 $0x40, s14  }
0xc6: {  	[hbm4b:s29+s3] =	stream.linear.scatter [tilespmem:s28], [sflag:$0x1], $0x80, $0x38;
	[tilespmem:$0x14C00] =	vst v63  }
0xc7: {  	s30 =	ssub.s32 $0x19F8, s11;
	s31 =	sadd.s32 $0x50, s14  }
0xc8: {  	[hbm4b:s31+s3] =	stream.linear.scatter [tilespmem:s30], [sflag:$0x1], $0x80, $0x38;
	[tilespmem:$0x14C00] =	vst v63  }
0xc9: {  	s16 =	ssub.s32 $0x1EF8, s11;
	s17 =	sadd.s32 $0x60, s14  }
0xca: {  	[hbm4b:s17+s3] =	stream.linear.scatter [tilespmem:s16], [sflag:$0x1], $0x80, $0x38;
	[tilespmem:$0x14C00] =	vst v63  }
0xcb: {  	s18 =	rddreg [dreg:$0x4];
	s19 =	ssub.s32 $0x23F8, s11;
	s14 =	sadd.s32 $0x70, s14  }
0xcc: {  	[hbm4b:s14+s3] =	stream.linear.scatter [tilespmem:s19], [sflag:$0x1], $0x80, $0x38;
	[tilespmem:$0x14C00] =	vst v63  }
0xcd: {  	s20 =	ssub.s32 $0x178, s11;
	s13 =	sadd.s32 s12, s18  }
0xce: {  	[hbm4b:s13+s3] =	stream.linear.scatter [tilespmem:s20], [sflag:$0x1], $0x80, $0x38;
	[tilespmem:$0x14C00] =	vst v63  }
0xcf: {  	s21 =	ssub.s32 $0x678, s11;
	s22 =	sadd.s32 $0x10, s13  }
0xd0: {  	[hbm4b:s22+s3] =	stream.linear.scatter [tilespmem:s21], [sflag:$0x1], $0x80, $0x38;
	[tilespmem:$0x14C00] =	vst v63  }
0xd1: {  	s23 =	ssub.s32 $0xB78, s11;
	s24 =	sadd.s32 $0x20, s13  }
0xd2: {  	[hbm4b:s24+s3] =	stream.linear.scatter [tilespmem:s23], [sflag:$0x1], $0x80, $0x38;
	[tilespmem:$0x14C00] =	vst v63  }
0xd3: {  	s25 =	ssub.s32 $0x1078, s11;
	s26 =	sadd.s32 $0x30, s13  }
0xd4: {  	[hbm4b:s26+s3] =	stream.linear.scatter [tilespmem:s25], [sflag:$0x1], $0x80, $0x38;
	[tilespmem:$0x14C00] =	vst v63  }
0xd5: {  	s28 =	ssub.s32 $0x1578, s11;
	s29 =	sadd.s32 $0x40, s13  }
0xd6: {  	[hbm4b:s29+s3] =	stream.linear.scatter [tilespmem:s28], [sflag:$0x1], $0x80, $0x38;
	[tilespmem:$0x14C00] =	vst v63  }
0xd7: {  	s30 =	ssub.s32 $0x1A78, s11;
	s31 =	sadd.s32 $0x50, s13  }
0xd8: {  	[hbm4b:s31+s3] =	stream.linear.scatter [tilespmem:s30], [sflag:$0x1], $0x80, $0x38;
	[tilespmem:$0x14C00] =	vst v63  }
0xd9: {  	s16 =	ssub.s32 $0x1F78, s11;
	s17 =	sadd.s32 $0x60, s13  }
0xda: {  	[hbm4b:s17+s3] =	stream.linear.scatter [tilespmem:s16], [sflag:$0x1], $0x80, $0x38;
	[tilespmem:$0x14C00] =	vst v63  }
0xdb: {  	s18 =	rddreg [dreg:$0x5];
	s19 =	ssub.s32 $0x2478, s11;
	s13 =	sadd.s32 $0x70, s13  }
0xdc: {  	[hbm4b:s13+s3] =	stream.linear.scatter [tilespmem:s19], [sflag:$0x1], $0x80, $0x38;
	[tilespmem:$0x14C00] =	vst v63  }
0xdd: {  	s14 =	sadd.s32 s12, s18;
	s20 =	ssub.s32 $0x1F8, s11  }
0xde: {  	[hbm4b:s14+s3] =	stream.linear.scatter [tilespmem:s20], [sflag:$0x1], $0x80, $0x38;
	[tilespmem:$0x14C00] =	vst v63  }
0xdf: {  	s21 =	ssub.s32 $0x6F8, s11;
	s22 =	sadd.s32 $0x10, s14  }
0xe0: {  	[hbm4b:s22+s3] =	stream.linear.scatter [tilespmem:s21], [sflag:$0x1], $0x80, $0x38;
	[tilespmem:$0x14C00] =	vst v63  }
0xe1: {  	s23 =	ssub.s32 $0xBF8, s11;
	s24 =	sadd.s32 $0x20, s14  }
0xe2: {  	[hbm4b:s24+s3] =	stream.linear.scatter [tilespmem:s23], [sflag:$0x1], $0x80, $0x38;
	[tilespmem:$0x14C00] =	vst v63  }
0xe3: {  	s25 =	ssub.s32 $0x10F8, s11;
	s26 =	sadd.s32 $0x30, s14  }
0xe4: {  	[hbm4b:s26+s3] =	stream.linear.scatter [tilespmem:s25], [sflag:$0x1], $0x80, $0x38;
	[tilespmem:$0x14C00] =	vst v63  }
0xe5: {  	s28 =	ssub.s32 $0x15F8, s11;
	s29 =	sadd.s32 $0x40, s14  }
0xe6: {  	[hbm4b:s29+s3] =	stream.linear.scatter [tilespmem:s28], [sflag:$0x1], $0x80, $0x38;
	[tilespmem:$0x14C00] =	vst v63  }
0xe7: {  	s30 =	ssub.s32 $0x1AF8, s11;
	s31 =	sadd.s32 $0x50, s14  }
0xe8: {  	[hbm4b:s31+s3] =	stream.linear.scatter [tilespmem:s30], [sflag:$0x1], $0x80, $0x38;
	[tilespmem:$0x14C00] =	vst v63  }
0xe9: {  	s16 =	ssub.s32 $0x1FF8, s11;
	s17 =	sadd.s32 $0x60, s14  }
0xea: {  	[hbm4b:s17+s3] =	stream.linear.scatter [tilespmem:s16], [sflag:$0x1], $0x80, $0x38;
	[tilespmem:$0x14C00] =	vst v63  }
0xeb: {  	s18 =	rddreg [dreg:$0x6];
	s19 =	ssub.s32 $0x24F8, s11;
	s14 =	sadd.s32 $0x70, s14  }
0xec: {  	[hbm4b:s14+s3] =	stream.linear.scatter [tilespmem:s19], [sflag:$0x1], $0x80, $0x38;
	[tilespmem:$0x14C00] =	vst v63  }
0xed: {  	s13 =	sadd.s32 s12, s18;
	s20 =	ssub.s32 $0x278, s11  }
0xee: {  	[hbm4b:s13+s3] =	stream.linear.scatter [tilespmem:s20], [sflag:$0x1], $0x80, $0x38;
	[tilespmem:$0x14C00] =	vst v63  }
0xef: {  	s21 =	ssub.s32 $0x778, s11;
	s22 =	sadd.s32 $0x10, s13  }
0xf0: {  	[hbm4b:s22+s3] =	stream.linear.scatter [tilespmem:s21], [sflag:$0x1], $0x80, $0x38;
	[tilespmem:$0x14C00] =	vst v63  }
0xf1: {  	s23 =	ssub.s32 $0xC78, s11;
	s24 =	sadd.s32 $0x20, s13  }
0xf2: {  	[hbm4b:s24+s3] =	stream.linear.scatter [tilespmem:s23], [sflag:$0x1], $0x80, $0x38;
	[tilespmem:$0x14C00] =	vst v63  }
0xf3: {  	s25 =	ssub.s32 $0x1178, s11;
	s26 =	sadd.s32 $0x30, s13  }
0xf4: {  	[hbm4b:s26+s3] =	stream.linear.scatter [tilespmem:s25], [sflag:$0x1], $0x80, $0x38;
	[tilespmem:$0x14C00] =	vst v63  }
0xf5: {  	s28 =	ssub.s32 $0x1678, s11;
	s29 =	sadd.s32 $0x40, s13  }
0xf6: {  	[hbm4b:s29+s3] =	stream.linear.scatter [tilespmem:s28], [sflag:$0x1], $0x80, $0x38;
	[tilespmem:$0x14C00] =	vst v63  }
0xf7: {  	s30 =	ssub.s32 $0x1B78, s11;
	s31 =	sadd.s32 $0x50, s13  }
0xf8: {  	[hbm4b:s31+s3] =	stream.linear.scatter [tilespmem:s30], [sflag:$0x1], $0x80, $0x38;
	[tilespmem:$0x14C00] =	vst v63  }
0xf9: {  	s16 =	ssub.s32 $0x2078, s11;
	s17 =	sadd.s32 $0x60, s13  }
0xfa: {  	[hbm4b:s17+s3] =	stream.linear.scatter [tilespmem:s16], [sflag:$0x1], $0x80, $0x38;
	[tilespmem:$0x14C00] =	vst v63  }
0xfb: {  	s18 =	rddreg [dreg:$0x7];
	s19 =	ssub.s32 $0x2578, s11;
	s13 =	sadd.s32 $0x70, s13  }
0xfc: {  	[hbm4b:s13+s3] =	stream.linear.scatter [tilespmem:s19], [sflag:$0x1], $0x80, $0x38;
	[tilespmem:$0x14C00] =	vst v63  }
0xfd: {  	s14 =	sadd.s32 s12, s18;
	s20 =	ssub.s32 $0x2F8, s11  }
0xfe: {  	[hbm4b:s14+s3] =	stream.linear.scatter [tilespmem:s20], [sflag:$0x1], $0x80, $0x38;
	[tilespmem:$0x14C00] =	vst v63  }
0xff: {  	s21 =	ssub.s32 $0x7F8, s11;
	s22 =	sadd.s32 $0x10, s14  }
0x100: {  	[hbm4b:s22+s3] =	stream.linear.scatter [tilespmem:s21], [sflag:$0x1], $0x80, $0x38;
	[tilespmem:$0x14C00] =	vst v63  }
0x101: {  	s23 =	ssub.s32 $0xCF8, s11;
	s24 =	sadd.s32 $0x20, s14  }
0x102: {  	[hbm4b:s24+s3] =	stream.linear.scatter [tilespmem:s23], [sflag:$0x1], $0x80, $0x38;
	[tilespmem:$0x14C00] =	vst v63  }
0x103: {  	s25 =	ssub.s32 $0x11F8, s11;
	s26 =	sadd.s32 $0x30, s14  }
0x104: {  	[hbm4b:s26+s3] =	stream.linear.scatter [tilespmem:s25], [sflag:$0x1], $0x80, $0x38;
	[tilespmem:$0x14C00] =	vst v63  }
0x105: {  	s28 =	ssub.s32 $0x16F8, s11;
	s29 =	sadd.s32 $0x40, s14  }
0x106: {  	[hbm4b:s29+s3] =	stream.linear.scatter [tilespmem:s28], [sflag:$0x1], $0x80, $0x38;
	[tilespmem:$0x14C00] =	vst v63  }
0x107: {  	s30 =	ssub.s32 $0x1BF8, s11;
	s31 =	sadd.s32 $0x50, s14  }
0x108: {  	[hbm4b:s31+s3] =	stream.linear.scatter [tilespmem:s30], [sflag:$0x1], $0x80, $0x38;
	[tilespmem:$0x14C00] =	vst v63  }
0x109: {  	s16 =	ssub.s32 $0x20F8, s11;
	s17 =	sadd.s32 $0x60, s14  }
0x10a: {  	[hbm4b:s17+s3] =	stream.linear.scatter [tilespmem:s16], [sflag:$0x1], $0x80, $0x38;
	[tilespmem:$0x14C00] =	vst v63  }
0x10b: {  	s18 =	rddreg [dreg:$0x8];
	s19 =	ssub.s32 $0x25F8, s11;
	s14 =	sadd.s32 $0x70, s14  }
0x10c: {  	[hbm4b:s14+s3] =	stream.linear.scatter [tilespmem:s19], [sflag:$0x1], $0x80, $0x38;
	[tilespmem:$0x14C00] =	vst v63  }
0x10d: {  	s13 =	sadd.s32 s12, s18;
	s20 =	ssub.s32 $0x378, s11  }
0x10e: {  	[hbm4b:s13+s3] =	stream.linear.scatter [tilespmem:s20], [sflag:$0x1], $0x80, $0x38;
	[tilespmem:$0x14C00] =	vst v63  }
0x10f: {  	s21 =	ssub.s32 $0x878, s11;
	s22 =	sadd.s32 $0x10, s13  }
0x110: {  	[hbm4b:s22+s3] =	stream.linear.scatter [tilespmem:s21], [sflag:$0x1], $0x80, $0x38;
	[tilespmem:$0x14C00] =	vst v63  }
0x111: {  	s23 =	ssub.s32 $0xD78, s11;
	s24 =	sadd.s32 $0x20, s13  }
0x112: {  	[hbm4b:s24+s3] =	stream.linear.scatter [tilespmem:s23], [sflag:$0x1], $0x80, $0x38;
	[tilespmem:$0x14C00] =	vst v63  }
0x113: {  	s25 =	ssub.s32 $0x1278, s11;
	s26 =	sadd.s32 $0x30, s13  }
0x114: {  	[hbm4b:s26+s3] =	stream.linear.scatter [tilespmem:s25], [sflag:$0x1], $0x80, $0x38;
	[tilespmem:$0x14C00] =	vst v63  }
0x115: {  	s28 =	ssub.s32 $0x1778, s11;
	s29 =	sadd.s32 $0x40, s13  }
0x116: {  	[hbm4b:s29+s3] =	stream.linear.scatter [tilespmem:s28], [sflag:$0x1], $0x80, $0x38;
	[tilespmem:$0x14C00] =	vst v63  }
0x117: {  	s30 =	ssub.s32 $0x1C78, s11;
	s31 =	sadd.s32 $0x50, s13  }
0x118: {  	[hbm4b:s31+s3] =	stream.linear.scatter [tilespmem:s30], [sflag:$0x1], $0x80, $0x38;
	[tilespmem:$0x14C00] =	vst v63  }
0x119: {  	s16 =	ssub.s32 $0x2178, s11;
	s17 =	sadd.s32 $0x60, s13  }
0x11a: {  	[hbm4b:s17+s3] =	stream.linear.scatter [tilespmem:s16], [sflag:$0x1], $0x80, $0x38;
	[tilespmem:$0x14C00] =	vst v63  }
0x11b: {  	s18 =	rddreg [dreg:$0x9];
	s19 =	ssub.s32 $0x2678, s11;
	s13 =	sadd.s32 $0x70, s13  }
0x11c: {  	[hbm4b:s13+s3] =	stream.linear.scatter [tilespmem:s19], [sflag:$0x1], $0x80, $0x38;
	[tilespmem:$0x14C00] =	vst v63  }
0x11d: {  	s14 =	sadd.s32 s12, s18;
	s20 =	ssub.s32 $0x3F8, s11  }
0x11e: {  	[hbm4b:s14+s3] =	stream.linear.scatter [tilespmem:s20], [sflag:$0x1], $0x80, $0x38;
	[tilespmem:$0x14C00] =	vst v63  }
0x11f: {  	s21 =	ssub.s32 $0x8F8, s11;
	s22 =	sadd.s32 $0x10, s14  }
0x120: {  	[hbm4b:s22+s3] =	stream.linear.scatter [tilespmem:s21], [sflag:$0x1], $0x80, $0x38;
	[tilespmem:$0x14C00] =	vst v63  }
0x121: {  	s23 =	ssub.s32 $0xDF8, s11;
	s24 =	sadd.s32 $0x20, s14  }
0x122: {  	[hbm4b:s24+s3] =	stream.linear.scatter [tilespmem:s23], [sflag:$0x1], $0x80, $0x38;
	[tilespmem:$0x14C00] =	vst v63  }
0x123: {  	s25 =	ssub.s32 $0x12F8, s11;
	s26 =	sadd.s32 $0x30, s14  }
0x124: {  	[hbm4b:s26+s3] =	stream.linear.scatter [tilespmem:s25], [sflag:$0x1], $0x80, $0x38;
	[tilespmem:$0x14C00] =	vst v63  }
0x125: {  	s28 =	ssub.s32 $0x17F8, s11;
	s29 =	sadd.s32 $0x40, s14  }
0x126: {  	[hbm4b:s29+s3] =	stream.linear.scatter [tilespmem:s28], [sflag:$0x1], $0x80, $0x38;
	[tilespmem:$0x14C00] =	vst v63  }
0x127: {  	s30 =	ssub.s32 $0x1CF8, s11;
	s31 =	sadd.s32 $0x50, s14  }
0x128: {  	[hbm4b:s31+s3] =	stream.linear.scatter [tilespmem:s30], [sflag:$0x1], $0x80, $0x38;
	[tilespmem:$0x14C00] =	vst v63  }
0x129: {  	s16 =	ssub.s32 $0x21F8, s11;
	s17 =	sadd.s32 $0x60, s14  }
0x12a: {  	[hbm4b:s17+s3] =	stream.linear.scatter [tilespmem:s16], [sflag:$0x1], $0x80, $0x38;
	[tilespmem:$0x14C00] =	vst v63  }
0x12b: {  	s18 =	rddreg [dreg:$0xa];
	s19 =	ssub.s32 $0x26F8, s11;
	s14 =	sadd.s32 $0x70, s14  }
0x12c: {  	[hbm4b:s14+s3] =	stream.linear.scatter [tilespmem:s19], [sflag:$0x1], $0x80, $0x38;
	[tilespmem:$0x14C00] =	vst v63  }
0x12d: {  	s13 =	sadd.s32 s12, s18;
	s20 =	ssub.s32 $0x478, s11  }
0x12e: {  	[hbm4b:s13+s3] =	stream.linear.scatter [tilespmem:s20], [sflag:$0x1], $0x80, $0x38;
	[tilespmem:$0x14C00] =	vst v63  }
0x12f: {  	s21 =	ssub.s32 $0x978, s11;
	s22 =	sadd.s32 $0x10, s13  }
0x130: {  	[hbm4b:s22+s3] =	stream.linear.scatter [tilespmem:s21], [sflag:$0x1], $0x80, $0x38;
	[tilespmem:$0x14C00] =	vst v63  }
0x131: {  	s23 =	ssub.s32 $0xE78, s11;
	s24 =	sadd.s32 $0x20, s13  }
0x132: {  	[hbm4b:s24+s3] =	stream.linear.scatter [tilespmem:s23], [sflag:$0x1], $0x80, $0x38;
	[tilespmem:$0x14C00] =	vst v63  }
0x133: {  	s25 =	ssub.s32 $0x1378, s11;
	s26 =	sadd.s32 $0x30, s13  }
0x134: {  	[hbm4b:s26+s3] =	stream.linear.scatter [tilespmem:s25], [sflag:$0x1], $0x80, $0x38;
	[tilespmem:$0x14C00] =	vst v63  }
0x135: {  	s28 =	ssub.s32 $0x1878, s11;
	s29 =	sadd.s32 $0x40, s13  }
0x136: {  	[hbm4b:s29+s3] =	stream.linear.scatter [tilespmem:s28], [sflag:$0x1], $0x80, $0x38;
	[tilespmem:$0x14C00] =	vst v63  }
0x137: {  	s30 =	ssub.s32 $0x1D78, s11;
	s31 =	sadd.s32 $0x50, s13  }
0x138: {  	[hbm4b:s31+s3] =	stream.linear.scatter [tilespmem:s30], [sflag:$0x1], $0x80, $0x38;
	[tilespmem:$0x14C00] =	vst v63  }
0x139: {  	s15 =	ssub.s32 $0x2278, s11;
	s16 =	sadd.s32 $0x60, s13  }
0x13a: {  	[hbm4b:s16+s3] =	stream.linear.scatter [tilespmem:s15], [sflag:$0x1], $0x80, $0x38;
	[tilespmem:$0x14C00] =	vst v63  }
0x13b: {  	s18 =	ssub.s32 $0x2778, s11;
	s17 =	rddreg [dreg:$0xb];
	s13 =	sadd.s32 $0x70, s13  }
0x13c: {  	[hbm4b:s13+s3] =	stream.linear.scatter [tilespmem:s18], [sflag:$0x1], $0x80, $0x38;
	[tilespmem:$0x14C00] =	vst v63  }
0x13d: {  	s19 =	sadd.s32 s12, s17;
	s20 =	ssub.s32 $0x28F8, s11  }
0x13e: {  	[hbm4b:s19+s3] =	stream.linear.scatter [tilespmem:s20], [sflag:$0x1], $0x80, $0x38;
	[tilespmem:$0x14C00] =	vst v63  }
0x13f: {  	s21 =	ssub.s32 $0x2DF8, s11;
	s22 =	sadd.s32 $0x10, s19  }
0x140: {  	[hbm4b:s22+s3] =	stream.linear.scatter [tilespmem:s21], [sflag:$0x1], $0x80, $0x38;
	[tilespmem:$0x14C00] =	vst v63  }
0x141: {  	s23 =	ssub.s32 $0x32F8, s11;
	s24 =	sadd.s32 $0x20, s19  }
0x142: {  	[hbm4b:s24+s3] =	stream.linear.scatter [tilespmem:s23], [sflag:$0x1], $0x80, $0x38;
	[tilespmem:$0x14C00] =	vst v63  }
0x143: {  	s25 =	ssub.s32 $0x37F8, s11;
	s26 =	sadd.s32 $0x30, s19  }
0x144: {  	[hbm4b:s26+s3] =	stream.linear.scatter [tilespmem:s25], [sflag:$0x1], $0x80, $0x38;
	[tilespmem:$0x14C00] =	vst v63  }
0x145: {  	s28 =	ssub.s32 $0x3CF8, s11;
	s29 =	sadd.s32 $0x40, s19  }
0x146: {  	[hbm4b:s29+s3] =	stream.linear.scatter [tilespmem:s28], [sflag:$0x1], $0x80, $0x38;
	[tilespmem:$0x14C00] =	vst v63  }
0x147: {  	s30 =	ssub.s32 $0x41F8, s11;
	s31 =	sadd.s32 $0x50, s19  }
0x148: {  	[hbm4b:s31+s3] =	stream.linear.scatter [tilespmem:s30], [sflag:$0x1], $0x80, $0x38;
	[tilespmem:$0x14C00] =	vst v63  }
0x149: {  	s15 =	ssub.s32 $0x46F8, s11;
	s16 =	sadd.s32 $0x60, s19  }
0x14a: {  	[hbm4b:s16+s3] =	stream.linear.scatter [tilespmem:s15], [sflag:$0x1], $0x80, $0x38;
	[tilespmem:$0x14C00] =	vst v63  }
0x14b: {  	s17 =	rddreg [dreg:$0xc];
	s18 =	ssub.s32 $0x4BF8, s11;
	s13 =	sadd.s32 $0x70, s19  }
0x14c: {  	[hbm4b:s13+s3] =	stream.linear.scatter [tilespmem:s18], [sflag:$0x1], $0x80, $0x38;
	[tilespmem:$0x14C00] =	vst v63  }
0x14d: {  	s19 =	sadd.s32 s12, s17;
	s20 =	ssub.s32 $0x2978, s11  }
0x14e: {  	[hbm4b:s19+s3] =	stream.linear.scatter [tilespmem:s20], [sflag:$0x1], $0x80, $0x38;
	[tilespmem:$0x14C00] =	vst v63  }
0x14f: {  	s21 =	ssub.s32 $0x2E78, s11;
	s22 =	sadd.s32 $0x10, s19  }
0x150: {  	[hbm4b:s22+s3] =	stream.linear.scatter [tilespmem:s21], [sflag:$0x1], $0x80, $0x38;
	[tilespmem:$0x14C00] =	vst v63  }
0x151: {  	s23 =	ssub.s32 $0x3378, s11;
	s24 =	sadd.s32 $0x20, s19  }
0x152: {  	[hbm4b:s24+s3] =	stream.linear.scatter [tilespmem:s23], [sflag:$0x1], $0x80, $0x38;
	[tilespmem:$0x14C00] =	vst v63  }
0x153: {  	s25 =	ssub.s32 $0x3878, s11;
	s26 =	sadd.s32 $0x30, s19  }
0x154: {  	[hbm4b:s26+s3] =	stream.linear.scatter [tilespmem:s25], [sflag:$0x1], $0x80, $0x38;
	[tilespmem:$0x14C00] =	vst v63  }
0x155: {  	s28 =	ssub.s32 $0x3D78, s11;
	s29 =	sadd.s32 $0x40, s19  }
0x156: {  	[hbm4b:s29+s3] =	stream.linear.scatter [tilespmem:s28], [sflag:$0x1], $0x80, $0x38;
	[tilespmem:$0x14C00] =	vst v63  }
0x157: {  	s30 =	ssub.s32 $0x4278, s11;
	s31 =	sadd.s32 $0x50, s19  }
0x158: {  	[hbm4b:s31+s3] =	stream.linear.scatter [tilespmem:s30], [sflag:$0x1], $0x80, $0x38;
	[tilespmem:$0x14C00] =	vst v63  }
0x159: {  	s15 =	ssub.s32 $0x4778, s11;
	s16 =	sadd.s32 $0x60, s19  }
0x15a: {  	[hbm4b:s16+s3] =	stream.linear.scatter [tilespmem:s15], [sflag:$0x1], $0x80, $0x38;
	[tilespmem:$0x14C00] =	vst v63  }
0x15b: {  	s17 =	rddreg [dreg:$0xd];
	s18 =	ssub.s32 $0x4C78, s11;
	s13 =	sadd.s32 $0x70, s19  }
0x15c: {  	[hbm4b:s13+s3] =	stream.linear.scatter [tilespmem:s18], [sflag:$0x1], $0x80, $0x38;
	[tilespmem:$0x14C00] =	vst v63  }
0x15d: {  	s19 =	sadd.s32 s12, s17;
	s20 =	ssub.s32 $0x29F8, s11  }
0x15e: {  	[hbm4b:s19+s3] =	stream.linear.scatter [tilespmem:s20], [sflag:$0x1], $0x80, $0x38;
	[tilespmem:$0x14C00] =	vst v63  }
0x15f: {  	s21 =	ssub.s32 $0x2EF8, s11;
	s22 =	sadd.s32 $0x10, s19  }
0x160: {  	[hbm4b:s22+s3] =	stream.linear.scatter [tilespmem:s21], [sflag:$0x1], $0x80, $0x38;
	[tilespmem:$0x14C00] =	vst v63  }
0x161: {  	s23 =	ssub.s32 $0x33F8, s11;
	s24 =	sadd.s32 $0x20, s19  }
0x162: {  	[hbm4b:s24+s3] =	stream.linear.scatter [tilespmem:s23], [sflag:$0x1], $0x80, $0x38;
	[tilespmem:$0x14C00] =	vst v63  }
0x163: {  	s25 =	ssub.s32 $0x38F8, s11;
	s26 =	sadd.s32 $0x30, s19  }
0x164: {  	[hbm4b:s26+s3] =	stream.linear.scatter [tilespmem:s25], [sflag:$0x1], $0x80, $0x38;
	[tilespmem:$0x14C00] =	vst v63  }
0x165: {  	s28 =	ssub.s32 $0x3DF8, s11;
	s29 =	sadd.s32 $0x40, s19  }
0x166: {  	[hbm4b:s29+s3] =	stream.linear.scatter [tilespmem:s28], [sflag:$0x1], $0x80, $0x38;
	[tilespmem:$0x14C00] =	vst v63  }
0x167: {  	s30 =	ssub.s32 $0x42F8, s11;
	s31 =	sadd.s32 $0x50, s19  }
0x168: {  	[hbm4b:s31+s3] =	stream.linear.scatter [tilespmem:s30], [sflag:$0x1], $0x80, $0x38;
	[tilespmem:$0x14C00] =	vst v63  }
0x169: {  	s15 =	ssub.s32 $0x47F8, s11;
	s16 =	sadd.s32 $0x60, s19  }
0x16a: {  	[hbm4b:s16+s3] =	stream.linear.scatter [tilespmem:s15], [sflag:$0x1], $0x80, $0x38;
	[tilespmem:$0x14C00] =	vst v63  }
0x16b: {  	s18 =	ssub.s32 $0x4CF8, s11;
	s13 =	sadd.s32 $0x70, s19;
	s17 =	rddreg [dreg:$0xe]  }
0x16c: {  	[hbm4b:s13+s3] =	stream.linear.scatter [tilespmem:s18], [sflag:$0x1], $0x80, $0x38;
	[tilespmem:$0x14C00] =	vst v63  }
0x16d: {  	s20 =	ssub.s32 $0x2A78, s11;
	s19 =	sadd.s32 s12, s17  }
0x16e: {  	[hbm4b:s19+s3] =	stream.linear.scatter [tilespmem:s20], [sflag:$0x1], $0x80, $0x38;
	[tilespmem:$0x14C00] =	vst v63  }
0x16f: {  	s21 =	ssub.s32 $0x2F78, s11;
	s22 =	sadd.s32 $0x10, s19  }
0x170: {  	[hbm4b:s22+s3] =	stream.linear.scatter [tilespmem:s21], [sflag:$0x1], $0x80, $0x38;
	[tilespmem:$0x14C00] =	vst v63  }
0x171: {  	s23 =	ssub.s32 $0x3478, s11;
	s24 =	sadd.s32 $0x20, s19  }
0x172: {  	[hbm4b:s24+s3] =	stream.linear.scatter [tilespmem:s23], [sflag:$0x1], $0x80, $0x38;
	[tilespmem:$0x14C00] =	vst v63  }
0x173: {  	s25 =	ssub.s32 $0x3978, s11;
	s26 =	sadd.s32 $0x30, s19  }
0x174: {  	[hbm4b:s26+s3] =	stream.linear.scatter [tilespmem:s25], [sflag:$0x1], $0x80, $0x38;
	[tilespmem:$0x14C00] =	vst v63  }
0x175: {  	s28 =	ssub.s32 $0x3E78, s11;
	s29 =	sadd.s32 $0x40, s19  }
0x176: {  	[hbm4b:s29+s3] =	stream.linear.scatter [tilespmem:s28], [sflag:$0x1], $0x80, $0x38;
	[tilespmem:$0x14C00] =	vst v63  }
0x177: {  	s30 =	ssub.s32 $0x4378, s11;
	s31 =	sadd.s32 $0x50, s19  }
0x178: {  	[hbm4b:s31+s3] =	stream.linear.scatter [tilespmem:s30], [sflag:$0x1], $0x80, $0x38;
	[tilespmem:$0x14C00] =	vst v63  }
0x179: {  	s15 =	ssub.s32 $0x4878, s11;
	s16 =	sadd.s32 $0x60, s19  }
0x17a: {  	[hbm4b:s16+s3] =	stream.linear.scatter [tilespmem:s15], [sflag:$0x1], $0x80, $0x38;
	[tilespmem:$0x14C00] =	vst v63  }
0x17b: {  	s17 =	rddreg [dreg:$0xf];
	s18 =	ssub.s32 $0x4D78, s11;
	s13 =	sadd.s32 $0x70, s19  }
0x17c: {  	[hbm4b:s13+s3] =	stream.linear.scatter [tilespmem:s18], [sflag:$0x1], $0x80, $0x38;
	[tilespmem:$0x14C00] =	vst v63  }
0x17d: {  	s19 =	sadd.s32 s12, s17;
	s20 =	ssub.s32 $0x2AF8, s11  }
0x17e: {  	[hbm4b:s19+s3] =	stream.linear.scatter [tilespmem:s20], [sflag:$0x1], $0x80, $0x38;
	[tilespmem:$0x14C00] =	vst v63  }
0x17f: {  	s21 =	ssub.s32 $0x2FF8, s11;
	s22 =	sadd.s32 $0x10, s19  }
0x180: {  	[hbm4b:s22+s3] =	stream.linear.scatter [tilespmem:s21], [sflag:$0x1], $0x80, $0x38;
	[tilespmem:$0x14C00] =	vst v63  }
0x181: {  	s23 =	ssub.s32 $0x34F8, s11;
	s24 =	sadd.s32 $0x20, s19  }
0x182: {  	[hbm4b:s24+s3] =	stream.linear.scatter [tilespmem:s23], [sflag:$0x1], $0x80, $0x38;
	[tilespmem:$0x14C00] =	vst v63  }
0x183: {  	s25 =	ssub.s32 $0x39F8, s11;
	s26 =	sadd.s32 $0x30, s19  }
0x184: {  	[hbm4b:s26+s3] =	stream.linear.scatter [tilespmem:s25], [sflag:$0x1], $0x80, $0x38;
	[tilespmem:$0x14C00] =	vst v63  }
0x185: {  	s28 =	ssub.s32 $0x3EF8, s11;
	s29 =	sadd.s32 $0x40, s19  }
0x186: {  	[hbm4b:s29+s3] =	stream.linear.scatter [tilespmem:s28], [sflag:$0x1], $0x80, $0x38;
	[tilespmem:$0x14C00] =	vst v63  }
0x187: {  	s30 =	ssub.s32 $0x43F8, s11;
	s31 =	sadd.s32 $0x50, s19  }
0x188: {  	[hbm4b:s31+s3] =	stream.linear.scatter [tilespmem:s30], [sflag:$0x1], $0x80, $0x38;
	[tilespmem:$0x14C00] =	vst v63  }
0x189: {  	s15 =	ssub.s32 $0x48F8, s11;
	s16 =	sadd.s32 $0x60, s19  }
0x18a: {  	[hbm4b:s16+s3] =	stream.linear.scatter [tilespmem:s15], [sflag:$0x1], $0x80, $0x38;
	[tilespmem:$0x14C00] =	vst v63  }
0x18b: {  	s17 =	rddreg [dreg:$0x10];
	s18 =	ssub.s32 $0x4DF8, s11;
	s13 =	sadd.s32 $0x70, s19  }
0x18c: {  	[hbm4b:s13+s3] =	stream.linear.scatter [tilespmem:s18], [sflag:$0x1], $0x80, $0x38;
	[tilespmem:$0x14C00] =	vst v63  }
0x18d: {  	s19 =	sadd.s32 s12, s17;
	s20 =	ssub.s32 $0x2B78, s11  }
0x18e: {  	[hbm4b:s19+s3] =	stream.linear.scatter [tilespmem:s20], [sflag:$0x1], $0x80, $0x38;
	[tilespmem:$0x14C00] =	vst v63  }
0x18f: {  	s21 =	ssub.s32 $0x3078, s11;
	s22 =	sadd.s32 $0x10, s19  }
0x190: {  	[hbm4b:s22+s3] =	stream.linear.scatter [tilespmem:s21], [sflag:$0x1], $0x80, $0x38;
	[tilespmem:$0x14C00] =	vst v63  }
0x191: {  	s23 =	ssub.s32 $0x3578, s11;
	s24 =	sadd.s32 $0x20, s19  }
0x192: {  	[hbm4b:s24+s3] =	stream.linear.scatter [tilespmem:s23], [sflag:$0x1], $0x80, $0x38;
	[tilespmem:$0x14C00] =	vst v63  }
0x193: {  	s25 =	ssub.s32 $0x3A78, s11;
	s26 =	sadd.s32 $0x30, s19  }
0x194: {  	[hbm4b:s26+s3] =	stream.linear.scatter [tilespmem:s25], [sflag:$0x1], $0x80, $0x38;
	[tilespmem:$0x14C00] =	vst v63  }
0x195: {  	s28 =	ssub.s32 $0x3F78, s11;
	s29 =	sadd.s32 $0x40, s19  }
0x196: {  	[hbm4b:s29+s3] =	stream.linear.scatter [tilespmem:s28], [sflag:$0x1], $0x80, $0x38;
	[tilespmem:$0x14C00] =	vst v63  }
0x197: {  	s30 =	ssub.s32 $0x4478, s11;
	s31 =	sadd.s32 $0x50, s19  }
0x198: {  	[hbm4b:s31+s3] =	stream.linear.scatter [tilespmem:s30], [sflag:$0x1], $0x80, $0x38;
	[tilespmem:$0x14C00] =	vst v63  }
0x199: {  	s15 =	ssub.s32 $0x4978, s11;
	s16 =	sadd.s32 $0x60, s19  }
0x19a: {  	[hbm4b:s16+s3] =	stream.linear.scatter [tilespmem:s15], [sflag:$0x1], $0x80, $0x38;
	[tilespmem:$0x14C00] =	vst v63  }
0x19b: {  	s17 =	rddreg [dreg:$0x11];
	s18 =	ssub.s32 $0x4E78, s11;
	s13 =	sadd.s32 $0x70, s19  }
0x19c: {  	[hbm4b:s13+s3] =	stream.linear.scatter [tilespmem:s18], [sflag:$0x1], $0x80, $0x38;
	[tilespmem:$0x14C00] =	vst v63  }
0x19d: {  	s19 =	sadd.s32 s12, s17;
	s20 =	ssub.s32 $0x2BF8, s11  }
0x19e: {  	[hbm4b:s19+s3] =	stream.linear.scatter [tilespmem:s20], [sflag:$0x1], $0x80, $0x38;
	[tilespmem:$0x14C00] =	vst v63  }
0x19f: {  	s21 =	ssub.s32 $0x30F8, s11;
	s22 =	sadd.s32 $0x10, s19  }
0x1a0: {  	[hbm4b:s22+s3] =	stream.linear.scatter [tilespmem:s21], [sflag:$0x1], $0x80, $0x38;
	[tilespmem:$0x14C00] =	vst v63  }
0x1a1: {  	s23 =	ssub.s32 $0x35F8, s11;
	s24 =	sadd.s32 $0x20, s19  }
0x1a2: {  	[hbm4b:s24+s3] =	stream.linear.scatter [tilespmem:s23], [sflag:$0x1], $0x80, $0x38;
	[tilespmem:$0x14C00] =	vst v63  }
0x1a3: {  	s25 =	ssub.s32 $0x3AF8, s11;
	s26 =	sadd.s32 $0x30, s19  }
0x1a4: {  	[hbm4b:s26+s3] =	stream.linear.scatter [tilespmem:s25], [sflag:$0x1], $0x80, $0x38;
	[tilespmem:$0x14C00] =	vst v63  }
0x1a5: {  	s28 =	ssub.s32 $0x3FF8, s11;
	s29 =	sadd.s32 $0x40, s19  }
0x1a6: {  	[hbm4b:s29+s3] =	stream.linear.scatter [tilespmem:s28], [sflag:$0x1], $0x80, $0x38;
	[tilespmem:$0x14C00] =	vst v63  }
0x1a7: {  	s30 =	ssub.s32 $0x44F8, s11;
	s31 =	sadd.s32 $0x50, s19  }
0x1a8: {  	[hbm4b:s31+s3] =	stream.linear.scatter [tilespmem:s30], [sflag:$0x1], $0x80, $0x38;
	[tilespmem:$0x14C00] =	vst v63  }
0x1a9: {  	s15 =	ssub.s32 $0x49F8, s11;
	s16 =	sadd.s32 $0x60, s19  }
0x1aa: {  	[hbm4b:s16+s3] =	stream.linear.scatter [tilespmem:s15], [sflag:$0x1], $0x80, $0x38;
	[tilespmem:$0x14C00] =	vst v63  }
0x1ab: {  	s17 =	rddreg [dreg:$0x12];
	s18 =	ssub.s32 $0x4EF8, s11;
	s13 =	sadd.s32 $0x70, s19  }
0x1ac: {  	[hbm4b:s13+s3] =	stream.linear.scatter [tilespmem:s18], [sflag:$0x1], $0x80, $0x38;
	[tilespmem:$0x14C00] =	vst v63  }
0x1ad: {  	s19 =	sadd.s32 s12, s17;
	s20 =	ssub.s32 $0x2C78, s11  }
0x1ae: {  	[hbm4b:s19+s3] =	stream.linear.scatter [tilespmem:s20], [sflag:$0x1], $0x80, $0x38;
	[tilespmem:$0x14C00] =	vst v63  }
0x1af: {  	s21 =	ssub.s32 $0x3178, s11;
	s22 =	sadd.s32 $0x10, s19  }
0x1b0: {  	[hbm4b:s22+s3] =	stream.linear.scatter [tilespmem:s21], [sflag:$0x1], $0x80, $0x38;
	[tilespmem:$0x14C00] =	vst v63  }
0x1b1: {  	s23 =	ssub.s32 $0x3678, s11;
	s24 =	sadd.s32 $0x20, s19  }
0x1b2: {  	[hbm4b:s24+s3] =	stream.linear.scatter [tilespmem:s23], [sflag:$0x1], $0x80, $0x38;
	[tilespmem:$0x14C00] =	vst v63  }
0x1b3: {  	s25 =	ssub.s32 $0x3B78, s11;
	s26 =	sadd.s32 $0x30, s19  }
0x1b4: {  	[hbm4b:s26+s3] =	stream.linear.scatter [tilespmem:s25], [sflag:$0x1], $0x80, $0x38;
	[tilespmem:$0x14C00] =	vst v63  }
0x1b5: {  	s28 =	ssub.s32 $0x4078, s11;
	s29 =	sadd.s32 $0x40, s19  }
0x1b6: {  	[hbm4b:s29+s3] =	stream.linear.scatter [tilespmem:s28], [sflag:$0x1], $0x80, $0x38;
	[tilespmem:$0x14C00] =	vst v63  }
0x1b7: {  	s30 =	ssub.s32 $0x4578, s11;
	s31 =	sadd.s32 $0x50, s19  }
0x1b8: {  	[hbm4b:s31+s3] =	stream.linear.scatter [tilespmem:s30], [sflag:$0x1], $0x80, $0x38;
	[tilespmem:$0x14C00] =	vst v63  }
0x1b9: {  	s15 =	ssub.s32 $0x4A78, s11;
	s16 =	sadd.s32 $0x60, s19  }
0x1ba: {  	[hbm4b:s16+s3] =	stream.linear.scatter [tilespmem:s15], [sflag:$0x1], $0x80, $0x38;
	[tilespmem:$0x14C00] =	vst v63  }
0x1bb: {  	s17 =	rddreg [dreg:$0x13];
	s18 =	ssub.s32 $0x4F78, s11;
	s13 =	sadd.s32 $0x70, s19  }
0x1bc: {  	[hbm4b:s13+s3] =	stream.linear.scatter [tilespmem:s18], [sflag:$0x1], $0x80, $0x38;
	[tilespmem:$0x14C00] =	vst v63  }
0x1bd: {  	s19 =	sadd.s32 s12, s17;
	s20 =	ssub.s32 $0x50F8, s11  }
0x1be: {  	[hbm4b:s19+s3] =	stream.linear.scatter [tilespmem:s20], [sflag:$0x1], $0x80, $0x38;
	[tilespmem:$0x14C00] =	vst v63  }
0x1bf: {  	s21 =	ssub.s32 $0x55F8, s11;
	s22 =	sadd.s32 $0x10, s19  }
0x1c0: {  	[hbm4b:s22+s3] =	stream.linear.scatter [tilespmem:s21], [sflag:$0x1], $0x80, $0x38;
	[tilespmem:$0x14C00] =	vst v63  }
0x1c1: {  	s23 =	ssub.s32 $0x5AF8, s11;
	s24 =	sadd.s32 $0x20, s19  }
0x1c2: {  	[hbm4b:s24+s3] =	stream.linear.scatter [tilespmem:s23], [sflag:$0x1], $0x80, $0x38;
	[tilespmem:$0x14C00] =	vst v63  }
0x1c3: {  	s25 =	ssub.s32 $0x5FF8, s11;
	s26 =	sadd.s32 $0x30, s19  }
0x1c4: {  	[hbm4b:s26+s3] =	stream.linear.scatter [tilespmem:s25], [sflag:$0x1], $0x80, $0x38;
	[tilespmem:$0x14C00] =	vst v63  }
0x1c5: {  	s28 =	ssub.s32 $0x64F8, s11;
	s29 =	sadd.s32 $0x40, s19  }
0x1c6: {  	[hbm4b:s29+s3] =	stream.linear.scatter [tilespmem:s28], [sflag:$0x1], $0x80, $0x38;
	[tilespmem:$0x14C00] =	vst v63  }
0x1c7: {  	s30 =	ssub.s32 $0x69F8, s11;
	s31 =	sadd.s32 $0x50, s19  }
0x1c8: {  	[hbm4b:s31+s3] =	stream.linear.scatter [tilespmem:s30], [sflag:$0x1], $0x80, $0x38;
	[tilespmem:$0x14C00] =	vst v63  }
0x1c9: {  	s15 =	ssub.s32 $0x6EF8, s11;
	s16 =	sadd.s32 $0x60, s19  }
0x1ca: {  	[hbm4b:s16+s3] =	stream.linear.scatter [tilespmem:s15], [sflag:$0x1], $0x80, $0x38;
	[tilespmem:$0x14C00] =	vst v63  }
0x1cb: {  	s17 =	rddreg [dreg:$0x14];
	s18 =	ssub.s32 $0x73F8, s11;
	s13 =	sadd.s32 $0x70, s19  }
0x1cc: {  	[hbm4b:s13+s3] =	stream.linear.scatter [tilespmem:s18], [sflag:$0x1], $0x80, $0x38;
	[tilespmem:$0x14C00] =	vst v63  }
0x1cd: {  	s19 =	sadd.s32 s12, s17;
	s20 =	ssub.s32 $0x5178, s11  }
0x1ce: {  	[hbm4b:s19+s3] =	stream.linear.scatter [tilespmem:s20], [sflag:$0x1], $0x80, $0x38;
	[tilespmem:$0x14C00] =	vst v63  }
0x1cf: {  	s21 =	ssub.s32 $0x5678, s11;
	s22 =	sadd.s32 $0x10, s19  }
0x1d0: {  	[hbm4b:s22+s3] =	stream.linear.scatter [tilespmem:s21], [sflag:$0x1], $0x80, $0x38;
	[tilespmem:$0x14C00] =	vst v63  }
0x1d1: {  	s23 =	ssub.s32 $0x5B78, s11;
	s24 =	sadd.s32 $0x20, s19  }
0x1d2: {  	[hbm4b:s24+s3] =	stream.linear.scatter [tilespmem:s23], [sflag:$0x1], $0x80, $0x38;
	[tilespmem:$0x14C00] =	vst v63  }
0x1d3: {  	s25 =	ssub.s32 $0x6078, s11;
	s26 =	sadd.s32 $0x30, s19  }
0x1d4: {  	[hbm4b:s26+s3] =	stream.linear.scatter [tilespmem:s25], [sflag:$0x1], $0x80, $0x38;
	[tilespmem:$0x14C00] =	vst v63  }
0x1d5: {  	s28 =	ssub.s32 $0x6578, s11;
	s29 =	sadd.s32 $0x40, s19  }
0x1d6: {  	[hbm4b:s29+s3] =	stream.linear.scatter [tilespmem:s28], [sflag:$0x1], $0x80, $0x38;
	[tilespmem:$0x14C00] =	vst v63  }
0x1d7: {  	s30 =	ssub.s32 $0x6A78, s11;
	s31 =	sadd.s32 $0x50, s19  }
0x1d8: {  	[hbm4b:s31+s3] =	stream.linear.scatter [tilespmem:s30], [sflag:$0x1], $0x80, $0x38;
	[tilespmem:$0x14C00] =	vst v63  }
0x1d9: {  	s15 =	ssub.s32 $0x6F78, s11;
	s16 =	sadd.s32 $0x60, s19  }
0x1da: {  	[hbm4b:s16+s3] =	stream.linear.scatter [tilespmem:s15], [sflag:$0x1], $0x80, $0x38;
	[tilespmem:$0x14C00] =	vst v63  }
0x1db: {  	s17 =	rddreg [dreg:$0x15];
	s18 =	ssub.s32 $0x7478, s11;
	s13 =	sadd.s32 $0x70, s19  }
0x1dc: {  	[hbm4b:s13+s3] =	stream.linear.scatter [tilespmem:s18], [sflag:$0x1], $0x80, $0x38;
	[tilespmem:$0x14C00] =	vst v63  }
0x1dd: {  	s19 =	sadd.s32 s12, s17;
	s20 =	ssub.s32 $0x51F8, s11  }
0x1de: {  	[hbm4b:s19+s3] =	stream.linear.scatter [tilespmem:s20], [sflag:$0x1], $0x80, $0x38;
	[tilespmem:$0x14C00] =	vst v63  }
0x1df: {  	s21 =	ssub.s32 $0x56F8, s11;
	s22 =	sadd.s32 $0x10, s19  }
0x1e0: {  	[hbm4b:s22+s3] =	stream.linear.scatter [tilespmem:s21], [sflag:$0x1], $0x80, $0x38;
	[tilespmem:$0x14C00] =	vst v63  }
0x1e1: {  	s23 =	ssub.s32 $0x5BF8, s11;
	s24 =	sadd.s32 $0x20, s19  }
0x1e2: {  	[hbm4b:s24+s3] =	stream.linear.scatter [tilespmem:s23], [sflag:$0x1], $0x80, $0x38;
	[tilespmem:$0x14C00] =	vst v63  }
0x1e3: {  	s25 =	ssub.s32 $0x60F8, s11;
	s26 =	sadd.s32 $0x30, s19  }
0x1e4: {  	[hbm4b:s26+s3] =	stream.linear.scatter [tilespmem:s25], [sflag:$0x1], $0x80, $0x38;
	[tilespmem:$0x14C00] =	vst v63  }
0x1e5: {  	s28 =	ssub.s32 $0x65F8, s11;
	s29 =	sadd.s32 $0x40, s19  }
0x1e6: {  	[hbm4b:s29+s3] =	stream.linear.scatter [tilespmem:s28], [sflag:$0x1], $0x80, $0x38;
	[tilespmem:$0x14C00] =	vst v63  }
0x1e7: {  	s30 =	ssub.s32 $0x6AF8, s11;
	s31 =	sadd.s32 $0x50, s19  }
0x1e8: {  	[hbm4b:s31+s3] =	stream.linear.scatter [tilespmem:s30], [sflag:$0x1], $0x80, $0x38;
	[tilespmem:$0x14C00] =	vst v63  }
0x1e9: {  	s15 =	ssub.s32 $0x6FF8, s11;
	s16 =	sadd.s32 $0x60, s19  }
0x1ea: {  	[hbm4b:s16+s3] =	stream.linear.scatter [tilespmem:s15], [sflag:$0x1], $0x80, $0x38;
	[tilespmem:$0x14C00] =	vst v63  }
0x1eb: {  	s17 =	rddreg [dreg:$0x16];
	s18 =	ssub.s32 $0x74F8, s11;
	s13 =	sadd.s32 $0x70, s19  }
0x1ec: {  	[hbm4b:s13+s3] =	stream.linear.scatter [tilespmem:s18], [sflag:$0x1], $0x80, $0x38;
	[tilespmem:$0x14C00] =	vst v63  }
0x1ed: {  	s19 =	sadd.s32 s12, s17;
	s20 =	ssub.s32 $0x5278, s11  }
0x1ee: {  	[hbm4b:s19+s3] =	stream.linear.scatter [tilespmem:s20], [sflag:$0x1], $0x80, $0x38;
	[tilespmem:$0x14C00] =	vst v63  }
0x1ef: {  	s21 =	ssub.s32 $0x5778, s11;
	s22 =	sadd.s32 $0x10, s19  }
0x1f0: {  	[hbm4b:s22+s3] =	stream.linear.scatter [tilespmem:s21], [sflag:$0x1], $0x80, $0x38;
	[tilespmem:$0x14C00] =	vst v63  }
0x1f1: {  	s23 =	ssub.s32 $0x5C78, s11;
	s24 =	sadd.s32 $0x20, s19  }
0x1f2: {  	[hbm4b:s24+s3] =	stream.linear.scatter [tilespmem:s23], [sflag:$0x1], $0x80, $0x38;
	[tilespmem:$0x14C00] =	vst v63  }
0x1f3: {  	s25 =	ssub.s32 $0x6178, s11;
	s26 =	sadd.s32 $0x30, s19  }
0x1f4: {  	[hbm4b:s26+s3] =	stream.linear.scatter [tilespmem:s25], [sflag:$0x1], $0x80, $0x38;
	[tilespmem:$0x14C00] =	vst v63  }
0x1f5: {  	s28 =	ssub.s32 $0x6678, s11;
	s29 =	sadd.s32 $0x40, s19  }
0x1f6: {  	[hbm4b:s29+s3] =	stream.linear.scatter [tilespmem:s28], [sflag:$0x1], $0x80, $0x38;
	[tilespmem:$0x14C00] =	vst v63  }
0x1f7: {  	s30 =	ssub.s32 $0x6B78, s11;
	s31 =	sadd.s32 $0x50, s19  }
0x1f8: {  	[hbm4b:s31+s3] =	stream.linear.scatter [tilespmem:s30], [sflag:$0x1], $0x80, $0x38;
	[tilespmem:$0x14C00] =	vst v63  }
0x1f9: {  	s15 =	ssub.s32 $0x7078, s11;
	s16 =	sadd.s32 $0x60, s19  }
0x1fa: {  	[hbm4b:s16+s3] =	stream.linear.scatter [tilespmem:s15], [sflag:$0x1], $0x80, $0x38;
	[tilespmem:$0x14C00] =	vst v63  }
0x1fb: {  	s17 =	rddreg [dreg:$0x17];
	s18 =	ssub.s32 $0x7578, s11;
	s13 =	sadd.s32 $0x70, s19  }
0x1fc: {  	[hbm4b:s13+s3] =	stream.linear.scatter [tilespmem:s18], [sflag:$0x1], $0x80, $0x38;
	[tilespmem:$0x14C00] =	vst v63  }
0x1fd: {  	s19 =	sadd.s32 s12, s17;
	s20 =	ssub.s32 $0x52F8, s11  }
0x1fe: {  	[hbm4b:s19+s3] =	stream.linear.scatter [tilespmem:s20], [sflag:$0x1], $0x80, $0x38;
	[tilespmem:$0x14C00] =	vst v63  }
0x1ff: {  	s21 =	ssub.s32 $0x57F8, s11;
	s22 =	sadd.s32 $0x10, s19  }
0x200: {  	[hbm4b:s22+s3] =	stream.linear.scatter [tilespmem:s21], [sflag:$0x1], $0x80, $0x38;
	[tilespmem:$0x14C00] =	vst v63  }
0x201: {  	s23 =	ssub.s32 $0x5CF8, s11;
	s24 =	sadd.s32 $0x20, s19  }
0x202: {  	[hbm4b:s24+s3] =	stream.linear.scatter [tilespmem:s23], [sflag:$0x1], $0x80, $0x38;
	[tilespmem:$0x14C00] =	vst v63  }
0x203: {  	s25 =	ssub.s32 $0x61F8, s11;
	s26 =	sadd.s32 $0x30, s19  }
0x204: {  	[hbm4b:s26+s3] =	stream.linear.scatter [tilespmem:s25], [sflag:$0x1], $0x80, $0x38;
	[tilespmem:$0x14C00] =	vst v63  }
0x205: {  	s28 =	ssub.s32 $0x66F8, s11;
	s29 =	sadd.s32 $0x40, s19  }
0x206: {  	[hbm4b:s29+s3] =	stream.linear.scatter [tilespmem:s28], [sflag:$0x1], $0x80, $0x38;
	[tilespmem:$0x14C00] =	vst v63  }
0x207: {  	s30 =	ssub.s32 $0x6BF8, s11;
	s31 =	sadd.s32 $0x50, s19  }
0x208: {  	[hbm4b:s31+s3] =	stream.linear.scatter [tilespmem:s30], [sflag:$0x1], $0x80, $0x38;
	[tilespmem:$0x14C00] =	vst v63  }
0x209: {  	s15 =	ssub.s32 $0x70F8, s11;
	s16 =	sadd.s32 $0x60, s19  }
0x20a: {  	[hbm4b:s16+s3] =	stream.linear.scatter [tilespmem:s15], [sflag:$0x1], $0x80, $0x38;
	[tilespmem:$0x14C00] =	vst v63  }
0x20b: {  	s17 =	rddreg [dreg:$0x18];
	s18 =	ssub.s32 $0x75F8, s11;
	s13 =	sadd.s32 $0x70, s19  }
0x20c: {  	[hbm4b:s13+s3] =	stream.linear.scatter [tilespmem:s18], [sflag:$0x1], $0x80, $0x38;
	[tilespmem:$0x14C00] =	vst v63  }
0x20d: {  	s19 =	sadd.s32 s12, s17;
	s20 =	ssub.s32 $0x5378, s11  }
0x20e: {  	[hbm4b:s19+s3] =	stream.linear.scatter [tilespmem:s20], [sflag:$0x1], $0x80, $0x38;
	[tilespmem:$0x14C00] =	vst v63  }
0x20f: {  	s21 =	ssub.s32 $0x5878, s11;
	s22 =	sadd.s32 $0x10, s19  }
0x210: {  	[hbm4b:s22+s3] =	stream.linear.scatter [tilespmem:s21], [sflag:$0x1], $0x80, $0x38;
	[tilespmem:$0x14C00] =	vst v63  }
0x211: {  	s23 =	ssub.s32 $0x5D78, s11;
	s24 =	sadd.s32 $0x20, s19  }
0x212: {  	[hbm4b:s24+s3] =	stream.linear.scatter [tilespmem:s23], [sflag:$0x1], $0x80, $0x38;
	[tilespmem:$0x14C00] =	vst v63  }
0x213: {  	s25 =	ssub.s32 $0x6278, s11;
	s26 =	sadd.s32 $0x30, s19  }
0x214: {  	[hbm4b:s26+s3] =	stream.linear.scatter [tilespmem:s25], [sflag:$0x1], $0x80, $0x38;
	[tilespmem:$0x14C00] =	vst v63  }
0x215: {  	s28 =	ssub.s32 $0x6778, s11;
	s29 =	sadd.s32 $0x40, s19  }
0x216: {  	[hbm4b:s29+s3] =	stream.linear.scatter [tilespmem:s28], [sflag:$0x1], $0x80, $0x38;
	[tilespmem:$0x14C00] =	vst v63  }
0x217: {  	s30 =	ssub.s32 $0x6C78, s11;
	s31 =	sadd.s32 $0x50, s19  }
0x218: {  	[hbm4b:s31+s3] =	stream.linear.scatter [tilespmem:s30], [sflag:$0x1], $0x80, $0x38;
	[tilespmem:$0x14C00] =	vst v63  }
0x219: {  	s15 =	ssub.s32 $0x7178, s11;
	s16 =	sadd.s32 $0x60, s19  }
0x21a: {  	[hbm4b:s16+s3] =	stream.linear.scatter [tilespmem:s15], [sflag:$0x1], $0x80, $0x38;
	[tilespmem:$0x14C00] =	vst v63  }
0x21b: {  	s17 =	rddreg [dreg:$0x19];
	s18 =	ssub.s32 $0x7678, s11;
	s13 =	sadd.s32 $0x70, s19  }
0x21c: {  	[hbm4b:s13+s3] =	stream.linear.scatter [tilespmem:s18], [sflag:$0x1], $0x80, $0x38;
	[tilespmem:$0x14C00] =	vst v63  }
0x21d: {  	s19 =	sadd.s32 s12, s17;
	s20 =	ssub.s32 $0x53F8, s11  }
0x21e: {  	[hbm4b:s19+s3] =	stream.linear.scatter [tilespmem:s20], [sflag:$0x1], $0x80, $0x38;
	[tilespmem:$0x14C00] =	vst v63  }
0x21f: {  	s21 =	ssub.s32 $0x58F8, s11;
	s22 =	sadd.s32 $0x10, s19  }
0x220: {  	[hbm4b:s22+s3] =	stream.linear.scatter [tilespmem:s21], [sflag:$0x1], $0x80, $0x38;
	[tilespmem:$0x14C00] =	vst v63  }
0x221: {  	s23 =	ssub.s32 $0x5DF8, s11;
	s24 =	sadd.s32 $0x20, s19  }
0x222: {  	[hbm4b:s24+s3] =	stream.linear.scatter [tilespmem:s23], [sflag:$0x1], $0x80, $0x38;
	[tilespmem:$0x14C00] =	vst v63  }
0x223: {  	s25 =	ssub.s32 $0x62F8, s11;
	s26 =	sadd.s32 $0x30, s19  }
0x224: {  	[hbm4b:s26+s3] =	stream.linear.scatter [tilespmem:s25], [sflag:$0x1], $0x80, $0x38;
	[tilespmem:$0x14C00] =	vst v63  }
0x225: {  	s28 =	ssub.s32 $0x67F8, s11;
	s29 =	sadd.s32 $0x40, s19  }
0x226: {  	[hbm4b:s29+s3] =	stream.linear.scatter [tilespmem:s28], [sflag:$0x1], $0x80, $0x38;
	[tilespmem:$0x14C00] =	vst v63  }
0x227: {  	s30 =	ssub.s32 $0x6CF8, s11;
	s31 =	sadd.s32 $0x50, s19  }
0x228: {  	[hbm4b:s31+s3] =	stream.linear.scatter [tilespmem:s30], [sflag:$0x1], $0x80, $0x38;
	[tilespmem:$0x14C00] =	vst v63  }
0x229: {  	s15 =	ssub.s32 $0x71F8, s11;
	s16 =	sadd.s32 $0x60, s19  }
0x22a: {  	[hbm4b:s16+s3] =	stream.linear.scatter [tilespmem:s15], [sflag:$0x1], $0x80, $0x38;
	[tilespmem:$0x14C00] =	vst v63  }
0x22b: {  	s17 =	rddreg [dreg:$0x1a];
	s18 =	ssub.s32 $0x76F8, s11;
	s13 =	sadd.s32 $0x70, s19  }
0x22c: {  	[hbm4b:s13+s3] =	stream.linear.scatter [tilespmem:s18], [sflag:$0x1], $0x80, $0x38;
	[tilespmem:$0x14C00] =	vst v63  }
0x22d: {  	s19 =	sadd.s32 s12, s17;
	s20 =	ssub.s32 $0x5478, s11  }
0x22e: {  	[hbm4b:s19+s3] =	stream.linear.scatter [tilespmem:s20], [sflag:$0x1], $0x80, $0x38;
	[tilespmem:$0x14C00] =	vst v63  }
0x22f: {  	s21 =	ssub.s32 $0x5978, s11;
	s22 =	sadd.s32 $0x10, s19  }
0x230: {  	[hbm4b:s22+s3] =	stream.linear.scatter [tilespmem:s21], [sflag:$0x1], $0x80, $0x38;
	[tilespmem:$0x14C00] =	vst v63  }
0x231: {  	s23 =	ssub.s32 $0x5E78, s11;
	s24 =	sadd.s32 $0x20, s19  }
0x232: {  	[hbm4b:s24+s3] =	stream.linear.scatter [tilespmem:s23], [sflag:$0x1], $0x80, $0x38;
	[tilespmem:$0x14C00] =	vst v63  }
0x233: {  	s25 =	ssub.s32 $0x6378, s11;
	s26 =	sadd.s32 $0x30, s19  }
0x234: {  	[hbm4b:s26+s3] =	stream.linear.scatter [tilespmem:s25], [sflag:$0x1], $0x80, $0x38;
	[tilespmem:$0x14C00] =	vst v63  }
0x235: {  	s28 =	ssub.s32 $0x6878, s11;
	s29 =	sadd.s32 $0x40, s19  }
0x236: {  	[hbm4b:s29+s3] =	stream.linear.scatter [tilespmem:s28], [sflag:$0x1], $0x80, $0x38;
	[tilespmem:$0x14C00] =	vst v63  }
0x237: {  	s30 =	ssub.s32 $0x6D78, s11;
	s31 =	sadd.s32 $0x50, s19  }
0x238: {  	[hbm4b:s31+s3] =	stream.linear.scatter [tilespmem:s30], [sflag:$0x1], $0x80, $0x38;
	[tilespmem:$0x14C00] =	vst v63  }
0x239: {  	s15 =	ssub.s32 $0x7278, s11;
	s16 =	sadd.s32 $0x60, s19  }
0x23a: {  	[hbm4b:s16+s3] =	stream.linear.scatter [tilespmem:s15], [sflag:$0x1], $0x80, $0x38;
	[tilespmem:$0x14C00] =	vst v63  }
0x23b: {  	s17 =	rddreg [dreg:$0x1b];
	s18 =	ssub.s32 $0x7778, s11;
	s13 =	sadd.s32 $0x70, s19  }
0x23c: {  	[hbm4b:s13+s3] =	stream.linear.scatter [tilespmem:s18], [sflag:$0x1], $0x80, $0x38;
	[tilespmem:$0x14C00] =	vst v63  }
0x23d: {  	s19 =	sadd.s32 s12, s17;
	s20 =	ssub.s32 $0x78F8, s11  }
0x23e: {  	[hbm4b:s19+s3] =	stream.linear.scatter [tilespmem:s20], [sflag:$0x1], $0x80, $0x38;
	[tilespmem:$0x14C00] =	vst v63  }
0x23f: {  	s21 =	ssub.s32 $0x7DF8, s11;
	s22 =	sadd.s32 $0x10, s19  }
0x240: {  	[hbm4b:s22+s3] =	stream.linear.scatter [tilespmem:s21], [sflag:$0x1], $0x80, $0x38;
	[tilespmem:$0x14C00] =	vst v63  }
0x241: {  	s23 =	ssub.s32 $0x82F8, s11;
	s24 =	sadd.s32 $0x20, s19  }
0x242: {  	[hbm4b:s24+s3] =	stream.linear.scatter [tilespmem:s23], [sflag:$0x1], $0x80, $0x38;
	[tilespmem:$0x14C00] =	vst v63  }
0x243: {  	s25 =	ssub.s32 $0x87F8, s11;
	s26 =	sadd.s32 $0x30, s19  }
0x244: {  	[hbm4b:s26+s3] =	stream.linear.scatter [tilespmem:s25], [sflag:$0x1], $0x80, $0x38;
	[tilespmem:$0x14C00] =	vst v63  }
0x245: {  	s28 =	ssub.s32 $0x8CF8, s11;
	s29 =	sadd.s32 $0x40, s19  }
0x246: {  	[hbm4b:s29+s3] =	stream.linear.scatter [tilespmem:s28], [sflag:$0x1], $0x80, $0x38;
	[tilespmem:$0x14C00] =	vst v63  }
0x247: {  	s30 =	ssub.s32 $0x91F8, s11;
	s31 =	sadd.s32 $0x50, s19  }
0x248: {  	[hbm4b:s31+s3] =	stream.linear.scatter [tilespmem:s30], [sflag:$0x1], $0x80, $0x38;
	[tilespmem:$0x14C00] =	vst v63  }
0x249: {  	s15 =	ssub.s32 $0x96F8, s11;
	s16 =	sadd.s32 $0x60, s19  }
0x24a: {  	[hbm4b:s16+s3] =	stream.linear.scatter [tilespmem:s15], [sflag:$0x1], $0x80, $0x38;
	[tilespmem:$0x14C00] =	vst v63  }
0x24b: {  	s17 =	rddreg [dreg:$0x1c];
	s18 =	ssub.s32 $0x9BF8, s11;
	s13 =	sadd.s32 $0x70, s19  }
0x24c: {  	[hbm4b:s13+s3] =	stream.linear.scatter [tilespmem:s18], [sflag:$0x1], $0x80, $0x38;
	[tilespmem:$0x14C00] =	vst v63  }
0x24d: {  	s19 =	sadd.s32 s12, s17;
	s20 =	ssub.s32 $0x7978, s11  }
0x24e: {  	[hbm4b:s19+s3] =	stream.linear.scatter [tilespmem:s20], [sflag:$0x1], $0x80, $0x38;
	[tilespmem:$0x14C00] =	vst v63  }
0x24f: {  	s21 =	ssub.s32 $0x7E78, s11;
	s22 =	sadd.s32 $0x10, s19  }
0x250: {  	[hbm4b:s22+s3] =	stream.linear.scatter [tilespmem:s21], [sflag:$0x1], $0x80, $0x38;
	[tilespmem:$0x14C00] =	vst v63  }
0x251: {  	s23 =	ssub.s32 $0x8378, s11;
	s24 =	sadd.s32 $0x20, s19  }
0x252: {  	[hbm4b:s24+s3] =	stream.linear.scatter [tilespmem:s23], [sflag:$0x1], $0x80, $0x38;
	[tilespmem:$0x14C00] =	vst v63  }
0x253: {  	s25 =	ssub.s32 $0x8878, s11;
	s26 =	sadd.s32 $0x30, s19  }
0x254: {  	[hbm4b:s26+s3] =	stream.linear.scatter [tilespmem:s25], [sflag:$0x1], $0x80, $0x38;
	[tilespmem:$0x14C00] =	vst v63  }
0x255: {  	s28 =	ssub.s32 $0x8D78, s11;
	s29 =	sadd.s32 $0x40, s19  }
0x256: {  	[hbm4b:s29+s3] =	stream.linear.scatter [tilespmem:s28], [sflag:$0x1], $0x80, $0x38;
	[tilespmem:$0x14C00] =	vst v63  }
0x257: {  	s30 =	ssub.s32 $0x9278, s11;
	s31 =	sadd.s32 $0x50, s19  }
0x258: {  	[hbm4b:s31+s3] =	stream.linear.scatter [tilespmem:s30], [sflag:$0x1], $0x80, $0x38;
	[tilespmem:$0x14C00] =	vst v63  }
0x259: {  	s15 =	ssub.s32 $0x9778, s11;
	s16 =	sadd.s32 $0x60, s19  }
0x25a: {  	[hbm4b:s16+s3] =	stream.linear.scatter [tilespmem:s15], [sflag:$0x1], $0x80, $0x38;
	[tilespmem:$0x14C00] =	vst v63  }
0x25b: {  	s17 =	rddreg [dreg:$0x1d];
	s18 =	ssub.s32 $0x9C78, s11;
	s13 =	sadd.s32 $0x70, s19  }
0x25c: {  	[hbm4b:s13+s3] =	stream.linear.scatter [tilespmem:s18], [sflag:$0x1], $0x80, $0x38;
	[tilespmem:$0x14C00] =	vst v63  }
0x25d: {  	s19 =	sadd.s32 s12, s17;
	s20 =	ssub.s32 $0x79F8, s11  }
0x25e: {  	[hbm4b:s19+s3] =	stream.linear.scatter [tilespmem:s20], [sflag:$0x1], $0x80, $0x38;
	[tilespmem:$0x14C00] =	vst v63  }
0x25f: {  	s21 =	ssub.s32 $0x7EF8, s11;
	s22 =	sadd.s32 $0x10, s19  }
0x260: {  	[hbm4b:s22+s3] =	stream.linear.scatter [tilespmem:s21], [sflag:$0x1], $0x80, $0x38;
	[tilespmem:$0x14C00] =	vst v63  }
0x261: {  	s23 =	ssub.s32 $0x83F8, s11;
	s24 =	sadd.s32 $0x20, s19  }
0x262: {  	[hbm4b:s24+s3] =	stream.linear.scatter [tilespmem:s23], [sflag:$0x1], $0x80, $0x38;
	[tilespmem:$0x14C00] =	vst v63  }
0x263: {  	s25 =	ssub.s32 $0x88F8, s11;
	s26 =	sadd.s32 $0x30, s19  }
0x264: {  	[hbm4b:s26+s3] =	stream.linear.scatter [tilespmem:s25], [sflag:$0x1], $0x80, $0x38;
	[tilespmem:$0x14C00] =	vst v63  }
0x265: {  	s28 =	ssub.s32 $0x8DF8, s11;
	s29 =	sadd.s32 $0x40, s19  }
0x266: {  	[hbm4b:s29+s3] =	stream.linear.scatter [tilespmem:s28], [sflag:$0x1], $0x80, $0x38;
	[tilespmem:$0x14C00] =	vst v63  }
0x267: {  	s30 =	ssub.s32 $0x92F8, s11;
	s31 =	sadd.s32 $0x50, s19  }
0x268: {  	[hbm4b:s31+s3] =	stream.linear.scatter [tilespmem:s30], [sflag:$0x1], $0x80, $0x38;
	[tilespmem:$0x14C00] =	vst v63  }
0x269: {  	s15 =	ssub.s32 $0x97F8, s11;
	s16 =	sadd.s32 $0x60, s19  }
0x26a: {  	[hbm4b:s16+s3] =	stream.linear.scatter [tilespmem:s15], [sflag:$0x1], $0x80, $0x38;
	[tilespmem:$0x14C00] =	vst v63  }
0x26b: {  	s17 =	rddreg [dreg:$0x1e];
	s18 =	ssub.s32 $0x9CF8, s11;
	s13 =	sadd.s32 $0x70, s19  }
0x26c: {  	[hbm4b:s13+s3] =	stream.linear.scatter [tilespmem:s18], [sflag:$0x1], $0x80, $0x38;
	[tilespmem:$0x14C00] =	vst v63  }
0x26d: {  	s19 =	sadd.s32 s12, s17;
	s20 =	ssub.s32 $0x7A78, s11  }
0x26e: {  	[hbm4b:s19+s3] =	stream.linear.scatter [tilespmem:s20], [sflag:$0x1], $0x80, $0x38;
	[tilespmem:$0x14C00] =	vst v63  }
0x26f: {  	s21 =	ssub.s32 $0x7F78, s11;
	s22 =	sadd.s32 $0x10, s19  }
0x270: {  	[hbm4b:s22+s3] =	stream.linear.scatter [tilespmem:s21], [sflag:$0x1], $0x80, $0x38;
	[tilespmem:$0x14C00] =	vst v63  }
0x271: {  	s23 =	ssub.s32 $0x8478, s11;
	s24 =	sadd.s32 $0x20, s19  }
0x272: {  	[hbm4b:s24+s3] =	stream.linear.scatter [tilespmem:s23], [sflag:$0x1], $0x80, $0x38;
	[tilespmem:$0x14C00] =	vst v63  }
0x273: {  	s25 =	ssub.s32 $0x8978, s11;
	s26 =	sadd.s32 $0x30, s19  }
0x274: {  	[hbm4b:s26+s3] =	stream.linear.scatter [tilespmem:s25], [sflag:$0x1], $0x80, $0x38;
	[tilespmem:$0x14C00] =	vst v63  }
0x275: {  	s28 =	ssub.s32 $0x8E78, s11;
	s29 =	sadd.s32 $0x40, s19  }
0x276: {  	[hbm4b:s29+s3] =	stream.linear.scatter [tilespmem:s28], [sflag:$0x1], $0x80, $0x38;
	[tilespmem:$0x14C00] =	vst v63  }
0x277: {  	s30 =	ssub.s32 $0x9378, s11;
	s31 =	sadd.s32 $0x50, s19  }
0x278: {  	[hbm4b:s31+s3] =	stream.linear.scatter [tilespmem:s30], [sflag:$0x1], $0x80, $0x38;
	[tilespmem:$0x14C00] =	vst v63  }
0x279: {  	s15 =	ssub.s32 $0x9878, s11;
	s16 =	sadd.s32 $0x60, s19  }
0x27a: {  	[hbm4b:s16+s3] =	stream.linear.scatter [tilespmem:s15], [sflag:$0x1], $0x80, $0x38;
	[tilespmem:$0x14C00] =	vst v63  }
0x27b: {  	s17 =	rddreg [dreg:$0x1f];
	s18 =	ssub.s32 $0x9D78, s11;
	s13 =	sadd.s32 $0x70, s19  }
0x27c: {  	[hbm4b:s13+s3] =	stream.linear.scatter [tilespmem:s18], [sflag:$0x1], $0x80, $0x38;
	[tilespmem:$0x14C00] =	vst v63  }
0x27d: {  	s19 =	sadd.s32 s12, s17;
	s20 =	ssub.s32 $0x7AF8, s11  }
0x27e: {  	[hbm4b:s19+s3] =	stream.linear.scatter [tilespmem:s20], [sflag:$0x1], $0x80, $0x38;
	[tilespmem:$0x14C00] =	vst v63  }
0x27f: {  	s21 =	ssub.s32 $0x7FF8, s11;
	s22 =	sadd.s32 $0x10, s19  }
0x280: {  	[hbm4b:s22+s3] =	stream.linear.scatter [tilespmem:s21], [sflag:$0x1], $0x80, $0x38;
	[tilespmem:$0x14C00] =	vst v63  }
0x281: {  	s23 =	ssub.s32 $0x84F8, s11;
	s24 =	sadd.s32 $0x20, s19  }
0x282: {  	[hbm4b:s24+s3] =	stream.linear.scatter [tilespmem:s23], [sflag:$0x1], $0x80, $0x38;
	[tilespmem:$0x14C00] =	vst v63  }
0x283: {  	s25 =	ssub.s32 $0x89F8, s11;
	s26 =	sadd.s32 $0x30, s19  }
0x284: {  	[hbm4b:s26+s3] =	stream.linear.scatter [tilespmem:s25], [sflag:$0x1], $0x80, $0x38;
	[tilespmem:$0x14C00] =	vst v63  }
0x285: {  	s28 =	ssub.s32 $0x8EF8, s11;
	s29 =	sadd.s32 $0x40, s19  }
0x286: {  	[hbm4b:s29+s3] =	stream.linear.scatter [tilespmem:s28], [sflag:$0x1], $0x80, $0x38;
	[tilespmem:$0x14C00] =	vst v63  }
0x287: {  	s30 =	ssub.s32 $0x93F8, s11;
	s31 =	sadd.s32 $0x50, s19  }
0x288: {  	[hbm4b:s31+s3] =	stream.linear.scatter [tilespmem:s30], [sflag:$0x1], $0x80, $0x38;
	[tilespmem:$0x14C00] =	vst v63  }
0x289: {  	s17 =	sld [smem:$0x7DB];
	s15 =	ssub.s32 $0x98F8, s11;
	s16 =	sadd.s32 $0x60, s19  }
0x28a: {  	[hbm4b:s16+s3] =	stream.linear.scatter [tilespmem:s15], [sflag:$0x1], $0x80, $0x38;
	[tilespmem:$0x14C00] =	vst v63  }
0x28b: {  	s18 =	ssub.s32 $0x9DF8, s11;
	s13 =	sadd.s32 $0x70, s19  }
0x28c: {  	[hbm4b:s13+s3] =	stream.linear.scatter [tilespmem:s18], [sflag:$0x1], $0x80, $0x38;
	[tilespmem:$0x14C00] =	vst v63  }
0x28d: {  	s19 =	sadd.s32 s12, s17;
	s20 =	ssub.s32 $0x7B78, s11  }
0x28e: {  	[hbm4b:s19+s3] =	stream.linear.scatter [tilespmem:s20], [sflag:$0x1], $0x80, $0x38;
	[tilespmem:$0x14C00] =	vst v63  }
0x28f: {  	s21 =	ssub.s32 $0x8078, s11;
	s22 =	sadd.s32 $0x10, s19  }
0x290: {  	[hbm4b:s22+s3] =	stream.linear.scatter [tilespmem:s21], [sflag:$0x1], $0x80, $0x38;
	[tilespmem:$0x14C00] =	vst v63  }
0x291: {  	s23 =	ssub.s32 $0x8578, s11;
	s24 =	sadd.s32 $0x20, s19  }
0x292: {  	[hbm4b:s24+s3] =	stream.linear.scatter [tilespmem:s23], [sflag:$0x1], $0x80, $0x38;
	[tilespmem:$0x14C00] =	vst v63  }
0x293: {  	s25 =	ssub.s32 $0x8A78, s11;
	s26 =	sadd.s32 $0x30, s19  }
0x294: {  	[hbm4b:s26+s3] =	stream.linear.scatter [tilespmem:s25], [sflag:$0x1], $0x80, $0x38;
	[tilespmem:$0x14C00] =	vst v63  }
0x295: {  	s28 =	ssub.s32 $0x8F78, s11;
	s29 =	sadd.s32 $0x40, s19  }
0x296: {  	[hbm4b:s29+s3] =	stream.linear.scatter [tilespmem:s28], [sflag:$0x1], $0x80, $0x38;
	[tilespmem:$0x14C00] =	vst v63  }
0x297: {  	s30 =	ssub.s32 $0x9478, s11;
	s31 =	sadd.s32 $0x50, s19  }
0x298: {  	[hbm4b:s31+s3] =	stream.linear.scatter [tilespmem:s30], [sflag:$0x1], $0x80, $0x38;
	[tilespmem:$0x14C00] =	vst v63  }
0x299: {  	s17 =	sld [smem:$0x7DC];
	s15 =	ssub.s32 $0x9978, s11;
	s16 =	sadd.s32 $0x60, s19  }
0x29a: {  	[hbm4b:s16+s3] =	stream.linear.scatter [tilespmem:s15], [sflag:$0x1], $0x80, $0x38;
	[tilespmem:$0x14C00] =	vst v63  }
0x29b: {  	s18 =	ssub.s32 $0x9E78, s11;
	s13 =	sadd.s32 $0x70, s19  }
0x29c: {  	[hbm4b:s13+s3] =	stream.linear.scatter [tilespmem:s18], [sflag:$0x1], $0x80, $0x38;
	[tilespmem:$0x14C00] =	vst v63  }
0x29d: {  	s19 =	sadd.s32 s12, s17;
	s20 =	ssub.s32 $0x7BF8, s11  }
0x29e: {  	[hbm4b:s19+s3] =	stream.linear.scatter [tilespmem:s20], [sflag:$0x1], $0x80, $0x38;
	[tilespmem:$0x14C00] =	vst v63  }
0x29f: {  	s21 =	ssub.s32 $0x80F8, s11;
	s22 =	sadd.s32 $0x10, s19  }
0x2a0: {  	[hbm4b:s22+s3] =	stream.linear.scatter [tilespmem:s21], [sflag:$0x1], $0x80, $0x38;
	[tilespmem:$0x14C00] =	vst v63  }
0x2a1: {  	s23 =	ssub.s32 $0x85F8, s11;
	s24 =	sadd.s32 $0x20, s19  }
0x2a2: {  	[hbm4b:s24+s3] =	stream.linear.scatter [tilespmem:s23], [sflag:$0x1], $0x80, $0x38;
	[tilespmem:$0x14C00] =	vst v63  }
0x2a3: {  	s25 =	ssub.s32 $0x8AF8, s11;
	s26 =	sadd.s32 $0x30, s19  }
0x2a4: {  	[hbm4b:s26+s3] =	stream.linear.scatter [tilespmem:s25], [sflag:$0x1], $0x80, $0x38;
	[tilespmem:$0x14C00] =	vst v63  }
0x2a5: {  	s28 =	ssub.s32 $0x8FF8, s11;
	s29 =	sadd.s32 $0x40, s19  }
0x2a6: {  	[hbm4b:s29+s3] =	stream.linear.scatter [tilespmem:s28], [sflag:$0x1], $0x80, $0x38;
	[tilespmem:$0x14C00] =	vst v63  }
0x2a7: {  	s30 =	ssub.s32 $0x94F8, s11;
	s31 =	sadd.s32 $0x50, s19  }
0x2a8: {  	[hbm4b:s31+s3] =	stream.linear.scatter [tilespmem:s30], [sflag:$0x1], $0x80, $0x38;
	[tilespmem:$0x14C00] =	vst v63  }
0x2a9: {  	s17 =	sld [smem:$0x7DD];
	s15 =	ssub.s32 $0x99F8, s11;
	s16 =	sadd.s32 $0x60, s19  }
0x2aa: {  	[hbm4b:s16+s3] =	stream.linear.scatter [tilespmem:s15], [sflag:$0x1], $0x80, $0x38;
	[tilespmem:$0x14C00] =	vst v63  }
0x2ab: {  	s18 =	ssub.s32 $0x9EF8, s11;
	s13 =	sadd.s32 $0x70, s19  }
0x2ac: {  	[hbm4b:s13+s3] =	stream.linear.scatter [tilespmem:s18], [sflag:$0x1], $0x80, $0x38;
	[tilespmem:$0x14C00] =	vst v63  }
0x2ad: {  	s19 =	sadd.s32 s12, s17;
	s20 =	ssub.s32 $0x7C78, s11  }
0x2ae: {  	[hbm4b:s19+s3] =	stream.linear.scatter [tilespmem:s20], [sflag:$0x1], $0x80, $0x38;
	[tilespmem:$0x14C00] =	vst v63  }
0x2af: {  	s21 =	ssub.s32 $0x8178, s11;
	s22 =	sadd.s32 $0x10, s19  }
0x2b0: {  	[hbm4b:s22+s3] =	stream.linear.scatter [tilespmem:s21], [sflag:$0x1], $0x80, $0x38;
	[tilespmem:$0x14C00] =	vst v63  }
0x2b1: {  	s23 =	ssub.s32 $0x8678, s11;
	s24 =	sadd.s32 $0x20, s19  }
0x2b2: {  	[hbm4b:s24+s3] =	stream.linear.scatter [tilespmem:s23], [sflag:$0x1], $0x80, $0x38;
	[tilespmem:$0x14C00] =	vst v63  }
0x2b3: {  	s25 =	ssub.s32 $0x8B78, s11;
	s26 =	sadd.s32 $0x30, s19  }
0x2b4: {  	[hbm4b:s26+s3] =	stream.linear.scatter [tilespmem:s25], [sflag:$0x1], $0x80, $0x38;
	[tilespmem:$0x14C00] =	vst v63  }
0x2b5: {  	s28 =	ssub.s32 $0x9078, s11;
	s29 =	sadd.s32 $0x40, s19  }
0x2b6: {  	[hbm4b:s29+s3] =	stream.linear.scatter [tilespmem:s28], [sflag:$0x1], $0x80, $0x38;
	[tilespmem:$0x14C00] =	vst v63  }
0x2b7: {  	s30 =	ssub.s32 $0x9578, s11;
	s31 =	sadd.s32 $0x50, s19  }
0x2b8: {  	[hbm4b:s31+s3] =	stream.linear.scatter [tilespmem:s30], [sflag:$0x1], $0x80, $0x38;
	[tilespmem:$0x14C00] =	vst v63  }
0x2b9: {  	s17 =	sld [smem:$0x7DE];
	s15 =	ssub.s32 $0x9A78, s11;
	s16 =	sadd.s32 $0x60, s19  }
0x2ba: {  	[hbm4b:s16+s3] =	stream.linear.scatter [tilespmem:s15], [sflag:$0x1], $0x80, $0x38;
	[tilespmem:$0x14C00] =	vst v63  }
0x2bb: {  	s18 =	ssub.s32 $0x9F78, s11;
	s13 =	sadd.s32 $0x70, s19  }
0x2bc: {  	[hbm4b:s13+s3] =	stream.linear.scatter [tilespmem:s18], [sflag:$0x1], $0x80, $0x38;
	[tilespmem:$0x14C00] =	vst v63  }
0x2bd: {  	s19 =	sadd.s32 s12, s17;
	s20 =	ssub.s32 $0xA0F8, s11  }
0x2be: {  	[hbm4b:s19+s3] =	stream.linear.scatter [tilespmem:s20], [sflag:$0x1], $0x80, $0x38;
	[tilespmem:$0x14C00] =	vst v63  }
0x2bf: {  	s21 =	ssub.s32 $0xA5F8, s11;
	s22 =	sadd.s32 $0x10, s19  }
0x2c0: {  	[hbm4b:s22+s3] =	stream.linear.scatter [tilespmem:s21], [sflag:$0x1], $0x80, $0x38;
	[tilespmem:$0x14C00] =	vst v63  }
0x2c1: {  	s23 =	ssub.s32 $0xAAF8, s11;
	s24 =	sadd.s32 $0x20, s19  }
0x2c2: {  	[hbm4b:s24+s3] =	stream.linear.scatter [tilespmem:s23], [sflag:$0x1], $0x80, $0x38;
	[tilespmem:$0x14C00] =	vst v63  }
0x2c3: {  	s25 =	ssub.s32 $0xAFF8, s11;
	s26 =	sadd.s32 $0x30, s19  }
0x2c4: {  	[hbm4b:s26+s3] =	stream.linear.scatter [tilespmem:s25], [sflag:$0x1], $0x80, $0x38;
	[tilespmem:$0x14C00] =	vst v63  }
0x2c5: {  	s28 =	ssub.s32 $0xB4F8, s11;
	s29 =	sadd.s32 $0x40, s19  }
0x2c6: {  	[hbm4b:s29+s3] =	stream.linear.scatter [tilespmem:s28], [sflag:$0x1], $0x80, $0x38;
	[tilespmem:$0x14C00] =	vst v63  }
0x2c7: {  	s30 =	ssub.s32 $0xB9F8, s11;
	s31 =	sadd.s32 $0x50, s19  }
0x2c8: {  	[hbm4b:s31+s3] =	stream.linear.scatter [tilespmem:s30], [sflag:$0x1], $0x80, $0x38;
	[tilespmem:$0x14C00] =	vst v63  }
0x2c9: {  	s17 =	sld [smem:$0x7DF];
	s15 =	ssub.s32 $0xBEF8, s11;
	s16 =	sadd.s32 $0x60, s19  }
0x2ca: {  	[hbm4b:s16+s3] =	stream.linear.scatter [tilespmem:s15], [sflag:$0x1], $0x80, $0x38;
	[tilespmem:$0x14C00] =	vst v63  }
0x2cb: {  	s18 =	ssub.s32 $0xC3F8, s11;
	s13 =	sadd.s32 $0x70, s19  }
0x2cc: {  	[hbm4b:s13+s3] =	stream.linear.scatter [tilespmem:s18], [sflag:$0x1], $0x80, $0x38;
	[tilespmem:$0x14C00] =	vst v63  }
0x2cd: {  	s19 =	sadd.s32 s12, s17;
	s20 =	ssub.s32 $0xA178, s11  }
0x2ce: {  	[hbm4b:s19+s3] =	stream.linear.scatter [tilespmem:s20], [sflag:$0x1], $0x80, $0x38;
	[tilespmem:$0x14C00] =	vst v63  }
0x2cf: {  	s21 =	ssub.s32 $0xA678, s11;
	s22 =	sadd.s32 $0x10, s19  }
0x2d0: {  	[hbm4b:s22+s3] =	stream.linear.scatter [tilespmem:s21], [sflag:$0x1], $0x80, $0x38;
	[tilespmem:$0x14C00] =	vst v63  }
0x2d1: {  	s23 =	ssub.s32 $0xAB78, s11;
	s24 =	sadd.s32 $0x20, s19  }
0x2d2: {  	[hbm4b:s24+s3] =	stream.linear.scatter [tilespmem:s23], [sflag:$0x1], $0x80, $0x38;
	[tilespmem:$0x14C00] =	vst v63  }
0x2d3: {  	s25 =	ssub.s32 $0xB078, s11;
	s26 =	sadd.s32 $0x30, s19  }
0x2d4: {  	[hbm4b:s26+s3] =	stream.linear.scatter [tilespmem:s25], [sflag:$0x1], $0x80, $0x38;
	[tilespmem:$0x14C00] =	vst v63  }
0x2d5: {  	s28 =	ssub.s32 $0xB578, s11;
	s29 =	sadd.s32 $0x40, s19  }
0x2d6: {  	[hbm4b:s29+s3] =	stream.linear.scatter [tilespmem:s28], [sflag:$0x1], $0x80, $0x38;
	[tilespmem:$0x14C00] =	vst v63  }
0x2d7: {  	s30 =	ssub.s32 $0xBA78, s11;
	s31 =	sadd.s32 $0x50, s19  }
0x2d8: {  	[hbm4b:s31+s3] =	stream.linear.scatter [tilespmem:s30], [sflag:$0x1], $0x80, $0x38;
	[tilespmem:$0x14C00] =	vst v63  }
0x2d9: {  	s17 =	sld [smem:$0x7E0];
	s15 =	ssub.s32 $0xBF78, s11;
	s16 =	sadd.s32 $0x60, s19  }
0x2da: {  	[hbm4b:s16+s3] =	stream.linear.scatter [tilespmem:s15], [sflag:$0x1], $0x80, $0x38;
	[tilespmem:$0x14C00] =	vst v63  }
0x2db: {  	s18 =	ssub.s32 $0xC478, s11;
	s13 =	sadd.s32 $0x70, s19  }
0x2dc: {  	[hbm4b:s13+s3] =	stream.linear.scatter [tilespmem:s18], [sflag:$0x1], $0x80, $0x38;
	[tilespmem:$0x14C00] =	vst v63  }
0x2dd: {  	s19 =	sadd.s32 s12, s17;
	s20 =	ssub.s32 $0xA1F8, s11  }
0x2de: {  	[hbm4b:s19+s3] =	stream.linear.scatter [tilespmem:s20], [sflag:$0x1], $0x80, $0x38;
	[tilespmem:$0x14C00] =	vst v63  }
0x2df: {  	s21 =	ssub.s32 $0xA6F8, s11;
	s22 =	sadd.s32 $0x10, s19  }
0x2e0: {  	[hbm4b:s22+s3] =	stream.linear.scatter [tilespmem:s21], [sflag:$0x1], $0x80, $0x38;
	[tilespmem:$0x14C00] =	vst v63  }
0x2e1: {  	s23 =	ssub.s32 $0xABF8, s11;
	s24 =	sadd.s32 $0x20, s19  }
0x2e2: {  	[hbm4b:s24+s3] =	stream.linear.scatter [tilespmem:s23], [sflag:$0x1], $0x80, $0x38;
	[tilespmem:$0x14C00] =	vst v63  }
0x2e3: {  	s25 =	ssub.s32 $0xB0F8, s11;
	s26 =	sadd.s32 $0x30, s19  }
0x2e4: {  	[hbm4b:s26+s3] =	stream.linear.scatter [tilespmem:s25], [sflag:$0x1], $0x80, $0x38;
	[tilespmem:$0x14C00] =	vst v63  }
0x2e5: {  	s28 =	ssub.s32 $0xB5F8, s11;
	s29 =	sadd.s32 $0x40, s19  }
0x2e6: {  	[hbm4b:s29+s3] =	stream.linear.scatter [tilespmem:s28], [sflag:$0x1], $0x80, $0x38;
	[tilespmem:$0x14C00] =	vst v63  }
0x2e7: {  	s30 =	ssub.s32 $0xBAF8, s11;
	s31 =	sadd.s32 $0x50, s19  }
0x2e8: {  	[hbm4b:s31+s3] =	stream.linear.scatter [tilespmem:s30], [sflag:$0x1], $0x80, $0x38;
	[tilespmem:$0x14C00] =	vst v63  }
0x2e9: {  	s17 =	sld [smem:$0x7E1];
	s15 =	ssub.s32 $0xBFF8, s11;
	s16 =	sadd.s32 $0x60, s19  }
0x2ea: {  	[hbm4b:s16+s3] =	stream.linear.scatter [tilespmem:s15], [sflag:$0x1], $0x80, $0x38;
	[tilespmem:$0x14C00] =	vst v63  }
0x2eb: {  	s18 =	ssub.s32 $0xC4F8, s11;
	s13 =	sadd.s32 $0x70, s19  }
0x2ec: {  	[hbm4b:s13+s3] =	stream.linear.scatter [tilespmem:s18], [sflag:$0x1], $0x80, $0x38;
	[tilespmem:$0x14C00] =	vst v63  }
0x2ed: {  	s19 =	sadd.s32 s12, s17;
	s20 =	ssub.s32 $0xA278, s11  }
0x2ee: {  	[hbm4b:s19+s3] =	stream.linear.scatter [tilespmem:s20], [sflag:$0x1], $0x80, $0x38;
	[tilespmem:$0x14C00] =	vst v63  }
0x2ef: {  	s21 =	ssub.s32 $0xA778, s11;
	s22 =	sadd.s32 $0x10, s19  }
0x2f0: {  	[hbm4b:s22+s3] =	stream.linear.scatter [tilespmem:s21], [sflag:$0x1], $0x80, $0x38;
	[tilespmem:$0x14C00] =	vst v63  }
0x2f1: {  	s23 =	ssub.s32 $0xAC78, s11;
	s24 =	sadd.s32 $0x20, s19  }
0x2f2: {  	[hbm4b:s24+s3] =	stream.linear.scatter [tilespmem:s23], [sflag:$0x1], $0x80, $0x38;
	[tilespmem:$0x14C00] =	vst v63  }
0x2f3: {  	s25 =	ssub.s32 $0xB178, s11;
	s26 =	sadd.s32 $0x30, s19  }
0x2f4: {  	[hbm4b:s26+s3] =	stream.linear.scatter [tilespmem:s25], [sflag:$0x1], $0x80, $0x38;
	[tilespmem:$0x14C00] =	vst v63  }
0x2f5: {  	s28 =	ssub.s32 $0xB678, s11;
	s29 =	sadd.s32 $0x40, s19  }
0x2f6: {  	[hbm4b:s29+s3] =	stream.linear.scatter [tilespmem:s28], [sflag:$0x1], $0x80, $0x38;
	[tilespmem:$0x14C00] =	vst v63  }
0x2f7: {  	s30 =	ssub.s32 $0xBB78, s11;
	s31 =	sadd.s32 $0x50, s19  }
0x2f8: {  	[hbm4b:s31+s3] =	stream.linear.scatter [tilespmem:s30], [sflag:$0x1], $0x80, $0x38;
	[tilespmem:$0x14C00] =	vst v63  }
0x2f9: {  	s17 =	sld [smem:$0x7E2];
	s15 =	ssub.s32 $0xC078, s11;
	s16 =	sadd.s32 $0x60, s19  }
0x2fa: {  	[hbm4b:s16+s3] =	stream.linear.scatter [tilespmem:s15], [sflag:$0x1], $0x80, $0x38;
	[tilespmem:$0x14C00] =	vst v63  }
0x2fb: {  	s18 =	ssub.s32 $0xC578, s11;
	s13 =	sadd.s32 $0x70, s19  }
0x2fc: {  	[hbm4b:s13+s3] =	stream.linear.scatter [tilespmem:s18], [sflag:$0x1], $0x80, $0x38;
	[tilespmem:$0x14C00] =	vst v63  }
0x2fd: {  	s19 =	sadd.s32 s12, s17;
	s20 =	ssub.s32 $0xA2F8, s11  }
0x2fe: {  	[hbm4b:s19+s3] =	stream.linear.scatter [tilespmem:s20], [sflag:$0x1], $0x80, $0x38;
	[tilespmem:$0x14C00] =	vst v63  }
0x2ff: {  	s21 =	ssub.s32 $0xA7F8, s11;
	s22 =	sadd.s32 $0x10, s19  }
0x300: {  	[hbm4b:s22+s3] =	stream.linear.scatter [tilespmem:s21], [sflag:$0x1], $0x80, $0x38;
	[tilespmem:$0x14C00] =	vst v63  }
0x301: {  	s23 =	ssub.s32 $0xACF8, s11;
	s24 =	sadd.s32 $0x20, s19  }
0x302: {  	[hbm4b:s24+s3] =	stream.linear.scatter [tilespmem:s23], [sflag:$0x1], $0x80, $0x38;
	[tilespmem:$0x14C00] =	vst v63  }
0x303: {  	s25 =	ssub.s32 $0xB1F8, s11;
	s26 =	sadd.s32 $0x30, s19  }
0x304: {  	[hbm4b:s26+s3] =	stream.linear.scatter [tilespmem:s25], [sflag:$0x1], $0x80, $0x38;
	[tilespmem:$0x14C00] =	vst v63  }
0x305: {  	s28 =	ssub.s32 $0xB6F8, s11;
	s29 =	sadd.s32 $0x40, s19  }
0x306: {  	[hbm4b:s29+s3] =	stream.linear.scatter [tilespmem:s28], [sflag:$0x1], $0x80, $0x38;
	[tilespmem:$0x14C00] =	vst v63  }
0x307: {  	s30 =	ssub.s32 $0xBBF8, s11;
	s31 =	sadd.s32 $0x50, s19  }
0x308: {  	[hbm4b:s31+s3] =	stream.linear.scatter [tilespmem:s30], [sflag:$0x1], $0x80, $0x38;
	[tilespmem:$0x14C00] =	vst v63  }
0x309: {  	s17 =	sld [smem:$0x7E3];
	s15 =	ssub.s32 $0xC0F8, s11;
	s16 =	sadd.s32 $0x60, s19  }
0x30a: {  	[hbm4b:s16+s3] =	stream.linear.scatter [tilespmem:s15], [sflag:$0x1], $0x80, $0x38;
	[tilespmem:$0x14C00] =	vst v63  }
0x30b: {  	s18 =	ssub.s32 $0xC5F8, s11;
	s13 =	sadd.s32 $0x70, s19  }
0x30c: {  	[hbm4b:s13+s3] =	stream.linear.scatter [tilespmem:s18], [sflag:$0x1], $0x80, $0x38;
	[tilespmem:$0x14C00] =	vst v63  }
0x30d: {  	s19 =	sadd.s32 s12, s17;
	s20 =	ssub.s32 $0xA378, s11  }
0x30e: {  	[hbm4b:s19+s3] =	stream.linear.scatter [tilespmem:s20], [sflag:$0x1], $0x80, $0x38;
	[tilespmem:$0x14C00] =	vst v63  }
0x30f: {  	s21 =	ssub.s32 $0xA878, s11;
	s22 =	sadd.s32 $0x10, s19  }
0x310: {  	[hbm4b:s22+s3] =	stream.linear.scatter [tilespmem:s21], [sflag:$0x1], $0x80, $0x38;
	[tilespmem:$0x14C00] =	vst v63  }
0x311: {  	s23 =	ssub.s32 $0xAD78, s11;
	s24 =	sadd.s32 $0x20, s19  }
0x312: {  	[hbm4b:s24+s3] =	stream.linear.scatter [tilespmem:s23], [sflag:$0x1], $0x80, $0x38;
	[tilespmem:$0x14C00] =	vst v63  }
0x313: {  	s25 =	ssub.s32 $0xB278, s11;
	s26 =	sadd.s32 $0x30, s19  }
0x314: {  	[hbm4b:s26+s3] =	stream.linear.scatter [tilespmem:s25], [sflag:$0x1], $0x80, $0x38;
	[tilespmem:$0x14C00] =	vst v63  }
0x315: {  	s28 =	ssub.s32 $0xB778, s11;
	s29 =	sadd.s32 $0x40, s19  }
0x316: {  	[hbm4b:s29+s3] =	stream.linear.scatter [tilespmem:s28], [sflag:$0x1], $0x80, $0x38;
	[tilespmem:$0x14C00] =	vst v63  }
0x317: {  	s30 =	ssub.s32 $0xBC78, s11;
	s31 =	sadd.s32 $0x50, s19  }
0x318: {  	[hbm4b:s31+s3] =	stream.linear.scatter [tilespmem:s30], [sflag:$0x1], $0x80, $0x38;
	[tilespmem:$0x14C00] =	vst v63  }
0x319: {  	s17 =	sld [smem:$0x7E4];
	s15 =	ssub.s32 $0xC178, s11;
	s16 =	sadd.s32 $0x60, s19  }
0x31a: {  	[hbm4b:s16+s3] =	stream.linear.scatter [tilespmem:s15], [sflag:$0x1], $0x80, $0x38;
	[tilespmem:$0x14C00] =	vst v63  }
0x31b: {  	s18 =	ssub.s32 $0xC678, s11;
	s13 =	sadd.s32 $0x70, s19  }
0x31c: {  	[hbm4b:s13+s3] =	stream.linear.scatter [tilespmem:s18], [sflag:$0x1], $0x80, $0x38;
	[tilespmem:$0x14C00] =	vst v63  }
0x31d: {  	s19 =	sadd.s32 s12, s17;
	s20 =	ssub.s32 $0xA3F8, s11  }
0x31e: {  	[hbm4b:s19+s3] =	stream.linear.scatter [tilespmem:s20], [sflag:$0x1], $0x80, $0x38;
	[tilespmem:$0x14C00] =	vst v63  }
0x31f: {  	s21 =	ssub.s32 $0xA8F8, s11;
	s22 =	sadd.s32 $0x10, s19  }
0x320: {  	[hbm4b:s22+s3] =	stream.linear.scatter [tilespmem:s21], [sflag:$0x1], $0x80, $0x38;
	[tilespmem:$0x14C00] =	vst v63  }
0x321: {  	s23 =	ssub.s32 $0xADF8, s11;
	s24 =	sadd.s32 $0x20, s19  }
0x322: {  	[hbm4b:s24+s3] =	stream.linear.scatter [tilespmem:s23], [sflag:$0x1], $0x80, $0x38;
	[tilespmem:$0x14C00] =	vst v63  }
0x323: {  	s25 =	ssub.s32 $0xB2F8, s11;
	s26 =	sadd.s32 $0x30, s19  }
0x324: {  	[hbm4b:s26+s3] =	stream.linear.scatter [tilespmem:s25], [sflag:$0x1], $0x80, $0x38;
	[tilespmem:$0x14C00] =	vst v63  }
0x325: {  	s28 =	ssub.s32 $0xB7F8, s11;
	s29 =	sadd.s32 $0x40, s19  }
0x326: {  	[hbm4b:s29+s3] =	stream.linear.scatter [tilespmem:s28], [sflag:$0x1], $0x80, $0x38;
	[tilespmem:$0x14C00] =	vst v63  }
0x327: {  	s30 =	ssub.s32 $0xBCF8, s11;
	s31 =	sadd.s32 $0x50, s19  }
0x328: {  	[hbm4b:s31+s3] =	stream.linear.scatter [tilespmem:s30], [sflag:$0x1], $0x80, $0x38;
	[tilespmem:$0x14C00] =	vst v63  }
0x329: {  	s17 =	sld [smem:$0x7E5];
	s15 =	ssub.s32 $0xC1F8, s11;
	s16 =	sadd.s32 $0x60, s19  }
0x32a: {  	[hbm4b:s16+s3] =	stream.linear.scatter [tilespmem:s15], [sflag:$0x1], $0x80, $0x38;
	[tilespmem:$0x14C00] =	vst v63  }
0x32b: {  	s18 =	ssub.s32 $0xC6F8, s11;
	s13 =	sadd.s32 $0x70, s19  }
0x32c: {  	[hbm4b:s13+s3] =	stream.linear.scatter [tilespmem:s18], [sflag:$0x1], $0x80, $0x38;
	[tilespmem:$0x14C00] =	vst v63  }
0x32d: {  	s19 =	sadd.s32 s12, s17;
	s20 =	ssub.s32 $0xA478, s11  }
0x32e: {  	[hbm4b:s19+s3] =	stream.linear.scatter [tilespmem:s20], [sflag:$0x1], $0x80, $0x38;
	[tilespmem:$0x14C00] =	vst v63  }
0x32f: {  	s21 =	ssub.s32 $0xA978, s11;
	s22 =	sadd.s32 $0x10, s19  }
0x330: {  	[hbm4b:s22+s3] =	stream.linear.scatter [tilespmem:s21], [sflag:$0x1], $0x80, $0x38;
	[tilespmem:$0x14C00] =	vst v63  }
0x331: {  	s23 =	ssub.s32 $0xAE78, s11;
	s24 =	sadd.s32 $0x20, s19  }
0x332: {  	[hbm4b:s24+s3] =	stream.linear.scatter [tilespmem:s23], [sflag:$0x1], $0x80, $0x38;
	[tilespmem:$0x14C00] =	vst v63  }
0x333: {  	s25 =	ssub.s32 $0xB378, s11;
	s26 =	sadd.s32 $0x30, s19  }
0x334: {  	[hbm4b:s26+s3] =	stream.linear.scatter [tilespmem:s25], [sflag:$0x1], $0x80, $0x38;
	[tilespmem:$0x14C00] =	vst v63  }
0x335: {  	s28 =	ssub.s32 $0xB878, s11;
	s29 =	sadd.s32 $0x40, s19  }
0x336: {  	[hbm4b:s29+s3] =	stream.linear.scatter [tilespmem:s28], [sflag:$0x1], $0x80, $0x38;
	[tilespmem:$0x14C00] =	vst v63  }
0x337: {  	s30 =	ssub.s32 $0xBD78, s11;
	s31 =	sadd.s32 $0x50, s19  }
0x338: {  	[hbm4b:s31+s3] =	stream.linear.scatter [tilespmem:s30], [sflag:$0x1], $0x80, $0x38;
	[tilespmem:$0x14C00] =	vst v63  }
0x339: {  	s17 =	sld [smem:$0x7E6];
	s15 =	ssub.s32 $0xC278, s11;
	s16 =	sadd.s32 $0x60, s19  }
0x33a: {  	[hbm4b:s16+s3] =	stream.linear.scatter [tilespmem:s15], [sflag:$0x1], $0x80, $0x38;
	[tilespmem:$0x14C00] =	vst v63  }
0x33b: {  	s18 =	ssub.s32 $0xC778, s11;
	s13 =	sadd.s32 $0x70, s19  }
0x33c: {  	[hbm4b:s13+s3] =	stream.linear.scatter [tilespmem:s18], [sflag:$0x1], $0x80, $0x38;
	[tilespmem:$0x14C00] =	vst v63  }
0x33d: {  	s19 =	sadd.s32 s12, s17;
	s20 =	ssub.s32 $0xC8F8, s11  }
0x33e: {  	[hbm4b:s19+s3] =	stream.linear.scatter [tilespmem:s20], [sflag:$0x1], $0x80, $0x38;
	[tilespmem:$0x14C00] =	vst v63  }
0x33f: {  	s21 =	ssub.s32 $0xCDF8, s11;
	s22 =	sadd.s32 $0x10, s19  }
0x340: {  	[hbm4b:s22+s3] =	stream.linear.scatter [tilespmem:s21], [sflag:$0x1], $0x80, $0x38;
	[tilespmem:$0x14C00] =	vst v63  }
0x341: {  	s23 =	ssub.s32 $0xD2F8, s11;
	s24 =	sadd.s32 $0x20, s19  }
0x342: {  	[hbm4b:s24+s3] =	stream.linear.scatter [tilespmem:s23], [sflag:$0x1], $0x80, $0x38;
	[tilespmem:$0x14C00] =	vst v63  }
0x343: {  	s25 =	ssub.s32 $0xD7F8, s11;
	s26 =	sadd.s32 $0x30, s19  }
0x344: {  	[hbm4b:s26+s3] =	stream.linear.scatter [tilespmem:s25], [sflag:$0x1], $0x80, $0x38;
	[tilespmem:$0x14C00] =	vst v63  }
0x345: {  	s28 =	ssub.s32 $0xDCF8, s11;
	s29 =	sadd.s32 $0x40, s19  }
0x346: {  	[hbm4b:s29+s3] =	stream.linear.scatter [tilespmem:s28], [sflag:$0x1], $0x80, $0x38;
	[tilespmem:$0x14C00] =	vst v63  }
0x347: {  	s30 =	ssub.s32 $0xE1F8, s11;
	s31 =	sadd.s32 $0x50, s19  }
0x348: {  	[hbm4b:s31+s3] =	stream.linear.scatter [tilespmem:s30], [sflag:$0x1], $0x80, $0x38;
	[tilespmem:$0x14C00] =	vst v63  }
0x349: {  	s17 =	sld [smem:$0x7E7];
	s15 =	ssub.s32 $0xE6F8, s11;
	s16 =	sadd.s32 $0x60, s19  }
0x34a: {  	[hbm4b:s16+s3] =	stream.linear.scatter [tilespmem:s15], [sflag:$0x1], $0x80, $0x38;
	[tilespmem:$0x14C00] =	vst v63  }
0x34b: {  	s18 =	ssub.s32 $0xEBF8, s11;
	s13 =	sadd.s32 $0x70, s19  }
0x34c: {  	[hbm4b:s13+s3] =	stream.linear.scatter [tilespmem:s18], [sflag:$0x1], $0x80, $0x38;
	[tilespmem:$0x14C00] =	vst v63  }
0x34d: {  	s19 =	sadd.s32 s12, s17;
	s20 =	ssub.s32 $0xC978, s11  }
0x34e: {  	[hbm4b:s19+s3] =	stream.linear.scatter [tilespmem:s20], [sflag:$0x1], $0x80, $0x38;
	[tilespmem:$0x14C00] =	vst v63  }
0x34f: {  	s21 =	ssub.s32 $0xCE78, s11;
	s22 =	sadd.s32 $0x10, s19  }
0x350: {  	[hbm4b:s22+s3] =	stream.linear.scatter [tilespmem:s21], [sflag:$0x1], $0x80, $0x38;
	[tilespmem:$0x14C00] =	vst v63  }
0x351: {  	s23 =	ssub.s32 $0xD378, s11;
	s24 =	sadd.s32 $0x20, s19  }
0x352: {  	[hbm4b:s24+s3] =	stream.linear.scatter [tilespmem:s23], [sflag:$0x1], $0x80, $0x38;
	[tilespmem:$0x14C00] =	vst v63  }
0x353: {  	s25 =	ssub.s32 $0xD878, s11;
	s26 =	sadd.s32 $0x30, s19  }
0x354: {  	[hbm4b:s26+s3] =	stream.linear.scatter [tilespmem:s25], [sflag:$0x1], $0x80, $0x38;
	[tilespmem:$0x14C00] =	vst v63  }
0x355: {  	s28 =	ssub.s32 $0xDD78, s11;
	s29 =	sadd.s32 $0x40, s19  }
0x356: {  	[hbm4b:s29+s3] =	stream.linear.scatter [tilespmem:s28], [sflag:$0x1], $0x80, $0x38;
	[tilespmem:$0x14C00] =	vst v63  }
0x357: {  	s30 =	ssub.s32 $0xE278, s11;
	s31 =	sadd.s32 $0x50, s19  }
0x358: {  	[hbm4b:s31+s3] =	stream.linear.scatter [tilespmem:s30], [sflag:$0x1], $0x80, $0x38;
	[tilespmem:$0x14C00] =	vst v63  }
0x359: {  	s17 =	sld [smem:$0x7E8];
	s15 =	ssub.s32 $0xE778, s11;
	s16 =	sadd.s32 $0x60, s19  }
0x35a: {  	[hbm4b:s16+s3] =	stream.linear.scatter [tilespmem:s15], [sflag:$0x1], $0x80, $0x38;
	[tilespmem:$0x14C00] =	vst v63  }
0x35b: {  	s18 =	ssub.s32 $0xEC78, s11;
	s13 =	sadd.s32 $0x70, s19  }
0x35c: {  	[hbm4b:s13+s3] =	stream.linear.scatter [tilespmem:s18], [sflag:$0x1], $0x80, $0x38;
	[tilespmem:$0x14C00] =	vst v63  }
0x35d: {  	s19 =	sadd.s32 s12, s17;
	s20 =	ssub.s32 $0xC9F8, s11  }
0x35e: {  	[hbm4b:s19+s3] =	stream.linear.scatter [tilespmem:s20], [sflag:$0x1], $0x80, $0x38;
	[tilespmem:$0x14C00] =	vst v63  }
0x35f: {  	s21 =	ssub.s32 $0xCEF8, s11;
	s22 =	sadd.s32 $0x10, s19  }
0x360: {  	[hbm4b:s22+s3] =	stream.linear.scatter [tilespmem:s21], [sflag:$0x1], $0x80, $0x38;
	[tilespmem:$0x14C00] =	vst v63  }
0x361: {  	s23 =	ssub.s32 $0xD3F8, s11;
	s24 =	sadd.s32 $0x20, s19  }
0x362: {  	[hbm4b:s24+s3] =	stream.linear.scatter [tilespmem:s23], [sflag:$0x1], $0x80, $0x38;
	[tilespmem:$0x14C00] =	vst v63  }
0x363: {  	s25 =	ssub.s32 $0xD8F8, s11;
	s26 =	sadd.s32 $0x30, s19  }
0x364: {  	[hbm4b:s26+s3] =	stream.linear.scatter [tilespmem:s25], [sflag:$0x1], $0x80, $0x38;
	[tilespmem:$0x14C00] =	vst v63  }
0x365: {  	s28 =	ssub.s32 $0xDDF8, s11;
	s29 =	sadd.s32 $0x40, s19  }
0x366: {  	[hbm4b:s29+s3] =	stream.linear.scatter [tilespmem:s28], [sflag:$0x1], $0x80, $0x38;
	[tilespmem:$0x14C00] =	vst v63  }
0x367: {  	s30 =	ssub.s32 $0xE2F8, s11;
	s31 =	sadd.s32 $0x50, s19  }
0x368: {  	[hbm4b:s31+s3] =	stream.linear.scatter [tilespmem:s30], [sflag:$0x1], $0x80, $0x38;
	[tilespmem:$0x14C00] =	vst v63  }
0x369: {  	s17 =	sld [smem:$0x7E9];
	s15 =	ssub.s32 $0xE7F8, s11;
	s16 =	sadd.s32 $0x60, s19  }
0x36a: {  	[hbm4b:s16+s3] =	stream.linear.scatter [tilespmem:s15], [sflag:$0x1], $0x80, $0x38;
	[tilespmem:$0x14C00] =	vst v63  }
0x36b: {  	s18 =	ssub.s32 $0xECF8, s11;
	s13 =	sadd.s32 $0x70, s19  }
0x36c: {  	[hbm4b:s13+s3] =	stream.linear.scatter [tilespmem:s18], [sflag:$0x1], $0x80, $0x38;
	[tilespmem:$0x14C00] =	vst v63  }
0x36d: {  	s19 =	sadd.s32 s12, s17;
	s20 =	ssub.s32 $0xCA78, s11  }
0x36e: {  	[hbm4b:s19+s3] =	stream.linear.scatter [tilespmem:s20], [sflag:$0x1], $0x80, $0x38;
	[tilespmem:$0x14C00] =	vst v63  }
0x36f: {  	s21 =	ssub.s32 $0xCF78, s11;
	s22 =	sadd.s32 $0x10, s19  }
0x370: {  	[hbm4b:s22+s3] =	stream.linear.scatter [tilespmem:s21], [sflag:$0x1], $0x80, $0x38;
	[tilespmem:$0x14C00] =	vst v63  }
0x371: {  	s23 =	ssub.s32 $0xD478, s11;
	s24 =	sadd.s32 $0x20, s19  }
0x372: {  	[hbm4b:s24+s3] =	stream.linear.scatter [tilespmem:s23], [sflag:$0x1], $0x80, $0x38;
	[tilespmem:$0x14C00] =	vst v63  }
0x373: {  	s25 =	ssub.s32 $0xD978, s11;
	s26 =	sadd.s32 $0x30, s19  }
0x374: {  	[hbm4b:s26+s3] =	stream.linear.scatter [tilespmem:s25], [sflag:$0x1], $0x80, $0x38;
	[tilespmem:$0x14C00] =	vst v63  }
0x375: {  	s28 =	ssub.s32 $0xDE78, s11;
	s29 =	sadd.s32 $0x40, s19  }
0x376: {  	[hbm4b:s29+s3] =	stream.linear.scatter [tilespmem:s28], [sflag:$0x1], $0x80, $0x38;
	[tilespmem:$0x14C00] =	vst v63  }
0x377: {  	s30 =	ssub.s32 $0xE378, s11;
	s31 =	sadd.s32 $0x50, s19  }
0x378: {  	[hbm4b:s31+s3] =	stream.linear.scatter [tilespmem:s30], [sflag:$0x1], $0x80, $0x38;
	[tilespmem:$0x14C00] =	vst v63  }
0x379: {  	s17 =	sld [smem:$0x7EA];
	s15 =	ssub.s32 $0xE878, s11;
	s16 =	sadd.s32 $0x60, s19  }
0x37a: {  	[hbm4b:s16+s3] =	stream.linear.scatter [tilespmem:s15], [sflag:$0x1], $0x80, $0x38;
	[tilespmem:$0x14C00] =	vst v63  }
0x37b: {  	s18 =	ssub.s32 $0xED78, s11;
	s13 =	sadd.s32 $0x70, s19  }
0x37c: {  	[hbm4b:s13+s3] =	stream.linear.scatter [tilespmem:s18], [sflag:$0x1], $0x80, $0x38;
	[tilespmem:$0x14C00] =	vst v63  }
0x37d: {  	s19 =	sadd.s32 s12, s17;
	s20 =	ssub.s32 $0xCAF8, s11  }
0x37e: {  	[hbm4b:s19+s3] =	stream.linear.scatter [tilespmem:s20], [sflag:$0x1], $0x80, $0x38;
	[tilespmem:$0x14C00] =	vst v63  }
0x37f: {  	s21 =	ssub.s32 $0xCFF8, s11;
	s22 =	sadd.s32 $0x10, s19  }
0x380: {  	[hbm4b:s22+s3] =	stream.linear.scatter [tilespmem:s21], [sflag:$0x1], $0x80, $0x38;
	[tilespmem:$0x14C00] =	vst v63  }
0x381: {  	s23 =	ssub.s32 $0xD4F8, s11;
	s24 =	sadd.s32 $0x20, s19  }
0x382: {  	[hbm4b:s24+s3] =	stream.linear.scatter [tilespmem:s23], [sflag:$0x1], $0x80, $0x38;
	[tilespmem:$0x14C00] =	vst v63  }
0x383: {  	s25 =	ssub.s32 $0xD9F8, s11;
	s26 =	sadd.s32 $0x30, s19  }
0x384: {  	[hbm4b:s26+s3] =	stream.linear.scatter [tilespmem:s25], [sflag:$0x1], $0x80, $0x38;
	[tilespmem:$0x14C00] =	vst v63  }
0x385: {  	s28 =	ssub.s32 $0xDEF8, s11;
	s29 =	sadd.s32 $0x40, s19  }
0x386: {  	[hbm4b:s29+s3] =	stream.linear.scatter [tilespmem:s28], [sflag:$0x1], $0x80, $0x38;
	[tilespmem:$0x14C00] =	vst v63  }
0x387: {  	s30 =	ssub.s32 $0xE3F8, s11;
	s31 =	sadd.s32 $0x50, s19  }
0x388: {  	[hbm4b:s31+s3] =	stream.linear.scatter [tilespmem:s30], [sflag:$0x1], $0x80, $0x38;
	[tilespmem:$0x14C00] =	vst v63  }
0x389: {  	s17 =	sld [smem:$0x7EB];
	s15 =	ssub.s32 $0xE8F8, s11;
	s16 =	sadd.s32 $0x60, s19  }
0x38a: {  	[hbm4b:s16+s3] =	stream.linear.scatter [tilespmem:s15], [sflag:$0x1], $0x80, $0x38;
	[tilespmem:$0x14C00] =	vst v63  }
0x38b: {  	s18 =	ssub.s32 $0xEDF8, s11;
	s13 =	sadd.s32 $0x70, s19  }
0x38c: {  	[hbm4b:s13+s3] =	stream.linear.scatter [tilespmem:s18], [sflag:$0x1], $0x80, $0x38;
	[tilespmem:$0x14C00] =	vst v63  }
0x38d: {  	s19 =	sadd.s32 s12, s17;
	s20 =	ssub.s32 $0xCB78, s11  }
0x38e: {  	[hbm4b:s19+s3] =	stream.linear.scatter [tilespmem:s20], [sflag:$0x1], $0x80, $0x38;
	[tilespmem:$0x14C00] =	vst v63  }
0x38f: {  	s21 =	ssub.s32 $0xD078, s11;
	s22 =	sadd.s32 $0x10, s19  }
0x390: {  	[hbm4b:s22+s3] =	stream.linear.scatter [tilespmem:s21], [sflag:$0x1], $0x80, $0x38;
	[tilespmem:$0x14C00] =	vst v63  }
0x391: {  	s23 =	ssub.s32 $0xD578, s11;
	s24 =	sadd.s32 $0x20, s19  }
0x392: {  	[hbm4b:s24+s3] =	stream.linear.scatter [tilespmem:s23], [sflag:$0x1], $0x80, $0x38;
	[tilespmem:$0x14C00] =	vst v63  }
0x393: {  	s25 =	ssub.s32 $0xDA78, s11;
	s26 =	sadd.s32 $0x30, s19  }
0x394: {  	[hbm4b:s26+s3] =	stream.linear.scatter [tilespmem:s25], [sflag:$0x1], $0x80, $0x38;
	[tilespmem:$0x14C00] =	vst v63  }
0x395: {  	s28 =	ssub.s32 $0xDF78, s11;
	s29 =	sadd.s32 $0x40, s19  }
0x396: {  	[hbm4b:s29+s3] =	stream.linear.scatter [tilespmem:s28], [sflag:$0x1], $0x80, $0x38;
	[tilespmem:$0x14C00] =	vst v63  }
0x397: {  	s30 =	ssub.s32 $0xE478, s11;
	s31 =	sadd.s32 $0x50, s19  }
0x398: {  	[hbm4b:s31+s3] =	stream.linear.scatter [tilespmem:s30], [sflag:$0x1], $0x80, $0x38;
	[tilespmem:$0x14C00] =	vst v63  }
0x399: {  	s17 =	sld [smem:$0x7EC];
	s15 =	ssub.s32 $0xE978, s11;
	s16 =	sadd.s32 $0x60, s19  }
0x39a: {  	[hbm4b:s16+s3] =	stream.linear.scatter [tilespmem:s15], [sflag:$0x1], $0x80, $0x38;
	[tilespmem:$0x14C00] =	vst v63  }
0x39b: {  	s18 =	ssub.s32 $0xEE78, s11;
	s13 =	sadd.s32 $0x70, s19  }
0x39c: {  	[hbm4b:s13+s3] =	stream.linear.scatter [tilespmem:s18], [sflag:$0x1], $0x80, $0x38;
	[tilespmem:$0x14C00] =	vst v63  }
0x39d: {  	s19 =	sadd.s32 s12, s17;
	s20 =	ssub.s32 $0xCBF8, s11  }
0x39e: {  	[hbm4b:s19+s3] =	stream.linear.scatter [tilespmem:s20], [sflag:$0x1], $0x80, $0x38;
	[tilespmem:$0x14C00] =	vst v63  }
0x39f: {  	s21 =	ssub.s32 $0xD0F8, s11;
	s22 =	sadd.s32 $0x10, s19  }
0x3a0: {  	[hbm4b:s22+s3] =	stream.linear.scatter [tilespmem:s21], [sflag:$0x1], $0x80, $0x38;
	[tilespmem:$0x14C00] =	vst v63  }
0x3a1: {  	s23 =	ssub.s32 $0xD5F8, s11;
	s24 =	sadd.s32 $0x20, s19  }
0x3a2: {  	[hbm4b:s24+s3] =	stream.linear.scatter [tilespmem:s23], [sflag:$0x1], $0x80, $0x38;
	[tilespmem:$0x14C00] =	vst v63  }
0x3a3: {  	s25 =	ssub.s32 $0xDAF8, s11;
	s26 =	sadd.s32 $0x30, s19  }
0x3a4: {  	[hbm4b:s26+s3] =	stream.linear.scatter [tilespmem:s25], [sflag:$0x1], $0x80, $0x38;
	[tilespmem:$0x14C00] =	vst v63  }
0x3a5: {  	s28 =	ssub.s32 $0xDFF8, s11;
	s29 =	sadd.s32 $0x40, s19  }
0x3a6: {  	[hbm4b:s29+s3] =	stream.linear.scatter [tilespmem:s28], [sflag:$0x1], $0x80, $0x38;
	[tilespmem:$0x14C00] =	vst v63  }
0x3a7: {  	s30 =	ssub.s32 $0xE4F8, s11;
	s31 =	sadd.s32 $0x50, s19  }
0x3a8: {  	[hbm4b:s31+s3] =	stream.linear.scatter [tilespmem:s30], [sflag:$0x1], $0x80, $0x38;
	[tilespmem:$0x14C00] =	vst v63  }
0x3a9: {  	s17 =	sld [smem:$0x7ED];
	s15 =	ssub.s32 $0xE9F8, s11;
	s16 =	sadd.s32 $0x60, s19  }
0x3aa: {  	[hbm4b:s16+s3] =	stream.linear.scatter [tilespmem:s15], [sflag:$0x1], $0x80, $0x38;
	[tilespmem:$0x14C00] =	vst v63  }
0x3ab: {  	s18 =	ssub.s32 $0xEEF8, s11;
	s13 =	sadd.s32 $0x70, s19  }
0x3ac: {  	[hbm4b:s13+s3] =	stream.linear.scatter [tilespmem:s18], [sflag:$0x1], $0x80, $0x38;
	[tilespmem:$0x14C00] =	vst v63  }
0x3ad: {  	s19 =	sadd.s32 s12, s17;
	s20 =	ssub.s32 $0xCC78, s11  }
0x3ae: {  	[hbm4b:s19+s3] =	stream.linear.scatter [tilespmem:s20], [sflag:$0x1], $0x80, $0x38;
	[tilespmem:$0x14C00] =	vst v63  }
0x3af: {  	s21 =	ssub.s32 $0xD178, s11;
	s22 =	sadd.s32 $0x10, s19  }
0x3b0: {  	[hbm4b:s22+s3] =	stream.linear.scatter [tilespmem:s21], [sflag:$0x1], $0x80, $0x38;
	[tilespmem:$0x14C00] =	vst v63  }
0x3b1: {  	s23 =	ssub.s32 $0xD678, s11;
	s24 =	sadd.s32 $0x20, s19  }
0x3b2: {  	[hbm4b:s24+s3] =	stream.linear.scatter [tilespmem:s23], [sflag:$0x1], $0x80, $0x38;
	[tilespmem:$0x14C00] =	vst v63  }
0x3b3: {  	s25 =	ssub.s32 $0xDB78, s11;
	s26 =	sadd.s32 $0x30, s19  }
0x3b4: {  	[hbm4b:s26+s3] =	stream.linear.scatter [tilespmem:s25], [sflag:$0x1], $0x80, $0x38;
	[tilespmem:$0x14C00] =	vst v63  }
0x3b5: {  	s28 =	ssub.s32 $0xE078, s11;
	s29 =	sadd.s32 $0x40, s19  }
0x3b6: {  	[hbm4b:s29+s3] =	stream.linear.scatter [tilespmem:s28], [sflag:$0x1], $0x80, $0x38;
	[tilespmem:$0x14C00] =	vst v63  }
0x3b7: {  	s30 =	ssub.s32 $0xE578, s11;
	s31 =	sadd.s32 $0x50, s19  }
0x3b8: {  	[hbm4b:s31+s3] =	stream.linear.scatter [tilespmem:s30], [sflag:$0x1], $0x80, $0x38;
	[tilespmem:$0x14C00] =	vst v63  }
0x3b9: {  	s17 =	sld [smem:$0x7EE];
	s15 =	ssub.s32 $0xEA78, s11;
	s16 =	sadd.s32 $0x60, s19  }
0x3ba: {  	[hbm4b:s16+s3] =	stream.linear.scatter [tilespmem:s15], [sflag:$0x1], $0x80, $0x38;
	[tilespmem:$0x14C00] =	vst v63  }
0x3bb: {  	s18 =	ssub.s32 $0xEF78, s11;
	s13 =	sadd.s32 $0x70, s19  }
0x3bc: {  	[hbm4b:s13+s3] =	stream.linear.scatter [tilespmem:s18], [sflag:$0x1], $0x80, $0x38;
	[tilespmem:$0x14C00] =	vst v63  }
0x3bd: {  	s19 =	sadd.s32 s12, s17;
	s20 =	ssub.s32 $0xF0F8, s11  }
0x3be: {  	[hbm4b:s19+s3] =	stream.linear.scatter [tilespmem:s20], [sflag:$0x1], $0x80, $0x38;
	[tilespmem:$0x14C00] =	vst v63  }
0x3bf: {  	s21 =	ssub.s32 $0xF5F8, s11;
	s22 =	sadd.s32 $0x10, s19  }
0x3c0: {  	[hbm4b:s22+s3] =	stream.linear.scatter [tilespmem:s21], [sflag:$0x1], $0x80, $0x38;
	[tilespmem:$0x14C00] =	vst v63  }
0x3c1: {  	s23 =	ssub.s32 $0xFAF8, s11;
	s24 =	sadd.s32 $0x20, s19  }
0x3c2: {  	[hbm4b:s24+s3] =	stream.linear.scatter [tilespmem:s23], [sflag:$0x1], $0x80, $0x38;
	[tilespmem:$0x14C00] =	vst v63  }
0x3c3: {  	s25 =	ssub.s32 $0xFFF8, s11;
	s26 =	sadd.s32 $0x30, s19  }
0x3c4: {  	[hbm4b:s26+s3] =	stream.linear.scatter [tilespmem:s25], [sflag:$0x1], $0x80, $0x38;
	[tilespmem:$0x14C00] =	vst v63  }
0x3c5: {  	s28 =	ssub.s32 $0x104F8, s11;
	s29 =	sadd.s32 $0x40, s19  }
0x3c6: {  	[hbm4b:s29+s3] =	stream.linear.scatter [tilespmem:s28], [sflag:$0x1], $0x80, $0x38;
	[tilespmem:$0x14C00] =	vst v63  }
0x3c7: {  	s30 =	ssub.s32 $0x109F8, s11;
	s31 =	sadd.s32 $0x50, s19  }
0x3c8: {  	[hbm4b:s31+s3] =	stream.linear.scatter [tilespmem:s30], [sflag:$0x1], $0x80, $0x38;
	[tilespmem:$0x14C00] =	vst v63  }
0x3c9: {  	s17 =	sld [smem:$0x7EF];
	s15 =	ssub.s32 $0x10EF8, s11;
	s16 =	sadd.s32 $0x60, s19  }
0x3ca: {  	[hbm4b:s16+s3] =	stream.linear.scatter [tilespmem:s15], [sflag:$0x1], $0x80, $0x38;
	[tilespmem:$0x14C00] =	vst v63  }
0x3cb: {  	s18 =	ssub.s32 $0x113F8, s11;
	s13 =	sadd.s32 $0x70, s19  }
0x3cc: {  	[hbm4b:s13+s3] =	stream.linear.scatter [tilespmem:s18], [sflag:$0x1], $0x80, $0x38;
	[tilespmem:$0x14C00] =	vst v63  }
0x3cd: {  	s19 =	sadd.s32 s12, s17;
	s20 =	ssub.s32 $0xF178, s11  }
0x3ce: {  	[hbm4b:s19+s3] =	stream.linear.scatter [tilespmem:s20], [sflag:$0x1], $0x80, $0x38;
	[tilespmem:$0x14C00] =	vst v63  }
0x3cf: {  	s21 =	ssub.s32 $0xF678, s11;
	s22 =	sadd.s32 $0x10, s19  }
0x3d0: {  	[hbm4b:s22+s3] =	stream.linear.scatter [tilespmem:s21], [sflag:$0x1], $0x80, $0x38;
	[tilespmem:$0x14C00] =	vst v63  }
0x3d1: {  	s23 =	ssub.s32 $0xFB78, s11;
	s24 =	sadd.s32 $0x20, s19  }
0x3d2: {  	[hbm4b:s24+s3] =	stream.linear.scatter [tilespmem:s23], [sflag:$0x1], $0x80, $0x38;
	[tilespmem:$0x14C00] =	vst v63  }
0x3d3: {  	s25 =	ssub.s32 $0x10078, s11;
	s26 =	sadd.s32 $0x30, s19  }
0x3d4: {  	[hbm4b:s26+s3] =	stream.linear.scatter [tilespmem:s25], [sflag:$0x1], $0x80, $0x38;
	[tilespmem:$0x14C00] =	vst v63  }
0x3d5: {  	s28 =	ssub.s32 $0x10578, s11;
	s29 =	sadd.s32 $0x40, s19  }
0x3d6: {  	[hbm4b:s29+s3] =	stream.linear.scatter [tilespmem:s28], [sflag:$0x1], $0x80, $0x38;
	[tilespmem:$0x14C00] =	vst v63  }
0x3d7: {  	s30 =	ssub.s32 $0x10A78, s11;
	s31 =	sadd.s32 $0x50, s19  }
0x3d8: {  	[hbm4b:s31+s3] =	stream.linear.scatter [tilespmem:s30], [sflag:$0x1], $0x80, $0x38;
	[tilespmem:$0x14C00] =	vst v63  }
0x3d9: {  	s17 =	sld [smem:$0x7F0];
	s15 =	ssub.s32 $0x10F78, s11;
	s16 =	sadd.s32 $0x60, s19  }
0x3da: {  	[hbm4b:s16+s3] =	stream.linear.scatter [tilespmem:s15], [sflag:$0x1], $0x80, $0x38;
	[tilespmem:$0x14C00] =	vst v63  }
0x3db: {  	s18 =	ssub.s32 $0x11478, s11;
	s13 =	sadd.s32 $0x70, s19  }
0x3dc: {  	[hbm4b:s13+s3] =	stream.linear.scatter [tilespmem:s18], [sflag:$0x1], $0x80, $0x38;
	[tilespmem:$0x14C00] =	vst v63  }
0x3dd: {  	s19 =	sadd.s32 s12, s17;
	s20 =	ssub.s32 $0xF1F8, s11  }
0x3de: {  	[hbm4b:s19+s3] =	stream.linear.scatter [tilespmem:s20], [sflag:$0x1], $0x80, $0x38;
	[tilespmem:$0x14C00] =	vst v63  }
0x3df: {  	s21 =	ssub.s32 $0xF6F8, s11;
	s22 =	sadd.s32 $0x10, s19  }
0x3e0: {  	[hbm4b:s22+s3] =	stream.linear.scatter [tilespmem:s21], [sflag:$0x1], $0x80, $0x38;
	[tilespmem:$0x14C00] =	vst v63  }
0x3e1: {  	s23 =	ssub.s32 $0xFBF8, s11;
	s24 =	sadd.s32 $0x20, s19  }
0x3e2: {  	[hbm4b:s24+s3] =	stream.linear.scatter [tilespmem:s23], [sflag:$0x1], $0x80, $0x38;
	[tilespmem:$0x14C00] =	vst v63  }
0x3e3: {  	s25 =	ssub.s32 $0x100F8, s11;
	s26 =	sadd.s32 $0x30, s19  }
0x3e4: {  	[hbm4b:s26+s3] =	stream.linear.scatter [tilespmem:s25], [sflag:$0x1], $0x80, $0x38;
	[tilespmem:$0x14C00] =	vst v63  }
0x3e5: {  	s28 =	ssub.s32 $0x105F8, s11;
	s29 =	sadd.s32 $0x40, s19  }
0x3e6: {  	[hbm4b:s29+s3] =	stream.linear.scatter [tilespmem:s28], [sflag:$0x1], $0x80, $0x38;
	[tilespmem:$0x14C00] =	vst v63  }
0x3e7: {  	s30 =	ssub.s32 $0x10AF8, s11;
	s31 =	sadd.s32 $0x50, s19  }
0x3e8: {  	[hbm4b:s31+s3] =	stream.linear.scatter [tilespmem:s30], [sflag:$0x1], $0x80, $0x38;
	[tilespmem:$0x14C00] =	vst v63  }
0x3e9: {  	s17 =	sld [smem:$0x7F1];
	s15 =	ssub.s32 $0x10FF8, s11;
	s16 =	sadd.s32 $0x60, s19  }
0x3ea: {  	[hbm4b:s16+s3] =	stream.linear.scatter [tilespmem:s15], [sflag:$0x1], $0x80, $0x38;
	[tilespmem:$0x14C00] =	vst v63  }
0x3eb: {  	s18 =	ssub.s32 $0x114F8, s11;
	s13 =	sadd.s32 $0x70, s19  }
0x3ec: {  	[hbm4b:s13+s3] =	stream.linear.scatter [tilespmem:s18], [sflag:$0x1], $0x80, $0x38;
	[tilespmem:$0x14C00] =	vst v63  }
0x3ed: {  	s19 =	sadd.s32 s12, s17;
	s20 =	ssub.s32 $0xF278, s11  }
0x3ee: {  	[hbm4b:s19+s3] =	stream.linear.scatter [tilespmem:s20], [sflag:$0x1], $0x80, $0x38;
	[tilespmem:$0x14C00] =	vst v63  }
0x3ef: {  	s21 =	ssub.s32 $0xF778, s11;
	s22 =	sadd.s32 $0x10, s19  }
0x3f0: {  	[hbm4b:s22+s3] =	stream.linear.scatter [tilespmem:s21], [sflag:$0x1], $0x80, $0x38;
	[tilespmem:$0x14C00] =	vst v63  }
0x3f1: {  	s23 =	ssub.s32 $0xFC78, s11;
	s24 =	sadd.s32 $0x20, s19  }
0x3f2: {  	[hbm4b:s24+s3] =	stream.linear.scatter [tilespmem:s23], [sflag:$0x1], $0x80, $0x38;
	[tilespmem:$0x14C00] =	vst v63  }
0x3f3: {  	s25 =	ssub.s32 $0x10178, s11;
	s26 =	sadd.s32 $0x30, s19  }
0x3f4: {  	[hbm4b:s26+s3] =	stream.linear.scatter [tilespmem:s25], [sflag:$0x1], $0x80, $0x38;
	[tilespmem:$0x14C00] =	vst v63  }
0x3f5: {  	s28 =	ssub.s32 $0x10678, s11;
	s29 =	sadd.s32 $0x40, s19  }
0x3f6: {  	[hbm4b:s29+s3] =	stream.linear.scatter [tilespmem:s28], [sflag:$0x1], $0x80, $0x38;
	[tilespmem:$0x14C00] =	vst v63  }
0x3f7: {  	s30 =	ssub.s32 $0x10B78, s11;
	s31 =	sadd.s32 $0x50, s19  }
0x3f8: {  	[hbm4b:s31+s3] =	stream.linear.scatter [tilespmem:s30], [sflag:$0x1], $0x80, $0x38;
	[tilespmem:$0x14C00] =	vst v63  }
0x3f9: {  	s17 =	sld [smem:$0x7F2];
	s15 =	ssub.s32 $0x11078, s11;
	s16 =	sadd.s32 $0x60, s19  }
0x3fa: {  	[hbm4b:s16+s3] =	stream.linear.scatter [tilespmem:s15], [sflag:$0x1], $0x80, $0x38;
	[tilespmem:$0x14C00] =	vst v63  }
0x3fb: {  	s18 =	ssub.s32 $0x11578, s11;
	s13 =	sadd.s32 $0x70, s19  }
0x3fc: {  	[hbm4b:s13+s3] =	stream.linear.scatter [tilespmem:s18], [sflag:$0x1], $0x80, $0x38;
	[tilespmem:$0x14C00] =	vst v63  }
0x3fd: {  	s19 =	sadd.s32 s12, s17;
	s20 =	ssub.s32 $0xF2F8, s11  }
0x3fe: {  	[hbm4b:s19+s3] =	stream.linear.scatter [tilespmem:s20], [sflag:$0x1], $0x80, $0x38;
	[tilespmem:$0x14C00] =	vst v63  }
0x3ff: {  	s21 =	ssub.s32 $0xF7F8, s11;
	s22 =	sadd.s32 $0x10, s19  }
0x400: {  	[hbm4b:s22+s3] =	stream.linear.scatter [tilespmem:s21], [sflag:$0x1], $0x80, $0x38;
	[tilespmem:$0x14C00] =	vst v63  }
0x401: {  	s23 =	ssub.s32 $0xFCF8, s11;
	s24 =	sadd.s32 $0x20, s19  }
0x402: {  	[hbm4b:s24+s3] =	stream.linear.scatter [tilespmem:s23], [sflag:$0x1], $0x80, $0x38;
	[tilespmem:$0x14C00] =	vst v63  }
0x403: {  	s25 =	ssub.s32 $0x101F8, s11;
	s26 =	sadd.s32 $0x30, s19  }
0x404: {  	[hbm4b:s26+s3] =	stream.linear.scatter [tilespmem:s25], [sflag:$0x1], $0x80, $0x38;
	[tilespmem:$0x14C00] =	vst v63  }
0x405: {  	s28 =	ssub.s32 $0x106F8, s11;
	s29 =	sadd.s32 $0x40, s19  }
0x406: {  	[hbm4b:s29+s3] =	stream.linear.scatter [tilespmem:s28], [sflag:$0x1], $0x80, $0x38;
	[tilespmem:$0x14C00] =	vst v63  }
0x407: {  	s30 =	ssub.s32 $0x10BF8, s11;
	s31 =	sadd.s32 $0x50, s19  }
0x408: {  	[hbm4b:s31+s3] =	stream.linear.scatter [tilespmem:s30], [sflag:$0x1], $0x80, $0x38;
	[tilespmem:$0x14C00] =	vst v63  }
0x409: {  	s17 =	sld [smem:$0x7F3];
	s15 =	ssub.s32 $0x110F8, s11;
	s16 =	sadd.s32 $0x60, s19  }
0x40a: {  	[hbm4b:s16+s3] =	stream.linear.scatter [tilespmem:s15], [sflag:$0x1], $0x80, $0x38;
	[tilespmem:$0x14C00] =	vst v63  }
0x40b: {  	s18 =	ssub.s32 $0x115F8, s11;
	s13 =	sadd.s32 $0x70, s19  }
0x40c: {  	[hbm4b:s13+s3] =	stream.linear.scatter [tilespmem:s18], [sflag:$0x1], $0x80, $0x38;
	[tilespmem:$0x14C00] =	vst v63  }
0x40d: {  	s19 =	sadd.s32 s12, s17;
	s20 =	ssub.s32 $0xF378, s11  }
0x40e: {  	[hbm4b:s19+s3] =	stream.linear.scatter [tilespmem:s20], [sflag:$0x1], $0x80, $0x38;
	[tilespmem:$0x14C00] =	vst v63  }
0x40f: {  	s21 =	ssub.s32 $0xF878, s11;
	s22 =	sadd.s32 $0x10, s19  }
0x410: {  	[hbm4b:s22+s3] =	stream.linear.scatter [tilespmem:s21], [sflag:$0x1], $0x80, $0x38;
	[tilespmem:$0x14C00] =	vst v63  }
0x411: {  	s23 =	ssub.s32 $0xFD78, s11;
	s24 =	sadd.s32 $0x20, s19  }
0x412: {  	[hbm4b:s24+s3] =	stream.linear.scatter [tilespmem:s23], [sflag:$0x1], $0x80, $0x38;
	[tilespmem:$0x14C00] =	vst v63  }
0x413: {  	s25 =	ssub.s32 $0x10278, s11;
	s26 =	sadd.s32 $0x30, s19  }
0x414: {  	[hbm4b:s26+s3] =	stream.linear.scatter [tilespmem:s25], [sflag:$0x1], $0x80, $0x38;
	[tilespmem:$0x14C00] =	vst v63  }
0x415: {  	s28 =	ssub.s32 $0x10778, s11;
	s29 =	sadd.s32 $0x40, s19  }
0x416: {  	[hbm4b:s29+s3] =	stream.linear.scatter [tilespmem:s28], [sflag:$0x1], $0x80, $0x38;
	[tilespmem:$0x14C00] =	vst v63  }
0x417: {  	s30 =	ssub.s32 $0x10C78, s11;
	s31 =	sadd.s32 $0x50, s19  }
0x418: {  	[hbm4b:s31+s3] =	stream.linear.scatter [tilespmem:s30], [sflag:$0x1], $0x80, $0x38;
	[tilespmem:$0x14C00] =	vst v63  }
0x419: {  	s17 =	sld [smem:$0x7F4];
	s15 =	ssub.s32 $0x11178, s11;
	s16 =	sadd.s32 $0x60, s19  }
0x41a: {  	[hbm4b:s16+s3] =	stream.linear.scatter [tilespmem:s15], [sflag:$0x1], $0x80, $0x38;
	[tilespmem:$0x14C00] =	vst v63  }
0x41b: {  	s18 =	ssub.s32 $0x11678, s11;
	s13 =	sadd.s32 $0x70, s19  }
0x41c: {  	[hbm4b:s13+s3] =	stream.linear.scatter [tilespmem:s18], [sflag:$0x1], $0x80, $0x38;
	[tilespmem:$0x14C00] =	vst v63  }
0x41d: {  	s19 =	sadd.s32 s12, s17;
	s20 =	ssub.s32 $0xF3F8, s11  }
0x41e: {  	[hbm4b:s19+s3] =	stream.linear.scatter [tilespmem:s20], [sflag:$0x1], $0x80, $0x38;
	[tilespmem:$0x14C00] =	vst v63  }
0x41f: {  	s21 =	ssub.s32 $0xF8F8, s11;
	s22 =	sadd.s32 $0x10, s19  }
0x420: {  	[hbm4b:s22+s3] =	stream.linear.scatter [tilespmem:s21], [sflag:$0x1], $0x80, $0x38;
	[tilespmem:$0x14C00] =	vst v63  }
0x421: {  	s23 =	ssub.s32 $0xFDF8, s11;
	s24 =	sadd.s32 $0x20, s19  }
0x422: {  	[hbm4b:s24+s3] =	stream.linear.scatter [tilespmem:s23], [sflag:$0x1], $0x80, $0x38;
	[tilespmem:$0x14C00] =	vst v63  }
0x423: {  	s25 =	ssub.s32 $0x102F8, s11;
	s26 =	sadd.s32 $0x30, s19  }
0x424: {  	[hbm4b:s26+s3] =	stream.linear.scatter [tilespmem:s25], [sflag:$0x1], $0x80, $0x38;
	[tilespmem:$0x14C00] =	vst v63  }
0x425: {  	s28 =	ssub.s32 $0x107F8, s11;
	s29 =	sadd.s32 $0x40, s19  }
0x426: {  	[hbm4b:s29+s3] =	stream.linear.scatter [tilespmem:s28], [sflag:$0x1], $0x80, $0x38;
	[tilespmem:$0x14C00] =	vst v63  }
0x427: {  	s30 =	ssub.s32 $0x10CF8, s11;
	s31 =	sadd.s32 $0x50, s19  }
0x428: {  	[hbm4b:s31+s3] =	stream.linear.scatter [tilespmem:s30], [sflag:$0x1], $0x80, $0x38;
	[tilespmem:$0x14C00] =	vst v63  }
0x429: {  	s17 =	sld [smem:$0x7F5];
	s15 =	ssub.s32 $0x111F8, s11;
	s16 =	sadd.s32 $0x60, s19  }
0x42a: {  	[hbm4b:s16+s3] =	stream.linear.scatter [tilespmem:s15], [sflag:$0x1], $0x80, $0x38;
	[tilespmem:$0x14C00] =	vst v63  }
0x42b: {  	s18 =	ssub.s32 $0x116F8, s11;
	s13 =	sadd.s32 $0x70, s19  }
0x42c: {  	[hbm4b:s13+s3] =	stream.linear.scatter [tilespmem:s18], [sflag:$0x1], $0x80, $0x38;
	[tilespmem:$0x14C00] =	vst v63  }
0x42d: {  	s19 =	sadd.s32 s12, s17;
	s20 =	ssub.s32 $0xF478, s11  }
0x42e: {  	[hbm4b:s19+s3] =	stream.linear.scatter [tilespmem:s20], [sflag:$0x1], $0x80, $0x38;
	[tilespmem:$0x14C00] =	vst v63  }
0x42f: {  	s21 =	ssub.s32 $0xF978, s11;
	s22 =	sadd.s32 $0x10, s19  }
0x430: {  	[hbm4b:s22+s3] =	stream.linear.scatter [tilespmem:s21], [sflag:$0x1], $0x80, $0x38;
	[tilespmem:$0x14C00] =	vst v63  }
0x431: {  	s23 =	ssub.s32 $0xFE78, s11;
	s24 =	sadd.s32 $0x20, s19  }
0x432: {  	[hbm4b:s24+s3] =	stream.linear.scatter [tilespmem:s23], [sflag:$0x1], $0x80, $0x38;
	[tilespmem:$0x14C00] =	vst v63  }
0x433: {  	s25 =	ssub.s32 $0x10378, s11;
	s26 =	sadd.s32 $0x30, s19  }
0x434: {  	[hbm4b:s26+s3] =	stream.linear.scatter [tilespmem:s25], [sflag:$0x1], $0x80, $0x38;
	[tilespmem:$0x14C00] =	vst v63  }
0x435: {  	s28 =	ssub.s32 $0x10878, s11;
	s29 =	sadd.s32 $0x40, s19  }
0x436: {  	[hbm4b:s29+s3] =	stream.linear.scatter [tilespmem:s28], [sflag:$0x1], $0x80, $0x38;
	[tilespmem:$0x14C00] =	vst v63  }
0x437: {  	s30 =	ssub.s32 $0x10D78, s11;
	s31 =	sadd.s32 $0x50, s19  }
0x438: {  	[hbm4b:s31+s3] =	stream.linear.scatter [tilespmem:s30], [sflag:$0x1], $0x80, $0x38;
	[tilespmem:$0x14C00] =	vst v63  }
0x439: {  	s17 =	sld [smem:$0x7F6];
	s15 =	ssub.s32 $0x11278, s11;
	s16 =	sadd.s32 $0x60, s19  }
0x43a: {  	[hbm4b:s16+s3] =	stream.linear.scatter [tilespmem:s15], [sflag:$0x1], $0x80, $0x38;
	[tilespmem:$0x14C00] =	vst v63  }
0x43b: {  	s18 =	ssub.s32 $0x11778, s11;
	s13 =	sadd.s32 $0x70, s19  }
0x43c: {  	[hbm4b:s13+s3] =	stream.linear.scatter [tilespmem:s18], [sflag:$0x1], $0x80, $0x38;
	[tilespmem:$0x14C00] =	vst v63  }
0x43d: {  	s19 =	sadd.s32 s12, s17;
	s20 =	ssub.s32 $0x118F8, s11  }
0x43e: {  	[hbm4b:s19+s3] =	stream.linear.scatter [tilespmem:s20], [sflag:$0x1], $0x80, $0x38;
	[tilespmem:$0x14C00] =	vst v63  }
0x43f: {  	s21 =	ssub.s32 $0x11DF8, s11;
	s22 =	sadd.s32 $0x10, s19  }
0x440: {  	[hbm4b:s22+s3] =	stream.linear.scatter [tilespmem:s21], [sflag:$0x1], $0x80, $0x38;
	[tilespmem:$0x14C00] =	vst v63  }
0x441: {  	s23 =	ssub.s32 $0x122F8, s11;
	s24 =	sadd.s32 $0x20, s19  }
0x442: {  	[hbm4b:s24+s3] =	stream.linear.scatter [tilespmem:s23], [sflag:$0x1], $0x80, $0x38;
	[tilespmem:$0x14C00] =	vst v63  }
0x443: {  	s25 =	ssub.s32 $0x127F8, s11;
	s26 =	sadd.s32 $0x30, s19  }
0x444: {  	[hbm4b:s26+s3] =	stream.linear.scatter [tilespmem:s25], [sflag:$0x1], $0x80, $0x38;
	[tilespmem:$0x14C00] =	vst v63  }
0x445: {  	s28 =	ssub.s32 $0x12CF8, s11;
	s29 =	sadd.s32 $0x40, s19  }
0x446: {  	[hbm4b:s29+s3] =	stream.linear.scatter [tilespmem:s28], [sflag:$0x1], $0x80, $0x38;
	[tilespmem:$0x14C00] =	vst v63  }
0x447: {  	s30 =	ssub.s32 $0x131F8, s11;
	s31 =	sadd.s32 $0x50, s19  }
0x448: {  	[hbm4b:s31+s3] =	stream.linear.scatter [tilespmem:s30], [sflag:$0x1], $0x80, $0x38;
	[tilespmem:$0x14C00] =	vst v63  }
0x449: {  	s17 =	sld [smem:$0x7F7];
	s15 =	ssub.s32 $0x136F8, s11;
	s16 =	sadd.s32 $0x60, s19  }
0x44a: {  	[hbm4b:s16+s3] =	stream.linear.scatter [tilespmem:s15], [sflag:$0x1], $0x80, $0x38;
	[tilespmem:$0x14C00] =	vst v63  }
0x44b: {  	s18 =	ssub.s32 $0x13BF8, s11;
	s13 =	sadd.s32 $0x70, s19  }
0x44c: {  	[hbm4b:s13+s3] =	stream.linear.scatter [tilespmem:s18], [sflag:$0x1], $0x80, $0x38;
	[tilespmem:$0x14C00] =	vst v63  }
0x44d: {  	s19 =	sadd.s32 s12, s17;
	s20 =	ssub.s32 $0x11978, s11  }
0x44e: {  	[hbm4b:s19+s3] =	stream.linear.scatter [tilespmem:s20], [sflag:$0x1], $0x80, $0x38;
	[tilespmem:$0x14C00] =	vst v63  }
0x44f: {  	s21 =	ssub.s32 $0x11E78, s11;
	s22 =	sadd.s32 $0x10, s19  }
0x450: {  	[hbm4b:s22+s3] =	stream.linear.scatter [tilespmem:s21], [sflag:$0x1], $0x80, $0x38;
	[tilespmem:$0x14C00] =	vst v63  }
0x451: {  	s23 =	ssub.s32 $0x12378, s11;
	s24 =	sadd.s32 $0x20, s19  }
0x452: {  	[hbm4b:s24+s3] =	stream.linear.scatter [tilespmem:s23], [sflag:$0x1], $0x80, $0x38;
	[tilespmem:$0x14C00] =	vst v63  }
0x453: {  	s25 =	ssub.s32 $0x12878, s11;
	s26 =	sadd.s32 $0x30, s19  }
0x454: {  	[hbm4b:s26+s3] =	stream.linear.scatter [tilespmem:s25], [sflag:$0x1], $0x80, $0x38;
	[tilespmem:$0x14C00] =	vst v63  }
0x455: {  	s28 =	ssub.s32 $0x12D78, s11;
	s29 =	sadd.s32 $0x40, s19  }
0x456: {  	[hbm4b:s29+s3] =	stream.linear.scatter [tilespmem:s28], [sflag:$0x1], $0x80, $0x38;
	[tilespmem:$0x14C00] =	vst v63  }
0x457: {  	s30 =	ssub.s32 $0x13278, s11;
	s31 =	sadd.s32 $0x50, s19  }
0x458: {  	[hbm4b:s31+s3] =	stream.linear.scatter [tilespmem:s30], [sflag:$0x1], $0x80, $0x38;
	[tilespmem:$0x14C00] =	vst v63  }
0x459: {  	s17 =	sld [smem:$0x7F8];
	s15 =	ssub.s32 $0x13778, s11;
	s16 =	sadd.s32 $0x60, s19  }
0x45a: {  	[hbm4b:s16+s3] =	stream.linear.scatter [tilespmem:s15], [sflag:$0x1], $0x80, $0x38;
	[tilespmem:$0x14C00] =	vst v63  }
0x45b: {  	s18 =	ssub.s32 $0x13C78, s11;
	s13 =	sadd.s32 $0x70, s19  }
0x45c: {  	[hbm4b:s13+s3] =	stream.linear.scatter [tilespmem:s18], [sflag:$0x1], $0x80, $0x38;
	[tilespmem:$0x14C00] =	vst v63  }
0x45d: {  	s19 =	sadd.s32 s12, s17;
	s20 =	ssub.s32 $0x119F8, s11  }
0x45e: {  	[hbm4b:s19+s3] =	stream.linear.scatter [tilespmem:s20], [sflag:$0x1], $0x80, $0x38;
	[tilespmem:$0x14C00] =	vst v63  }
0x45f: {  	s21 =	ssub.s32 $0x11EF8, s11;
	s22 =	sadd.s32 $0x10, s19  }
0x460: {  	[hbm4b:s22+s3] =	stream.linear.scatter [tilespmem:s21], [sflag:$0x1], $0x80, $0x38;
	[tilespmem:$0x14C00] =	vst v63  }
0x461: {  	s23 =	ssub.s32 $0x123F8, s11;
	s24 =	sadd.s32 $0x20, s19  }
0x462: {  	[hbm4b:s24+s3] =	stream.linear.scatter [tilespmem:s23], [sflag:$0x1], $0x80, $0x38;
	[tilespmem:$0x14C00] =	vst v63  }
0x463: {  	s25 =	ssub.s32 $0x128F8, s11;
	s26 =	sadd.s32 $0x30, s19  }
0x464: {  	[hbm4b:s26+s3] =	stream.linear.scatter [tilespmem:s25], [sflag:$0x1], $0x80, $0x38;
	[tilespmem:$0x14C00] =	vst v63  }
0x465: {  	s28 =	ssub.s32 $0x12DF8, s11;
	s29 =	sadd.s32 $0x40, s19  }
0x466: {  	[hbm4b:s29+s3] =	stream.linear.scatter [tilespmem:s28], [sflag:$0x1], $0x80, $0x38;
	[tilespmem:$0x14C00] =	vst v63  }
0x467: {  	s30 =	ssub.s32 $0x132F8, s11;
	s31 =	sadd.s32 $0x50, s19  }
0x468: {  	[hbm4b:s31+s3] =	stream.linear.scatter [tilespmem:s30], [sflag:$0x1], $0x80, $0x38;
	[tilespmem:$0x14C00] =	vst v63  }
0x469: {  	s17 =	sld [smem:$0x7F9];
	s15 =	ssub.s32 $0x137F8, s11;
	s16 =	sadd.s32 $0x60, s19  }
0x46a: {  	[hbm4b:s16+s3] =	stream.linear.scatter [tilespmem:s15], [sflag:$0x1], $0x80, $0x38;
	[tilespmem:$0x14C00] =	vst v63  }
0x46b: {  	s18 =	ssub.s32 $0x13CF8, s11;
	s13 =	sadd.s32 $0x70, s19  }
0x46c: {  	[hbm4b:s13+s3] =	stream.linear.scatter [tilespmem:s18], [sflag:$0x1], $0x80, $0x38;
	[tilespmem:$0x14C00] =	vst v63  }
0x46d: {  	s19 =	sadd.s32 s12, s17;
	s20 =	ssub.s32 $0x11A78, s11  }
0x46e: {  	[hbm4b:s19+s3] =	stream.linear.scatter [tilespmem:s20], [sflag:$0x1], $0x80, $0x38;
	[tilespmem:$0x14C00] =	vst v63  }
0x46f: {  	s21 =	ssub.s32 $0x11F78, s11;
	s22 =	sadd.s32 $0x10, s19  }
0x470: {  	[hbm4b:s22+s3] =	stream.linear.scatter [tilespmem:s21], [sflag:$0x1], $0x80, $0x38;
	[tilespmem:$0x14C00] =	vst v63  }
0x471: {  	s23 =	ssub.s32 $0x12478, s11;
	s24 =	sadd.s32 $0x20, s19  }
0x472: {  	[hbm4b:s24+s3] =	stream.linear.scatter [tilespmem:s23], [sflag:$0x1], $0x80, $0x38;
	[tilespmem:$0x14C00] =	vst v63  }
0x473: {  	s25 =	ssub.s32 $0x12978, s11;
	s26 =	sadd.s32 $0x30, s19  }
0x474: {  	[hbm4b:s26+s3] =	stream.linear.scatter [tilespmem:s25], [sflag:$0x1], $0x80, $0x38;
	[tilespmem:$0x14C00] =	vst v63  }
0x475: {  	s28 =	ssub.s32 $0x12E78, s11;
	s29 =	sadd.s32 $0x40, s19  }
0x476: {  	[hbm4b:s29+s3] =	stream.linear.scatter [tilespmem:s28], [sflag:$0x1], $0x80, $0x38;
	[tilespmem:$0x14C00] =	vst v63  }
0x477: {  	s30 =	ssub.s32 $0x13378, s11;
	s31 =	sadd.s32 $0x50, s19  }
0x478: {  	[hbm4b:s31+s3] =	stream.linear.scatter [tilespmem:s30], [sflag:$0x1], $0x80, $0x38;
	[tilespmem:$0x14C00] =	vst v63  }
0x479: {  	s17 =	sld [smem:$0x7FA];
	s15 =	ssub.s32 $0x13878, s11;
	s16 =	sadd.s32 $0x60, s19  }
0x47a: {  	[hbm4b:s16+s3] =	stream.linear.scatter [tilespmem:s15], [sflag:$0x1], $0x80, $0x38;
	[tilespmem:$0x14C00] =	vst v63  }
0x47b: {  	s18 =	ssub.s32 $0x13D78, s11;
	s13 =	sadd.s32 $0x70, s19  }
0x47c: {  	[hbm4b:s13+s3] =	stream.linear.scatter [tilespmem:s18], [sflag:$0x1], $0x80, $0x38;
	[tilespmem:$0x14C00] =	vst v63  }
0x47d: {  	s19 =	sadd.s32 s12, s17;
	s20 =	ssub.s32 $0x11AF8, s11  }
0x47e: {  	[hbm4b:s19+s3] =	stream.linear.scatter [tilespmem:s20], [sflag:$0x1], $0x80, $0x38;
	[tilespmem:$0x14C00] =	vst v63  }
0x47f: {  	s21 =	ssub.s32 $0x11FF8, s11;
	s22 =	sadd.s32 $0x10, s19  }
0x480: {  	[hbm4b:s22+s3] =	stream.linear.scatter [tilespmem:s21], [sflag:$0x1], $0x80, $0x38;
	[tilespmem:$0x14C00] =	vst v63  }
0x481: {  	s23 =	ssub.s32 $0x124F8, s11;
	s24 =	sadd.s32 $0x20, s19  }
0x482: {  	[hbm4b:s24+s3] =	stream.linear.scatter [tilespmem:s23], [sflag:$0x1], $0x80, $0x38;
	[tilespmem:$0x14C00] =	vst v63  }
0x483: {  	s25 =	ssub.s32 $0x129F8, s11;
	s26 =	sadd.s32 $0x30, s19  }
0x484: {  	[hbm4b:s26+s3] =	stream.linear.scatter [tilespmem:s25], [sflag:$0x1], $0x80, $0x38;
	[tilespmem:$0x14C00] =	vst v63  }
0x485: {  	s28 =	ssub.s32 $0x12EF8, s11;
	s29 =	sadd.s32 $0x40, s19  }
0x486: {  	[hbm4b:s29+s3] =	stream.linear.scatter [tilespmem:s28], [sflag:$0x1], $0x80, $0x38;
	[tilespmem:$0x14C00] =	vst v63  }
0x487: {  	s30 =	ssub.s32 $0x133F8, s11;
	s31 =	sadd.s32 $0x50, s19  }
0x488: {  	[hbm4b:s31+s3] =	stream.linear.scatter [tilespmem:s30], [sflag:$0x1], $0x80, $0x38;
	[tilespmem:$0x14C00] =	vst v63  }
0x489: {  	s17 =	sld [smem:$0x7FB];
	s15 =	ssub.s32 $0x138F8, s11;
	s16 =	sadd.s32 $0x60, s19  }
0x48a: {  	[hbm4b:s16+s3] =	stream.linear.scatter [tilespmem:s15], [sflag:$0x1], $0x80, $0x38;
	[tilespmem:$0x14C00] =	vst v63  }
0x48b: {  	s18 =	ssub.s32 $0x13DF8, s11;
	s13 =	sadd.s32 $0x70, s19  }
0x48c: {  	[hbm4b:s13+s3] =	stream.linear.scatter [tilespmem:s18], [sflag:$0x1], $0x80, $0x38;
	[tilespmem:$0x14C00] =	vst v63  }
0x48d: {  	s19 =	sadd.s32 s12, s17;
	s20 =	ssub.s32 $0x11B78, s11  }
0x48e: {  	[hbm4b:s19+s3] =	stream.linear.scatter [tilespmem:s20], [sflag:$0x1], $0x80, $0x38;
	[tilespmem:$0x14C00] =	vst v63  }
0x48f: {  	s21 =	ssub.s32 $0x12078, s11;
	s22 =	sadd.s32 $0x10, s19  }
0x490: {  	[hbm4b:s22+s3] =	stream.linear.scatter [tilespmem:s21], [sflag:$0x1], $0x80, $0x38;
	[tilespmem:$0x14C00] =	vst v63  }
0x491: {  	s23 =	ssub.s32 $0x12578, s11;
	s24 =	sadd.s32 $0x20, s19  }
0x492: {  	[hbm4b:s24+s3] =	stream.linear.scatter [tilespmem:s23], [sflag:$0x1], $0x80, $0x38;
	[tilespmem:$0x14C00] =	vst v63  }
0x493: {  	s25 =	ssub.s32 $0x12A78, s11;
	s26 =	sadd.s32 $0x30, s19  }
0x494: {  	[hbm4b:s26+s3] =	stream.linear.scatter [tilespmem:s25], [sflag:$0x1], $0x80, $0x38;
	[tilespmem:$0x14C00] =	vst v63  }
0x495: {  	s28 =	ssub.s32 $0x12F78, s11;
	s29 =	sadd.s32 $0x40, s19  }
0x496: {  	[hbm4b:s29+s3] =	stream.linear.scatter [tilespmem:s28], [sflag:$0x1], $0x80, $0x38;
	[tilespmem:$0x14C00] =	vst v63  }
0x497: {  	s30 =	ssub.s32 $0x13478, s11;
	s31 =	sadd.s32 $0x50, s19  }
0x498: {  	[hbm4b:s31+s3] =	stream.linear.scatter [tilespmem:s30], [sflag:$0x1], $0x80, $0x38;
	[tilespmem:$0x14C00] =	vst v63  }
0x499: {  	s17 =	sld [smem:$0x7FC];
	s15 =	ssub.s32 $0x13978, s11;
	s16 =	sadd.s32 $0x60, s19  }
0x49a: {  	[hbm4b:s16+s3] =	stream.linear.scatter [tilespmem:s15], [sflag:$0x1], $0x80, $0x38;
	[tilespmem:$0x14C00] =	vst v63  }
0x49b: {  	s18 =	ssub.s32 $0x13E78, s11;
	s13 =	sadd.s32 $0x70, s19  }
0x49c: {  	[hbm4b:s13+s3] =	stream.linear.scatter [tilespmem:s18], [sflag:$0x1], $0x80, $0x38;
	[tilespmem:$0x14C00] =	vst v63  }
0x49d: {  	s19 =	sadd.s32 s12, s17;
	s20 =	ssub.s32 $0x11BF8, s11  }
0x49e: {  	[hbm4b:s19+s3] =	stream.linear.scatter [tilespmem:s20], [sflag:$0x1], $0x80, $0x38;
	[tilespmem:$0x14C00] =	vst v63  }
0x49f: {  	s21 =	ssub.s32 $0x120F8, s11;
	s22 =	sadd.s32 $0x10, s19  }
0x4a0: {  	[hbm4b:s22+s3] =	stream.linear.scatter [tilespmem:s21], [sflag:$0x1], $0x80, $0x38;
	[tilespmem:$0x14C00] =	vst v63  }
0x4a1: {  	s23 =	ssub.s32 $0x125F8, s11;
	s24 =	sadd.s32 $0x20, s19  }
0x4a2: {  	[hbm4b:s24+s3] =	stream.linear.scatter [tilespmem:s23], [sflag:$0x1], $0x80, $0x38;
	[tilespmem:$0x14C00] =	vst v63  }
0x4a3: {  	s25 =	ssub.s32 $0x12AF8, s11;
	s26 =	sadd.s32 $0x30, s19  }
0x4a4: {  	[hbm4b:s26+s3] =	stream.linear.scatter [tilespmem:s25], [sflag:$0x1], $0x80, $0x38;
	[tilespmem:$0x14C00] =	vst v63  }
0x4a5: {  	s28 =	ssub.s32 $0x12FF8, s11;
	s29 =	sadd.s32 $0x40, s19  }
0x4a6: {  	[hbm4b:s29+s3] =	stream.linear.scatter [tilespmem:s28], [sflag:$0x1], $0x80, $0x38;
	[tilespmem:$0x14C00] =	vst v63  }
0x4a7: {  	s30 =	ssub.s32 $0x134F8, s11;
	s31 =	sadd.s32 $0x50, s19  }
0x4a8: {  	[hbm4b:s31+s3] =	stream.linear.scatter [tilespmem:s30], [sflag:$0x1], $0x80, $0x38;
	[tilespmem:$0x14C00] =	vst v63  }
0x4a9: {  	s17 =	sld [smem:$0x7FD];
	s15 =	ssub.s32 $0x139F8, s11;
	s16 =	sadd.s32 $0x60, s19  }
0x4aa: {  	[hbm4b:s16+s3] =	stream.linear.scatter [tilespmem:s15], [sflag:$0x1], $0x80, $0x38;
	[tilespmem:$0x14C00] =	vst v63  }
0x4ab: {  	s18 =	ssub.s32 $0x13EF8, s11;
	s13 =	sadd.s32 $0x70, s19  }
0x4ac: {  	[hbm4b:s13+s3] =	stream.linear.scatter [tilespmem:s18], [sflag:$0x1], $0x80, $0x38;
	[tilespmem:$0x14C00] =	vst v63  }
0x4ad: {  	s12 =	sadd.s32 s12, s17;
	s19 =	ssub.s32 $0x11C78, s11  }
0x4ae: {  	[hbm4b:s12+s3] =	stream.linear.scatter [tilespmem:s19], [sflag:$0x1], $0x80, $0x38;
	[tilespmem:$0x14C00] =	vst v63  }
0x4af: {  	s14 =	sadd.s32 $0x10, s12;
	s20 =	ssub.s32 $0x12178, s11  }
0x4b0: {  	[hbm4b:s14+s3] =	stream.linear.scatter [tilespmem:s20], [sflag:$0x1], $0x80, $0x38;
	[tilespmem:$0x14C00] =	vst v63  }
0x4b1: {  	s21 =	ssub.s32 $0x12678, s11;
	s22 =	sadd.s32 $0x20, s12  }
0x4b2: {  	[hbm4b:s22+s3] =	stream.linear.scatter [tilespmem:s21], [sflag:$0x1], $0x80, $0x38;
	[tilespmem:$0x14C00] =	vst v63  }
0x4b3: {  	s23 =	ssub.s32 $0x12B78, s11;
	s24 =	sadd.s32 $0x30, s12  }
0x4b4: {  	[hbm4b:s24+s3] =	stream.linear.scatter [tilespmem:s23], [sflag:$0x1], $0x80, $0x38;
	[tilespmem:$0x14C00] =	vst v63  }
0x4b5: {  	s25 =	ssub.s32 $0x13078, s11;
	s26 =	sadd.s32 $0x40, s12  }
0x4b6: {  	[hbm4b:s26+s3] =	stream.linear.scatter [tilespmem:s25], [sflag:$0x1], $0x80, $0x38;
	[tilespmem:$0x14C00] =	vst v63  }
0x4b7: {  	s28 =	ssub.s32 $0x13578, s11;
	s29 =	sadd.s32 $0x50, s12  }
0x4b8: {  	[hbm4b:s29+s3] =	stream.linear.scatter [tilespmem:s28], [sflag:$0x1], $0x80, $0x38;
	[tilespmem:$0x14C00] =	vst v63  }
0x4b9: {  	s30 =	ssub.s32 $0x13A78, s11;
	s31 =	sadd.s32 $0x60, s12  }
0x4ba: {  	[hbm4b:s31+s3] =	stream.linear.scatter [tilespmem:s30], [sflag:$0x1], $0x80, $0x38;
	[tilespmem:$0x14C00] =	vst v63  }
0x4bb: {  	s11 =	ssub.s32 $0x13F78, s11;
	s12 =	sadd.s32 $0x70, s12  }
0x4bc: {  	[hbm4b:s12+s3] =	stream.linear.scatter [tilespmem:s11], [sflag:$0x1], $0x80, $0x38;
	[tilespmem:$0x14C00] =	vst v63  }
0x4bd: {  	_ =	swait.ge [sflag:s8], $0x2000  }
0x4be: {  	[sflag:s8] =	ssyncset.done $0x0  }
0x4bf: {  	[sflag:s8] =	ssyncadd.s32 $0xFFFFE000  }
0x4c0: {  	_ =	swait.ge [sflag:s8], $0x2000  }
0x4c1: {  	[sflag:s8] =	ssyncset.done $0x0  }
0x4c2: {  	[sflag:s8] =	ssyncadd.s32 $0xFFFFE000  }
0x4c3: {  	_ =	swait.ge [sflag:s8], $0x2000  }
0x4c4: {  	[sflag:s8] =	ssyncset.done $0x0  }
0x4c5: {  	[sflag:s8] =	ssyncadd.s32 $0xFFFFE000  }
0x4c6: {  	_ =	swait.ge [sflag:s8], $0x2000  }
0x4c7: {  	[sflag:s8] =	ssyncset.done $0x0  }
0x4c8: {  	[sflag:s8] =	ssyncadd.s32 $0xFFFFE000  }
0x4c9: {  	_ =	swait.ge [sflag:s8], $0x2000  }
0x4ca: {  	[sflag:s8] =	ssyncset.done $0x0  }
0x4cb: {  	[sflag:s8] =	ssyncadd.s32 $0xFFFFE000  }
0x4cc: {  	_ =	swait.ge [sflag:s8], $0x2000  }
0x4cd: {  	[sflag:s8] =	ssyncset.done $0x0  }
0x4ce: {  	[sflag:s8] =	ssyncadd.s32 $0xFFFFE000  }
0x4cf: {  	p0 =	sne.s32 s10, $0x1F;
	_ =	swait.ge [sflag:s8], $0x2000  }
.Ltmp1:
0x4d0: {  	[sflag:s8] =	ssyncset.done $0x0;
	(pc) =	sbr.rel @p0 .LBB2_4-.Ltmp1, $4  }
0x4d1: {  	[sflag:s8] =	ssyncadd.s32 $0xFFFFE000  }
0x4d2: {  	_ =	swait.ge [sflag:s8], $0x2000  }
0x4d3: {  	[sflag:s8] =	ssyncset.done $0x0  }
0x4d4: {  	s10 =	sadd.s32 $0x1, s10;
	[sflag:s8] =	ssyncadd.s32 $0xFFFFE000  }
0x4d5: {  	s9 =	sadd.s32 $0x1, s9  }
0x4d6: {  	p0 =	sne.s32 s9, s5  }
.Ltmp2:
0x4d7: {  	_ = 	snop;
	(pc) =	sbr.rel @p0 .LBB2_1-.Ltmp2, $1  }
0x4d8: {  	_ =	sdelay $0x3  }
0x4d9: {  	_ =	sfence.sel $0x180000  }
0x4da: {  	[bflag:$0x0] =	sbarrier.arrive $0xFFFF  }
0x4db: {  	p0 =	sne.s32 s0, $0x0;
	_ =	strace $0x90000047  }
0x4dc: {  	s0 =	sadd.s32 @!p0 $0x100000, s1;
	[bflag:$0x2] =	sbarrier.arrive $0xFFFF  }
0x4dd: {  	[sflag:s0] =	ssyncadd.tile.s32 @!p0 $0x1;
	_ =	shalt  }
.Lfunc_end2:
_tile_overlayer_lowered:
.L_overlay_start_2:
0x4de: {  	(tag) =	ssettag $0x2  }
0x4df: {  	s0 =	rddreg [dreg:$0x0];
	s2 =	stileid.u32  }
0x4e0: {  	s1 =	rddreg [dreg:$0x1];
	p0 =	sne.s32 s2, $0x0  }
0x4e1: {  	s3 =	rddreg [dreg:$0x2];
	[bflag:$0x3] =	sbarrier.arrive $0xFFFF;
	s2 =	simm.s32 @!p0 $0x1C02  }
0x4e2: {  	[timem:s3], [sflag:s2] =	dma.local @!p0 [hbm:s0], s1  }
0x4e3: {  	s0 =	simm.s32 @!p0 $0x2  }
0x4e4: {  	_ =	swait.ge @!p0 [sflag:s0], s1  }
0x4e5: {  	s1 =	ssub.s32 @!p0 $0x0, s1;
	[sflag:s0] =	ssyncset.done @!p0 $0x0  }
0x4e6: {  	[sflag:s0] =	ssyncadd.s32 @!p0 s1  }
0x4e7: {  	[bflag:$0x3] =	sbarrier.arrive $0xFFFF  }
0x4e8: {  	_ =	shalt  }

</sc_bundles>
